<compile_context>
chip_gen: v7x
topology: tpu7x:2x2x1
jax: 0.10.2.dev20260603
libtpu: 0.0.44.dev20260713+nightly
codegen_flags: <defaults>
</compile_context>

<pallas_src>
import jax
import jax.numpy as jnp
from jax import lax
from jax.experimental import pallas as pl
from jax.experimental.pallas import tpu as pltpu
from jax.experimental.pallas import tpu_sc as plsc

_EPS = 1e-20
_NC = 2
_NS = 16
_L = 16



def _matmul_body(x_ref, w_ref, o_ref):
    o_ref[...] = jnp.dot(x_ref[...], w_ref[...],
                         preferred_element_type=jnp.float32)


def _matmul(x, W):
    n, d = x.shape
    h = W.shape[1]
    blk = 1000
    return pl.pallas_call(
        _matmul_body,
        grid=(n // blk,),
        in_specs=[pl.BlockSpec((blk, d), lambda i: (i, 0)),
                  pl.BlockSpec((d, h), lambda i: (0, 0))],
        out_specs=pl.BlockSpec((blk, h), lambda i: (i, 0)),
        out_shape=jax.ShapeDtypeStruct((n, h), jnp.float32),
    )(x, W)


def _combine_body(a_ref, b_ref, o_ref):
    o_ref[...] = jnp.maximum(a_ref[...] + b_ref[...], 0.0)


def _combine_relu(a, b):
    n, h = a.shape
    blk = 1024 if n % 1024 == 0 else 1000
    return pl.pallas_call(
        _combine_body,
        grid=(n // blk,),
        in_specs=[pl.BlockSpec((blk, h), lambda i: (i, 0)),
                  pl.BlockSpec((blk, h), lambda i: (i, 0))],
        out_specs=pl.BlockSpec((blk, h), lambda i: (i, 0)),
        out_shape=jax.ShapeDtypeStruct((n, h), jnp.float32),
    )(a, b)


def _sc_mesh():
    return plsc.VectorSubcoreMesh(core_axis_name="c", subcore_axis_name="s",
                                  num_cores=_NC, num_subcores=_NS)


def _sc_params():
    return pltpu.CompilerParams(needs_layout_passes=False)



def _rw_build(src, dst, w, n):
    e = src.shape[0]
    half = n // _NC
    P = 100
    assert n % _NC == 0 and half % P == 0
    panels = half // P
    PN = P * n
    NPAD = 10240
    assert n <= NPAD and NPAD % (_NS * 8) == 0
    SW = NPAD // _NS
    RSF = _NS * NPAD
    AWORK = RSF + NPAD
    assert AWORK <= PN and AWORK % (_NS * 8) == 0
    RZ = AWORK // _NS
    BW = n // _NS
    EPT = e // _NS
    CS = 2000
    assert e % (_NS * _L) == 0 and EPT % CS == 0 and CS % _L == 0
    NQR = EPT // CS
    NQA = e // CS
    CPAD = 2048
    CCH = CPAD // 128
    CIT = CS // _L
    CAP = 8000
    ZB = 2048
    RZF, RZR = RZ // ZB, RZ % ZB
    assert RZR % 8 == 0
    ZS = 62496
    ZSF, ZSR = ZS // ZB, ZS % ZB
    assert ZS % 8 == 0 and ZSR % 8 == 0
    assert _NS * ZS <= PN and (PN - _NS * ZS) % 8 == 0
    ZREM = PN - _NS * ZS
    assert ZREM <= ZB
    BB = 6144
    WBF, WBR = ZS // BB, ZS % BB
    assert WBR % 8 == 0 and ZREM <= BB
    WB_SIZES = [BB] * WBF + ([WBR] if WBR else [])

    def body(src_hbm, dst_hbm, w_hbm, out1, out2,
             panel, srcv, dstv, wv, rsp, stripe, rsv,
             offc, wpc, ploc, pval, idxc, valc, zb, bounce,
             sem1, sem2, sem3, sem4):
        c = lax.axis_index("c")
        s = lax.axis_index("s")
        iota = lax.iota(jnp.int32, _L)

        def zb_zero(i, _):
            zb[pl.ds(i * _L, _L)] = jnp.zeros((_L,), jnp.float32)
            return 0
        lax.fori_loop(0, ZB // _L, zb_zero, 0)

        def pz(k, _):
            pltpu.sync_copy(zb, panel.at[pl.ds(s * ZS + k * ZB, ZB)])
            return 0
        lax.fori_loop(0, ZSF, pz, 0)
        if ZSR:
            pltpu.sync_copy(zb.at[pl.ds(0, ZSR)],
                            panel.at[pl.ds(s * ZS + ZSF * ZB, ZSR)])

        @pl.when(s == 0)
        def _():
            pltpu.sync_copy(zb.at[pl.ds(0, ZREM)],
                            panel.at[pl.ds(_NS * ZS, ZREM)])

        for k in range((CPAD - CS) // _L):
            srcv[pl.ds(CS + k * _L, _L)] = jnp.zeros((_L,), jnp.int32)
            wv[pl.ds(CS + k * _L, _L)] = jnp.zeros((_L,), jnp.float32)
        plsc.subcore_barrier()

        def rs_stage(q, _):
            e0 = pl.multiple_of(s * EPT + q * CS, 8)
            c1 = pltpu.async_copy(src_hbm.at[pl.ds(e0, CS)],
                                  srcv.at[pl.ds(0, CS)], sem1)
            c2 = pltpu.async_copy(w_hbm.at[pl.ds(e0, CS)],
                                  wv.at[pl.ds(0, CS)], sem2)
            c1.wait()
            c2.wait()

            def rs_ch(ch, _):
                def cp(j8, _):
                    b = ch * 128 + j8 * _L
                    idxc[pl.ds(j8 * _L, _L)] = srcv[pl.ds(b, _L)] + s * NPAD
                    valc[pl.ds(j8 * _L, _L)] = wv[pl.ds(b, _L)]
                    return 0
                lax.fori_loop(0, 8, cp, 0)
                pltpu.sync_copy(valc, panel.at[idxc], add=True)
                return 0
            lax.fori_loop(0, CCH, rs_ch, 0)
            return 0
        lax.fori_loop(0, NQR, rs_stage, 0)
        pltpu.sync_copy(panel.at[pl.ds(0, 8)], bounce.at[pl.ds(0, 8)])
        plsc.subcore_barrier()
        pl.delay(1000)
        plsc.subcore_barrier()

        def red_grp(g, _):
            for r in range(4):
                pltpu.sync_copy(
                    panel.at[pl.ds((g * 4 + r) * NPAD + s * SW, SW)],
                    stripe.at[pl.ds(r * SW, SW)])

            def red(j, _):
                a = jnp.zeros((_L,), jnp.float32)
                for r in range(4):
                    a = a + stripe[pl.ds(r * SW + j * _L, _L)]
                prev = rsp[pl.ds(j * _L, _L)]
                sel = jnp.broadcast_to(g, (_L,)) > 0
                rsp[pl.ds(j * _L, _L)] = jnp.where(sel, prev + a, a)
                return 0
            lax.fori_loop(0, SW // _L, red, 0)
            return 0
        lax.fori_loop(0, _NS // 4, red_grp, 0)
        pltpu.sync_copy(rsp, panel.at[pl.ds(RSF + s * SW, SW)])
        plsc.subcore_barrier()
        pltpu.sync_copy(panel.at[pl.ds(RSF, NPAD)], rsv)
        plsc.subcore_barrier()
        def rz(k, _):
            pltpu.sync_copy(zb, panel.at[pl.ds(s * RZ + k * ZB, ZB)])
            return 0
        lax.fori_loop(0, RZF, rz, 0)
        if RZR:
            pltpu.sync_copy(zb.at[pl.ds(0, RZR)],
                            panel.at[pl.ds(s * RZ + RZF * ZB, RZR)])
        plsc.subcore_barrier()

        def comp_stage(q, cnt):
            e0 = pl.multiple_of(q * CS, 8)
            c1 = pltpu.async_copy(src_hbm.at[pl.ds(e0, CS)],
                                  srcv.at[pl.ds(0, CS)], sem1)
            c2 = pltpu.async_copy(dst_hbm.at[pl.ds(e0, CS)],
                                  dstv.at[pl.ds(0, CS)], sem2)
            c3 = pltpu.async_copy(w_hbm.at[pl.ds(e0, CS)],
                                  wv.at[pl.ds(0, CS)], sem3)
            c1.wait()
            c2.wait()
            c3.wait()

            def comp(i, cnt):
                b = i * _L
                sv = srcv[pl.ds(b, _L)]
                dv = dstv[pl.ds(b, _L)]
                w16 = wv[pl.ds(b, _L)]
                mask = ((sv // half) == c) & ((dv // BW) == s)
                mask = mask & (jnp.broadcast_to(cnt, (_L,)) < CAP)
                offs = sv * n + dv
                rsd = plsc.load_gather(rsv, [dv])
                wp = w16 / (rsd + _EPS)
                plsc.store_compressed(offc.at[pl.ds(cnt, _L)], offs,
                                      mask=mask)
                plsc.store_compressed(wpc.at[pl.ds(cnt, _L)], wp, mask=mask)
                return cnt + jnp.sum(mask.astype(jnp.int32))
            return lax.fori_loop(0, CIT, comp, cnt)
        cnt = lax.fori_loop(0, NQA, comp_stage, jnp.int32(0))

        def panel_iter(p, _):
            base = (c * half + p * P) * n

            def scan(j, pc):
                b = j * _L
                offs = offc[pl.ds(b, _L)]
                wp = wpc[pl.ds(b, _L)]
                ok = ((b + iota) < cnt) & (offs >= base) & (offs < base + PN)
                plsc.store_compressed(ploc.at[pl.ds(pc, _L)], offs - base,
                                      mask=ok)
                plsc.store_compressed(pval.at[pl.ds(pc, _L)], wp, mask=ok)
                return pc + jnp.sum(ok.astype(jnp.int32))
            nit = (cnt + _L - 1) // _L
            pc = lax.fori_loop(0, nit, scan, jnp.int32(0))
            nch = (pc + 127) // 128

            def mk_chunk(ch, sgn):
                def cp(j8, _):
                    b = ch * 128 + j8 * _L
                    ok = (b + iota) < pc
                    l16 = ploc[pl.ds(b, _L)]
                    v16 = pval[pl.ds(b, _L)]
                    idxc[pl.ds(j8 * _L, _L)] = jnp.where(ok, l16, PN)
                    valc[pl.ds(j8 * _L, _L)] = jnp.where(ok, sgn * v16, 0.0)
                    return 0
                lax.fori_loop(0, 8, cp, 0)
                pltpu.sync_copy(valc, panel.at[idxc], add=True)

            def add_ch(ch, _):
                mk_chunk(ch, 1.0)
                return 0

            def neg_ch(ch, _):
                mk_chunk(ch, -1.0)
                return 0

            lax.fori_loop(0, nch, add_ch, 0)
            pltpu.sync_copy(panel.at[pl.ds(0, 8)], bounce.at[pl.ds(0, 8)])
            plsc.subcore_barrier()
            pl.delay(1000)
            plsc.subcore_barrier()

            st = pl.multiple_of(s * ZS, 8)
            offs_sizes = []
            o = 0
            for sz in WB_SIZES:
                offs_sizes.append((o, sz))
                o += sz
            nwb = len(offs_sizes)
            insems = (sem3, sem4)
            cpin = {}
            outs = {}
            o0, s0 = offs_sizes[0]
            cpin[0] = pltpu.async_copy(
                panel.at[pl.ds(st + o0, s0)],
                bounce.at[pl.ds(0, s0)], insems[0])
            for k in range(nwb):
                nb = k & 1
                ok_, sk = offs_sizes[k]
                cpin[k].wait()
                if k + 1 < nwb:
                    if k - 1 >= 0:
                        o1p, o2p = outs.pop(k - 1)
                        o1p.wait()
                        o2p.wait()
                    on, sn = offs_sizes[k + 1]
                    cpin[k + 1] = pltpu.async_copy(
                        panel.at[pl.ds(st + on, sn)],
                        bounce.at[pl.ds(((k + 1) & 1) * BB, sn)],
                        insems[(k + 1) & 1])
                o1 = pltpu.async_copy(
                    bounce.at[pl.ds(nb * BB, sk)],
                    out1.at[pl.ds(base + st + ok_, sk)], sem1)
                o2 = pltpu.async_copy(
                    bounce.at[pl.ds(nb * BB, sk)],
                    out2.at[pl.ds(base + st + ok_, sk)], sem2)
                outs[k] = (o1, o2)
            for k in sorted(outs):
                o1, o2 = outs[k]
                o1.wait()
                o2.wait()

            @pl.when(s == 0)
            def _():
                pltpu.sync_copy(panel.at[pl.ds(_NS * ZS, ZREM)],
                                bounce.at[pl.ds(0, ZREM)])
                c1 = pltpu.async_copy(
                    bounce.at[pl.ds(0, ZREM)],
                    out1.at[pl.ds(base + _NS * ZS, ZREM)], sem1)
                c2 = pltpu.async_copy(
                    bounce.at[pl.ds(0, ZREM)],
                    out2.at[pl.ds(base + _NS * ZS, ZREM)], sem2)
                c1.wait()
                c2.wait()
            plsc.subcore_barrier()
            lax.fori_loop(0, nch, neg_ch, 0)
            return 0
        lax.fori_loop(0, panels, panel_iter, 0)

    f32 = jnp.float32
    i32 = jnp.int32
    out_type = (jax.ShapeDtypeStruct((n * n,), f32),
                jax.ShapeDtypeStruct((n * n,), f32))
    scratch = [
        pltpu.VMEM_SHARED((PN + 8,), f32),
        pltpu.VMEM((CPAD,), i32),
        pltpu.VMEM((CPAD,), i32),
        pltpu.VMEM((CPAD,), f32),
        pltpu.VMEM((SW,), f32),
        pltpu.VMEM((4 * SW,), f32),
        pltpu.VMEM((NPAD,), f32),
        pltpu.VMEM((CAP + _L,), i32),
        pltpu.VMEM((CAP + _L,), f32),
        pltpu.VMEM((CAP + 160,), i32),
        pltpu.VMEM((CAP + 160,), f32),
        pltpu.VMEM((128,), i32),
        pltpu.VMEM((128,), f32),
        pltpu.VMEM((ZB,), f32),
        pltpu.VMEM((2 * BB,), f32),
        pltpu.SemaphoreType.DMA,
        pltpu.SemaphoreType.DMA,
        pltpu.SemaphoreType.DMA,
        pltpu.SemaphoreType.DMA,
    ]
    run = pl.kernel(body, out_type=out_type, mesh=_sc_mesh(),
                    compiler_params=_sc_params(), scratch_types=scratch)
    return run(src, dst, w)



def _z_build(src, dst, w, h, n):
    e = src.shape[0]
    d = h.shape[1]
    assert d == 128
    EPT = e // (_NC * _NS)
    CH = 64
    NCH = (EPT + CH - 1) // CH
    EPAD = NCH * CH
    NROW = 10112
    assert n <= NROW and NROW % (_NS * 8) == 0
    RPT = NROW // _NS
    ZR = 32
    ZF = RPT // ZR
    ZREM = RPT - ZF * ZR
    assert ZREM % 8 == 0 and EPT % 8 == 0

    def body(src_hbm, dst_hbm, w_hbm, h_hbm, p0, p1,
             acc, srcv, dstv, wv, rows, idxc, zrows, sem):
        c = lax.axis_index("c")
        s = lax.axis_index("s")
        wid = s * _NC + c

        def zr(r, _):
            row = zrows.at[r]
            for j in range(d // _L):
                row[pl.ds(j * _L, _L)] = jnp.zeros((_L,), jnp.float32)
            return 0
        lax.fori_loop(0, ZR, zr, 0)
        row0 = pl.multiple_of(s * RPT, 8)
        for k in range(ZF):
            pltpu.sync_copy(zrows, acc.at[pl.ds(row0 + k * ZR, ZR)])
        if ZREM:
            pltpu.sync_copy(zrows.at[pl.ds(0, ZREM)],
                            acc.at[pl.ds(row0 + ZF * ZR, ZREM)])

        e0 = pl.multiple_of(wid * EPT, 8)
        pltpu.sync_copy(src_hbm.at[pl.ds(e0, EPT)], srcv.at[pl.ds(0, EPT)])
        pltpu.sync_copy(dst_hbm.at[pl.ds(e0, EPT)], dstv.at[pl.ds(0, EPT)])
        pltpu.sync_copy(w_hbm.at[pl.ds(e0, EPT)], wv.at[pl.ds(0, EPT)])
        npad = ((EPAD - EPT) + _L - 1) // _L
        for k in range(npad):
            srcv[pl.ds(EPT + k * _L, _L)] = jnp.zeros((_L,), jnp.int32)
            dstv[pl.ds(EPT + k * _L, _L)] = jnp.zeros((_L,), jnp.int32)
            wv[pl.ds(EPT + k * _L, _L)] = jnp.zeros((_L,), jnp.float32)
        plsc.subcore_barrier()

        def chunk(ch, _):
            pltpu.async_copy(h_hbm.at[srcv.at[pl.ds(ch * CH, CH)]],
                             rows, sem).wait()

            def scale(e2, _):
                wb = plsc.load_gather(
                    wv, [jnp.broadcast_to(ch * CH + e2, (_L,))])
                row = rows.at[e2]
                for j in range(d // _L):
                    row[pl.ds(j * _L, _L)] = row[pl.ds(j * _L, _L)] * wb
                return 0
            lax.fori_loop(0, CH, scale, 0)

            def cp(j8, _):
                idxc[pl.ds(j8 * _L, _L)] = dstv[pl.ds(ch * CH + j8 * _L, _L)]
                return 0
            lax.fori_loop(0, CH // _L, cp, 0)
            pltpu.sync_copy(rows, acc.at[idxc], add=True)
            return 0
        lax.fori_loop(0, NCH, chunk, 0)
        pltpu.sync_copy(acc.at[pl.ds(0, 8)], rows.at[pl.ds(0, 8)])
        plsc.subcore_barrier()
        pl.delay(1000)
        plsc.subcore_barrier()

        @pl.when(c == 0)
        def _():
            pltpu.sync_copy(acc.at[pl.ds(row0, RPT)],
                            p0.at[pl.ds(row0, RPT)])

        @pl.when(c == 1)
        def _():
            pltpu.sync_copy(acc.at[pl.ds(row0, RPT)],
                            p1.at[pl.ds(row0, RPT)])

    f32 = jnp.float32
    i32 = jnp.int32
    out_type = (jax.ShapeDtypeStruct((NROW, d), f32),
                jax.ShapeDtypeStruct((NROW, d), f32))
    scratch = [
        pltpu.VMEM_SHARED((NROW, d), f32),
        pltpu.VMEM((EPAD + _L,), i32),
        pltpu.VMEM((EPAD + _L,), i32),
        pltpu.VMEM((EPAD + _L,), f32),
        pltpu.VMEM((CH, d), f32),
        pltpu.VMEM((CH,), i32),
        pltpu.VMEM((ZR, d), f32),
        pltpu.SemaphoreType.DMA,
    ]
    run = pl.kernel(body, out_type=out_type, mesh=_sc_mesh(),
                    compiler_params=_sc_params(), scratch_types=scratch)
    return run(src, dst, w, h)


def kernel(x, edge_index, edge_weight, W):
    n = x.shape[0]
    src = edge_index[0]
    dst = edge_index[1]
    h = _matmul(x, W)
    rw1f, rw2f = _rw_build(src, dst, edge_weight, n)
    p0, p1 = _z_build(src, dst, edge_weight, h, n)
    z = _combine_relu(p0, p1)[:n]
    return (z, z, z, rw1f.reshape(n, n), rw2f.reshape(n, n))

# --- scband reference (transcript-rebuilt; emitter-appended) ---
"""Pipeline reference for scband-encoder-1468878815894 (READ-ONLY COPY).

The authoritative reference and input builder live on the scoring server;
editing this copy changes nothing except your own understanding.
"""

import jax, jax.numpy as jnp
import numpy as np

N = 10000
E = 160000
D = 128
H = 128


def setup_inputs(seed: int = 0) -> dict:
    key = jax.random.key(seed)
    k1, k2, k3, k4 = jax.random.split(key, 4)
    x = jax.random.normal(k1, (N, D), dtype=jnp.float32)
    edge_index = jax.random.randint(k2, (2, E), 0, N, dtype=jnp.int32)
    edge_weight = jax.random.uniform(k3, (E,), dtype=jnp.float32)
    W = jax.random.normal(k4, (D, H), dtype=jnp.float32) * 0.05
    return {"x": x, "edge_index": edge_index, "edge_weight": edge_weight, "W": W}


def _gcn_encoder(x, edge_index, edge_weight, W):
    # single GCN-style message passing layer standing in for self.encoder
    h = x @ W
    src = edge_index[0]
    dst = edge_index[1]
    msg = h[src] * edge_weight[:, None]
    agg = jax.ops.segment_sum(msg, dst, num_segments=x.shape[0])
    return jax.nn.relu(agg)


def _random_walk(edge_index, edge_weight, num_nodes):
    # torch.sparse_coo_tensor(...).to_dense() equivalent: scatter-add into dense NxN
    adj = jnp.zeros((num_nodes, num_nodes), dtype=edge_weight.dtype)
    adj = adj.at[edge_index[0], edge_index[1]].add(edge_weight)
    # torch broadcasting: [N,N] / [N] divides column j by row-sum j
    return adj / (adj.sum(axis=1) + 1e-20)


def reference(x, edge_index, edge_weight, W):
    num_nodes = x.shape[0]
    # identity augmentors: aug(x, ei, ew) -> (x, ei, ew)
    x1, edge_index1, edge_weight1 = x, edge_index, edge_weight
    rw1 = _random_walk(edge_index1, edge_weight1, num_nodes)
    x2, edge_index2, edge_weight2 = x, edge_index, edge_weight
    rw2 = _random_walk(edge_index2, edge_weight2, num_nodes)
    z = _gcn_encoder(x, edge_index, edge_weight, W)
    z1 = _gcn_encoder(x1, edge_index1, edge_weight1, W)
    z2 = _gcn_encoder(x2, edge_index2, edge_weight2, W)
    return (z, z1, z2, rw1, rw2)

if __name__ == "__main__":
    import jax
    _d = setup_inputs()
    print(jax.jit(kernel)(*tuple(_d.values())))

</pallas_src>

<mosaic_0001>
#map = affine_map<(d0, d1) -> (0)>
module attributes {stable_mosaic.version = 14 : i64} {
  func.func @body(%arg0: i32, %arg1: i32, %arg2: memref<160000xi32, #tpu.memory_space<hbm>>, %arg3: memref<160000xi32, #tpu.memory_space<hbm>>, %arg4: memref<160000xf32, #tpu.memory_space<hbm>>, %arg5: memref<100000000xf32, #tpu.memory_space<hbm>>, %arg6: memref<100000000xf32, #tpu.memory_space<hbm>>, %arg7: memref<1000008xf32, #tpu.memory_space<vmem_shared>>, %arg8: memref<2048xi32, #tpu.memory_space<vmem>>, %arg9: memref<2048xi32, #tpu.memory_space<vmem>>, %arg10: memref<2048xf32, #tpu.memory_space<vmem>>, %arg11: memref<640xf32, #tpu.memory_space<vmem>>, %arg12: memref<2560xf32, #tpu.memory_space<vmem>>, %arg13: memref<10240xf32, #tpu.memory_space<vmem>>, %arg14: memref<8016xi32, #tpu.memory_space<vmem>>, %arg15: memref<8016xf32, #tpu.memory_space<vmem>>, %arg16: memref<8160xi32, #tpu.memory_space<vmem>>, %arg17: memref<8160xf32, #tpu.memory_space<vmem>>, %arg18: memref<128xi32, #tpu.memory_space<vmem>>, %arg19: memref<128xf32, #tpu.memory_space<vmem>>, %arg20: memref<2048xf32, #tpu.memory_space<vmem>>, %arg21: memref<12288xf32, #tpu.memory_space<vmem>>, %arg22: memref<!tpu.dma_semaphore, #tpu.memory_space<semaphore_mem>>, %arg23: memref<!tpu.dma_semaphore, #tpu.memory_space<semaphore_mem>>, %arg24: memref<!tpu.dma_semaphore, #tpu.memory_space<semaphore_mem>>, %arg25: memref<!tpu.dma_semaphore, #tpu.memory_space<semaphore_mem>>) attributes {dimension_semantics = [#tpu.dimension_semantics<core_parallel>, #tpu.dimension_semantics<subcore_parallel>], iteration_bounds = array<i64: 2, 16>, scalar_prefetch = 0 : i64, scratch_operands = 19 : i64, tpu.core_type = #tpu.core_type<sc_vector_subcore>, window_params = [{transform_indices = #map}, {transform_indices = #map}, {transform_indices = #map}, {transform_indices = #map}, {transform_indices = #map}]} {
    %iota3A = tpu.iota {dimensions = array<i32: 0>} : vector<16xi32>
    %scan3A = arith.constant 0 : i32
    %scan3A_0 = arith.constant 0 : i32
    %scan3A_1 = arith.constant 128 : i32
    %scan3A_2 = arith.addi %scan3A_0, %scan3A_1 : i32
    %scan3A_3 = arith.constant 1 : i32
    %scan3A_4 = scf.for %scan3A_87 = %scan3A_0 to %scan3A_2 step %scan3A_3 iter_args(%scan3A_88 = %scan3A) -> (i32)  : i32 {
      %broadcast_in_dim3A_89 = arith.constant 0.000000e+00 : f32
      %broadcast_in_dim3A_90 = vector.broadcast %broadcast_in_dim3A_89 : f32 to vector<16xf32>
      %mul3A_91 = arith.constant 16 : i32
      %mul3A_92 = arith.muli %scan3A_87, %mul3A_91 : i32
      %swap3A_93 = arith.index_cast %mul3A_92 : i32 to index
      %swap3A_94 = tpu.vector_load %arg20[%swap3A_93] {strides = array<i32>} : memref<2048xf32, #tpu.memory_space<vmem>>, vector<16xf32>,
      tpu.vector_store %arg20[%swap3A_93], %broadcast_in_dim3A_90 {strides = array<i32>} : memref<2048xf32, #tpu.memory_space<vmem>>, vector<16xf32>,
      %scan3A_95 = arith.constant 0 : i32
      scf.yield %scan3A_95 : i32
    }
    %scan3A_5 = arith.constant 128 : i32
    %scan3A_6 = arith.constant 0 : i32
    %scan3A_7 = arith.constant 0 : i32
    %scan3A_8 = arith.constant 30 : i32
    %scan3A_9 = arith.addi %scan3A_7, %scan3A_8 : i32
    %scan3A_10 = arith.constant 1 : i32
    %scan3A_11 = scf.for %scan3A_87 = %scan3A_7 to %scan3A_9 step %scan3A_10 iter_args(%scan3A_88 = %scan3A_6) -> (i32)  : i32 {
      %mul3A_89 = arith.constant 62496 : i32
      %mul3A_90 = arith.muli %arg1, %mul3A_89 : i32
      %mul3A_91 = arith.constant 2048 : i32
      %mul3A_92 = arith.muli %scan3A_87, %mul3A_91 : i32
      %add3A_93 = arith.addi %mul3A_90, %mul3A_92 : i32
      "tpu.region"() ({
        %run_scoped3A = tpu.sem_alloc : memref<!tpu.dma_semaphore, #tpu.memory_space<semaphore_mem>>
        %dma_start3A = tpu.memref_slice %arg7[%add3A_93] : memref<1000008xf32, #tpu.memory_space<vmem_shared>> -> memref<2048xf32, #tpu.memory_space<vmem_shared>>
        %dma_start3A_95 = tpu.memref_slice %arg7[%add3A_93] : memref<1000008xf32, #tpu.memory_space<vmem_shared>> -> memref<2048xf32, #tpu.memory_space<vmem_shared>>
        tpu.enqueue_dma source(%arg20 : memref<2048xf32, #tpu.memory_space<vmem>>) target(%dma_start3A_95 : memref<2048xf32, #tpu.memory_space<vmem_shared>>) target_semaphore(%run_scoped3A : memref<!tpu.dma_semaphore, #tpu.memory_space<semaphore_mem>>)
        %dma_wait3A = tpu.memref_slice %arg7[%add3A_93] : memref<1000008xf32, #tpu.memory_space<vmem_shared>> -> memref<2048xf32, #tpu.memory_space<vmem_shared>>
        %dma_wait3A_96 = tpu.memref_slice %arg7[%add3A_93] : memref<1000008xf32, #tpu.memory_space<vmem_shared>> -> memref<2048xf32, #tpu.memory_space<vmem_shared>>
        tpu.wait_dma2 semaphore(%run_scoped3A : memref<!tpu.dma_semaphore, #tpu.memory_space<semaphore_mem>>) src(%arg20 : memref<2048xf32, #tpu.memory_space<vmem>>) dst(%dma_wait3A_96 : memref<2048xf32, #tpu.memory_space<vmem_shared>>)
        tpu.yield
      }) : () -> ()
      %scan3A_94 = arith.constant 0 : i32
      scf.yield %scan3A_94 : i32
    }
    %scan3A_12 = arith.constant 30 : i32
    %mul3A = arith.constant 62496 : i32
    %mul3A_13 = arith.muli %arg1, %mul3A : i32
    %add3A = arith.constant 61440 : i32
    %add3A_14 = arith.addi %mul3A_13, %add3A : i32
    "tpu.region"() ({
      %run_scoped3A = tpu.sem_alloc : memref<!tpu.dma_semaphore, #tpu.memory_space<semaphore_mem>>
      %dma_start3A = arith.constant 0 : i32
      %dma_start3A_87 = tpu.memref_slice %arg20[%dma_start3A] : memref<2048xf32, #tpu.memory_space<vmem>> -> memref<1056xf32, #tpu.memory_space<vmem>>
      %dma_start3A_88 = tpu.memref_slice %arg7[%add3A_14] : memref<1000008xf32, #tpu.memory_space<vmem_shared>> -> memref<1056xf32, #tpu.memory_space<vmem_shared>>
      %dma_start3A_89 = tpu.memref_slice %arg7[%add3A_14] : memref<1000008xf32, #tpu.memory_space<vmem_shared>> -> memref<1056xf32, #tpu.memory_space<vmem_shared>>
      %dma_start3A_90 = arith.constant 0 : i32
      %dma_start3A_91 = tpu.memref_slice %arg20[%dma_start3A_90] : memref<2048xf32, #tpu.memory_space<vmem>> -> memref<1056xf32, #tpu.memory_space<vmem>>
      tpu.enqueue_dma source(%dma_start3A_91 : memref<1056xf32, #tpu.memory_space<vmem>>) target(%dma_start3A_89 : memref<1056xf32, #tpu.memory_space<vmem_shared>>) target_semaphore(%run_scoped3A : memref<!tpu.dma_semaphore, #tpu.memory_space<semaphore_mem>>)
      %dma_wait3A = arith.constant 0 : i32
      %dma_wait3A_92 = tpu.memref_slice %arg20[%dma_wait3A] : memref<2048xf32, #tpu.memory_space<vmem>> -> memref<1056xf32, #tpu.memory_space<vmem>>
      %dma_wait3A_93 = tpu.memref_slice %arg7[%add3A_14] : memref<1000008xf32, #tpu.memory_space<vmem_shared>> -> memref<1056xf32, #tpu.memory_space<vmem_shared>>
      %dma_wait3A_94 = tpu.memref_slice %arg7[%add3A_14] : memref<1000008xf32, #tpu.memory_space<vmem_shared>> -> memref<1056xf32, #tpu.memory_space<vmem_shared>>
      %dma_wait3A_95 = arith.constant 0 : i32
      %dma_wait3A_96 = tpu.memref_slice %arg20[%dma_wait3A_95] : memref<2048xf32, #tpu.memory_space<vmem>> -> memref<1056xf32, #tpu.memory_space<vmem>>
      tpu.wait_dma2 semaphore(%run_scoped3A : memref<!tpu.dma_semaphore, #tpu.memory_space<semaphore_mem>>) src(%dma_wait3A_96 : memref<1056xf32, #tpu.memory_space<vmem>>) dst(%dma_wait3A_94 : memref<1056xf32, #tpu.memory_space<vmem_shared>>)
      tpu.yield
    }) : () -> ()
    %eq3A = arith.constant 0 : i32
    %eq3A_15 = arith.cmpi eq, %arg1, %eq3A : i32
    %convert_element_type3A = arith.extui %eq3A_15 : i1 to i32
    %cond3A = arith.constant 0 : i32
    %cond3A_16 = arith.cmpi ne, %convert_element_type3A, %cond3A : i32
    scf.if %cond3A_16 {
      "tpu.region"() ({
        %run_scoped3A = tpu.sem_alloc : memref<!tpu.dma_semaphore, #tpu.memory_space<semaphore_mem>>
        %dma_start3A = arith.constant 0 : i32
        %dma_start3A_87 = tpu.memref_slice %arg20[%dma_start3A] : memref<2048xf32, #tpu.memory_space<vmem>> -> memref<64xf32, #tpu.memory_space<vmem>>
        %dma_start3A_88 = arith.constant 999936 : i32
        %dma_start3A_89 = tpu.memref_slice %arg7[%dma_start3A_88] : memref<1000008xf32, #tpu.memory_space<vmem_shared>> -> memref<64xf32, #tpu.memory_space<vmem_shared>>
        %dma_start3A_90 = arith.constant 999936 : i32
        %dma_start3A_91 = tpu.memref_slice %arg7[%dma_start3A_90] : memref<1000008xf32, #tpu.memory_space<vmem_shared>> -> memref<64xf32, #tpu.memory_space<vmem_shared>>
        %dma_start3A_92 = arith.constant 0 : i32
        %dma_start3A_93 = tpu.memref_slice %arg20[%dma_start3A_92] : memref<2048xf32, #tpu.memory_space<vmem>> -> memref<64xf32, #tpu.memory_space<vmem>>
        tpu.enqueue_dma source(%dma_start3A_93 : memref<64xf32, #tpu.memory_space<vmem>>) target(%dma_start3A_91 : memref<64xf32, #tpu.memory_space<vmem_shared>>) target_semaphore(%run_scoped3A : memref<!tpu.dma_semaphore, #tpu.memory_space<semaphore_mem>>)
        %dma_wait3A = arith.constant 0 : i32
        %dma_wait3A_94 = tpu.memref_slice %arg20[%dma_wait3A] : memref<2048xf32, #tpu.memory_space<vmem>> -> memref<64xf32, #tpu.memory_space<vmem>>
        %dma_wait3A_95 = arith.constant 999936 : i32
        %dma_wait3A_96 = tpu.memref_slice %arg7[%dma_wait3A_95] : memref<1000008xf32, #tpu.memory_space<vmem_shared>> -> memref<64xf32, #tpu.memory_space<vmem_shared>>
        %dma_wait3A_97 = arith.constant 999936 : i32
        %dma_wait3A_98 = tpu.memref_slice %arg7[%dma_wait3A_97] : memref<1000008xf32, #tpu.memory_space<vmem_shared>> -> memref<64xf32, #tpu.memory_space<vmem_shared>>
        %dma_wait3A_99 = arith.constant 0 : i32
        %dma_wait3A_100 = tpu.memref_slice %arg20[%dma_wait3A_99] : memref<2048xf32, #tpu.memory_space<vmem>> -> memref<64xf32, #tpu.memory_space<vmem>>
        tpu.wait_dma2 semaphore(%run_scoped3A : memref<!tpu.dma_semaphore, #tpu.memory_space<semaphore_mem>>) src(%dma_wait3A_100 : memref<64xf32, #tpu.memory_space<vmem>>) dst(%dma_wait3A_98 : memref<64xf32, #tpu.memory_space<vmem_shared>>)
        tpu.yield
      }) : () -> ()
    } else {
    }
    %broadcast_in_dim3A = arith.constant 0 : i32
    %broadcast_in_dim3A_17 = vector.broadcast %broadcast_in_dim3A : i32 to vector<16xi32>
    %swap3A = arith.constant 2000 : index
    %swap3A_18 = tpu.vector_load %arg8[%swap3A] {strides = array<i32>} : memref<2048xi32, #tpu.memory_space<vmem>>, vector<16xi32>,
    tpu.vector_store %arg8[%swap3A], %broadcast_in_dim3A_17 {strides = array<i32>} : memref<2048xi32, #tpu.memory_space<vmem>>, vector<16xi32>,
    %broadcast_in_dim3A_19 = arith.constant 0.000000e+00 : f32
    %broadcast_in_dim3A_20 = vector.broadcast %broadcast_in_dim3A_19 : f32 to vector<16xf32>
    %swap3A_21 = arith.constant 2000 : index
    %swap3A_22 = tpu.vector_load %arg10[%swap3A_21] {strides = array<i32>} : memref<2048xf32, #tpu.memory_space<vmem>>, vector<16xf32>,
    tpu.vector_store %arg10[%swap3A_21], %broadcast_in_dim3A_20 {strides = array<i32>} : memref<2048xf32, #tpu.memory_space<vmem>>, vector<16xf32>,
    %broadcast_in_dim3A_23 = arith.constant 0 : i32
    %broadcast_in_dim3A_24 = vector.broadcast %broadcast_in_dim3A_23 : i32 to vector<16xi32>
    %swap3A_25 = arith.constant 2016 : index
    %swap3A_26 = tpu.vector_load %arg8[%swap3A_25] {strides = array<i32>} : memref<2048xi32, #tpu.memory_space<vmem>>, vector<16xi32>,
    tpu.vector_store %arg8[%swap3A_25], %broadcast_in_dim3A_24 {strides = array<i32>} : memref<2048xi32, #tpu.memory_space<vmem>>, vector<16xi32>,
    %broadcast_in_dim3A_27 = arith.constant 0.000000e+00 : f32
    %broadcast_in_dim3A_28 = vector.broadcast %broadcast_in_dim3A_27 : f32 to vector<16xf32>
    %swap3A_29 = arith.constant 2016 : index
    %swap3A_30 = tpu.vector_load %arg10[%swap3A_29] {strides = array<i32>} : memref<2048xf32, #tpu.memory_space<vmem>>, vector<16xf32>,
    tpu.vector_store %arg10[%swap3A_29], %broadcast_in_dim3A_28 {strides = array<i32>} : memref<2048xf32, #tpu.memory_space<vmem>>, vector<16xf32>,
    %broadcast_in_dim3A_31 = arith.constant 0 : i32
    %broadcast_in_dim3A_32 = vector.broadcast %broadcast_in_dim3A_31 : i32 to vector<16xi32>
    %swap3A_33 = arith.constant 2032 : index
    %swap3A_34 = tpu.vector_load %arg8[%swap3A_33] {strides = array<i32>} : memref<2048xi32, #tpu.memory_space<vmem>>, vector<16xi32>,
    tpu.vector_store %arg8[%swap3A_33], %broadcast_in_dim3A_32 {strides = array<i32>} : memref<2048xi32, #tpu.memory_space<vmem>>, vector<16xi32>,
    %broadcast_in_dim3A_35 = arith.constant 0.000000e+00 : f32
    %broadcast_in_dim3A_36 = vector.broadcast %broadcast_in_dim3A_35 : f32 to vector<16xf32>
    %swap3A_37 = arith.constant 2032 : index
    %swap3A_38 = tpu.vector_load %arg10[%swap3A_37] {strides = array<i32>} : memref<2048xf32, #tpu.memory_space<vmem>>, vector<16xf32>,
    tpu.vector_store %arg10[%swap3A_37], %broadcast_in_dim3A_36 {strides = array<i32>} : memref<2048xf32, #tpu.memory_space<vmem>>, vector<16xf32>,
    %barrier3A = arith.constant 0 : index
    tpu.barrier barrier_id(%barrier3A)
    %scan3A_39 = arith.constant 0 : i32
    %scan3A_40 = arith.constant 0 : i32
    %scan3A_41 = arith.constant 5 : i32
    %scan3A_42 = arith.addi %scan3A_40, %scan3A_41 : i32
    %scan3A_43 = arith.constant 1 : i32
    %scan3A_44 = scf.for %scan3A_87 = %scan3A_40 to %scan3A_42 step %scan3A_43 iter_args(%scan3A_88 = %scan3A_39) -> (i32)  : i32 {
      %mul3A_89 = arith.constant 10000 : i32
      %mul3A_90 = arith.muli %arg1, %mul3A_89 : i32
      %mul3A_91 = arith.constant 2000 : i32
      %mul3A_92 = arith.muli %scan3A_87, %mul3A_91 : i32
      %add3A_93 = arith.addi %mul3A_90, %mul3A_92 : i32
      %multiple_of3A = tpu.assume_multiple %add3A_93, 8 : i32
      %dma_start3A = arith.constant 0 : i32
      %dma_start3A_94 = tpu.memref_slice %arg8[%dma_start3A] : memref<2048xi32, #tpu.memory_space<vmem>> -> memref<2000xi32, #tpu.memory_space<vmem>>
      %dma_start3A_95 = tpu.memref_slice %arg2[%multiple_of3A] : memref<160000xi32, #tpu.memory_space<hbm>> -> memref<2000xi32, #tpu.memory_space<hbm>>
      %dma_start3A_96 = arith.constant 0 : i32
      %dma_start3A_97 = tpu.memref_slice %arg8[%dma_start3A_96] : memref<2048xi32, #tpu.memory_space<vmem>> -> memref<2000xi32, #tpu.memory_space<vmem>>
      %dma_start3A_98 = tpu.memref_slice %arg2[%multiple_of3A] : memref<160000xi32, #tpu.memory_space<hbm>> -> memref<2000xi32, #tpu.memory_space<hbm>>
      tpu.enqueue_dma source(%dma_start3A_98 : memref<2000xi32, #tpu.memory_space<hbm>>) target(%dma_start3A_97 : memref<2000xi32, #tpu.memory_space<vmem>>) target_semaphore(%arg22 : memref<!tpu.dma_semaphore, #tpu.memory_space<semaphore_mem>>)
      %dma_start3A_99 = arith.constant 0 : i32
      %dma_start3A_100 = tpu.memref_slice %arg10[%dma_start3A_99] : memref<2048xf32, #tpu.memory_space<vmem>> -> memref<2000xf32, #tpu.memory_space<vmem>>
      %dma_start3A_101 = tpu.memref_slice %arg4[%multiple_of3A] : memref<160000xf32, #tpu.memory_space<hbm>> -> memref<2000xf32, #tpu.memory_space<hbm>>
      %dma_start3A_102 = arith.constant 0 : i32
      %dma_start3A_103 = tpu.memref_slice %arg10[%dma_start3A_102] : memref<2048xf32, #tpu.memory_space<vmem>> -> memref<2000xf32, #tpu.memory_space<vmem>>
      %dma_start3A_104 = tpu.memref_slice %arg4[%multiple_of3A] : memref<160000xf32, #tpu.memory_space<hbm>> -> memref<2000xf32, #tpu.memory_space<hbm>>
      tpu.enqueue_dma source(%dma_start3A_104 : memref<2000xf32, #tpu.memory_space<hbm>>) target(%dma_start3A_103 : memref<2000xf32, #tpu.memory_space<vmem>>) target_semaphore(%arg23 : memref<!tpu.dma_semaphore, #tpu.memory_space<semaphore_mem>>)
      %dma_wait3A = arith.constant 0 : i32
      %dma_wait3A_105 = tpu.memref_slice %arg8[%dma_wait3A] : memref<2048xi32, #tpu.memory_space<vmem>> -> memref<2000xi32, #tpu.memory_space<vmem>>
      %dma_wait3A_106 = tpu.memref_slice %arg2[%multiple_of3A] : memref<160000xi32, #tpu.memory_space<hbm>> -> memref<2000xi32, #tpu.memory_space<hbm>>
      %dma_wait3A_107 = arith.constant 0 : i32
      %dma_wait3A_108 = tpu.memref_slice %arg8[%dma_wait3A_107] : memref<2048xi32, #tpu.memory_space<vmem>> -> memref<2000xi32, #tpu.memory_space<vmem>>
      %dma_wait3A_109 = tpu.memref_slice %arg2[%multiple_of3A] : memref<160000xi32, #tpu.memory_space<hbm>> -> memref<2000xi32, #tpu.memory_space<hbm>>
      tpu.wait_dma2 semaphore(%arg22 : memref<!tpu.dma_semaphore, #tpu.memory_space<semaphore_mem>>) src(%dma_wait3A_109 : memref<2000xi32, #tpu.memory_space<hbm>>) dst(%dma_wait3A_108 : memref<2000xi32, #tpu.memory_space<vmem>>)
      %dma_wait3A_110 = arith.constant 0 : i32
      %dma_wait3A_111 = tpu.memref_slice %arg10[%dma_wait3A_110] : memref<2048xf32, #tpu.memory_space<vmem>> -> memref<2000xf32, #tpu.memory_space<vmem>>
      %dma_wait3A_112 = tpu.memref_slice %arg4[%multiple_of3A] : memref<160000xf32, #tpu.memory_space<hbm>> -> memref<2000xf32, #tpu.memory_space<hbm>>
      %dma_wait3A_113 = arith.constant 0 : i32
      %dma_wait3A_114 = tpu.memref_slice %arg10[%dma_wait3A_113] : memref<2048xf32, #tpu.memory_space<vmem>> -> memref<2000xf32, #tpu.memory_space<vmem>>
      %dma_wait3A_115 = tpu.memref_slice %arg4[%multiple_of3A] : memref<160000xf32, #tpu.memory_space<hbm>> -> memref<2000xf32, #tpu.memory_space<hbm>>
      tpu.wait_dma2 semaphore(%arg23 : memref<!tpu.dma_semaphore, #tpu.memory_space<semaphore_mem>>) src(%dma_wait3A_115 : memref<2000xf32, #tpu.memory_space<hbm>>) dst(%dma_wait3A_114 : memref<2000xf32, #tpu.memory_space<vmem>>)
      %scan3A_116 = arith.constant 0 : i32
      %scan3A_117 = arith.constant 0 : i32
      %scan3A_118 = arith.constant 16 : i32
      %scan3A_119 = arith.addi %scan3A_117, %scan3A_118 : i32
      %scan3A_120 = arith.constant 1 : i32
      %scan3A_121 = scf.for %scan3A_124 = %scan3A_117 to %scan3A_119 step %scan3A_120 iter_args(%scan3A_125 = %scan3A_116) -> (i32)  : i32 {
        %scan3A_126 = arith.constant 0 : i32
        %scan3A_127 = arith.constant 0 : i32
        %scan3A_128 = arith.constant 8 : i32
        %scan3A_129 = arith.addi %scan3A_127, %scan3A_128 : i32
        %scan3A_130 = arith.constant 1 : i32
        %scan3A_131 = scf.for %scan3A_134 = %scan3A_127 to %scan3A_129 step %scan3A_130 iter_args(%scan3A_135 = %scan3A_126) -> (i32)  : i32 {
          %mul3A_136 = arith.constant 128 : i32
          %mul3A_137 = arith.muli %scan3A_124, %mul3A_136 : i32
          %mul3A_138 = arith.constant 16 : i32
          %mul3A_139 = arith.muli %scan3A_134, %mul3A_138 : i32
          %add3A_140 = arith.addi %mul3A_137, %mul3A_139 : i32
          %get3A = arith.index_cast %add3A_140 : i32 to index
          %get3A_141 = tpu.vector_load %arg8[%get3A] {strides = array<i32>} : memref<2048xi32, #tpu.memory_space<vmem>>, vector<16xi32>,
          %mul3A_142 = arith.constant 10240 : i32
          %mul3A_143 = arith.muli %arg1, %mul3A_142 : i32
          %add3A_144 = vector.broadcast %mul3A_143 : i32 to vector<16xi32>
          %add3A_145 = arith.addi %get3A_141, %add3A_144 : vector<16xi32>
          %mul3A_146 = arith.constant 16 : i32
          %mul3A_147 = arith.muli %scan3A_134, %mul3A_146 : i32
          %swap3A_148 = arith.index_cast %mul3A_147 : i32 to index
          %swap3A_149 = tpu.vector_load %arg18[%swap3A_148] {strides = array<i32>} : memref<128xi32, #tpu.memory_space<vmem>>, vector<16xi32>,
          tpu.vector_store %arg18[%swap3A_148], %add3A_145 {strides = array<i32>} : memref<128xi32, #tpu.memory_space<vmem>>, vector<16xi32>,
          %get3A_150 = arith.index_cast %add3A_140 : i32 to index
          %get3A_151 = tpu.vector_load %arg10[%get3A_150] {strides = array<i32>} : memref<2048xf32, #tpu.memory_space<vmem>>, vector<16xf32>,
          %mul3A_152 = arith.constant 16 : i32
          %mul3A_153 = arith.muli %scan3A_134, %mul3A_152 : i32
          %swap3A_154 = arith.index_cast %mul3A_153 : i32 to index
          %swap3A_155 = tpu.vector_load %arg19[%swap3A_154] {strides = array<i32>} : memref<128xf32, #tpu.memory_space<vmem>>, vector<16xf32>,
          tpu.vector_store %arg19[%swap3A_154], %get3A_151 {strides = array<i32>} : memref<128xf32, #tpu.memory_space<vmem>>, vector<16xf32>,
          %scan3A_156 = arith.constant 0 : i32
          scf.yield %scan3A_156 : i32
        }
        %scan3A_132 = arith.constant 8 : i32
        "tpu.region"() ({
          %run_scoped3A = tpu.sem_alloc : memref<!tpu.dma_semaphore, #tpu.memory_space<semaphore_mem>>
          %dma_start3A_134 = arith.constant 0 : i32
          %dma_start3A_135 = tpu.memref_slice %arg7[%dma_start3A_134] : memref<1000008xf32, #tpu.memory_space<vmem_shared>> -> memref<1000008xf32, #tpu.memory_space<vmem_shared>>
          tpu.enqueue_indirect_dma source(%arg19 : memref<128xf32, #tpu.memory_space<vmem>>) target(%dma_start3A_135 : memref<1000008xf32, #tpu.memory_space<vmem_shared>>) offsets(%arg18 : memref<128xi32, #tpu.memory_space<vmem>>) semaphore(%run_scoped3A : memref<!tpu.dma_semaphore, #tpu.memory_space<semaphore_mem>>) {add = true}
          %dma_wait3A_136 = arith.constant 0 : i32
          %dma_wait3A_137 = tpu.memref_slice %arg7[%dma_wait3A_136] : memref<1000008xf32, #tpu.memory_space<vmem_shared>> -> memref<1000008xf32, #tpu.memory_space<vmem_shared>>
          tpu.wait_indirect_dma semaphore(%run_scoped3A : memref<!tpu.dma_semaphore, #tpu.memory_space<semaphore_mem>>) src(%arg19 : memref<128xf32, #tpu.memory_space<vmem>>) dst(%dma_wait3A_137 : memref<1000008xf32, #tpu.memory_space<vmem_shared>>)
          tpu.yield
        }) : () -> ()
        %scan3A_133 = arith.constant 0 : i32
        scf.yield %scan3A_133 : i32
      }
      %scan3A_122 = arith.constant 16 : i32
      %scan3A_123 = arith.constant 0 : i32
      scf.yield %scan3A_123 : i32
    }
    %scan3A_45 = arith.constant 5 : i32
    "tpu.region"() ({
      %run_scoped3A = tpu.sem_alloc : memref<!tpu.dma_semaphore, #tpu.memory_space<semaphore_mem>>
      %dma_start3A = arith.constant 0 : i32
      %dma_start3A_87 = tpu.memref_slice %arg21[%dma_start3A] : memref<12288xf32, #tpu.memory_space<vmem>> -> memref<8xf32, #tpu.memory_space<vmem>>
      %dma_start3A_88 = arith.constant 0 : i32
      %dma_start3A_89 = tpu.memref_slice %arg7[%dma_start3A_88] : memref<1000008xf32, #tpu.memory_space<vmem_shared>> -> memref<8xf32, #tpu.memory_space<vmem_shared>>
      %dma_start3A_90 = arith.constant 0 : i32
      %dma_start3A_91 = tpu.memref_slice %arg21[%dma_start3A_90] : memref<12288xf32, #tpu.memory_space<vmem>> -> memref<8xf32, #tpu.memory_space<vmem>>
      %dma_start3A_92 = arith.constant 0 : i32
      %dma_start3A_93 = tpu.memref_slice %arg7[%dma_start3A_92] : memref<1000008xf32, #tpu.memory_space<vmem_shared>> -> memref<8xf32, #tpu.memory_space<vmem_shared>>
      tpu.enqueue_dma source(%dma_start3A_93 : memref<8xf32, #tpu.memory_space<vmem_shared>>) target(%dma_start3A_91 : memref<8xf32, #tpu.memory_space<vmem>>) target_semaphore(%run_scoped3A : memref<!tpu.dma_semaphore, #tpu.memory_space<semaphore_mem>>)
      %dma_wait3A = arith.constant 0 : i32
      %dma_wait3A_94 = tpu.memref_slice %arg21[%dma_wait3A] : memref<12288xf32, #tpu.memory_space<vmem>> -> memref<8xf32, #tpu.memory_space<vmem>>
      %dma_wait3A_95 = arith.constant 0 : i32
      %dma_wait3A_96 = tpu.memref_slice %arg7[%dma_wait3A_95] : memref<1000008xf32, #tpu.memory_space<vmem_shared>> -> memref<8xf32, #tpu.memory_space<vmem_shared>>
      %dma_wait3A_97 = arith.constant 0 : i32
      %dma_wait3A_98 = tpu.memref_slice %arg21[%dma_wait3A_97] : memref<12288xf32, #tpu.memory_space<vmem>> -> memref<8xf32, #tpu.memory_space<vmem>>
      %dma_wait3A_99 = arith.constant 0 : i32
      %dma_wait3A_100 = tpu.memref_slice %arg7[%dma_wait3A_99] : memref<1000008xf32, #tpu.memory_space<vmem_shared>> -> memref<8xf32, #tpu.memory_space<vmem_shared>>
      tpu.wait_dma2 semaphore(%run_scoped3A : memref<!tpu.dma_semaphore, #tpu.memory_space<semaphore_mem>>) src(%dma_wait3A_100 : memref<8xf32, #tpu.memory_space<vmem_shared>>) dst(%dma_wait3A_98 : memref<8xf32, #tpu.memory_space<vmem>>)
      tpu.yield
    }) : () -> ()
    %barrier3A_46 = arith.constant 0 : index
    tpu.barrier barrier_id(%barrier3A_46)
    %delay3A = arith.constant 1000 : i32
    tpu.delay %delay3A
    %barrier3A_47 = arith.constant 0 : index
    tpu.barrier barrier_id(%barrier3A_47)
    %scan3A_48 = arith.constant 0 : i32
    %scan3A_49 = arith.constant 0 : i32
    %scan3A_50 = arith.constant 4 : i32
    %scan3A_51 = arith.addi %scan3A_49, %scan3A_50 : i32
    %scan3A_52 = arith.constant 1 : i32
    %scan3A_53 = scf.for %scan3A_87 = %scan3A_49 to %scan3A_51 step %scan3A_52 iter_args(%scan3A_88 = %scan3A_48) -> (i32)  : i32 {
      %mul3A_89 = arith.constant 4 : i32
      %mul3A_90 = arith.muli %scan3A_87, %mul3A_89 : i32
      %add3A_91 = arith.constant 0 : i32
      %add3A_92 = arith.addi %mul3A_90, %add3A_91 : i32
      %mul3A_93 = arith.constant 10240 : i32
      %mul3A_94 = arith.muli %add3A_92, %mul3A_93 : i32
      %mul3A_95 = arith.constant 640 : i32
      %mul3A_96 = arith.muli %arg1, %mul3A_95 : i32
      %add3A_97 = arith.addi %mul3A_94, %mul3A_96 : i32
      "tpu.region"() ({
        %run_scoped3A = tpu.sem_alloc : memref<!tpu.dma_semaphore, #tpu.memory_space<semaphore_mem>>
        %dma_start3A = arith.constant 0 : i32
        %dma_start3A_133 = tpu.memref_slice %arg12[%dma_start3A] : memref<2560xf32, #tpu.memory_space<vmem>> -> memref<640xf32, #tpu.memory_space<vmem>>
        %dma_start3A_134 = tpu.memref_slice %arg7[%add3A_97] : memref<1000008xf32, #tpu.memory_space<vmem_shared>> -> memref<640xf32, #tpu.memory_space<vmem_shared>>
        %dma_start3A_135 = arith.constant 0 : i32
        %dma_start3A_136 = tpu.memref_slice %arg12[%dma_start3A_135] : memref<2560xf32, #tpu.memory_space<vmem>> -> memref<640xf32, #tpu.memory_space<vmem>>
        %dma_start3A_137 = tpu.memref_slice %arg7[%add3A_97] : memref<1000008xf32, #tpu.memory_space<vmem_shared>> -> memref<640xf32, #tpu.memory_space<vmem_shared>>
        tpu.enqueue_dma source(%dma_start3A_137 : memref<640xf32, #tpu.memory_space<vmem_shared>>) target(%dma_start3A_136 : memref<640xf32, #tpu.memory_space<vmem>>) target_semaphore(%run_scoped3A : memref<!tpu.dma_semaphore, #tpu.memory_space<semaphore_mem>>)
        %dma_wait3A = arith.constant 0 : i32
        %dma_wait3A_138 = tpu.memref_slice %arg12[%dma_wait3A] : memref<2560xf32, #tpu.memory_space<vmem>> -> memref<640xf32, #tpu.memory_space<vmem>>
        %dma_wait3A_139 = tpu.memref_slice %arg7[%add3A_97] : memref<1000008xf32, #tpu.memory_space<vmem_shared>> -> memref<640xf32, #tpu.memory_space<vmem_shared>>
        %dma_wait3A_140 = arith.constant 0 : i32
        %dma_wait3A_141 = tpu.memref_slice %arg12[%dma_wait3A_140] : memref<2560xf32, #tpu.memory_space<vmem>> -> memref<640xf32, #tpu.memory_space<vmem>>
        %dma_wait3A_142 = tpu.memref_slice %arg7[%add3A_97] : memref<1000008xf32, #tpu.memory_space<vmem_shared>> -> memref<640xf32, #tpu.memory_space<vmem_shared>>
        tpu.wait_dma2 semaphore(%run_scoped3A : memref<!tpu.dma_semaphore, #tpu.memory_space<semaphore_mem>>) src(%dma_wait3A_142 : memref<640xf32, #tpu.memory_space<vmem_shared>>) dst(%dma_wait3A_141 : memref<640xf32, #tpu.memory_space<vmem>>)
        tpu.yield
      }) : () -> ()
      %mul3A_98 = arith.constant 4 : i32
      %mul3A_99 = arith.muli %scan3A_87, %mul3A_98 : i32
      %add3A_100 = arith.constant 1 : i32
      %add3A_101 = arith.addi %mul3A_99, %add3A_100 : i32
      %mul3A_102 = arith.constant 10240 : i32
      %mul3A_103 = arith.muli %add3A_101, %mul3A_102 : i32
      %mul3A_104 = arith.constant 640 : i32
      %mul3A_105 = arith.muli %arg1, %mul3A_104 : i32
      %add3A_106 = arith.addi %mul3A_103, %mul3A_105 : i32
      "tpu.region"() ({
        %run_scoped3A = tpu.sem_alloc : memref<!tpu.dma_semaphore, #tpu.memory_space<semaphore_mem>>
        %dma_start3A = arith.constant 640 : i32
        %dma_start3A_133 = tpu.memref_slice %arg12[%dma_start3A] : memref<2560xf32, #tpu.memory_space<vmem>> -> memref<640xf32, #tpu.memory_space<vmem>>
        %dma_start3A_134 = tpu.memref_slice %arg7[%add3A_106] : memref<1000008xf32, #tpu.memory_space<vmem_shared>> -> memref<640xf32, #tpu.memory_space<vmem_shared>>
        %dma_start3A_135 = arith.constant 640 : i32
        %dma_start3A_136 = tpu.memref_slice %arg12[%dma_start3A_135] : memref<2560xf32, #tpu.memory_space<vmem>> -> memref<640xf32, #tpu.memory_space<vmem>>
        %dma_start3A_137 = tpu.memref_slice %arg7[%add3A_106] : memref<1000008xf32, #tpu.memory_space<vmem_shared>> -> memref<640xf32, #tpu.memory_space<vmem_shared>>
        tpu.enqueue_dma source(%dma_start3A_137 : memref<640xf32, #tpu.memory_space<vmem_shared>>) target(%dma_start3A_136 : memref<640xf32, #tpu.memory_space<vmem>>) target_semaphore(%run_scoped3A : memref<!tpu.dma_semaphore, #tpu.memory_space<semaphore_mem>>)
        %dma_wait3A = arith.constant 640 : i32
        %dma_wait3A_138 = tpu.memref_slice %arg12[%dma_wait3A] : memref<2560xf32, #tpu.memory_space<vmem>> -> memref<640xf32, #tpu.memory_space<vmem>>
        %dma_wait3A_139 = tpu.memref_slice %arg7[%add3A_106] : memref<1000008xf32, #tpu.memory_space<vmem_shared>> -> memref<640xf32, #tpu.memory_space<vmem_shared>>
        %dma_wait3A_140 = arith.constant 640 : i32
        %dma_wait3A_141 = tpu.memref_slice %arg12[%dma_wait3A_140] : memref<2560xf32, #tpu.memory_space<vmem>> -> memref<640xf32, #tpu.memory_space<vmem>>
        %dma_wait3A_142 = tpu.memref_slice %arg7[%add3A_106] : memref<1000008xf32, #tpu.memory_space<vmem_shared>> -> memref<640xf32, #tpu.memory_space<vmem_shared>>
        tpu.wait_dma2 semaphore(%run_scoped3A : memref<!tpu.dma_semaphore, #tpu.memory_space<semaphore_mem>>) src(%dma_wait3A_142 : memref<640xf32, #tpu.memory_space<vmem_shared>>) dst(%dma_wait3A_141 : memref<640xf32, #tpu.memory_space<vmem>>)
        tpu.yield
      }) : () -> ()
      %mul3A_107 = arith.constant 4 : i32
      %mul3A_108 = arith.muli %scan3A_87, %mul3A_107 : i32
      %add3A_109 = arith.constant 2 : i32
      %add3A_110 = arith.addi %mul3A_108, %add3A_109 : i32
      %mul3A_111 = arith.constant 10240 : i32
      %mul3A_112 = arith.muli %add3A_110, %mul3A_111 : i32
      %mul3A_113 = arith.constant 640 : i32
      %mul3A_114 = arith.muli %arg1, %mul3A_113 : i32
      %add3A_115 = arith.addi %mul3A_112, %mul3A_114 : i32
      "tpu.region"() ({
        %run_scoped3A = tpu.sem_alloc : memref<!tpu.dma_semaphore, #tpu.memory_space<semaphore_mem>>
        %dma_start3A = arith.constant 1280 : i32
        %dma_start3A_133 = tpu.memref_slice %arg12[%dma_start3A] : memref<2560xf32, #tpu.memory_space<vmem>> -> memref<640xf32, #tpu.memory_space<vmem>>
        %dma_start3A_134 = tpu.memref_slice %arg7[%add3A_115] : memref<1000008xf32, #tpu.memory_space<vmem_shared>> -> memref<640xf32, #tpu.memory_space<vmem_shared>>
        %dma_start3A_135 = arith.constant 1280 : i32
        %dma_start3A_136 = tpu.memref_slice %arg12[%dma_start3A_135] : memref<2560xf32, #tpu.memory_space<vmem>> -> memref<640xf32, #tpu.memory_space<vmem>>
        %dma_start3A_137 = tpu.memref_slice %arg7[%add3A_115] : memref<1000008xf32, #tpu.memory_space<vmem_shared>> -> memref<640xf32, #tpu.memory_space<vmem_shared>>
        tpu.enqueue_dma source(%dma_start3A_137 : memref<640xf32, #tpu.memory_space<vmem_shared>>) target(%dma_start3A_136 : memref<640xf32, #tpu.memory_space<vmem>>) target_semaphore(%run_scoped3A : memref<!tpu.dma_semaphore, #tpu.memory_space<semaphore_mem>>)
        %dma_wait3A = arith.constant 1280 : i32
        %dma_wait3A_138 = tpu.memref_slice %arg12[%dma_wait3A] : memref<2560xf32, #tpu.memory_space<vmem>> -> memref<640xf32, #tpu.memory_space<vmem>>
        %dma_wait3A_139 = tpu.memref_slice %arg7[%add3A_115] : memref<1000008xf32, #tpu.memory_space<vmem_shared>> -> memref<640xf32, #tpu.memory_space<vmem_shared>>
        %dma_wait3A_140 = arith.constant 1280 : i32
        %dma_wait3A_141 = tpu.memref_slice %arg12[%dma_wait3A_140] : memref<2560xf32, #tpu.memory_space<vmem>> -> memref<640xf32, #tpu.memory_space<vmem>>
        %dma_wait3A_142 = tpu.memref_slice %arg7[%add3A_115] : memref<1000008xf32, #tpu.memory_space<vmem_shared>> -> memref<640xf32, #tpu.memory_space<vmem_shared>>
        tpu.wait_dma2 semaphore(%run_scoped3A : memref<!tpu.dma_semaphore, #tpu.memory_space<semaphore_mem>>) src(%dma_wait3A_142 : memref<640xf32, #tpu.memory_space<vmem_shared>>) dst(%dma_wait3A_141 : memref<640xf32, #tpu.memory_space<vmem>>)
        tpu.yield
      }) : () -> ()
      %mul3A_116 = arith.constant 4 : i32
      %mul3A_117 = arith.muli %scan3A_87, %mul3A_116 : i32
      %add3A_118 = arith.constant 3 : i32
      %add3A_119 = arith.addi %mul3A_117, %add3A_118 : i32
      %mul3A_120 = arith.constant 10240 : i32
      %mul3A_121 = arith.muli %add3A_119, %mul3A_120 : i32
      %mul3A_122 = arith.constant 640 : i32
      %mul3A_123 = arith.muli %arg1, %mul3A_122 : i32
      %add3A_124 = arith.addi %mul3A_121, %mul3A_123 : i32
      "tpu.region"() ({
        %run_scoped3A = tpu.sem_alloc : memref<!tpu.dma_semaphore, #tpu.memory_space<semaphore_mem>>
        %dma_start3A = arith.constant 1920 : i32
        %dma_start3A_133 = tpu.memref_slice %arg12[%dma_start3A] : memref<2560xf32, #tpu.memory_space<vmem>> -> memref<640xf32, #tpu.memory_space<vmem>>
        %dma_start3A_134 = tpu.memref_slice %arg7[%add3A_124] : memref<1000008xf32, #tpu.memory_space<vmem_shared>> -> memref<640xf32, #tpu.memory_space<vmem_shared>>
        %dma_start3A_135 = arith.constant 1920 : i32
        %dma_start3A_136 = tpu.memref_slice %arg12[%dma_start3A_135] : memref<2560xf32, #tpu.memory_space<vmem>> -> memref<640xf32, #tpu.memory_space<vmem>>
        %dma_start3A_137 = tpu.memref_slice %arg7[%add3A_124] : memref<1000008xf32, #tpu.memory_space<vmem_shared>> -> memref<640xf32, #tpu.memory_space<vmem_shared>>
        tpu.enqueue_dma source(%dma_start3A_137 : memref<640xf32, #tpu.memory_space<vmem_shared>>) target(%dma_start3A_136 : memref<640xf32, #tpu.memory_space<vmem>>) target_semaphore(%run_scoped3A : memref<!tpu.dma_semaphore, #tpu.memory_space<semaphore_mem>>)
        %dma_wait3A = arith.constant 1920 : i32
        %dma_wait3A_138 = tpu.memref_slice %arg12[%dma_wait3A] : memref<2560xf32, #tpu.memory_space<vmem>> -> memref<640xf32, #tpu.memory_space<vmem>>
        %dma_wait3A_139 = tpu.memref_slice %arg7[%add3A_124] : memref<1000008xf32, #tpu.memory_space<vmem_shared>> -> memref<640xf32, #tpu.memory_space<vmem_shared>>
        %dma_wait3A_140 = arith.constant 1920 : i32
        %dma_wait3A_141 = tpu.memref_slice %arg12[%dma_wait3A_140] : memref<2560xf32, #tpu.memory_space<vmem>> -> memref<640xf32, #tpu.memory_space<vmem>>
        %dma_wait3A_142 = tpu.memref_slice %arg7[%add3A_124] : memref<1000008xf32, #tpu.memory_space<vmem_shared>> -> memref<640xf32, #tpu.memory_space<vmem_shared>>
        tpu.wait_dma2 semaphore(%run_scoped3A : memref<!tpu.dma_semaphore, #tpu.memory_space<semaphore_mem>>) src(%dma_wait3A_142 : memref<640xf32, #tpu.memory_space<vmem_shared>>) dst(%dma_wait3A_141 : memref<640xf32, #tpu.memory_space<vmem>>)
        tpu.yield
      }) : () -> ()
      %scan3A_125 = arith.constant 0 : i32
      %scan3A_126 = arith.constant 0 : i32
      %scan3A_127 = arith.constant 40 : i32
      %scan3A_128 = arith.addi %scan3A_126, %scan3A_127 : i32
      %scan3A_129 = arith.constant 1 : i32
      %scan3A_130 = scf.for %scan3A_133 = %scan3A_126 to %scan3A_128 step %scan3A_129 iter_args(%scan3A_134 = %scan3A_125) -> (i32)  : i32 {
        %broadcast_in_dim3A_135 = arith.constant 0.000000e+00 : f32
        %broadcast_in_dim3A_136 = vector.broadcast %broadcast_in_dim3A_135 : f32 to vector<16xf32>
        %mul3A_137 = arith.constant 16 : i32
        %mul3A_138 = arith.muli %scan3A_133, %mul3A_137 : i32
        %add3A_139 = arith.constant 0 : i32
        %add3A_140 = arith.addi %add3A_139, %mul3A_138 : i32
        %get3A = arith.index_cast %add3A_140 : i32 to index
        %get3A_141 = tpu.vector_load %arg12[%get3A] {strides = array<i32>} : memref<2560xf32, #tpu.memory_space<vmem>>, vector<16xf32>,
        %add3A_142 = arith.addf %broadcast_in_dim3A_136, %get3A_141 : vector<16xf32>
        %mul3A_143 = arith.constant 16 : i32
        %mul3A_144 = arith.muli %scan3A_133, %mul3A_143 : i32
        %add3A_145 = arith.constant 640 : i32
        %add3A_146 = arith.addi %add3A_145, %mul3A_144 : i32
        %get3A_147 = arith.index_cast %add3A_146 : i32 to index
        %get3A_148 = tpu.vector_load %arg12[%get3A_147] {strides = array<i32>} : memref<2560xf32, #tpu.memory_space<vmem>>, vector<16xf32>,
        %add3A_149 = arith.addf %add3A_142, %get3A_148 : vector<16xf32>
        %mul3A_150 = arith.constant 16 : i32
        %mul3A_151 = arith.muli %scan3A_133, %mul3A_150 : i32
        %add3A_152 = arith.constant 1280 : i32
        %add3A_153 = arith.addi %add3A_152, %mul3A_151 : i32
        %get3A_154 = arith.index_cast %add3A_153 : i32 to index
        %get3A_155 = tpu.vector_load %arg12[%get3A_154] {strides = array<i32>} : memref<2560xf32, #tpu.memory_space<vmem>>, vector<16xf32>,
        %add3A_156 = arith.addf %add3A_149, %get3A_155 : vector<16xf32>
        %mul3A_157 = arith.constant 16 : i32
        %mul3A_158 = arith.muli %scan3A_133, %mul3A_157 : i32
        %add3A_159 = arith.constant 1920 : i32
        %add3A_160 = arith.addi %add3A_159, %mul3A_158 : i32
        %get3A_161 = arith.index_cast %add3A_160 : i32 to index
        %get3A_162 = tpu.vector_load %arg12[%get3A_161] {strides = array<i32>} : memref<2560xf32, #tpu.memory_space<vmem>>, vector<16xf32>,
        %add3A_163 = arith.addf %add3A_156, %get3A_162 : vector<16xf32>
        %mul3A_164 = arith.constant 16 : i32
        %mul3A_165 = arith.muli %scan3A_133, %mul3A_164 : i32
        %get3A_166 = arith.index_cast %mul3A_165 : i32 to index
        %get3A_167 = tpu.vector_load %arg11[%get3A_166] {strides = array<i32>} : memref<640xf32, #tpu.memory_space<vmem>>, vector<16xf32>,
        %broadcast_in_dim3A_168 = vector.broadcast %scan3A_87 : i32 to vector<16xi32>
        %gt3A = arith.constant 0 : i32
        %gt3A_169 = vector.broadcast %gt3A : i32 to vector<16xi32>
        %gt3A_170 = arith.cmpi sgt, %broadcast_in_dim3A_168, %gt3A_169 : vector<16xi32>
        %add3A_171 = arith.addf %get3A_167, %add3A_163 : vector<16xf32>
        %select_n3A = arith.select %gt3A_170, %add3A_171, %add3A_163 : vector<16xi1>, vector<16xf32>
        %mul3A_172 = arith.constant 16 : i32
        %mul3A_173 = arith.muli %scan3A_133, %mul3A_172 : i32
        %swap3A_174 = arith.index_cast %mul3A_173 : i32 to index
        %swap3A_175 = tpu.vector_load %arg11[%swap3A_174] {strides = array<i32>} : memref<640xf32, #tpu.memory_space<vmem>>, vector<16xf32>,
        tpu.vector_store %arg11[%swap3A_174], %select_n3A {strides = array<i32>} : memref<640xf32, #tpu.memory_space<vmem>>, vector<16xf32>,
        %scan3A_176 = arith.constant 0 : i32
        scf.yield %scan3A_176 : i32
      }
      %scan3A_131 = arith.constant 40 : i32
      %scan3A_132 = arith.constant 0 : i32
      scf.yield %scan3A_132 : i32
    }
    %scan3A_54 = arith.constant 4 : i32
    %mul3A_55 = arith.constant 640 : i32
    %mul3A_56 = arith.muli %arg1, %mul3A_55 : i32
    %add3A_57 = arith.constant 163840 : i32
    %add3A_58 = arith.addi %add3A_57, %mul3A_56 : i32
    "tpu.region"() ({
      %run_scoped3A = tpu.sem_alloc : memref<!tpu.dma_semaphore, #tpu.memory_space<semaphore_mem>>
      %dma_start3A = tpu.memref_slice %arg7[%add3A_58] : memref<1000008xf32, #tpu.memory_space<vmem_shared>> -> memref<640xf32, #tpu.memory_space<vmem_shared>>
      %dma_start3A_87 = tpu.memref_slice %arg7[%add3A_58] : memref<1000008xf32, #tpu.memory_space<vmem_shared>> -> memref<640xf32, #tpu.memory_space<vmem_shared>>
      tpu.enqueue_dma source(%arg11 : memref<640xf32, #tpu.memory_space<vmem>>) target(%dma_start3A_87 : memref<640xf32, #tpu.memory_space<vmem_shared>>) target_semaphore(%run_scoped3A : memref<!tpu.dma_semaphore, #tpu.memory_space<semaphore_mem>>)
      %dma_wait3A = tpu.memref_slice %arg7[%add3A_58] : memref<1000008xf32, #tpu.memory_space<vmem_shared>> -> memref<640xf32, #tpu.memory_space<vmem_shared>>
      %dma_wait3A_88 = tpu.memref_slice %arg7[%add3A_58] : memref<1000008xf32, #tpu.memory_space<vmem_shared>> -> memref<640xf32, #tpu.memory_space<vmem_shared>>
      tpu.wait_dma2 semaphore(%run_scoped3A : memref<!tpu.dma_semaphore, #tpu.memory_space<semaphore_mem>>) src(%arg11 : memref<640xf32, #tpu.memory_space<vmem>>) dst(%dma_wait3A_88 : memref<640xf32, #tpu.memory_space<vmem_shared>>)
      tpu.yield
    }) : () -> ()
    %barrier3A_59 = arith.constant 0 : index
    tpu.barrier barrier_id(%barrier3A_59)
    "tpu.region"() ({
      %run_scoped3A = tpu.sem_alloc : memref<!tpu.dma_semaphore, #tpu.memory_space<semaphore_mem>>
      %dma_start3A = arith.constant 163840 : i32
      %dma_start3A_87 = tpu.memref_slice %arg7[%dma_start3A] : memref<1000008xf32, #tpu.memory_space<vmem_shared>> -> memref<10240xf32, #tpu.memory_space<vmem_shared>>
      %dma_start3A_88 = arith.constant 163840 : i32
      %dma_start3A_89 = tpu.memref_slice %arg7[%dma_start3A_88] : memref<1000008xf32, #tpu.memory_space<vmem_shared>> -> memref<10240xf32, #tpu.memory_space<vmem_shared>>
      tpu.enqueue_dma source(%dma_start3A_89 : memref<10240xf32, #tpu.memory_space<vmem_shared>>) target(%arg13 : memref<10240xf32, #tpu.memory_space<vmem>>) target_semaphore(%run_scoped3A : memref<!tpu.dma_semaphore, #tpu.memory_space<semaphore_mem>>)
      %dma_wait3A = arith.constant 163840 : i32
      %dma_wait3A_90 = tpu.memref_slice %arg7[%dma_wait3A] : memref<1000008xf32, #tpu.memory_space<vmem_shared>> -> memref<10240xf32, #tpu.memory_space<vmem_shared>>
      %dma_wait3A_91 = arith.constant 163840 : i32
      %dma_wait3A_92 = tpu.memref_slice %arg7[%dma_wait3A_91] : memref<1000008xf32, #tpu.memory_space<vmem_shared>> -> memref<10240xf32, #tpu.memory_space<vmem_shared>>
      tpu.wait_dma2 semaphore(%run_scoped3A : memref<!tpu.dma_semaphore, #tpu.memory_space<semaphore_mem>>) src(%dma_wait3A_92 : memref<10240xf32, #tpu.memory_space<vmem_shared>>) dst(%arg13 : memref<10240xf32, #tpu.memory_space<vmem>>)
      tpu.yield
    }) : () -> ()
    %barrier3A_60 = arith.constant 0 : index
    tpu.barrier barrier_id(%barrier3A_60)
    %scan3A_61 = arith.constant 0 : i32
    %scan3A_62 = arith.constant 0 : i32
    %scan3A_63 = arith.constant 5 : i32
    %scan3A_64 = arith.addi %scan3A_62, %scan3A_63 : i32
    %scan3A_65 = arith.constant 1 : i32
    %scan3A_66 = scf.for %scan3A_87 = %scan3A_62 to %scan3A_64 step %scan3A_65 iter_args(%scan3A_88 = %scan3A_61) -> (i32)  : i32 {
      %mul3A_89 = arith.constant 10880 : i32
      %mul3A_90 = arith.muli %arg1, %mul3A_89 : i32
      %mul3A_91 = arith.constant 2048 : i32
      %mul3A_92 = arith.muli %scan3A_87, %mul3A_91 : i32
      %add3A_93 = arith.addi %mul3A_90, %mul3A_92 : i32
      "tpu.region"() ({
        %run_scoped3A = tpu.sem_alloc : memref<!tpu.dma_semaphore, #tpu.memory_space<semaphore_mem>>
        %dma_start3A = tpu.memref_slice %arg7[%add3A_93] : memref<1000008xf32, #tpu.memory_space<vmem_shared>> -> memref<2048xf32, #tpu.memory_space<vmem_shared>>
        %dma_start3A_95 = tpu.memref_slice %arg7[%add3A_93] : memref<1000008xf32, #tpu.memory_space<vmem_shared>> -> memref<2048xf32, #tpu.memory_space<vmem_shared>>
        tpu.enqueue_dma source(%arg20 : memref<2048xf32, #tpu.memory_space<vmem>>) target(%dma_start3A_95 : memref<2048xf32, #tpu.memory_space<vmem_shared>>) target_semaphore(%run_scoped3A : memref<!tpu.dma_semaphore, #tpu.memory_space<semaphore_mem>>)
        %dma_wait3A = tpu.memref_slice %arg7[%add3A_93] : memref<1000008xf32, #tpu.memory_space<vmem_shared>> -> memref<2048xf32, #tpu.memory_space<vmem_shared>>
        %dma_wait3A_96 = tpu.memref_slice %arg7[%add3A_93] : memref<1000008xf32, #tpu.memory_space<vmem_shared>> -> memref<2048xf32, #tpu.memory_space<vmem_shared>>
        tpu.wait_dma2 semaphore(%run_scoped3A : memref<!tpu.dma_semaphore, #tpu.memory_space<semaphore_mem>>) src(%arg20 : memref<2048xf32, #tpu.memory_space<vmem>>) dst(%dma_wait3A_96 : memref<2048xf32, #tpu.memory_space<vmem_shared>>)
        tpu.yield
      }) : () -> ()
      %scan3A_94 = arith.constant 0 : i32
      scf.yield %scan3A_94 : i32
    }
    %scan3A_67 = arith.constant 5 : i32
    %mul3A_68 = arith.constant 10880 : i32
    %mul3A_69 = arith.muli %arg1, %mul3A_68 : i32
    %add3A_70 = arith.constant 10240 : i32
    %add3A_71 = arith.addi %mul3A_69, %add3A_70 : i32
    "tpu.region"() ({
      %run_scoped3A = tpu.sem_alloc : memref<!tpu.dma_semaphore, #tpu.memory_space<semaphore_mem>>
      %dma_start3A = arith.constant 0 : i32
      %dma_start3A_87 = tpu.memref_slice %arg20[%dma_start3A] : memref<2048xf32, #tpu.memory_space<vmem>> -> memref<640xf32, #tpu.memory_space<vmem>>
      %dma_start3A_88 = tpu.memref_slice %arg7[%add3A_71] : memref<1000008xf32, #tpu.memory_space<vmem_shared>> -> memref<640xf32, #tpu.memory_space<vmem_shared>>
      %dma_start3A_89 = tpu.memref_slice %arg7[%add3A_71] : memref<1000008xf32, #tpu.memory_space<vmem_shared>> -> memref<640xf32, #tpu.memory_space<vmem_shared>>
      %dma_start3A_90 = arith.constant 0 : i32
      %dma_start3A_91 = tpu.memref_slice %arg20[%dma_start3A_90] : memref<2048xf32, #tpu.memory_space<vmem>> -> memref<640xf32, #tpu.memory_space<vmem>>
      tpu.enqueue_dma source(%dma_start3A_91 : memref<640xf32, #tpu.memory_space<vmem>>) target(%dma_start3A_89 : memref<640xf32, #tpu.memory_space<vmem_shared>>) target_semaphore(%run_scoped3A : memref<!tpu.dma_semaphore, #tpu.memory_space<semaphore_mem>>)
      %dma_wait3A = arith.constant 0 : i32
      %dma_wait3A_92 = tpu.memref_slice %arg20[%dma_wait3A] : memref<2048xf32, #tpu.memory_space<vmem>> -> memref<640xf32, #tpu.memory_space<vmem>>
      %dma_wait3A_93 = tpu.memref_slice %arg7[%add3A_71] : memref<1000008xf32, #tpu.memory_space<vmem_shared>> -> memref<640xf32, #tpu.memory_space<vmem_shared>>
      %dma_wait3A_94 = tpu.memref_slice %arg7[%add3A_71] : memref<1000008xf32, #tpu.memory_space<vmem_shared>> -> memref<640xf32, #tpu.memory_space<vmem_shared>>
      %dma_wait3A_95 = arith.constant 0 : i32
      %dma_wait3A_96 = tpu.memref_slice %arg20[%dma_wait3A_95] : memref<2048xf32, #tpu.memory_space<vmem>> -> memref<640xf32, #tpu.memory_space<vmem>>
      tpu.wait_dma2 semaphore(%run_scoped3A : memref<!tpu.dma_semaphore, #tpu.memory_space<semaphore_mem>>) src(%dma_wait3A_96 : memref<640xf32, #tpu.memory_space<vmem>>) dst(%dma_wait3A_94 : memref<640xf32, #tpu.memory_space<vmem_shared>>)
      tpu.yield
    }) : () -> ()
    %barrier3A_72 = arith.constant 0 : index
    tpu.barrier barrier_id(%barrier3A_72)
    %scan3A_73 = arith.constant 0 : i32
    %scan3A_74 = arith.constant 0 : i32
    %scan3A_75 = arith.constant 80 : i32
    %scan3A_76 = arith.addi %scan3A_74, %scan3A_75 : i32
    %scan3A_77 = arith.constant 1 : i32
    %scan3A_78 = scf.for %scan3A_87 = %scan3A_74 to %scan3A_76 step %scan3A_77 iter_args(%scan3A_88 = %scan3A_73) -> (i32)  : i32 {
      %mul3A_89 = arith.constant 2000 : i32
      %mul3A_90 = arith.muli %scan3A_87, %mul3A_89 : i32
      %multiple_of3A = tpu.assume_multiple %mul3A_90, 8 : i32
      %dma_start3A = arith.constant 0 : i32
      %dma_start3A_91 = tpu.memref_slice %arg8[%dma_start3A] : memref<2048xi32, #tpu.memory_space<vmem>> -> memref<2000xi32, #tpu.memory_space<vmem>>
      %dma_start3A_92 = tpu.memref_slice %arg2[%multiple_of3A] : memref<160000xi32, #tpu.memory_space<hbm>> -> memref<2000xi32, #tpu.memory_space<hbm>>
      %dma_start3A_93 = arith.constant 0 : i32
      %dma_start3A_94 = tpu.memref_slice %arg8[%dma_start3A_93] : memref<2048xi32, #tpu.memory_space<vmem>> -> memref<2000xi32, #tpu.memory_space<vmem>>
      %dma_start3A_95 = tpu.memref_slice %arg2[%multiple_of3A] : memref<160000xi32, #tpu.memory_space<hbm>> -> memref<2000xi32, #tpu.memory_space<hbm>>
      tpu.enqueue_dma source(%dma_start3A_95 : memref<2000xi32, #tpu.memory_space<hbm>>) target(%dma_start3A_94 : memref<2000xi32, #tpu.memory_space<vmem>>) target_semaphore(%arg22 : memref<!tpu.dma_semaphore, #tpu.memory_space<semaphore_mem>>)
      %dma_start3A_96 = arith.constant 0 : i32
      %dma_start3A_97 = tpu.memref_slice %arg9[%dma_start3A_96] : memref<2048xi32, #tpu.memory_space<vmem>> -> memref<2000xi32, #tpu.memory_space<vmem>>
      %dma_start3A_98 = tpu.memref_slice %arg3[%multiple_of3A] : memref<160000xi32, #tpu.memory_space<hbm>> -> memref<2000xi32, #tpu.memory_space<hbm>>
      %dma_start3A_99 = arith.constant 0 : i32
      %dma_start3A_100 = tpu.memref_slice %arg9[%dma_start3A_99] : memref<2048xi32, #tpu.memory_space<vmem>> -> memref<2000xi32, #tpu.memory_space<vmem>>
      %dma_start3A_101 = tpu.memref_slice %arg3[%multiple_of3A] : memref<160000xi32, #tpu.memory_space<hbm>> -> memref<2000xi32, #tpu.memory_space<hbm>>
      tpu.enqueue_dma source(%dma_start3A_101 : memref<2000xi32, #tpu.memory_space<hbm>>) target(%dma_start3A_100 : memref<2000xi32, #tpu.memory_space<vmem>>) target_semaphore(%arg23 : memref<!tpu.dma_semaphore, #tpu.memory_space<semaphore_mem>>)
      %dma_start3A_102 = arith.constant 0 : i32
      %dma_start3A_103 = tpu.memref_slice %arg10[%dma_start3A_102] : memref<2048xf32, #tpu.memory_space<vmem>> -> memref<2000xf32, #tpu.memory_space<vmem>>
      %dma_start3A_104 = tpu.memref_slice %arg4[%multiple_of3A] : memref<160000xf32, #tpu.memory_space<hbm>> -> memref<2000xf32, #tpu.memory_space<hbm>>
      %dma_start3A_105 = arith.constant 0 : i32
      %dma_start3A_106 = tpu.memref_slice %arg10[%dma_start3A_105] : memref<2048xf32, #tpu.memory_space<vmem>> -> memref<2000xf32, #tpu.memory_space<vmem>>
      %dma_start3A_107 = tpu.memref_slice %arg4[%multiple_of3A] : memref<160000xf32, #tpu.memory_space<hbm>> -> memref<2000xf32, #tpu.memory_space<hbm>>
      tpu.enqueue_dma source(%dma_start3A_107 : memref<2000xf32, #tpu.memory_space<hbm>>) target(%dma_start3A_106 : memref<2000xf32, #tpu.memory_space<vmem>>) target_semaphore(%arg24 : memref<!tpu.dma_semaphore, #tpu.memory_space<semaphore_mem>>)
      %dma_wait3A = arith.constant 0 : i32
      %dma_wait3A_108 = tpu.memref_slice %arg8[%dma_wait3A] : memref<2048xi32, #tpu.memory_space<vmem>> -> memref<2000xi32, #tpu.memory_space<vmem>>
      %dma_wait3A_109 = tpu.memref_slice %arg2[%multiple_of3A] : memref<160000xi32, #tpu.memory_space<hbm>> -> memref<2000xi32, #tpu.memory_space<hbm>>
      %dma_wait3A_110 = arith.constant 0 : i32
      %dma_wait3A_111 = tpu.memref_slice %arg8[%dma_wait3A_110] : memref<2048xi32, #tpu.memory_space<vmem>> -> memref<2000xi32, #tpu.memory_space<vmem>>
      %dma_wait3A_112 = tpu.memref_slice %arg2[%multiple_of3A] : memref<160000xi32, #tpu.memory_space<hbm>> -> memref<2000xi32, #tpu.memory_space<hbm>>
      tpu.wait_dma2 semaphore(%arg22 : memref<!tpu.dma_semaphore, #tpu.memory_space<semaphore_mem>>) src(%dma_wait3A_112 : memref<2000xi32, #tpu.memory_space<hbm>>) dst(%dma_wait3A_111 : memref<2000xi32, #tpu.memory_space<vmem>>)
      %dma_wait3A_113 = arith.constant 0 : i32
      %dma_wait3A_114 = tpu.memref_slice %arg9[%dma_wait3A_113] : memref<2048xi32, #tpu.memory_space<vmem>> -> memref<2000xi32, #tpu.memory_space<vmem>>
      %dma_wait3A_115 = tpu.memref_slice %arg3[%multiple_of3A] : memref<160000xi32, #tpu.memory_space<hbm>> -> memref<2000xi32, #tpu.memory_space<hbm>>
      %dma_wait3A_116 = arith.constant 0 : i32
      %dma_wait3A_117 = tpu.memref_slice %arg9[%dma_wait3A_116] : memref<2048xi32, #tpu.memory_space<vmem>> -> memref<2000xi32, #tpu.memory_space<vmem>>
      %dma_wait3A_118 = tpu.memref_slice %arg3[%multiple_of3A] : memref<160000xi32, #tpu.memory_space<hbm>> -> memref<2000xi32, #tpu.memory_space<hbm>>
      tpu.wait_dma2 semaphore(%arg23 : memref<!tpu.dma_semaphore, #tpu.memory_space<semaphore_mem>>) src(%dma_wait3A_118 : memref<2000xi32, #tpu.memory_space<hbm>>) dst(%dma_wait3A_117 : memref<2000xi32, #tpu.memory_space<vmem>>)
      %dma_wait3A_119 = arith.constant 0 : i32
      %dma_wait3A_120 = tpu.memref_slice %arg10[%dma_wait3A_119] : memref<2048xf32, #tpu.memory_space<vmem>> -> memref<2000xf32, #tpu.memory_space<vmem>>
      %dma_wait3A_121 = tpu.memref_slice %arg4[%multiple_of3A] : memref<160000xf32, #tpu.memory_space<hbm>> -> memref<2000xf32, #tpu.memory_space<hbm>>
      %dma_wait3A_122 = arith.constant 0 : i32
      %dma_wait3A_123 = tpu.memref_slice %arg10[%dma_wait3A_122] : memref<2048xf32, #tpu.memory_space<vmem>> -> memref<2000xf32, #tpu.memory_space<vmem>>
      %dma_wait3A_124 = tpu.memref_slice %arg4[%multiple_of3A] : memref<160000xf32, #tpu.memory_space<hbm>> -> memref<2000xf32, #tpu.memory_space<hbm>>
      tpu.wait_dma2 semaphore(%arg24 : memref<!tpu.dma_semaphore, #tpu.memory_space<semaphore_mem>>) src(%dma_wait3A_124 : memref<2000xf32, #tpu.memory_space<hbm>>) dst(%dma_wait3A_123 : memref<2000xf32, #tpu.memory_space<vmem>>)
      %scan3A_125 = arith.constant 0 : i32
      %scan3A_126 = arith.constant 125 : i32
      %scan3A_127 = arith.addi %scan3A_125, %scan3A_126 : i32
      %scan3A_128 = arith.constant 1 : i32
      %scan3A_129 = scf.for %scan3A_131 = %scan3A_125 to %scan3A_127 step %scan3A_128 iter_args(%scan3A_132 = %scan3A_88) -> (i32)  : i32 {
        %mul3A_133 = arith.constant 16 : i32
        %mul3A_134 = arith.muli %scan3A_131, %mul3A_133 : i32
        %get3A = arith.index_cast %mul3A_134 : i32 to index
        %get3A_135 = tpu.vector_load %arg8[%get3A] {strides = array<i32>} : memref<2048xi32, #tpu.memory_space<vmem>>, vector<16xi32>,
        %get3A_136 = arith.index_cast %mul3A_134 : i32 to index
        %get3A_137 = tpu.vector_load %arg9[%get3A_136] {strides = array<i32>} : memref<2048xi32, #tpu.memory_space<vmem>>, vector<16xi32>,
        %get3A_138 = arith.index_cast %mul3A_134 : i32 to index
        %get3A_139 = tpu.vector_load %arg10[%get3A_138] {strides = array<i32>} : memref<2048xf32, #tpu.memory_space<vmem>>, vector<16xf32>,
        %jit3A = arith.constant 5000 : i32
        %div3A = vector.broadcast %jit3A : i32 to vector<16xi32>
        %div3A_140 = arith.divsi %get3A_135, %div3A : vector<16xi32>
        %sign3A = arith.constant 0 : i32
        %sign3A_141 = vector.broadcast %sign3A : i32 to vector<16xi32>
        %sign3A_142 = arith.cmpi sgt, %get3A_135, %sign3A_141 : vector<16xi32>
        %sign3A_143 = arith.extui %sign3A_142 : vector<16xi1> to vector<16xi32>
        %sign3A_144 = arith.constant 0 : i32
        %sign3A_145 = vector.broadcast %sign3A_144 : i32 to vector<16xi32>
        %sign3A_146 = arith.cmpi slt, %get3A_135, %sign3A_145 : vector<16xi32>
        %sign3A_147 = arith.extui %sign3A_146 : vector<16xi1> to vector<16xi32>
        %sign3A_148 = arith.subi %sign3A_143, %sign3A_147 : vector<16xi32>
        %sign3A_149 = arith.constant 0 : i32
        %sign3A_150 = arith.cmpi sgt, %jit3A, %sign3A_149 : i32
        %sign3A_151 = arith.extui %sign3A_150 : i1 to i32
        %sign3A_152 = arith.constant 0 : i32
        %sign3A_153 = arith.cmpi slt, %jit3A, %sign3A_152 : i32
        %sign3A_154 = arith.extui %sign3A_153 : i1 to i32
        %sign3A_155 = arith.subi %sign3A_151, %sign3A_154 : i32
        %ne3A = vector.broadcast %sign3A_155 : i32 to vector<16xi32>
        %ne3A_156 = arith.cmpi ne, %sign3A_148, %ne3A : vector<16xi32>
        %rem3A = vector.broadcast %jit3A : i32 to vector<16xi32>
        %rem3A_157 = arith.remsi %get3A_135, %rem3A : vector<16xi32>
        %ne3A_158 = arith.constant 0 : i32
        %ne3A_159 = vector.broadcast %ne3A_158 : i32 to vector<16xi32>
        %ne3A_160 = arith.cmpi ne, %rem3A_157, %ne3A_159 : vector<16xi32>
        %and3A = arith.andi %ne3A_156, %ne3A_160 : vector<16xi1>
        %sub3A = arith.constant 1 : i32
        %sub3A_161 = vector.broadcast %sub3A : i32 to vector<16xi32>
        %sub3A_162 = arith.subi %div3A_140, %sub3A_161 : vector<16xi32>
        %select_n3A = arith.select %and3A, %sub3A_162, %div3A_140 : vector<16xi1>, vector<16xi32>
        %eq3A_163 = vector.broadcast %arg0 : i32 to vector<16xi32>
        %eq3A_164 = arith.cmpi eq, %select_n3A, %eq3A_163 : vector<16xi32>
        %jit3A_165 = arith.constant 625 : i32
        %div3A_166 = vector.broadcast %jit3A_165 : i32 to vector<16xi32>
        %div3A_167 = arith.divsi %get3A_137, %div3A_166 : vector<16xi32>
        %sign3A_168 = arith.constant 0 : i32
        %sign3A_169 = vector.broadcast %sign3A_168 : i32 to vector<16xi32>
        %sign3A_170 = arith.cmpi sgt, %get3A_137, %sign3A_169 : vector<16xi32>
        %sign3A_171 = arith.extui %sign3A_170 : vector<16xi1> to vector<16xi32>
        %sign3A_172 = arith.constant 0 : i32
        %sign3A_173 = vector.broadcast %sign3A_172 : i32 to vector<16xi32>
        %sign3A_174 = arith.cmpi slt, %get3A_137, %sign3A_173 : vector<16xi32>
        %sign3A_175 = arith.extui %sign3A_174 : vector<16xi1> to vector<16xi32>
        %sign3A_176 = arith.subi %sign3A_171, %sign3A_175 : vector<16xi32>
        %sign3A_177 = arith.constant 0 : i32
        %sign3A_178 = arith.cmpi sgt, %jit3A_165, %sign3A_177 : i32
        %sign3A_179 = arith.extui %sign3A_178 : i1 to i32
        %sign3A_180 = arith.constant 0 : i32
        %sign3A_181 = arith.cmpi slt, %jit3A_165, %sign3A_180 : i32
        %sign3A_182 = arith.extui %sign3A_181 : i1 to i32
        %sign3A_183 = arith.subi %sign3A_179, %sign3A_182 : i32
        %ne3A_184 = vector.broadcast %sign3A_183 : i32 to vector<16xi32>
        %ne3A_185 = arith.cmpi ne, %sign3A_176, %ne3A_184 : vector<16xi32>
        %rem3A_186 = vector.broadcast %jit3A_165 : i32 to vector<16xi32>
        %rem3A_187 = arith.remsi %get3A_137, %rem3A_186 : vector<16xi32>
        %ne3A_188 = arith.constant 0 : i32
        %ne3A_189 = vector.broadcast %ne3A_188 : i32 to vector<16xi32>
        %ne3A_190 = arith.cmpi ne, %rem3A_187, %ne3A_189 : vector<16xi32>
        %and3A_191 = arith.andi %ne3A_185, %ne3A_190 : vector<16xi1>
        %sub3A_192 = arith.constant 1 : i32
        %sub3A_193 = vector.broadcast %sub3A_192 : i32 to vector<16xi32>
        %sub3A_194 = arith.subi %div3A_167, %sub3A_193 : vector<16xi32>
        %select_n3A_195 = arith.select %and3A_191, %sub3A_194, %div3A_167 : vector<16xi1>, vector<16xi32>
        %eq3A_196 = vector.broadcast %arg1 : i32 to vector<16xi32>
        %eq3A_197 = arith.cmpi eq, %select_n3A_195, %eq3A_196 : vector<16xi32>
        %and3A_198 = arith.andi %eq3A_164, %eq3A_197 : vector<16xi1>
        %broadcast_in_dim3A_199 = vector.broadcast %scan3A_132 : i32 to vector<16xi32>
        %lt3A = arith.constant 8000 : i32
        %lt3A_200 = vector.broadcast %lt3A : i32 to vector<16xi32>
        %lt3A_201 = arith.cmpi slt, %broadcast_in_dim3A_199, %lt3A_200 : vector<16xi32>
        %and3A_202 = arith.andi %and3A_198, %lt3A_201 : vector<16xi1>
        %mul3A_203 = arith.constant 10000 : i32
        %mul3A_204 = vector.broadcast %mul3A_203 : i32 to vector<16xi32>
        %mul3A_205 = arith.muli %get3A_135, %mul3A_204 : vector<16xi32>
        %add3A_206 = arith.addi %mul3A_205, %get3A_137 : vector<16xi32>
        %gather3A = tpu.vector_load_idx %arg13[%get3A_137] : memref<10240xf32, #tpu.memory_space<vmem>>[vector<16xi32>], vector<16xf32>,
        %add3A_207 = arith.constant 9.99999968E-21 : f32
        %add3A_208 = vector.broadcast %add3A_207 : f32 to vector<16xf32>
        %add3A_209 = arith.addf %gather3A, %add3A_208 : vector<16xf32>
        %div3A_210 = arith.divf %get3A_139, %add3A_209 : vector<16xf32>
        %swap3A_211 = arith.index_cast %scan3A_132 : i32 to index
        %swap3A_212 = tpu.vector_load %arg14[%swap3A_211] masked %and3A_202 {strides = array<i32>} : memref<8016xi32, #tpu.memory_space<vmem>>, vector<16xi32>, vector<16xi1>
        tpu.vector_store %arg14[%swap3A_211], %add3A_206 masked %and3A_202 {strides = array<i32>} : memref<8016xi32, #tpu.memory_space<vmem>>, vector<16xi32>, vector<16xi1>
        %swap3A_213 = arith.index_cast %scan3A_132 : i32 to index
        %swap3A_214 = tpu.vector_load %arg15[%swap3A_213] masked %and3A_202 {strides = array<i32>} : memref<8016xf32, #tpu.memory_space<vmem>>, vector<16xf32>, vector<16xi1>
        tpu.vector_store %arg15[%swap3A_213], %div3A_210 masked %and3A_202 {strides = array<i32>} : memref<8016xf32, #tpu.memory_space<vmem>>, vector<16xf32>, vector<16xi1>
        %convert_element_type3A_215 = arith.extui %and3A_202 : vector<16xi1> to vector<16xi32>
        %reduce_sum3A = arith.constant true
        %reduce_sum3A_216 = vector.broadcast %reduce_sum3A : i1 to vector<16xi1>
        %reduce_sum3A_217 = tpu.scan <sum>, %convert_element_type3A_215 masked %reduce_sum3A_216 : vector<16xi32>, vector<16xi1> -> vector<16xi32>
        %reduce_sum3A_218 = vector.extract %reduce_sum3A_217[15] : i32 from vector<16xi32>
        %add3A_219 = arith.addi %scan3A_132, %reduce_sum3A_218 : i32
        scf.yield %add3A_219 : i32
      }
      %scan3A_130 = arith.constant 125 : i32
      scf.yield %scan3A_129 : i32
    }
    %scan3A_79 = arith.constant 80 : i32
    %scan3A_80 = arith.constant 0 : i32
    %scan3A_81 = arith.constant 0 : i32
    %scan3A_82 = arith.constant 50 : i32
    %scan3A_83 = arith.addi %scan3A_81, %scan3A_82 : i32
    %scan3A_84 = arith.constant 1 : i32
    %scan3A_85 = scf.for %scan3A_87 = %scan3A_81 to %scan3A_83 step %scan3A_84 iter_args(%scan3A_88 = %scan3A_80) -> (i32)  : i32 {
      %mul3A_89 = arith.constant 5000 : i32
      %mul3A_90 = arith.muli %arg0, %mul3A_89 : i32
      %mul3A_91 = arith.constant 100 : i32
      %mul3A_92 = arith.muli %scan3A_87, %mul3A_91 : i32
      %add3A_93 = arith.addi %mul3A_90, %mul3A_92 : i32
      %mul3A_94 = arith.constant 10000 : i32
      %mul3A_95 = arith.muli %add3A_93, %mul3A_94 : i32
      %add3A_96 = arith.constant 16 : i32
      %add3A_97 = arith.addi %scan3A_78, %add3A_96 : i32
      %sub3A = arith.constant 1 : i32
      %sub3A_98 = arith.subi %add3A_97, %sub3A : i32
      %jit3A = arith.constant 16 : i32
      %div3A = arith.divsi %sub3A_98, %jit3A : i32
      %sign3A = arith.constant 0 : i32
      %sign3A_99 = arith.cmpi sgt, %sub3A_98, %sign3A : i32
      %sign3A_100 = arith.extui %sign3A_99 : i1 to i32
      %sign3A_101 = arith.constant 0 : i32
      %sign3A_102 = arith.cmpi slt, %sub3A_98, %sign3A_101 : i32
      %sign3A_103 = arith.extui %sign3A_102 : i1 to i32
      %sign3A_104 = arith.subi %sign3A_100, %sign3A_103 : i32
      %sign3A_105 = arith.constant 0 : i32
      %sign3A_106 = arith.cmpi sgt, %jit3A, %sign3A_105 : i32
      %sign3A_107 = arith.extui %sign3A_106 : i1 to i32
      %sign3A_108 = arith.constant 0 : i32
      %sign3A_109 = arith.cmpi slt, %jit3A, %sign3A_108 : i32
      %sign3A_110 = arith.extui %sign3A_109 : i1 to i32
      %sign3A_111 = arith.subi %sign3A_107, %sign3A_110 : i32
      %ne3A = arith.cmpi ne, %sign3A_104, %sign3A_111 : i32
      %rem3A = arith.remsi %sub3A_98, %jit3A : i32
      %ne3A_112 = arith.constant 0 : i32
      %ne3A_113 = arith.cmpi ne, %rem3A, %ne3A_112 : i32
      %and3A = arith.andi %ne3A, %ne3A_113 : i1
      %sub3A_114 = arith.constant 1 : i32
      %sub3A_115 = arith.subi %div3A, %sub3A_114 : i32
      %select_n3A = arith.select %and3A, %sub3A_115, %div3A : i32
      %while3A = arith.constant 0 : i32
      %while3A_116 = arith.constant 0 : i32
      %while3A_117 = arith.subi %select_n3A, %while3A : i32
      %while3A_118 = arith.addi %while3A, %while3A_117 : i32
      %while3A_119 = arith.constant 1 : i32
      %while3A_120 = arith.divsi %while3A_117, %while3A_119 : i32
      %while3A_121 = arith.muli %while3A_120, %while3A_119 : i32
      %while3A_122 = arith.addi %while3A, %while3A_121 : i32
      %while3A_123 = arith.constant 1 : i32
      %while3A_124 = scf.for %while3A_671 = %while3A to %while3A_122 step %while3A_123 iter_args(%while3A_672 = %while3A_116) -> (i32)  : i32 {
        %mul3A_673 = arith.constant 16 : i32
        %mul3A_674 = arith.muli %while3A_671, %mul3A_673 : i32
        %get3A = arith.index_cast %mul3A_674 : i32 to index
        %get3A_675 = tpu.vector_load %arg14[%get3A] {strides = array<i32>} : memref<8016xi32, #tpu.memory_space<vmem>>, vector<16xi32>,
        %get3A_676 = arith.index_cast %mul3A_674 : i32 to index
        %get3A_677 = tpu.vector_load %arg15[%get3A_676] {strides = array<i32>} : memref<8016xf32, #tpu.memory_space<vmem>>, vector<16xf32>,
        %add3A_678 = vector.broadcast %mul3A_674 : i32 to vector<16xi32>
        %add3A_679 = arith.addi %add3A_678, %iota3A : vector<16xi32>
        %lt3A = vector.broadcast %scan3A_78 : i32 to vector<16xi32>
        %lt3A_680 = arith.cmpi slt, %add3A_679, %lt3A : vector<16xi32>
        %ge3A = vector.broadcast %mul3A_95 : i32 to vector<16xi32>
        %ge3A_681 = arith.cmpi sge, %get3A_675, %ge3A : vector<16xi32>
        %and3A_682 = arith.andi %lt3A_680, %ge3A_681 : vector<16xi1>
        %add3A_683 = arith.constant 1000000 : i32
        %add3A_684 = arith.addi %mul3A_95, %add3A_683 : i32
        %lt3A_685 = vector.broadcast %add3A_684 : i32 to vector<16xi32>
        %lt3A_686 = arith.cmpi slt, %get3A_675, %lt3A_685 : vector<16xi32>
        %and3A_687 = arith.andi %and3A_682, %lt3A_686 : vector<16xi1>
        %sub3A_688 = vector.broadcast %mul3A_95 : i32 to vector<16xi32>
        %sub3A_689 = arith.subi %get3A_675, %sub3A_688 : vector<16xi32>
        %swap3A_690 = arith.index_cast %while3A_672 : i32 to index
        %swap3A_691 = tpu.vector_load %arg16[%swap3A_690] masked %and3A_687 {strides = array<i32>} : memref<8160xi32, #tpu.memory_space<vmem>>, vector<16xi32>, vector<16xi1>
        tpu.vector_store %arg16[%swap3A_690], %sub3A_689 masked %and3A_687 {strides = array<i32>} : memref<8160xi32, #tpu.memory_space<vmem>>, vector<16xi32>, vector<16xi1>
        %swap3A_692 = arith.index_cast %while3A_672 : i32 to index
        %swap3A_693 = tpu.vector_load %arg17[%swap3A_692] masked %and3A_687 {strides = array<i32>} : memref<8160xf32, #tpu.memory_space<vmem>>, vector<16xf32>, vector<16xi1>
        tpu.vector_store %arg17[%swap3A_692], %get3A_677 masked %and3A_687 {strides = array<i32>} : memref<8160xf32, #tpu.memory_space<vmem>>, vector<16xf32>, vector<16xi1>
        %convert_element_type3A_694 = arith.extui %and3A_687 : vector<16xi1> to vector<16xi32>
        %reduce_sum3A = arith.constant true
        %reduce_sum3A_695 = vector.broadcast %reduce_sum3A : i1 to vector<16xi1>
        %reduce_sum3A_696 = tpu.scan <sum>, %convert_element_type3A_694 masked %reduce_sum3A_695 : vector<16xi32>, vector<16xi1> -> vector<16xi32>
        %reduce_sum3A_697 = vector.extract %reduce_sum3A_696[15] : i32 from vector<16xi32>
        %add3A_698 = arith.addi %while3A_672, %reduce_sum3A_697 : i32
        scf.yield %add3A_698 : i32
      }
      %while3A_125 = arith.constant 1 : i32
      %while3A_126 = scf.for %while3A_671 = %while3A_122 to %while3A_118 step %while3A_125 iter_args(%while3A_672 = %while3A_124) -> (i32)  : i32 {
        %mul3A_673 = arith.constant 16 : i32
        %mul3A_674 = arith.muli %while3A_671, %mul3A_673 : i32
        %get3A = arith.index_cast %mul3A_674 : i32 to index
        %get3A_675 = tpu.vector_load %arg14[%get3A] {strides = array<i32>} : memref<8016xi32, #tpu.memory_space<vmem>>, vector<16xi32>,
        %get3A_676 = arith.index_cast %mul3A_674 : i32 to index
        %get3A_677 = tpu.vector_load %arg15[%get3A_676] {strides = array<i32>} : memref<8016xf32, #tpu.memory_space<vmem>>, vector<16xf32>,
        %add3A_678 = vector.broadcast %mul3A_674 : i32 to vector<16xi32>
        %add3A_679 = arith.addi %add3A_678, %iota3A : vector<16xi32>
        %lt3A = vector.broadcast %scan3A_78 : i32 to vector<16xi32>
        %lt3A_680 = arith.cmpi slt, %add3A_679, %lt3A : vector<16xi32>
        %ge3A = vector.broadcast %mul3A_95 : i32 to vector<16xi32>
        %ge3A_681 = arith.cmpi sge, %get3A_675, %ge3A : vector<16xi32>
        %and3A_682 = arith.andi %lt3A_680, %ge3A_681 : vector<16xi1>
        %add3A_683 = arith.constant 1000000 : i32
        %add3A_684 = arith.addi %mul3A_95, %add3A_683 : i32
        %lt3A_685 = vector.broadcast %add3A_684 : i32 to vector<16xi32>
        %lt3A_686 = arith.cmpi slt, %get3A_675, %lt3A_685 : vector<16xi32>
        %and3A_687 = arith.andi %and3A_682, %lt3A_686 : vector<16xi1>
        %sub3A_688 = vector.broadcast %mul3A_95 : i32 to vector<16xi32>
        %sub3A_689 = arith.subi %get3A_675, %sub3A_688 : vector<16xi32>
        %swap3A_690 = arith.index_cast %while3A_672 : i32 to index
        %swap3A_691 = tpu.vector_load %arg16[%swap3A_690] masked %and3A_687 {strides = array<i32>} : memref<8160xi32, #tpu.memory_space<vmem>>, vector<16xi32>, vector<16xi1>
        tpu.vector_store %arg16[%swap3A_690], %sub3A_689 masked %and3A_687 {strides = array<i32>} : memref<8160xi32, #tpu.memory_space<vmem>>, vector<16xi32>, vector<16xi1>
        %swap3A_692 = arith.index_cast %while3A_672 : i32 to index
        %swap3A_693 = tpu.vector_load %arg17[%swap3A_692] masked %and3A_687 {strides = array<i32>} : memref<8160xf32, #tpu.memory_space<vmem>>, vector<16xf32>, vector<16xi1>
        tpu.vector_store %arg17[%swap3A_692], %get3A_677 masked %and3A_687 {strides = array<i32>} : memref<8160xf32, #tpu.memory_space<vmem>>, vector<16xf32>, vector<16xi1>
        %convert_element_type3A_694 = arith.extui %and3A_687 : vector<16xi1> to vector<16xi32>
        %reduce_sum3A = arith.constant true
        %reduce_sum3A_695 = vector.broadcast %reduce_sum3A : i1 to vector<16xi1>
        %reduce_sum3A_696 = tpu.scan <sum>, %convert_element_type3A_694 masked %reduce_sum3A_695 : vector<16xi32>, vector<16xi1> -> vector<16xi32>
        %reduce_sum3A_697 = vector.extract %reduce_sum3A_696[15] : i32 from vector<16xi32>
        %add3A_698 = arith.addi %while3A_672, %reduce_sum3A_697 : i32
        scf.yield %add3A_698 : i32
      }
      %add3A_127 = arith.constant 127 : i32
      %add3A_128 = arith.addi %while3A_126, %add3A_127 : i32
      %jit3A_129 = arith.constant 128 : i32
      %div3A_130 = arith.divsi %add3A_128, %jit3A_129 : i32
      %sign3A_131 = arith.constant 0 : i32
      %sign3A_132 = arith.cmpi sgt, %add3A_128, %sign3A_131 : i32
      %sign3A_133 = arith.extui %sign3A_132 : i1 to i32
      %sign3A_134 = arith.constant 0 : i32
      %sign3A_135 = arith.cmpi slt, %add3A_128, %sign3A_134 : i32
      %sign3A_136 = arith.extui %sign3A_135 : i1 to i32
      %sign3A_137 = arith.subi %sign3A_133, %sign3A_136 : i32
      %sign3A_138 = arith.constant 0 : i32
      %sign3A_139 = arith.cmpi sgt, %jit3A_129, %sign3A_138 : i32
      %sign3A_140 = arith.extui %sign3A_139 : i1 to i32
      %sign3A_141 = arith.constant 0 : i32
      %sign3A_142 = arith.cmpi slt, %jit3A_129, %sign3A_141 : i32
      %sign3A_143 = arith.extui %sign3A_142 : i1 to i32
      %sign3A_144 = arith.subi %sign3A_140, %sign3A_143 : i32
      %ne3A_145 = arith.cmpi ne, %sign3A_137, %sign3A_144 : i32
      %rem3A_146 = arith.remsi %add3A_128, %jit3A_129 : i32
      %ne3A_147 = arith.constant 0 : i32
      %ne3A_148 = arith.cmpi ne, %rem3A_146, %ne3A_147 : i32
      %and3A_149 = arith.andi %ne3A_145, %ne3A_148 : i1
      %sub3A_150 = arith.constant 1 : i32
      %sub3A_151 = arith.subi %div3A_130, %sub3A_150 : i32
      %select_n3A_152 = arith.select %and3A_149, %sub3A_151, %div3A_130 : i32
      %while3A_153 = arith.constant 0 : i32
      %while3A_154 = arith.constant 0 : i32
      %while3A_155 = arith.subi %select_n3A_152, %while3A_153 : i32
      %while3A_156 = arith.addi %while3A_153, %while3A_155 : i32
      %while3A_157 = arith.constant 1 : i32
      %while3A_158 = arith.divsi %while3A_155, %while3A_157 : i32
      %while3A_159 = arith.muli %while3A_158, %while3A_157 : i32
      %while3A_160 = arith.addi %while3A_153, %while3A_159 : i32
      %while3A_161 = arith.constant 1 : i32
      %while3A_162 = scf.for %while3A_671 = %while3A_153 to %while3A_160 step %while3A_161 iter_args(%while3A_672 = %while3A_154) -> (i32)  : i32 {
        %scan3A_673 = arith.constant 0 : i32
        %scan3A_674 = arith.constant 0 : i32
        %scan3A_675 = arith.constant 8 : i32
        %scan3A_676 = arith.addi %scan3A_674, %scan3A_675 : i32
        %scan3A_677 = arith.constant 1 : i32
        %scan3A_678 = scf.for %scan3A_681 = %scan3A_674 to %scan3A_676 step %scan3A_677 iter_args(%scan3A_682 = %scan3A_673) -> (i32)  : i32 {
          %mul3A_683 = arith.constant 128 : i32
          %mul3A_684 = arith.muli %while3A_671, %mul3A_683 : i32
          %mul3A_685 = arith.constant 16 : i32
          %mul3A_686 = arith.muli %scan3A_681, %mul3A_685 : i32
          %add3A_687 = arith.addi %mul3A_684, %mul3A_686 : i32
          %add3A_688 = vector.broadcast %add3A_687 : i32 to vector<16xi32>
          %add3A_689 = arith.addi %add3A_688, %iota3A : vector<16xi32>
          %lt3A = vector.broadcast %while3A_126 : i32 to vector<16xi32>
          %lt3A_690 = arith.cmpi slt, %add3A_689, %lt3A : vector<16xi32>
          %get3A = arith.index_cast %add3A_687 : i32 to index
          %get3A_691 = tpu.vector_load %arg16[%get3A] {strides = array<i32>} : memref<8160xi32, #tpu.memory_space<vmem>>, vector<16xi32>,
          %get3A_692 = arith.index_cast %add3A_687 : i32 to index
          %get3A_693 = tpu.vector_load %arg17[%get3A_692] {strides = array<i32>} : memref<8160xf32, #tpu.memory_space<vmem>>, vector<16xf32>,
          %jit3A_694 = arith.constant 1000000 : i32
          %broadcast_in_dim3A_695 = vector.broadcast %jit3A_694 : i32 to vector<16xi32>
          %select_n3A_696 = arith.select %lt3A_690, %get3A_691, %broadcast_in_dim3A_695 : vector<16xi1>, vector<16xi32>
          %mul3A_697 = arith.constant 16 : i32
          %mul3A_698 = arith.muli %scan3A_681, %mul3A_697 : i32
          %swap3A_699 = arith.index_cast %mul3A_698 : i32 to index
          %swap3A_700 = tpu.vector_load %arg18[%swap3A_699] {strides = array<i32>} : memref<128xi32, #tpu.memory_space<vmem>>, vector<16xi32>,
          tpu.vector_store %arg18[%swap3A_699], %select_n3A_696 {strides = array<i32>} : memref<128xi32, #tpu.memory_space<vmem>>, vector<16xi32>,
          %mul3A_701 = arith.constant 1.000000e+00 : f32
          %mul3A_702 = vector.broadcast %mul3A_701 : f32 to vector<16xf32>
          %mul3A_703 = arith.mulf %mul3A_702, %get3A_693 : vector<16xf32>
          %jit3A_704 = arith.constant 0.000000e+00 : f32
          %broadcast_in_dim3A_705 = vector.broadcast %jit3A_704 : f32 to vector<16xf32>
          %select_n3A_706 = arith.select %lt3A_690, %mul3A_703, %broadcast_in_dim3A_705 : vector<16xi1>, vector<16xf32>
          %mul3A_707 = arith.constant 16 : i32
          %mul3A_708 = arith.muli %scan3A_681, %mul3A_707 : i32
          %swap3A_709 = arith.index_cast %mul3A_708 : i32 to index
          %swap3A_710 = tpu.vector_load %arg19[%swap3A_709] {strides = array<i32>} : memref<128xf32, #tpu.memory_space<vmem>>, vector<16xf32>,
          tpu.vector_store %arg19[%swap3A_709], %select_n3A_706 {strides = array<i32>} : memref<128xf32, #tpu.memory_space<vmem>>, vector<16xf32>,
          %scan3A_711 = arith.constant 0 : i32
          scf.yield %scan3A_711 : i32
        }
        %scan3A_679 = arith.constant 8 : i32
        "tpu.region"() ({
          %run_scoped3A = tpu.sem_alloc : memref<!tpu.dma_semaphore, #tpu.memory_space<semaphore_mem>>
          %dma_start3A_681 = arith.constant 0 : i32
          %dma_start3A_682 = tpu.memref_slice %arg7[%dma_start3A_681] : memref<1000008xf32, #tpu.memory_space<vmem_shared>> -> memref<1000008xf32, #tpu.memory_space<vmem_shared>>
          tpu.enqueue_indirect_dma source(%arg19 : memref<128xf32, #tpu.memory_space<vmem>>) target(%dma_start3A_682 : memref<1000008xf32, #tpu.memory_space<vmem_shared>>) offsets(%arg18 : memref<128xi32, #tpu.memory_space<vmem>>) semaphore(%run_scoped3A : memref<!tpu.dma_semaphore, #tpu.memory_space<semaphore_mem>>) {add = true}
          %dma_wait3A_683 = arith.constant 0 : i32
          %dma_wait3A_684 = tpu.memref_slice %arg7[%dma_wait3A_683] : memref<1000008xf32, #tpu.memory_space<vmem_shared>> -> memref<1000008xf32, #tpu.memory_space<vmem_shared>>
          tpu.wait_indirect_dma semaphore(%run_scoped3A : memref<!tpu.dma_semaphore, #tpu.memory_space<semaphore_mem>>) src(%arg19 : memref<128xf32, #tpu.memory_space<vmem>>) dst(%dma_wait3A_684 : memref<1000008xf32, #tpu.memory_space<vmem_shared>>)
          tpu.yield
        }) : () -> ()
        %while3A_680 = arith.constant 0 : i32
        scf.yield %while3A_680 : i32
      }
      %while3A_163 = arith.constant 1 : i32
      %while3A_164 = scf.for %while3A_671 = %while3A_160 to %while3A_156 step %while3A_163 iter_args(%while3A_672 = %while3A_162) -> (i32)  : i32 {
        %scan3A_673 = arith.constant 0 : i32
        %scan3A_674 = arith.constant 0 : i32
        %scan3A_675 = arith.constant 8 : i32
        %scan3A_676 = arith.addi %scan3A_674, %scan3A_675 : i32
        %scan3A_677 = arith.constant 1 : i32
        %scan3A_678 = scf.for %scan3A_681 = %scan3A_674 to %scan3A_676 step %scan3A_677 iter_args(%scan3A_682 = %scan3A_673) -> (i32)  : i32 {
          %mul3A_683 = arith.constant 128 : i32
          %mul3A_684 = arith.muli %while3A_671, %mul3A_683 : i32
          %mul3A_685 = arith.constant 16 : i32
          %mul3A_686 = arith.muli %scan3A_681, %mul3A_685 : i32
          %add3A_687 = arith.addi %mul3A_684, %mul3A_686 : i32
          %add3A_688 = vector.broadcast %add3A_687 : i32 to vector<16xi32>
          %add3A_689 = arith.addi %add3A_688, %iota3A : vector<16xi32>
          %lt3A = vector.broadcast %while3A_126 : i32 to vector<16xi32>
          %lt3A_690 = arith.cmpi slt, %add3A_689, %lt3A : vector<16xi32>
          %get3A = arith.index_cast %add3A_687 : i32 to index
          %get3A_691 = tpu.vector_load %arg16[%get3A] {strides = array<i32>} : memref<8160xi32, #tpu.memory_space<vmem>>, vector<16xi32>,
          %get3A_692 = arith.index_cast %add3A_687 : i32 to index
          %get3A_693 = tpu.vector_load %arg17[%get3A_692] {strides = array<i32>} : memref<8160xf32, #tpu.memory_space<vmem>>, vector<16xf32>,
          %jit3A_694 = arith.constant 1000000 : i32
          %broadcast_in_dim3A_695 = vector.broadcast %jit3A_694 : i32 to vector<16xi32>
          %select_n3A_696 = arith.select %lt3A_690, %get3A_691, %broadcast_in_dim3A_695 : vector<16xi1>, vector<16xi32>
          %mul3A_697 = arith.constant 16 : i32
          %mul3A_698 = arith.muli %scan3A_681, %mul3A_697 : i32
          %swap3A_699 = arith.index_cast %mul3A_698 : i32 to index
          %swap3A_700 = tpu.vector_load %arg18[%swap3A_699] {strides = array<i32>} : memref<128xi32, #tpu.memory_space<vmem>>, vector<16xi32>,
          tpu.vector_store %arg18[%swap3A_699], %select_n3A_696 {strides = array<i32>} : memref<128xi32, #tpu.memory_space<vmem>>, vector<16xi32>,
          %mul3A_701 = arith.constant 1.000000e+00 : f32
          %mul3A_702 = vector.broadcast %mul3A_701 : f32 to vector<16xf32>
          %mul3A_703 = arith.mulf %mul3A_702, %get3A_693 : vector<16xf32>
          %jit3A_704 = arith.constant 0.000000e+00 : f32
          %broadcast_in_dim3A_705 = vector.broadcast %jit3A_704 : f32 to vector<16xf32>
          %select_n3A_706 = arith.select %lt3A_690, %mul3A_703, %broadcast_in_dim3A_705 : vector<16xi1>, vector<16xf32>
          %mul3A_707 = arith.constant 16 : i32
          %mul3A_708 = arith.muli %scan3A_681, %mul3A_707 : i32
          %swap3A_709 = arith.index_cast %mul3A_708 : i32 to index
          %swap3A_710 = tpu.vector_load %arg19[%swap3A_709] {strides = array<i32>} : memref<128xf32, #tpu.memory_space<vmem>>, vector<16xf32>,
          tpu.vector_store %arg19[%swap3A_709], %select_n3A_706 {strides = array<i32>} : memref<128xf32, #tpu.memory_space<vmem>>, vector<16xf32>,
          %scan3A_711 = arith.constant 0 : i32
          scf.yield %scan3A_711 : i32
        }
        %scan3A_679 = arith.constant 8 : i32
        "tpu.region"() ({
          %run_scoped3A = tpu.sem_alloc : memref<!tpu.dma_semaphore, #tpu.memory_space<semaphore_mem>>
          %dma_start3A_681 = arith.constant 0 : i32
          %dma_start3A_682 = tpu.memref_slice %arg7[%dma_start3A_681] : memref<1000008xf32, #tpu.memory_space<vmem_shared>> -> memref<1000008xf32, #tpu.memory_space<vmem_shared>>
          tpu.enqueue_indirect_dma source(%arg19 : memref<128xf32, #tpu.memory_space<vmem>>) target(%dma_start3A_682 : memref<1000008xf32, #tpu.memory_space<vmem_shared>>) offsets(%arg18 : memref<128xi32, #tpu.memory_space<vmem>>) semaphore(%run_scoped3A : memref<!tpu.dma_semaphore, #tpu.memory_space<semaphore_mem>>) {add = true}
          %dma_wait3A_683 = arith.constant 0 : i32
          %dma_wait3A_684 = tpu.memref_slice %arg7[%dma_wait3A_683] : memref<1000008xf32, #tpu.memory_space<vmem_shared>> -> memref<1000008xf32, #tpu.memory_space<vmem_shared>>
          tpu.wait_indirect_dma semaphore(%run_scoped3A : memref<!tpu.dma_semaphore, #tpu.memory_space<semaphore_mem>>) src(%arg19 : memref<128xf32, #tpu.memory_space<vmem>>) dst(%dma_wait3A_684 : memref<1000008xf32, #tpu.memory_space<vmem_shared>>)
          tpu.yield
        }) : () -> ()
        %while3A_680 = arith.constant 0 : i32
        scf.yield %while3A_680 : i32
      }
      "tpu.region"() ({
        %run_scoped3A = tpu.sem_alloc : memref<!tpu.dma_semaphore, #tpu.memory_space<semaphore_mem>>
        %dma_start3A_671 = arith.constant 0 : i32
        %dma_start3A_672 = tpu.memref_slice %arg21[%dma_start3A_671] : memref<12288xf32, #tpu.memory_space<vmem>> -> memref<8xf32, #tpu.memory_space<vmem>>
        %dma_start3A_673 = arith.constant 0 : i32
        %dma_start3A_674 = tpu.memref_slice %arg7[%dma_start3A_673] : memref<1000008xf32, #tpu.memory_space<vmem_shared>> -> memref<8xf32, #tpu.memory_space<vmem_shared>>
        %dma_start3A_675 = arith.constant 0 : i32
        %dma_start3A_676 = tpu.memref_slice %arg21[%dma_start3A_675] : memref<12288xf32, #tpu.memory_space<vmem>> -> memref<8xf32, #tpu.memory_space<vmem>>
        %dma_start3A_677 = arith.constant 0 : i32
        %dma_start3A_678 = tpu.memref_slice %arg7[%dma_start3A_677] : memref<1000008xf32, #tpu.memory_space<vmem_shared>> -> memref<8xf32, #tpu.memory_space<vmem_shared>>
        tpu.enqueue_dma source(%dma_start3A_678 : memref<8xf32, #tpu.memory_space<vmem_shared>>) target(%dma_start3A_676 : memref<8xf32, #tpu.memory_space<vmem>>) target_semaphore(%run_scoped3A : memref<!tpu.dma_semaphore, #tpu.memory_space<semaphore_mem>>)
        %dma_wait3A_679 = arith.constant 0 : i32
        %dma_wait3A_680 = tpu.memref_slice %arg21[%dma_wait3A_679] : memref<12288xf32, #tpu.memory_space<vmem>> -> memref<8xf32, #tpu.memory_space<vmem>>
        %dma_wait3A_681 = arith.constant 0 : i32
        %dma_wait3A_682 = tpu.memref_slice %arg7[%dma_wait3A_681] : memref<1000008xf32, #tpu.memory_space<vmem_shared>> -> memref<8xf32, #tpu.memory_space<vmem_shared>>
        %dma_wait3A_683 = arith.constant 0 : i32
        %dma_wait3A_684 = tpu.memref_slice %arg21[%dma_wait3A_683] : memref<12288xf32, #tpu.memory_space<vmem>> -> memref<8xf32, #tpu.memory_space<vmem>>
        %dma_wait3A_685 = arith.constant 0 : i32
        %dma_wait3A_686 = tpu.memref_slice %arg7[%dma_wait3A_685] : memref<1000008xf32, #tpu.memory_space<vmem_shared>> -> memref<8xf32, #tpu.memory_space<vmem_shared>>
        tpu.wait_dma2 semaphore(%run_scoped3A : memref<!tpu.dma_semaphore, #tpu.memory_space<semaphore_mem>>) src(%dma_wait3A_686 : memref<8xf32, #tpu.memory_space<vmem_shared>>) dst(%dma_wait3A_684 : memref<8xf32, #tpu.memory_space<vmem>>)
        tpu.yield
      }) : () -> ()
      %barrier3A_165 = arith.constant 0 : index
      tpu.barrier barrier_id(%barrier3A_165)
      %delay3A_166 = arith.constant 1000 : i32
      tpu.delay %delay3A_166
      %barrier3A_167 = arith.constant 0 : index
      tpu.barrier barrier_id(%barrier3A_167)
      %mul3A_168 = arith.constant 62496 : i32
      %mul3A_169 = arith.muli %arg1, %mul3A_168 : i32
      %multiple_of3A = tpu.assume_multiple %mul3A_169, 8 : i32
      %add3A_170 = arith.constant 0 : i32
      %add3A_171 = arith.addi %multiple_of3A, %add3A_170 : i32
      %dma_start3A = arith.constant 0 : i32
      %dma_start3A_172 = tpu.memref_slice %arg21[%dma_start3A] : memref<12288xf32, #tpu.memory_space<vmem>> -> memref<6144xf32, #tpu.memory_space<vmem>>
      %dma_start3A_173 = tpu.memref_slice %arg7[%add3A_171] : memref<1000008xf32, #tpu.memory_space<vmem_shared>> -> memref<6144xf32, #tpu.memory_space<vmem_shared>>
      %dma_start3A_174 = arith.constant 0 : i32
      %dma_start3A_175 = tpu.memref_slice %arg21[%dma_start3A_174] : memref<12288xf32, #tpu.memory_space<vmem>> -> memref<6144xf32, #tpu.memory_space<vmem>>
      %dma_start3A_176 = tpu.memref_slice %arg7[%add3A_171] : memref<1000008xf32, #tpu.memory_space<vmem_shared>> -> memref<6144xf32, #tpu.memory_space<vmem_shared>>
      tpu.enqueue_dma source(%dma_start3A_176 : memref<6144xf32, #tpu.memory_space<vmem_shared>>) target(%dma_start3A_175 : memref<6144xf32, #tpu.memory_space<vmem>>) target_semaphore(%arg24 : memref<!tpu.dma_semaphore, #tpu.memory_space<semaphore_mem>>)
      %dma_wait3A = arith.constant 0 : i32
      %dma_wait3A_177 = tpu.memref_slice %arg21[%dma_wait3A] : memref<12288xf32, #tpu.memory_space<vmem>> -> memref<6144xf32, #tpu.memory_space<vmem>>
      %dma_wait3A_178 = tpu.memref_slice %arg7[%add3A_171] : memref<1000008xf32, #tpu.memory_space<vmem_shared>> -> memref<6144xf32, #tpu.memory_space<vmem_shared>>
      %dma_wait3A_179 = arith.constant 0 : i32
      %dma_wait3A_180 = tpu.memref_slice %arg21[%dma_wait3A_179] : memref<12288xf32, #tpu.memory_space<vmem>> -> memref<6144xf32, #tpu.memory_space<vmem>>
      %dma_wait3A_181 = tpu.memref_slice %arg7[%add3A_171] : memref<1000008xf32, #tpu.memory_space<vmem_shared>> -> memref<6144xf32, #tpu.memory_space<vmem_shared>>
      tpu.wait_dma2 semaphore(%arg24 : memref<!tpu.dma_semaphore, #tpu.memory_space<semaphore_mem>>) src(%dma_wait3A_181 : memref<6144xf32, #tpu.memory_space<vmem_shared>>) dst(%dma_wait3A_180 : memref<6144xf32, #tpu.memory_space<vmem>>)
      %add3A_182 = arith.constant 6144 : i32
      %add3A_183 = arith.addi %multiple_of3A, %add3A_182 : i32
      %dma_start3A_184 = arith.constant 6144 : i32
      %dma_start3A_185 = tpu.memref_slice %arg21[%dma_start3A_184] : memref<12288xf32, #tpu.memory_space<vmem>> -> memref<6144xf32, #tpu.memory_space<vmem>>
      %dma_start3A_186 = tpu.memref_slice %arg7[%add3A_183] : memref<1000008xf32, #tpu.memory_space<vmem_shared>> -> memref<6144xf32, #tpu.memory_space<vmem_shared>>
      %dma_start3A_187 = arith.constant 6144 : i32
      %dma_start3A_188 = tpu.memref_slice %arg21[%dma_start3A_187] : memref<12288xf32, #tpu.memory_space<vmem>> -> memref<6144xf32, #tpu.memory_space<vmem>>
      %dma_start3A_189 = tpu.memref_slice %arg7[%add3A_183] : memref<1000008xf32, #tpu.memory_space<vmem_shared>> -> memref<6144xf32, #tpu.memory_space<vmem_shared>>
      tpu.enqueue_dma source(%dma_start3A_189 : memref<6144xf32, #tpu.memory_space<vmem_shared>>) target(%dma_start3A_188 : memref<6144xf32, #tpu.memory_space<vmem>>) target_semaphore(%arg25 : memref<!tpu.dma_semaphore, #tpu.memory_space<semaphore_mem>>)
      %add3A_190 = arith.addi %mul3A_95, %multiple_of3A : i32
      %add3A_191 = arith.constant 0 : i32
      %add3A_192 = arith.addi %add3A_190, %add3A_191 : i32
      %dma_start3A_193 = arith.constant 0 : i32
      %dma_start3A_194 = tpu.memref_slice %arg21[%dma_start3A_193] : memref<12288xf32, #tpu.memory_space<vmem>> -> memref<6144xf32, #tpu.memory_space<vmem>>
      %dma_start3A_195 = tpu.memref_slice %arg5[%add3A_192] : memref<100000000xf32, #tpu.memory_space<hbm>> -> memref<6144xf32, #tpu.memory_space<hbm>>
      %dma_start3A_196 = tpu.memref_slice %arg5[%add3A_192] : memref<100000000xf32, #tpu.memory_space<hbm>> -> memref<6144xf32, #tpu.memory_space<hbm>>
      %dma_start3A_197 = arith.constant 0 : i32
      %dma_start3A_198 = tpu.memref_slice %arg21[%dma_start3A_197] : memref<12288xf32, #tpu.memory_space<vmem>> -> memref<6144xf32, #tpu.memory_space<vmem>>
      tpu.enqueue_dma source(%dma_start3A_198 : memref<6144xf32, #tpu.memory_space<vmem>>) target(%dma_start3A_196 : memref<6144xf32, #tpu.memory_space<hbm>>) target_semaphore(%arg22 : memref<!tpu.dma_semaphore, #tpu.memory_space<semaphore_mem>>)
      %add3A_199 = arith.addi %mul3A_95, %multiple_of3A : i32
      %add3A_200 = arith.constant 0 : i32
      %add3A_201 = arith.addi %add3A_199, %add3A_200 : i32
      %dma_start3A_202 = arith.constant 0 : i32
      %dma_start3A_203 = tpu.memref_slice %arg21[%dma_start3A_202] : memref<12288xf32, #tpu.memory_space<vmem>> -> memref<6144xf32, #tpu.memory_space<vmem>>
      %dma_start3A_204 = tpu.memref_slice %arg6[%add3A_201] : memref<100000000xf32, #tpu.memory_space<hbm>> -> memref<6144xf32, #tpu.memory_space<hbm>>
      %dma_start3A_205 = tpu.memref_slice %arg6[%add3A_201] : memref<100000000xf32, #tpu.memory_space<hbm>> -> memref<6144xf32, #tpu.memory_space<hbm>>
      %dma_start3A_206 = arith.constant 0 : i32
      %dma_start3A_207 = tpu.memref_slice %arg21[%dma_start3A_206] : memref<12288xf32, #tpu.memory_space<vmem>> -> memref<6144xf32, #tpu.memory_space<vmem>>
      tpu.enqueue_dma source(%dma_start3A_207 : memref<6144xf32, #tpu.memory_space<vmem>>) target(%dma_start3A_205 : memref<6144xf32, #tpu.memory_space<hbm>>) target_semaphore(%arg23 : memref<!tpu.dma_semaphore, #tpu.memory_space<semaphore_mem>>)
      %dma_wait3A_208 = arith.constant 6144 : i32
      %dma_wait3A_209 = tpu.memref_slice %arg21[%dma_wait3A_208] : memref<12288xf32, #tpu.memory_space<vmem>> -> memref<6144xf32, #tpu.memory_space<vmem>>
      %dma_wait3A_210 = tpu.memref_slice %arg7[%add3A_183] : memref<1000008xf32, #tpu.memory_space<vmem_shared>> -> memref<6144xf32, #tpu.memory_space<vmem_shared>>
      %dma_wait3A_211 = arith.constant 6144 : i32
      %dma_wait3A_212 = tpu.memref_slice %arg21[%dma_wait3A_211] : memref<12288xf32, #tpu.memory_space<vmem>> -> memref<6144xf32, #tpu.memory_space<vmem>>
      %dma_wait3A_213 = tpu.memref_slice %arg7[%add3A_183] : memref<1000008xf32, #tpu.memory_space<vmem_shared>> -> memref<6144xf32, #tpu.memory_space<vmem_shared>>
      tpu.wait_dma2 semaphore(%arg25 : memref<!tpu.dma_semaphore, #tpu.memory_space<semaphore_mem>>) src(%dma_wait3A_213 : memref<6144xf32, #tpu.memory_space<vmem_shared>>) dst(%dma_wait3A_212 : memref<6144xf32, #tpu.memory_space<vmem>>)
      %dma_wait3A_214 = arith.constant 0 : i32
      %dma_wait3A_215 = tpu.memref_slice %arg21[%dma_wait3A_214] : memref<12288xf32, #tpu.memory_space<vmem>> -> memref<6144xf32, #tpu.memory_space<vmem>>
      %dma_wait3A_216 = tpu.memref_slice %arg5[%add3A_192] : memref<100000000xf32, #tpu.memory_space<hbm>> -> memref<6144xf32, #tpu.memory_space<hbm>>
      %dma_wait3A_217 = tpu.memref_slice %arg5[%add3A_192] : memref<100000000xf32, #tpu.memory_space<hbm>> -> memref<6144xf32, #tpu.memory_space<hbm>>
      %dma_wait3A_218 = arith.constant 0 : i32
      %dma_wait3A_219 = tpu.memref_slice %arg21[%dma_wait3A_218] : memref<12288xf32, #tpu.memory_space<vmem>> -> memref<6144xf32, #tpu.memory_space<vmem>>
      tpu.wait_dma2 semaphore(%arg22 : memref<!tpu.dma_semaphore, #tpu.memory_space<semaphore_mem>>) src(%dma_wait3A_219 : memref<6144xf32, #tpu.memory_space<vmem>>) dst(%dma_wait3A_217 : memref<6144xf32, #tpu.memory_space<hbm>>)
      %dma_wait3A_220 = arith.constant 0 : i32
      %dma_wait3A_221 = tpu.memref_slice %arg21[%dma_wait3A_220] : memref<12288xf32, #tpu.memory_space<vmem>> -> memref<6144xf32, #tpu.memory_space<vmem>>
      %dma_wait3A_222 = tpu.memref_slice %arg6[%add3A_201] : memref<100000000xf32, #tpu.memory_space<hbm>> -> memref<6144xf32, #tpu.memory_space<hbm>>
      %dma_wait3A_223 = tpu.memref_slice %arg6[%add3A_201] : memref<100000000xf32, #tpu.memory_space<hbm>> -> memref<6144xf32, #tpu.memory_space<hbm>>
      %dma_wait3A_224 = arith.constant 0 : i32
      %dma_wait3A_225 = tpu.memref_slice %arg21[%dma_wait3A_224] : memref<12288xf32, #tpu.memory_space<vmem>> -> memref<6144xf32, #tpu.memory_space<vmem>>
      tpu.wait_dma2 semaphore(%arg23 : memref<!tpu.dma_semaphore, #tpu.memory_space<semaphore_mem>>) src(%dma_wait3A_225 : memref<6144xf32, #tpu.memory_space<vmem>>) dst(%dma_wait3A_223 : memref<6144xf32, #tpu.memory_space<hbm>>)
      %add3A_226 = arith.constant 12288 : i32
      %add3A_227 = arith.addi %multiple_of3A, %add3A_226 : i32
      %dma_start3A_228 = arith.constant 0 : i32
      %dma_start3A_229 = tpu.memref_slice %arg21[%dma_start3A_228] : memref<12288xf32, #tpu.memory_space<vmem>> -> memref<6144xf32, #tpu.memory_space<vmem>>
      %dma_start3A_230 = tpu.memref_slice %arg7[%add3A_227] : memref<1000008xf32, #tpu.memory_space<vmem_shared>> -> memref<6144xf32, #tpu.memory_space<vmem_shared>>
      %dma_start3A_231 = arith.constant 0 : i32
      %dma_start3A_232 = tpu.memref_slice %arg21[%dma_start3A_231] : memref<12288xf32, #tpu.memory_space<vmem>> -> memref<6144xf32, #tpu.memory_space<vmem>>
      %dma_start3A_233 = tpu.memref_slice %arg7[%add3A_227] : memref<1000008xf32, #tpu.memory_space<vmem_shared>> -> memref<6144xf32, #tpu.memory_space<vmem_shared>>
      tpu.enqueue_dma source(%dma_start3A_233 : memref<6144xf32, #tpu.memory_space<vmem_shared>>) target(%dma_start3A_232 : memref<6144xf32, #tpu.memory_space<vmem>>) target_semaphore(%arg24 : memref<!tpu.dma_semaphore, #tpu.memory_space<semaphore_mem>>)
      %add3A_234 = arith.addi %mul3A_95, %multiple_of3A : i32
      %add3A_235 = arith.constant 6144 : i32
      %add3A_236 = arith.addi %add3A_234, %add3A_235 : i32
      %dma_start3A_237 = arith.constant 6144 : i32
      %dma_start3A_238 = tpu.memref_slice %arg21[%dma_start3A_237] : memref<12288xf32, #tpu.memory_space<vmem>> -> memref<6144xf32, #tpu.memory_space<vmem>>
      %dma_start3A_239 = tpu.memref_slice %arg5[%add3A_236] : memref<100000000xf32, #tpu.memory_space<hbm>> -> memref<6144xf32, #tpu.memory_space<hbm>>
      %dma_start3A_240 = tpu.memref_slice %arg5[%add3A_236] : memref<100000000xf32, #tpu.memory_space<hbm>> -> memref<6144xf32, #tpu.memory_space<hbm>>
      %dma_start3A_241 = arith.constant 6144 : i32
      %dma_start3A_242 = tpu.memref_slice %arg21[%dma_start3A_241] : memref<12288xf32, #tpu.memory_space<vmem>> -> memref<6144xf32, #tpu.memory_space<vmem>>
      tpu.enqueue_dma source(%dma_start3A_242 : memref<6144xf32, #tpu.memory_space<vmem>>) target(%dma_start3A_240 : memref<6144xf32, #tpu.memory_space<hbm>>) target_semaphore(%arg22 : memref<!tpu.dma_semaphore, #tpu.memory_space<semaphore_mem>>)
      %add3A_243 = arith.addi %mul3A_95, %multiple_of3A : i32
      %add3A_244 = arith.constant 6144 : i32
      %add3A_245 = arith.addi %add3A_243, %add3A_244 : i32
      %dma_start3A_246 = arith.constant 6144 : i32
      %dma_start3A_247 = tpu.memref_slice %arg21[%dma_start3A_246] : memref<12288xf32, #tpu.memory_space<vmem>> -> memref<6144xf32, #tpu.memory_space<vmem>>
      %dma_start3A_248 = tpu.memref_slice %arg6[%add3A_245] : memref<100000000xf32, #tpu.memory_space<hbm>> -> memref<6144xf32, #tpu.memory_space<hbm>>
      %dma_start3A_249 = tpu.memref_slice %arg6[%add3A_245] : memref<100000000xf32, #tpu.memory_space<hbm>> -> memref<6144xf32, #tpu.memory_space<hbm>>
      %dma_start3A_250 = arith.constant 6144 : i32
      %dma_start3A_251 = tpu.memref_slice %arg21[%dma_start3A_250] : memref<12288xf32, #tpu.memory_space<vmem>> -> memref<6144xf32, #tpu.memory_space<vmem>>
      tpu.enqueue_dma source(%dma_start3A_251 : memref<6144xf32, #tpu.memory_space<vmem>>) target(%dma_start3A_249 : memref<6144xf32, #tpu.memory_space<hbm>>) target_semaphore(%arg23 : memref<!tpu.dma_semaphore, #tpu.memory_space<semaphore_mem>>)
      %dma_wait3A_252 = arith.constant 0 : i32
      %dma_wait3A_253 = tpu.memref_slice %arg21[%dma_wait3A_252] : memref<12288xf32, #tpu.memory_space<vmem>> -> memref<6144xf32, #tpu.memory_space<vmem>>
      %dma_wait3A_254 = tpu.memref_slice %arg7[%add3A_227] : memref<1000008xf32, #tpu.memory_space<vmem_shared>> -> memref<6144xf32, #tpu.memory_space<vmem_shared>>
      %dma_wait3A_255 = arith.constant 0 : i32
      %dma_wait3A_256 = tpu.memref_slice %arg21[%dma_wait3A_255] : memref<12288xf32, #tpu.memory_space<vmem>> -> memref<6144xf32, #tpu.memory_space<vmem>>
      %dma_wait3A_257 = tpu.memref_slice %arg7[%add3A_227] : memref<1000008xf32, #tpu.memory_space<vmem_shared>> -> memref<6144xf32, #tpu.memory_space<vmem_shared>>
      tpu.wait_dma2 semaphore(%arg24 : memref<!tpu.dma_semaphore, #tpu.memory_space<semaphore_mem>>) src(%dma_wait3A_257 : memref<6144xf32, #tpu.memory_space<vmem_shared>>) dst(%dma_wait3A_256 : memref<6144xf32, #tpu.memory_space<vmem>>)
      %dma_wait3A_258 = arith.constant 6144 : i32
      %dma_wait3A_259 = tpu.memref_slice %arg21[%dma_wait3A_258] : memref<12288xf32, #tpu.memory_space<vmem>> -> memref<6144xf32, #tpu.memory_space<vmem>>
      %dma_wait3A_260 = tpu.memref_slice %arg5[%add3A_236] : memref<100000000xf32, #tpu.memory_space<hbm>> -> memref<6144xf32, #tpu.memory_space<hbm>>
      %dma_wait3A_261 = tpu.memref_slice %arg5[%add3A_236] : memref<100000000xf32, #tpu.memory_space<hbm>> -> memref<6144xf32, #tpu.memory_space<hbm>>
      %dma_wait3A_262 = arith.constant 6144 : i32
      %dma_wait3A_263 = tpu.memref_slice %arg21[%dma_wait3A_262] : memref<12288xf32, #tpu.memory_space<vmem>> -> memref<6144xf32, #tpu.memory_space<vmem>>
      tpu.wait_dma2 semaphore(%arg22 : memref<!tpu.dma_semaphore, #tpu.memory_space<semaphore_mem>>) src(%dma_wait3A_263 : memref<6144xf32, #tpu.memory_space<vmem>>) dst(%dma_wait3A_261 : memref<6144xf32, #tpu.memory_space<hbm>>)
      %dma_wait3A_264 = arith.constant 6144 : i32
      %dma_wait3A_265 = tpu.memref_slice %arg21[%dma_wait3A_264] : memref<12288xf32, #tpu.memory_space<vmem>> -> memref<6144xf32, #tpu.memory_space<vmem>>
      %dma_wait3A_266 = tpu.memref_slice %arg6[%add3A_245] : memref<100000000xf32, #tpu.memory_space<hbm>> -> memref<6144xf32, #tpu.memory_space<hbm>>
      %dma_wait3A_267 = tpu.memref_slice %arg6[%add3A_245] : memref<100000000xf32, #tpu.memory_space<hbm>> -> memref<6144xf32, #tpu.memory_space<hbm>>
      %dma_wait3A_268 = arith.constant 6144 : i32
      %dma_wait3A_269 = tpu.memref_slice %arg21[%dma_wait3A_268] : memref<12288xf32, #tpu.memory_space<vmem>> -> memref<6144xf32, #tpu.memory_space<vmem>>
      tpu.wait_dma2 semaphore(%arg23 : memref<!tpu.dma_semaphore, #tpu.memory_space<semaphore_mem>>) src(%dma_wait3A_269 : memref<6144xf32, #tpu.memory_space<vmem>>) dst(%dma_wait3A_267 : memref<6144xf32, #tpu.memory_space<hbm>>)
      %add3A_270 = arith.constant 18432 : i32
      %add3A_271 = arith.addi %multiple_of3A, %add3A_270 : i32
      %dma_start3A_272 = arith.constant 6144 : i32
      %dma_start3A_273 = tpu.memref_slice %arg21[%dma_start3A_272] : memref<12288xf32, #tpu.memory_space<vmem>> -> memref<6144xf32, #tpu.memory_space<vmem>>
      %dma_start3A_274 = tpu.memref_slice %arg7[%add3A_271] : memref<1000008xf32, #tpu.memory_space<vmem_shared>> -> memref<6144xf32, #tpu.memory_space<vmem_shared>>
      %dma_start3A_275 = arith.constant 6144 : i32
      %dma_start3A_276 = tpu.memref_slice %arg21[%dma_start3A_275] : memref<12288xf32, #tpu.memory_space<vmem>> -> memref<6144xf32, #tpu.memory_space<vmem>>
      %dma_start3A_277 = tpu.memref_slice %arg7[%add3A_271] : memref<1000008xf32, #tpu.memory_space<vmem_shared>> -> memref<6144xf32, #tpu.memory_space<vmem_shared>>
      tpu.enqueue_dma source(%dma_start3A_277 : memref<6144xf32, #tpu.memory_space<vmem_shared>>) target(%dma_start3A_276 : memref<6144xf32, #tpu.memory_space<vmem>>) target_semaphore(%arg25 : memref<!tpu.dma_semaphore, #tpu.memory_space<semaphore_mem>>)
      %add3A_278 = arith.addi %mul3A_95, %multiple_of3A : i32
      %add3A_279 = arith.constant 12288 : i32
      %add3A_280 = arith.addi %add3A_278, %add3A_279 : i32
      %dma_start3A_281 = arith.constant 0 : i32
      %dma_start3A_282 = tpu.memref_slice %arg21[%dma_start3A_281] : memref<12288xf32, #tpu.memory_space<vmem>> -> memref<6144xf32, #tpu.memory_space<vmem>>
      %dma_start3A_283 = tpu.memref_slice %arg5[%add3A_280] : memref<100000000xf32, #tpu.memory_space<hbm>> -> memref<6144xf32, #tpu.memory_space<hbm>>
      %dma_start3A_284 = tpu.memref_slice %arg5[%add3A_280] : memref<100000000xf32, #tpu.memory_space<hbm>> -> memref<6144xf32, #tpu.memory_space<hbm>>
      %dma_start3A_285 = arith.constant 0 : i32
      %dma_start3A_286 = tpu.memref_slice %arg21[%dma_start3A_285] : memref<12288xf32, #tpu.memory_space<vmem>> -> memref<6144xf32, #tpu.memory_space<vmem>>
      tpu.enqueue_dma source(%dma_start3A_286 : memref<6144xf32, #tpu.memory_space<vmem>>) target(%dma_start3A_284 : memref<6144xf32, #tpu.memory_space<hbm>>) target_semaphore(%arg22 : memref<!tpu.dma_semaphore, #tpu.memory_space<semaphore_mem>>)
      %add3A_287 = arith.addi %mul3A_95, %multiple_of3A : i32
      %add3A_288 = arith.constant 12288 : i32
      %add3A_289 = arith.addi %add3A_287, %add3A_288 : i32
      %dma_start3A_290 = arith.constant 0 : i32
      %dma_start3A_291 = tpu.memref_slice %arg21[%dma_start3A_290] : memref<12288xf32, #tpu.memory_space<vmem>> -> memref<6144xf32, #tpu.memory_space<vmem>>
      %dma_start3A_292 = tpu.memref_slice %arg6[%add3A_289] : memref<100000000xf32, #tpu.memory_space<hbm>> -> memref<6144xf32, #tpu.memory_space<hbm>>
      %dma_start3A_293 = tpu.memref_slice %arg6[%add3A_289] : memref<100000000xf32, #tpu.memory_space<hbm>> -> memref<6144xf32, #tpu.memory_space<hbm>>
      %dma_start3A_294 = arith.constant 0 : i32
      %dma_start3A_295 = tpu.memref_slice %arg21[%dma_start3A_294] : memref<12288xf32, #tpu.memory_space<vmem>> -> memref<6144xf32, #tpu.memory_space<vmem>>
      tpu.enqueue_dma source(%dma_start3A_295 : memref<6144xf32, #tpu.memory_space<vmem>>) target(%dma_start3A_293 : memref<6144xf32, #tpu.memory_space<hbm>>) target_semaphore(%arg23 : memref<!tpu.dma_semaphore, #tpu.memory_space<semaphore_mem>>)
      %dma_wait3A_296 = arith.constant 6144 : i32
      %dma_wait3A_297 = tpu.memref_slice %arg21[%dma_wait3A_296] : memref<12288xf32, #tpu.memory_space<vmem>> -> memref<6144xf32, #tpu.memory_space<vmem>>
      %dma_wait3A_298 = tpu.memref_slice %arg7[%add3A_271] : memref<1000008xf32, #tpu.memory_space<vmem_shared>> -> memref<6144xf32, #tpu.memory_space<vmem_shared>>
      %dma_wait3A_299 = arith.constant 6144 : i32
      %dma_wait3A_300 = tpu.memref_slice %arg21[%dma_wait3A_299] : memref<12288xf32, #tpu.memory_space<vmem>> -> memref<6144xf32, #tpu.memory_space<vmem>>
      %dma_wait3A_301 = tpu.memref_slice %arg7[%add3A_271] : memref<1000008xf32, #tpu.memory_space<vmem_shared>> -> memref<6144xf32, #tpu.memory_space<vmem_shared>>
      tpu.wait_dma2 semaphore(%arg25 : memref<!tpu.dma_semaphore, #tpu.memory_space<semaphore_mem>>) src(%dma_wait3A_301 : memref<6144xf32, #tpu.memory_space<vmem_shared>>) dst(%dma_wait3A_300 : memref<6144xf32, #tpu.memory_space<vmem>>)
      %dma_wait3A_302 = arith.constant 0 : i32
      %dma_wait3A_303 = tpu.memref_slice %arg21[%dma_wait3A_302] : memref<12288xf32, #tpu.memory_space<vmem>> -> memref<6144xf32, #tpu.memory_space<vmem>>
      %dma_wait3A_304 = tpu.memref_slice %arg5[%add3A_280] : memref<100000000xf32, #tpu.memory_space<hbm>> -> memref<6144xf32, #tpu.memory_space<hbm>>
      %dma_wait3A_305 = tpu.memref_slice %arg5[%add3A_280] : memref<100000000xf32, #tpu.memory_space<hbm>> -> memref<6144xf32, #tpu.memory_space<hbm>>
      %dma_wait3A_306 = arith.constant 0 : i32
      %dma_wait3A_307 = tpu.memref_slice %arg21[%dma_wait3A_306] : memref<12288xf32, #tpu.memory_space<vmem>> -> memref<6144xf32, #tpu.memory_space<vmem>>
      tpu.wait_dma2 semaphore(%arg22 : memref<!tpu.dma_semaphore, #tpu.memory_space<semaphore_mem>>) src(%dma_wait3A_307 : memref<6144xf32, #tpu.memory_space<vmem>>) dst(%dma_wait3A_305 : memref<6144xf32, #tpu.memory_space<hbm>>)
      %dma_wait3A_308 = arith.constant 0 : i32
      %dma_wait3A_309 = tpu.memref_slice %arg21[%dma_wait3A_308] : memref<12288xf32, #tpu.memory_space<vmem>> -> memref<6144xf32, #tpu.memory_space<vmem>>
      %dma_wait3A_310 = tpu.memref_slice %arg6[%add3A_289] : memref<100000000xf32, #tpu.memory_space<hbm>> -> memref<6144xf32, #tpu.memory_space<hbm>>
      %dma_wait3A_311 = tpu.memref_slice %arg6[%add3A_289] : memref<100000000xf32, #tpu.memory_space<hbm>> -> memref<6144xf32, #tpu.memory_space<hbm>>
      %dma_wait3A_312 = arith.constant 0 : i32
      %dma_wait3A_313 = tpu.memref_slice %arg21[%dma_wait3A_312] : memref<12288xf32, #tpu.memory_space<vmem>> -> memref<6144xf32, #tpu.memory_space<vmem>>
      tpu.wait_dma2 semaphore(%arg23 : memref<!tpu.dma_semaphore, #tpu.memory_space<semaphore_mem>>) src(%dma_wait3A_313 : memref<6144xf32, #tpu.memory_space<vmem>>) dst(%dma_wait3A_311 : memref<6144xf32, #tpu.memory_space<hbm>>)
      %add3A_314 = arith.constant 24576 : i32
      %add3A_315 = arith.addi %multiple_of3A, %add3A_314 : i32
      %dma_start3A_316 = arith.constant 0 : i32
      %dma_start3A_317 = tpu.memref_slice %arg21[%dma_start3A_316] : memref<12288xf32, #tpu.memory_space<vmem>> -> memref<6144xf32, #tpu.memory_space<vmem>>
      %dma_start3A_318 = tpu.memref_slice %arg7[%add3A_315] : memref<1000008xf32, #tpu.memory_space<vmem_shared>> -> memref<6144xf32, #tpu.memory_space<vmem_shared>>
      %dma_start3A_319 = arith.constant 0 : i32
      %dma_start3A_320 = tpu.memref_slice %arg21[%dma_start3A_319] : memref<12288xf32, #tpu.memory_space<vmem>> -> memref<6144xf32, #tpu.memory_space<vmem>>
      %dma_start3A_321 = tpu.memref_slice %arg7[%add3A_315] : memref<1000008xf32, #tpu.memory_space<vmem_shared>> -> memref<6144xf32, #tpu.memory_space<vmem_shared>>
      tpu.enqueue_dma source(%dma_start3A_321 : memref<6144xf32, #tpu.memory_space<vmem_shared>>) target(%dma_start3A_320 : memref<6144xf32, #tpu.memory_space<vmem>>) target_semaphore(%arg24 : memref<!tpu.dma_semaphore, #tpu.memory_space<semaphore_mem>>)
      %add3A_322 = arith.addi %mul3A_95, %multiple_of3A : i32
      %add3A_323 = arith.constant 18432 : i32
      %add3A_324 = arith.addi %add3A_322, %add3A_323 : i32
      %dma_start3A_325 = arith.constant 6144 : i32
      %dma_start3A_326 = tpu.memref_slice %arg21[%dma_start3A_325] : memref<12288xf32, #tpu.memory_space<vmem>> -> memref<6144xf32, #tpu.memory_space<vmem>>
      %dma_start3A_327 = tpu.memref_slice %arg5[%add3A_324] : memref<100000000xf32, #tpu.memory_space<hbm>> -> memref<6144xf32, #tpu.memory_space<hbm>>
      %dma_start3A_328 = tpu.memref_slice %arg5[%add3A_324] : memref<100000000xf32, #tpu.memory_space<hbm>> -> memref<6144xf32, #tpu.memory_space<hbm>>
      %dma_start3A_329 = arith.constant 6144 : i32
      %dma_start3A_330 = tpu.memref_slice %arg21[%dma_start3A_329] : memref<12288xf32, #tpu.memory_space<vmem>> -> memref<6144xf32, #tpu.memory_space<vmem>>
      tpu.enqueue_dma source(%dma_start3A_330 : memref<6144xf32, #tpu.memory_space<vmem>>) target(%dma_start3A_328 : memref<6144xf32, #tpu.memory_space<hbm>>) target_semaphore(%arg22 : memref<!tpu.dma_semaphore, #tpu.memory_space<semaphore_mem>>)
      %add3A_331 = arith.addi %mul3A_95, %multiple_of3A : i32
      %add3A_332 = arith.constant 18432 : i32
      %add3A_333 = arith.addi %add3A_331, %add3A_332 : i32
      %dma_start3A_334 = arith.constant 6144 : i32
      %dma_start3A_335 = tpu.memref_slice %arg21[%dma_start3A_334] : memref<12288xf32, #tpu.memory_space<vmem>> -> memref<6144xf32, #tpu.memory_space<vmem>>
      %dma_start3A_336 = tpu.memref_slice %arg6[%add3A_333] : memref<100000000xf32, #tpu.memory_space<hbm>> -> memref<6144xf32, #tpu.memory_space<hbm>>
      %dma_start3A_337 = tpu.memref_slice %arg6[%add3A_333] : memref<100000000xf32, #tpu.memory_space<hbm>> -> memref<6144xf32, #tpu.memory_space<hbm>>
      %dma_start3A_338 = arith.constant 6144 : i32
      %dma_start3A_339 = tpu.memref_slice %arg21[%dma_start3A_338] : memref<12288xf32, #tpu.memory_space<vmem>> -> memref<6144xf32, #tpu.memory_space<vmem>>
      tpu.enqueue_dma source(%dma_start3A_339 : memref<6144xf32, #tpu.memory_space<vmem>>) target(%dma_start3A_337 : memref<6144xf32, #tpu.memory_space<hbm>>) target_semaphore(%arg23 : memref<!tpu.dma_semaphore, #tpu.memory_space<semaphore_mem>>)
      %dma_wait3A_340 = arith.constant 0 : i32
      %dma_wait3A_341 = tpu.memref_slice %arg21[%dma_wait3A_340] : memref<12288xf32, #tpu.memory_space<vmem>> -> memref<6144xf32, #tpu.memory_space<vmem>>
      %dma_wait3A_342 = tpu.memref_slice %arg7[%add3A_315] : memref<1000008xf32, #tpu.memory_space<vmem_shared>> -> memref<6144xf32, #tpu.memory_space<vmem_shared>>
      %dma_wait3A_343 = arith.constant 0 : i32
      %dma_wait3A_344 = tpu.memref_slice %arg21[%dma_wait3A_343] : memref<12288xf32, #tpu.memory_space<vmem>> -> memref<6144xf32, #tpu.memory_space<vmem>>
      %dma_wait3A_345 = tpu.memref_slice %arg7[%add3A_315] : memref<1000008xf32, #tpu.memory_space<vmem_shared>> -> memref<6144xf32, #tpu.memory_space<vmem_shared>>
      tpu.wait_dma2 semaphore(%arg24 : memref<!tpu.dma_semaphore, #tpu.memory_space<semaphore_mem>>) src(%dma_wait3A_345 : memref<6144xf32, #tpu.memory_space<vmem_shared>>) dst(%dma_wait3A_344 : memref<6144xf32, #tpu.memory_space<vmem>>)
      %dma_wait3A_346 = arith.constant 6144 : i32
      %dma_wait3A_347 = tpu.memref_slice %arg21[%dma_wait3A_346] : memref<12288xf32, #tpu.memory_space<vmem>> -> memref<6144xf32, #tpu.memory_space<vmem>>
      %dma_wait3A_348 = tpu.memref_slice %arg5[%add3A_324] : memref<100000000xf32, #tpu.memory_space<hbm>> -> memref<6144xf32, #tpu.memory_space<hbm>>
      %dma_wait3A_349 = tpu.memref_slice %arg5[%add3A_324] : memref<100000000xf32, #tpu.memory_space<hbm>> -> memref<6144xf32, #tpu.memory_space<hbm>>
      %dma_wait3A_350 = arith.constant 6144 : i32
      %dma_wait3A_351 = tpu.memref_slice %arg21[%dma_wait3A_350] : memref<12288xf32, #tpu.memory_space<vmem>> -> memref<6144xf32, #tpu.memory_space<vmem>>
      tpu.wait_dma2 semaphore(%arg22 : memref<!tpu.dma_semaphore, #tpu.memory_space<semaphore_mem>>) src(%dma_wait3A_351 : memref<6144xf32, #tpu.memory_space<vmem>>) dst(%dma_wait3A_349 : memref<6144xf32, #tpu.memory_space<hbm>>)
      %dma_wait3A_352 = arith.constant 6144 : i32
      %dma_wait3A_353 = tpu.memref_slice %arg21[%dma_wait3A_352] : memref<12288xf32, #tpu.memory_space<vmem>> -> memref<6144xf32, #tpu.memory_space<vmem>>
      %dma_wait3A_354 = tpu.memref_slice %arg6[%add3A_333] : memref<100000000xf32, #tpu.memory_space<hbm>> -> memref<6144xf32, #tpu.memory_space<hbm>>
      %dma_wait3A_355 = tpu.memref_slice %arg6[%add3A_333] : memref<100000000xf32, #tpu.memory_space<hbm>> -> memref<6144xf32, #tpu.memory_space<hbm>>
      %dma_wait3A_356 = arith.constant 6144 : i32
      %dma_wait3A_357 = tpu.memref_slice %arg21[%dma_wait3A_356] : memref<12288xf32, #tpu.memory_space<vmem>> -> memref<6144xf32, #tpu.memory_space<vmem>>
      tpu.wait_dma2 semaphore(%arg23 : memref<!tpu.dma_semaphore, #tpu.memory_space<semaphore_mem>>) src(%dma_wait3A_357 : memref<6144xf32, #tpu.memory_space<vmem>>) dst(%dma_wait3A_355 : memref<6144xf32, #tpu.memory_space<hbm>>)
      %add3A_358 = arith.constant 30720 : i32
      %add3A_359 = arith.addi %multiple_of3A, %add3A_358 : i32
      %dma_start3A_360 = arith.constant 6144 : i32
      %dma_start3A_361 = tpu.memref_slice %arg21[%dma_start3A_360] : memref<12288xf32, #tpu.memory_space<vmem>> -> memref<6144xf32, #tpu.memory_space<vmem>>
      %dma_start3A_362 = tpu.memref_slice %arg7[%add3A_359] : memref<1000008xf32, #tpu.memory_space<vmem_shared>> -> memref<6144xf32, #tpu.memory_space<vmem_shared>>
      %dma_start3A_363 = arith.constant 6144 : i32
      %dma_start3A_364 = tpu.memref_slice %arg21[%dma_start3A_363] : memref<12288xf32, #tpu.memory_space<vmem>> -> memref<6144xf32, #tpu.memory_space<vmem>>
      %dma_start3A_365 = tpu.memref_slice %arg7[%add3A_359] : memref<1000008xf32, #tpu.memory_space<vmem_shared>> -> memref<6144xf32, #tpu.memory_space<vmem_shared>>
      tpu.enqueue_dma source(%dma_start3A_365 : memref<6144xf32, #tpu.memory_space<vmem_shared>>) target(%dma_start3A_364 : memref<6144xf32, #tpu.memory_space<vmem>>) target_semaphore(%arg25 : memref<!tpu.dma_semaphore, #tpu.memory_space<semaphore_mem>>)
      %add3A_366 = arith.addi %mul3A_95, %multiple_of3A : i32
      %add3A_367 = arith.constant 24576 : i32
      %add3A_368 = arith.addi %add3A_366, %add3A_367 : i32
      %dma_start3A_369 = arith.constant 0 : i32
      %dma_start3A_370 = tpu.memref_slice %arg21[%dma_start3A_369] : memref<12288xf32, #tpu.memory_space<vmem>> -> memref<6144xf32, #tpu.memory_space<vmem>>
      %dma_start3A_371 = tpu.memref_slice %arg5[%add3A_368] : memref<100000000xf32, #tpu.memory_space<hbm>> -> memref<6144xf32, #tpu.memory_space<hbm>>
      %dma_start3A_372 = tpu.memref_slice %arg5[%add3A_368] : memref<100000000xf32, #tpu.memory_space<hbm>> -> memref<6144xf32, #tpu.memory_space<hbm>>
      %dma_start3A_373 = arith.constant 0 : i32
      %dma_start3A_374 = tpu.memref_slice %arg21[%dma_start3A_373] : memref<12288xf32, #tpu.memory_space<vmem>> -> memref<6144xf32, #tpu.memory_space<vmem>>
      tpu.enqueue_dma source(%dma_start3A_374 : memref<6144xf32, #tpu.memory_space<vmem>>) target(%dma_start3A_372 : memref<6144xf32, #tpu.memory_space<hbm>>) target_semaphore(%arg22 : memref<!tpu.dma_semaphore, #tpu.memory_space<semaphore_mem>>)
      %add3A_375 = arith.addi %mul3A_95, %multiple_of3A : i32
      %add3A_376 = arith.constant 24576 : i32
      %add3A_377 = arith.addi %add3A_375, %add3A_376 : i32
      %dma_start3A_378 = arith.constant 0 : i32
      %dma_start3A_379 = tpu.memref_slice %arg21[%dma_start3A_378] : memref<12288xf32, #tpu.memory_space<vmem>> -> memref<6144xf32, #tpu.memory_space<vmem>>
      %dma_start3A_380 = tpu.memref_slice %arg6[%add3A_377] : memref<100000000xf32, #tpu.memory_space<hbm>> -> memref<6144xf32, #tpu.memory_space<hbm>>
      %dma_start3A_381 = tpu.memref_slice %arg6[%add3A_377] : memref<100000000xf32, #tpu.memory_space<hbm>> -> memref<6144xf32, #tpu.memory_space<hbm>>
      %dma_start3A_382 = arith.constant 0 : i32
      %dma_start3A_383 = tpu.memref_slice %arg21[%dma_start3A_382] : memref<12288xf32, #tpu.memory_space<vmem>> -> memref<6144xf32, #tpu.memory_space<vmem>>
      tpu.enqueue_dma source(%dma_start3A_383 : memref<6144xf32, #tpu.memory_space<vmem>>) target(%dma_start3A_381 : memref<6144xf32, #tpu.memory_space<hbm>>) target_semaphore(%arg23 : memref<!tpu.dma_semaphore, #tpu.memory_space<semaphore_mem>>)
      %dma_wait3A_384 = arith.constant 6144 : i32
      %dma_wait3A_385 = tpu.memref_slice %arg21[%dma_wait3A_384] : memref<12288xf32, #tpu.memory_space<vmem>> -> memref<6144xf32, #tpu.memory_space<vmem>>
      %dma_wait3A_386 = tpu.memref_slice %arg7[%add3A_359] : memref<1000008xf32, #tpu.memory_space<vmem_shared>> -> memref<6144xf32, #tpu.memory_space<vmem_shared>>
      %dma_wait3A_387 = arith.constant 6144 : i32
      %dma_wait3A_388 = tpu.memref_slice %arg21[%dma_wait3A_387] : memref<12288xf32, #tpu.memory_space<vmem>> -> memref<6144xf32, #tpu.memory_space<vmem>>
      %dma_wait3A_389 = tpu.memref_slice %arg7[%add3A_359] : memref<1000008xf32, #tpu.memory_space<vmem_shared>> -> memref<6144xf32, #tpu.memory_space<vmem_shared>>
      tpu.wait_dma2 semaphore(%arg25 : memref<!tpu.dma_semaphore, #tpu.memory_space<semaphore_mem>>) src(%dma_wait3A_389 : memref<6144xf32, #tpu.memory_space<vmem_shared>>) dst(%dma_wait3A_388 : memref<6144xf32, #tpu.memory_space<vmem>>)
      %dma_wait3A_390 = arith.constant 0 : i32
      %dma_wait3A_391 = tpu.memref_slice %arg21[%dma_wait3A_390] : memref<12288xf32, #tpu.memory_space<vmem>> -> memref<6144xf32, #tpu.memory_space<vmem>>
      %dma_wait3A_392 = tpu.memref_slice %arg5[%add3A_368] : memref<100000000xf32, #tpu.memory_space<hbm>> -> memref<6144xf32, #tpu.memory_space<hbm>>
      %dma_wait3A_393 = tpu.memref_slice %arg5[%add3A_368] : memref<100000000xf32, #tpu.memory_space<hbm>> -> memref<6144xf32, #tpu.memory_space<hbm>>
      %dma_wait3A_394 = arith.constant 0 : i32
      %dma_wait3A_395 = tpu.memref_slice %arg21[%dma_wait3A_394] : memref<12288xf32, #tpu.memory_space<vmem>> -> memref<6144xf32, #tpu.memory_space<vmem>>
      tpu.wait_dma2 semaphore(%arg22 : memref<!tpu.dma_semaphore, #tpu.memory_space<semaphore_mem>>) src(%dma_wait3A_395 : memref<6144xf32, #tpu.memory_space<vmem>>) dst(%dma_wait3A_393 : memref<6144xf32, #tpu.memory_space<hbm>>)
      %dma_wait3A_396 = arith.constant 0 : i32
      %dma_wait3A_397 = tpu.memref_slice %arg21[%dma_wait3A_396] : memref<12288xf32, #tpu.memory_space<vmem>> -> memref<6144xf32, #tpu.memory_space<vmem>>
      %dma_wait3A_398 = tpu.memref_slice %arg6[%add3A_377] : memref<100000000xf32, #tpu.memory_space<hbm>> -> memref<6144xf32, #tpu.memory_space<hbm>>
      %dma_wait3A_399 = tpu.memref_slice %arg6[%add3A_377] : memref<100000000xf32, #tpu.memory_space<hbm>> -> memref<6144xf32, #tpu.memory_space<hbm>>
      %dma_wait3A_400 = arith.constant 0 : i32
      %dma_wait3A_401 = tpu.memref_slice %arg21[%dma_wait3A_400] : memref<12288xf32, #tpu.memory_space<vmem>> -> memref<6144xf32, #tpu.memory_space<vmem>>
      tpu.wait_dma2 semaphore(%arg23 : memref<!tpu.dma_semaphore, #tpu.memory_space<semaphore_mem>>) src(%dma_wait3A_401 : memref<6144xf32, #tpu.memory_space<vmem>>) dst(%dma_wait3A_399 : memref<6144xf32, #tpu.memory_space<hbm>>)
      %add3A_402 = arith.constant 36864 : i32
      %add3A_403 = arith.addi %multiple_of3A, %add3A_402 : i32
      %dma_start3A_404 = arith.constant 0 : i32
      %dma_start3A_405 = tpu.memref_slice %arg21[%dma_start3A_404] : memref<12288xf32, #tpu.memory_space<vmem>> -> memref<6144xf32, #tpu.memory_space<vmem>>
      %dma_start3A_406 = tpu.memref_slice %arg7[%add3A_403] : memref<1000008xf32, #tpu.memory_space<vmem_shared>> -> memref<6144xf32, #tpu.memory_space<vmem_shared>>
      %dma_start3A_407 = arith.constant 0 : i32
      %dma_start3A_408 = tpu.memref_slice %arg21[%dma_start3A_407] : memref<12288xf32, #tpu.memory_space<vmem>> -> memref<6144xf32, #tpu.memory_space<vmem>>
      %dma_start3A_409 = tpu.memref_slice %arg7[%add3A_403] : memref<1000008xf32, #tpu.memory_space<vmem_shared>> -> memref<6144xf32, #tpu.memory_space<vmem_shared>>
      tpu.enqueue_dma source(%dma_start3A_409 : memref<6144xf32, #tpu.memory_space<vmem_shared>>) target(%dma_start3A_408 : memref<6144xf32, #tpu.memory_space<vmem>>) target_semaphore(%arg24 : memref<!tpu.dma_semaphore, #tpu.memory_space<semaphore_mem>>)
      %add3A_410 = arith.addi %mul3A_95, %multiple_of3A : i32
      %add3A_411 = arith.constant 30720 : i32
      %add3A_412 = arith.addi %add3A_410, %add3A_411 : i32
      %dma_start3A_413 = arith.constant 6144 : i32
      %dma_start3A_414 = tpu.memref_slice %arg21[%dma_start3A_413] : memref<12288xf32, #tpu.memory_space<vmem>> -> memref<6144xf32, #tpu.memory_space<vmem>>
      %dma_start3A_415 = tpu.memref_slice %arg5[%add3A_412] : memref<100000000xf32, #tpu.memory_space<hbm>> -> memref<6144xf32, #tpu.memory_space<hbm>>
      %dma_start3A_416 = tpu.memref_slice %arg5[%add3A_412] : memref<100000000xf32, #tpu.memory_space<hbm>> -> memref<6144xf32, #tpu.memory_space<hbm>>
      %dma_start3A_417 = arith.constant 6144 : i32
      %dma_start3A_418 = tpu.memref_slice %arg21[%dma_start3A_417] : memref<12288xf32, #tpu.memory_space<vmem>> -> memref<6144xf32, #tpu.memory_space<vmem>>
      tpu.enqueue_dma source(%dma_start3A_418 : memref<6144xf32, #tpu.memory_space<vmem>>) target(%dma_start3A_416 : memref<6144xf32, #tpu.memory_space<hbm>>) target_semaphore(%arg22 : memref<!tpu.dma_semaphore, #tpu.memory_space<semaphore_mem>>)
      %add3A_419 = arith.addi %mul3A_95, %multiple_of3A : i32
      %add3A_420 = arith.constant 30720 : i32
      %add3A_421 = arith.addi %add3A_419, %add3A_420 : i32
      %dma_start3A_422 = arith.constant 6144 : i32
      %dma_start3A_423 = tpu.memref_slice %arg21[%dma_start3A_422] : memref<12288xf32, #tpu.memory_space<vmem>> -> memref<6144xf32, #tpu.memory_space<vmem>>
      %dma_start3A_424 = tpu.memref_slice %arg6[%add3A_421] : memref<100000000xf32, #tpu.memory_space<hbm>> -> memref<6144xf32, #tpu.memory_space<hbm>>
      %dma_start3A_425 = tpu.memref_slice %arg6[%add3A_421] : memref<100000000xf32, #tpu.memory_space<hbm>> -> memref<6144xf32, #tpu.memory_space<hbm>>
      %dma_start3A_426 = arith.constant 6144 : i32
      %dma_start3A_427 = tpu.memref_slice %arg21[%dma_start3A_426] : memref<12288xf32, #tpu.memory_space<vmem>> -> memref<6144xf32, #tpu.memory_space<vmem>>
      tpu.enqueue_dma source(%dma_start3A_427 : memref<6144xf32, #tpu.memory_space<vmem>>) target(%dma_start3A_425 : memref<6144xf32, #tpu.memory_space<hbm>>) target_semaphore(%arg23 : memref<!tpu.dma_semaphore, #tpu.memory_space<semaphore_mem>>)
      %dma_wait3A_428 = arith.constant 0 : i32
      %dma_wait3A_429 = tpu.memref_slice %arg21[%dma_wait3A_428] : memref<12288xf32, #tpu.memory_space<vmem>> -> memref<6144xf32, #tpu.memory_space<vmem>>
      %dma_wait3A_430 = tpu.memref_slice %arg7[%add3A_403] : memref<1000008xf32, #tpu.memory_space<vmem_shared>> -> memref<6144xf32, #tpu.memory_space<vmem_shared>>
      %dma_wait3A_431 = arith.constant 0 : i32
      %dma_wait3A_432 = tpu.memref_slice %arg21[%dma_wait3A_431] : memref<12288xf32, #tpu.memory_space<vmem>> -> memref<6144xf32, #tpu.memory_space<vmem>>
      %dma_wait3A_433 = tpu.memref_slice %arg7[%add3A_403] : memref<1000008xf32, #tpu.memory_space<vmem_shared>> -> memref<6144xf32, #tpu.memory_space<vmem_shared>>
      tpu.wait_dma2 semaphore(%arg24 : memref<!tpu.dma_semaphore, #tpu.memory_space<semaphore_mem>>) src(%dma_wait3A_433 : memref<6144xf32, #tpu.memory_space<vmem_shared>>) dst(%dma_wait3A_432 : memref<6144xf32, #tpu.memory_space<vmem>>)
      %dma_wait3A_434 = arith.constant 6144 : i32
      %dma_wait3A_435 = tpu.memref_slice %arg21[%dma_wait3A_434] : memref<12288xf32, #tpu.memory_space<vmem>> -> memref<6144xf32, #tpu.memory_space<vmem>>
      %dma_wait3A_436 = tpu.memref_slice %arg5[%add3A_412] : memref<100000000xf32, #tpu.memory_space<hbm>> -> memref<6144xf32, #tpu.memory_space<hbm>>
      %dma_wait3A_437 = tpu.memref_slice %arg5[%add3A_412] : memref<100000000xf32, #tpu.memory_space<hbm>> -> memref<6144xf32, #tpu.memory_space<hbm>>
      %dma_wait3A_438 = arith.constant 6144 : i32
      %dma_wait3A_439 = tpu.memref_slice %arg21[%dma_wait3A_438] : memref<12288xf32, #tpu.memory_space<vmem>> -> memref<6144xf32, #tpu.memory_space<vmem>>
      tpu.wait_dma2 semaphore(%arg22 : memref<!tpu.dma_semaphore, #tpu.memory_space<semaphore_mem>>) src(%dma_wait3A_439 : memref<6144xf32, #tpu.memory_space<vmem>>) dst(%dma_wait3A_437 : memref<6144xf32, #tpu.memory_space<hbm>>)
      %dma_wait3A_440 = arith.constant 6144 : i32
      %dma_wait3A_441 = tpu.memref_slice %arg21[%dma_wait3A_440] : memref<12288xf32, #tpu.memory_space<vmem>> -> memref<6144xf32, #tpu.memory_space<vmem>>
      %dma_wait3A_442 = tpu.memref_slice %arg6[%add3A_421] : memref<100000000xf32, #tpu.memory_space<hbm>> -> memref<6144xf32, #tpu.memory_space<hbm>>
      %dma_wait3A_443 = tpu.memref_slice %arg6[%add3A_421] : memref<100000000xf32, #tpu.memory_space<hbm>> -> memref<6144xf32, #tpu.memory_space<hbm>>
      %dma_wait3A_444 = arith.constant 6144 : i32
      %dma_wait3A_445 = tpu.memref_slice %arg21[%dma_wait3A_444] : memref<12288xf32, #tpu.memory_space<vmem>> -> memref<6144xf32, #tpu.memory_space<vmem>>
      tpu.wait_dma2 semaphore(%arg23 : memref<!tpu.dma_semaphore, #tpu.memory_space<semaphore_mem>>) src(%dma_wait3A_445 : memref<6144xf32, #tpu.memory_space<vmem>>) dst(%dma_wait3A_443 : memref<6144xf32, #tpu.memory_space<hbm>>)
      %add3A_446 = arith.constant 43008 : i32
      %add3A_447 = arith.addi %multiple_of3A, %add3A_446 : i32
      %dma_start3A_448 = arith.constant 6144 : i32
      %dma_start3A_449 = tpu.memref_slice %arg21[%dma_start3A_448] : memref<12288xf32, #tpu.memory_space<vmem>> -> memref<6144xf32, #tpu.memory_space<vmem>>
      %dma_start3A_450 = tpu.memref_slice %arg7[%add3A_447] : memref<1000008xf32, #tpu.memory_space<vmem_shared>> -> memref<6144xf32, #tpu.memory_space<vmem_shared>>
      %dma_start3A_451 = arith.constant 6144 : i32
      %dma_start3A_452 = tpu.memref_slice %arg21[%dma_start3A_451] : memref<12288xf32, #tpu.memory_space<vmem>> -> memref<6144xf32, #tpu.memory_space<vmem>>
      %dma_start3A_453 = tpu.memref_slice %arg7[%add3A_447] : memref<1000008xf32, #tpu.memory_space<vmem_shared>> -> memref<6144xf32, #tpu.memory_space<vmem_shared>>
      tpu.enqueue_dma source(%dma_start3A_453 : memref<6144xf32, #tpu.memory_space<vmem_shared>>) target(%dma_start3A_452 : memref<6144xf32, #tpu.memory_space<vmem>>) target_semaphore(%arg25 : memref<!tpu.dma_semaphore, #tpu.memory_space<semaphore_mem>>)
      %add3A_454 = arith.addi %mul3A_95, %multiple_of3A : i32
      %add3A_455 = arith.constant 36864 : i32
      %add3A_456 = arith.addi %add3A_454, %add3A_455 : i32
      %dma_start3A_457 = arith.constant 0 : i32
      %dma_start3A_458 = tpu.memref_slice %arg21[%dma_start3A_457] : memref<12288xf32, #tpu.memory_space<vmem>> -> memref<6144xf32, #tpu.memory_space<vmem>>
      %dma_start3A_459 = tpu.memref_slice %arg5[%add3A_456] : memref<100000000xf32, #tpu.memory_space<hbm>> -> memref<6144xf32, #tpu.memory_space<hbm>>
      %dma_start3A_460 = tpu.memref_slice %arg5[%add3A_456] : memref<100000000xf32, #tpu.memory_space<hbm>> -> memref<6144xf32, #tpu.memory_space<hbm>>
      %dma_start3A_461 = arith.constant 0 : i32
      %dma_start3A_462 = tpu.memref_slice %arg21[%dma_start3A_461] : memref<12288xf32, #tpu.memory_space<vmem>> -> memref<6144xf32, #tpu.memory_space<vmem>>
      tpu.enqueue_dma source(%dma_start3A_462 : memref<6144xf32, #tpu.memory_space<vmem>>) target(%dma_start3A_460 : memref<6144xf32, #tpu.memory_space<hbm>>) target_semaphore(%arg22 : memref<!tpu.dma_semaphore, #tpu.memory_space<semaphore_mem>>)
      %add3A_463 = arith.addi %mul3A_95, %multiple_of3A : i32
      %add3A_464 = arith.constant 36864 : i32
      %add3A_465 = arith.addi %add3A_463, %add3A_464 : i32
      %dma_start3A_466 = arith.constant 0 : i32
      %dma_start3A_467 = tpu.memref_slice %arg21[%dma_start3A_466] : memref<12288xf32, #tpu.memory_space<vmem>> -> memref<6144xf32, #tpu.memory_space<vmem>>
      %dma_start3A_468 = tpu.memref_slice %arg6[%add3A_465] : memref<100000000xf32, #tpu.memory_space<hbm>> -> memref<6144xf32, #tpu.memory_space<hbm>>
      %dma_start3A_469 = tpu.memref_slice %arg6[%add3A_465] : memref<100000000xf32, #tpu.memory_space<hbm>> -> memref<6144xf32, #tpu.memory_space<hbm>>
      %dma_start3A_470 = arith.constant 0 : i32
      %dma_start3A_471 = tpu.memref_slice %arg21[%dma_start3A_470] : memref<12288xf32, #tpu.memory_space<vmem>> -> memref<6144xf32, #tpu.memory_space<vmem>>
      tpu.enqueue_dma source(%dma_start3A_471 : memref<6144xf32, #tpu.memory_space<vmem>>) target(%dma_start3A_469 : memref<6144xf32, #tpu.memory_space<hbm>>) target_semaphore(%arg23 : memref<!tpu.dma_semaphore, #tpu.memory_space<semaphore_mem>>)
      %dma_wait3A_472 = arith.constant 6144 : i32
      %dma_wait3A_473 = tpu.memref_slice %arg21[%dma_wait3A_472] : memref<12288xf32, #tpu.memory_space<vmem>> -> memref<6144xf32, #tpu.memory_space<vmem>>
      %dma_wait3A_474 = tpu.memref_slice %arg7[%add3A_447] : memref<1000008xf32, #tpu.memory_space<vmem_shared>> -> memref<6144xf32, #tpu.memory_space<vmem_shared>>
      %dma_wait3A_475 = arith.constant 6144 : i32
      %dma_wait3A_476 = tpu.memref_slice %arg21[%dma_wait3A_475] : memref<12288xf32, #tpu.memory_space<vmem>> -> memref<6144xf32, #tpu.memory_space<vmem>>
      %dma_wait3A_477 = tpu.memref_slice %arg7[%add3A_447] : memref<1000008xf32, #tpu.memory_space<vmem_shared>> -> memref<6144xf32, #tpu.memory_space<vmem_shared>>
      tpu.wait_dma2 semaphore(%arg25 : memref<!tpu.dma_semaphore, #tpu.memory_space<semaphore_mem>>) src(%dma_wait3A_477 : memref<6144xf32, #tpu.memory_space<vmem_shared>>) dst(%dma_wait3A_476 : memref<6144xf32, #tpu.memory_space<vmem>>)
      %dma_wait3A_478 = arith.constant 0 : i32
      %dma_wait3A_479 = tpu.memref_slice %arg21[%dma_wait3A_478] : memref<12288xf32, #tpu.memory_space<vmem>> -> memref<6144xf32, #tpu.memory_space<vmem>>
      %dma_wait3A_480 = tpu.memref_slice %arg5[%add3A_456] : memref<100000000xf32, #tpu.memory_space<hbm>> -> memref<6144xf32, #tpu.memory_space<hbm>>
      %dma_wait3A_481 = tpu.memref_slice %arg5[%add3A_456] : memref<100000000xf32, #tpu.memory_space<hbm>> -> memref<6144xf32, #tpu.memory_space<hbm>>
      %dma_wait3A_482 = arith.constant 0 : i32
      %dma_wait3A_483 = tpu.memref_slice %arg21[%dma_wait3A_482] : memref<12288xf32, #tpu.memory_space<vmem>> -> memref<6144xf32, #tpu.memory_space<vmem>>
      tpu.wait_dma2 semaphore(%arg22 : memref<!tpu.dma_semaphore, #tpu.memory_space<semaphore_mem>>) src(%dma_wait3A_483 : memref<6144xf32, #tpu.memory_space<vmem>>) dst(%dma_wait3A_481 : memref<6144xf32, #tpu.memory_space<hbm>>)
      %dma_wait3A_484 = arith.constant 0 : i32
      %dma_wait3A_485 = tpu.memref_slice %arg21[%dma_wait3A_484] : memref<12288xf32, #tpu.memory_space<vmem>> -> memref<6144xf32, #tpu.memory_space<vmem>>
      %dma_wait3A_486 = tpu.memref_slice %arg6[%add3A_465] : memref<100000000xf32, #tpu.memory_space<hbm>> -> memref<6144xf32, #tpu.memory_space<hbm>>
      %dma_wait3A_487 = tpu.memref_slice %arg6[%add3A_465] : memref<100000000xf32, #tpu.memory_space<hbm>> -> memref<6144xf32, #tpu.memory_space<hbm>>
      %dma_wait3A_488 = arith.constant 0 : i32
      %dma_wait3A_489 = tpu.memref_slice %arg21[%dma_wait3A_488] : memref<12288xf32, #tpu.memory_space<vmem>> -> memref<6144xf32, #tpu.memory_space<vmem>>
      tpu.wait_dma2 semaphore(%arg23 : memref<!tpu.dma_semaphore, #tpu.memory_space<semaphore_mem>>) src(%dma_wait3A_489 : memref<6144xf32, #tpu.memory_space<vmem>>) dst(%dma_wait3A_487 : memref<6144xf32, #tpu.memory_space<hbm>>)
      %add3A_490 = arith.constant 49152 : i32
      %add3A_491 = arith.addi %multiple_of3A, %add3A_490 : i32
      %dma_start3A_492 = arith.constant 0 : i32
      %dma_start3A_493 = tpu.memref_slice %arg21[%dma_start3A_492] : memref<12288xf32, #tpu.memory_space<vmem>> -> memref<6144xf32, #tpu.memory_space<vmem>>
      %dma_start3A_494 = tpu.memref_slice %arg7[%add3A_491] : memref<1000008xf32, #tpu.memory_space<vmem_shared>> -> memref<6144xf32, #tpu.memory_space<vmem_shared>>
      %dma_start3A_495 = arith.constant 0 : i32
      %dma_start3A_496 = tpu.memref_slice %arg21[%dma_start3A_495] : memref<12288xf32, #tpu.memory_space<vmem>> -> memref<6144xf32, #tpu.memory_space<vmem>>
      %dma_start3A_497 = tpu.memref_slice %arg7[%add3A_491] : memref<1000008xf32, #tpu.memory_space<vmem_shared>> -> memref<6144xf32, #tpu.memory_space<vmem_shared>>
      tpu.enqueue_dma source(%dma_start3A_497 : memref<6144xf32, #tpu.memory_space<vmem_shared>>) target(%dma_start3A_496 : memref<6144xf32, #tpu.memory_space<vmem>>) target_semaphore(%arg24 : memref<!tpu.dma_semaphore, #tpu.memory_space<semaphore_mem>>)
      %add3A_498 = arith.addi %mul3A_95, %multiple_of3A : i32
      %add3A_499 = arith.constant 43008 : i32
      %add3A_500 = arith.addi %add3A_498, %add3A_499 : i32
      %dma_start3A_501 = arith.constant 6144 : i32
      %dma_start3A_502 = tpu.memref_slice %arg21[%dma_start3A_501] : memref<12288xf32, #tpu.memory_space<vmem>> -> memref<6144xf32, #tpu.memory_space<vmem>>
      %dma_start3A_503 = tpu.memref_slice %arg5[%add3A_500] : memref<100000000xf32, #tpu.memory_space<hbm>> -> memref<6144xf32, #tpu.memory_space<hbm>>
      %dma_start3A_504 = tpu.memref_slice %arg5[%add3A_500] : memref<100000000xf32, #tpu.memory_space<hbm>> -> memref<6144xf32, #tpu.memory_space<hbm>>
      %dma_start3A_505 = arith.constant 6144 : i32
      %dma_start3A_506 = tpu.memref_slice %arg21[%dma_start3A_505] : memref<12288xf32, #tpu.memory_space<vmem>> -> memref<6144xf32, #tpu.memory_space<vmem>>
      tpu.enqueue_dma source(%dma_start3A_506 : memref<6144xf32, #tpu.memory_space<vmem>>) target(%dma_start3A_504 : memref<6144xf32, #tpu.memory_space<hbm>>) target_semaphore(%arg22 : memref<!tpu.dma_semaphore, #tpu.memory_space<semaphore_mem>>)
      %add3A_507 = arith.addi %mul3A_95, %multiple_of3A : i32
      %add3A_508 = arith.constant 43008 : i32
      %add3A_509 = arith.addi %add3A_507, %add3A_508 : i32
      %dma_start3A_510 = arith.constant 6144 : i32
      %dma_start3A_511 = tpu.memref_slice %arg21[%dma_start3A_510] : memref<12288xf32, #tpu.memory_space<vmem>> -> memref<6144xf32, #tpu.memory_space<vmem>>
      %dma_start3A_512 = tpu.memref_slice %arg6[%add3A_509] : memref<100000000xf32, #tpu.memory_space<hbm>> -> memref<6144xf32, #tpu.memory_space<hbm>>
      %dma_start3A_513 = tpu.memref_slice %arg6[%add3A_509] : memref<100000000xf32, #tpu.memory_space<hbm>> -> memref<6144xf32, #tpu.memory_space<hbm>>
      %dma_start3A_514 = arith.constant 6144 : i32
      %dma_start3A_515 = tpu.memref_slice %arg21[%dma_start3A_514] : memref<12288xf32, #tpu.memory_space<vmem>> -> memref<6144xf32, #tpu.memory_space<vmem>>
      tpu.enqueue_dma source(%dma_start3A_515 : memref<6144xf32, #tpu.memory_space<vmem>>) target(%dma_start3A_513 : memref<6144xf32, #tpu.memory_space<hbm>>) target_semaphore(%arg23 : memref<!tpu.dma_semaphore, #tpu.memory_space<semaphore_mem>>)
      %dma_wait3A_516 = arith.constant 0 : i32
      %dma_wait3A_517 = tpu.memref_slice %arg21[%dma_wait3A_516] : memref<12288xf32, #tpu.memory_space<vmem>> -> memref<6144xf32, #tpu.memory_space<vmem>>
      %dma_wait3A_518 = tpu.memref_slice %arg7[%add3A_491] : memref<1000008xf32, #tpu.memory_space<vmem_shared>> -> memref<6144xf32, #tpu.memory_space<vmem_shared>>
      %dma_wait3A_519 = arith.constant 0 : i32
      %dma_wait3A_520 = tpu.memref_slice %arg21[%dma_wait3A_519] : memref<12288xf32, #tpu.memory_space<vmem>> -> memref<6144xf32, #tpu.memory_space<vmem>>
      %dma_wait3A_521 = tpu.memref_slice %arg7[%add3A_491] : memref<1000008xf32, #tpu.memory_space<vmem_shared>> -> memref<6144xf32, #tpu.memory_space<vmem_shared>>
      tpu.wait_dma2 semaphore(%arg24 : memref<!tpu.dma_semaphore, #tpu.memory_space<semaphore_mem>>) src(%dma_wait3A_521 : memref<6144xf32, #tpu.memory_space<vmem_shared>>) dst(%dma_wait3A_520 : memref<6144xf32, #tpu.memory_space<vmem>>)
      %dma_wait3A_522 = arith.constant 6144 : i32
      %dma_wait3A_523 = tpu.memref_slice %arg21[%dma_wait3A_522] : memref<12288xf32, #tpu.memory_space<vmem>> -> memref<6144xf32, #tpu.memory_space<vmem>>
      %dma_wait3A_524 = tpu.memref_slice %arg5[%add3A_500] : memref<100000000xf32, #tpu.memory_space<hbm>> -> memref<6144xf32, #tpu.memory_space<hbm>>
      %dma_wait3A_525 = tpu.memref_slice %arg5[%add3A_500] : memref<100000000xf32, #tpu.memory_space<hbm>> -> memref<6144xf32, #tpu.memory_space<hbm>>
      %dma_wait3A_526 = arith.constant 6144 : i32
      %dma_wait3A_527 = tpu.memref_slice %arg21[%dma_wait3A_526] : memref<12288xf32, #tpu.memory_space<vmem>> -> memref<6144xf32, #tpu.memory_space<vmem>>
      tpu.wait_dma2 semaphore(%arg22 : memref<!tpu.dma_semaphore, #tpu.memory_space<semaphore_mem>>) src(%dma_wait3A_527 : memref<6144xf32, #tpu.memory_space<vmem>>) dst(%dma_wait3A_525 : memref<6144xf32, #tpu.memory_space<hbm>>)
      %dma_wait3A_528 = arith.constant 6144 : i32
      %dma_wait3A_529 = tpu.memref_slice %arg21[%dma_wait3A_528] : memref<12288xf32, #tpu.memory_space<vmem>> -> memref<6144xf32, #tpu.memory_space<vmem>>
      %dma_wait3A_530 = tpu.memref_slice %arg6[%add3A_509] : memref<100000000xf32, #tpu.memory_space<hbm>> -> memref<6144xf32, #tpu.memory_space<hbm>>
      %dma_wait3A_531 = tpu.memref_slice %arg6[%add3A_509] : memref<100000000xf32, #tpu.memory_space<hbm>> -> memref<6144xf32, #tpu.memory_space<hbm>>
      %dma_wait3A_532 = arith.constant 6144 : i32
      %dma_wait3A_533 = tpu.memref_slice %arg21[%dma_wait3A_532] : memref<12288xf32, #tpu.memory_space<vmem>> -> memref<6144xf32, #tpu.memory_space<vmem>>
      tpu.wait_dma2 semaphore(%arg23 : memref<!tpu.dma_semaphore, #tpu.memory_space<semaphore_mem>>) src(%dma_wait3A_533 : memref<6144xf32, #tpu.memory_space<vmem>>) dst(%dma_wait3A_531 : memref<6144xf32, #tpu.memory_space<hbm>>)
      %add3A_534 = arith.constant 55296 : i32
      %add3A_535 = arith.addi %multiple_of3A, %add3A_534 : i32
      %dma_start3A_536 = arith.constant 6144 : i32
      %dma_start3A_537 = tpu.memref_slice %arg21[%dma_start3A_536] : memref<12288xf32, #tpu.memory_space<vmem>> -> memref<6144xf32, #tpu.memory_space<vmem>>
      %dma_start3A_538 = tpu.memref_slice %arg7[%add3A_535] : memref<1000008xf32, #tpu.memory_space<vmem_shared>> -> memref<6144xf32, #tpu.memory_space<vmem_shared>>
      %dma_start3A_539 = arith.constant 6144 : i32
      %dma_start3A_540 = tpu.memref_slice %arg21[%dma_start3A_539] : memref<12288xf32, #tpu.memory_space<vmem>> -> memref<6144xf32, #tpu.memory_space<vmem>>
      %dma_start3A_541 = tpu.memref_slice %arg7[%add3A_535] : memref<1000008xf32, #tpu.memory_space<vmem_shared>> -> memref<6144xf32, #tpu.memory_space<vmem_shared>>
      tpu.enqueue_dma source(%dma_start3A_541 : memref<6144xf32, #tpu.memory_space<vmem_shared>>) target(%dma_start3A_540 : memref<6144xf32, #tpu.memory_space<vmem>>) target_semaphore(%arg25 : memref<!tpu.dma_semaphore, #tpu.memory_space<semaphore_mem>>)
      %add3A_542 = arith.addi %mul3A_95, %multiple_of3A : i32
      %add3A_543 = arith.constant 49152 : i32
      %add3A_544 = arith.addi %add3A_542, %add3A_543 : i32
      %dma_start3A_545 = arith.constant 0 : i32
      %dma_start3A_546 = tpu.memref_slice %arg21[%dma_start3A_545] : memref<12288xf32, #tpu.memory_space<vmem>> -> memref<6144xf32, #tpu.memory_space<vmem>>
      %dma_start3A_547 = tpu.memref_slice %arg5[%add3A_544] : memref<100000000xf32, #tpu.memory_space<hbm>> -> memref<6144xf32, #tpu.memory_space<hbm>>
      %dma_start3A_548 = tpu.memref_slice %arg5[%add3A_544] : memref<100000000xf32, #tpu.memory_space<hbm>> -> memref<6144xf32, #tpu.memory_space<hbm>>
      %dma_start3A_549 = arith.constant 0 : i32
      %dma_start3A_550 = tpu.memref_slice %arg21[%dma_start3A_549] : memref<12288xf32, #tpu.memory_space<vmem>> -> memref<6144xf32, #tpu.memory_space<vmem>>
      tpu.enqueue_dma source(%dma_start3A_550 : memref<6144xf32, #tpu.memory_space<vmem>>) target(%dma_start3A_548 : memref<6144xf32, #tpu.memory_space<hbm>>) target_semaphore(%arg22 : memref<!tpu.dma_semaphore, #tpu.memory_space<semaphore_mem>>)
      %add3A_551 = arith.addi %mul3A_95, %multiple_of3A : i32
      %add3A_552 = arith.constant 49152 : i32
      %add3A_553 = arith.addi %add3A_551, %add3A_552 : i32
      %dma_start3A_554 = arith.constant 0 : i32
      %dma_start3A_555 = tpu.memref_slice %arg21[%dma_start3A_554] : memref<12288xf32, #tpu.memory_space<vmem>> -> memref<6144xf32, #tpu.memory_space<vmem>>
      %dma_start3A_556 = tpu.memref_slice %arg6[%add3A_553] : memref<100000000xf32, #tpu.memory_space<hbm>> -> memref<6144xf32, #tpu.memory_space<hbm>>
      %dma_start3A_557 = tpu.memref_slice %arg6[%add3A_553] : memref<100000000xf32, #tpu.memory_space<hbm>> -> memref<6144xf32, #tpu.memory_space<hbm>>
      %dma_start3A_558 = arith.constant 0 : i32
      %dma_start3A_559 = tpu.memref_slice %arg21[%dma_start3A_558] : memref<12288xf32, #tpu.memory_space<vmem>> -> memref<6144xf32, #tpu.memory_space<vmem>>
      tpu.enqueue_dma source(%dma_start3A_559 : memref<6144xf32, #tpu.memory_space<vmem>>) target(%dma_start3A_557 : memref<6144xf32, #tpu.memory_space<hbm>>) target_semaphore(%arg23 : memref<!tpu.dma_semaphore, #tpu.memory_space<semaphore_mem>>)
      %dma_wait3A_560 = arith.constant 6144 : i32
      %dma_wait3A_561 = tpu.memref_slice %arg21[%dma_wait3A_560] : memref<12288xf32, #tpu.memory_space<vmem>> -> memref<6144xf32, #tpu.memory_space<vmem>>
      %dma_wait3A_562 = tpu.memref_slice %arg7[%add3A_535] : memref<1000008xf32, #tpu.memory_space<vmem_shared>> -> memref<6144xf32, #tpu.memory_space<vmem_shared>>
      %dma_wait3A_563 = arith.constant 6144 : i32
      %dma_wait3A_564 = tpu.memref_slice %arg21[%dma_wait3A_563] : memref<12288xf32, #tpu.memory_space<vmem>> -> memref<6144xf32, #tpu.memory_space<vmem>>
      %dma_wait3A_565 = tpu.memref_slice %arg7[%add3A_535] : memref<1000008xf32, #tpu.memory_space<vmem_shared>> -> memref<6144xf32, #tpu.memory_space<vmem_shared>>
      tpu.wait_dma2 semaphore(%arg25 : memref<!tpu.dma_semaphore, #tpu.memory_space<semaphore_mem>>) src(%dma_wait3A_565 : memref<6144xf32, #tpu.memory_space<vmem_shared>>) dst(%dma_wait3A_564 : memref<6144xf32, #tpu.memory_space<vmem>>)
      %dma_wait3A_566 = arith.constant 0 : i32
      %dma_wait3A_567 = tpu.memref_slice %arg21[%dma_wait3A_566] : memref<12288xf32, #tpu.memory_space<vmem>> -> memref<6144xf32, #tpu.memory_space<vmem>>
      %dma_wait3A_568 = tpu.memref_slice %arg5[%add3A_544] : memref<100000000xf32, #tpu.memory_space<hbm>> -> memref<6144xf32, #tpu.memory_space<hbm>>
      %dma_wait3A_569 = tpu.memref_slice %arg5[%add3A_544] : memref<100000000xf32, #tpu.memory_space<hbm>> -> memref<6144xf32, #tpu.memory_space<hbm>>
      %dma_wait3A_570 = arith.constant 0 : i32
      %dma_wait3A_571 = tpu.memref_slice %arg21[%dma_wait3A_570] : memref<12288xf32, #tpu.memory_space<vmem>> -> memref<6144xf32, #tpu.memory_space<vmem>>
      tpu.wait_dma2 semaphore(%arg22 : memref<!tpu.dma_semaphore, #tpu.memory_space<semaphore_mem>>) src(%dma_wait3A_571 : memref<6144xf32, #tpu.memory_space<vmem>>) dst(%dma_wait3A_569 : memref<6144xf32, #tpu.memory_space<hbm>>)
      %dma_wait3A_572 = arith.constant 0 : i32
      %dma_wait3A_573 = tpu.memref_slice %arg21[%dma_wait3A_572] : memref<12288xf32, #tpu.memory_space<vmem>> -> memref<6144xf32, #tpu.memory_space<vmem>>
      %dma_wait3A_574 = tpu.memref_slice %arg6[%add3A_553] : memref<100000000xf32, #tpu.memory_space<hbm>> -> memref<6144xf32, #tpu.memory_space<hbm>>
      %dma_wait3A_575 = tpu.memref_slice %arg6[%add3A_553] : memref<100000000xf32, #tpu.memory_space<hbm>> -> memref<6144xf32, #tpu.memory_space<hbm>>
      %dma_wait3A_576 = arith.constant 0 : i32
      %dma_wait3A_577 = tpu.memref_slice %arg21[%dma_wait3A_576] : memref<12288xf32, #tpu.memory_space<vmem>> -> memref<6144xf32, #tpu.memory_space<vmem>>
      tpu.wait_dma2 semaphore(%arg23 : memref<!tpu.dma_semaphore, #tpu.memory_space<semaphore_mem>>) src(%dma_wait3A_577 : memref<6144xf32, #tpu.memory_space<vmem>>) dst(%dma_wait3A_575 : memref<6144xf32, #tpu.memory_space<hbm>>)
      %add3A_578 = arith.constant 61440 : i32
      %add3A_579 = arith.addi %multiple_of3A, %add3A_578 : i32
      %dma_start3A_580 = arith.constant 0 : i32
      %dma_start3A_581 = tpu.memref_slice %arg21[%dma_start3A_580] : memref<12288xf32, #tpu.memory_space<vmem>> -> memref<1056xf32, #tpu.memory_space<vmem>>
      %dma_start3A_582 = tpu.memref_slice %arg7[%add3A_579] : memref<1000008xf32, #tpu.memory_space<vmem_shared>> -> memref<1056xf32, #tpu.memory_space<vmem_shared>>
      %dma_start3A_583 = arith.constant 0 : i32
      %dma_start3A_584 = tpu.memref_slice %arg21[%dma_start3A_583] : memref<12288xf32, #tpu.memory_space<vmem>> -> memref<1056xf32, #tpu.memory_space<vmem>>
      %dma_start3A_585 = tpu.memref_slice %arg7[%add3A_579] : memref<1000008xf32, #tpu.memory_space<vmem_shared>> -> memref<1056xf32, #tpu.memory_space<vmem_shared>>
      tpu.enqueue_dma source(%dma_start3A_585 : memref<1056xf32, #tpu.memory_space<vmem_shared>>) target(%dma_start3A_584 : memref<1056xf32, #tpu.memory_space<vmem>>) target_semaphore(%arg24 : memref<!tpu.dma_semaphore, #tpu.memory_space<semaphore_mem>>)
      %add3A_586 = arith.addi %mul3A_95, %multiple_of3A : i32
      %add3A_587 = arith.constant 55296 : i32
      %add3A_588 = arith.addi %add3A_586, %add3A_587 : i32
      %dma_start3A_589 = arith.constant 6144 : i32
      %dma_start3A_590 = tpu.memref_slice %arg21[%dma_start3A_589] : memref<12288xf32, #tpu.memory_space<vmem>> -> memref<6144xf32, #tpu.memory_space<vmem>>
      %dma_start3A_591 = tpu.memref_slice %arg5[%add3A_588] : memref<100000000xf32, #tpu.memory_space<hbm>> -> memref<6144xf32, #tpu.memory_space<hbm>>
      %dma_start3A_592 = tpu.memref_slice %arg5[%add3A_588] : memref<100000000xf32, #tpu.memory_space<hbm>> -> memref<6144xf32, #tpu.memory_space<hbm>>
      %dma_start3A_593 = arith.constant 6144 : i32
      %dma_start3A_594 = tpu.memref_slice %arg21[%dma_start3A_593] : memref<12288xf32, #tpu.memory_space<vmem>> -> memref<6144xf32, #tpu.memory_space<vmem>>
      tpu.enqueue_dma source(%dma_start3A_594 : memref<6144xf32, #tpu.memory_space<vmem>>) target(%dma_start3A_592 : memref<6144xf32, #tpu.memory_space<hbm>>) target_semaphore(%arg22 : memref<!tpu.dma_semaphore, #tpu.memory_space<semaphore_mem>>)
      %add3A_595 = arith.addi %mul3A_95, %multiple_of3A : i32
      %add3A_596 = arith.constant 55296 : i32
      %add3A_597 = arith.addi %add3A_595, %add3A_596 : i32
      %dma_start3A_598 = arith.constant 6144 : i32
      %dma_start3A_599 = tpu.memref_slice %arg21[%dma_start3A_598] : memref<12288xf32, #tpu.memory_space<vmem>> -> memref<6144xf32, #tpu.memory_space<vmem>>
      %dma_start3A_600 = tpu.memref_slice %arg6[%add3A_597] : memref<100000000xf32, #tpu.memory_space<hbm>> -> memref<6144xf32, #tpu.memory_space<hbm>>
      %dma_start3A_601 = tpu.memref_slice %arg6[%add3A_597] : memref<100000000xf32, #tpu.memory_space<hbm>> -> memref<6144xf32, #tpu.memory_space<hbm>>
      %dma_start3A_602 = arith.constant 6144 : i32
      %dma_start3A_603 = tpu.memref_slice %arg21[%dma_start3A_602] : memref<12288xf32, #tpu.memory_space<vmem>> -> memref<6144xf32, #tpu.memory_space<vmem>>
      tpu.enqueue_dma source(%dma_start3A_603 : memref<6144xf32, #tpu.memory_space<vmem>>) target(%dma_start3A_601 : memref<6144xf32, #tpu.memory_space<hbm>>) target_semaphore(%arg23 : memref<!tpu.dma_semaphore, #tpu.memory_space<semaphore_mem>>)
      %dma_wait3A_604 = arith.constant 0 : i32
      %dma_wait3A_605 = tpu.memref_slice %arg21[%dma_wait3A_604] : memref<12288xf32, #tpu.memory_space<vmem>> -> memref<1056xf32, #tpu.memory_space<vmem>>
      %dma_wait3A_606 = tpu.memref_slice %arg7[%add3A_579] : memref<1000008xf32, #tpu.memory_space<vmem_shared>> -> memref<1056xf32, #tpu.memory_space<vmem_shared>>
      %dma_wait3A_607 = arith.constant 0 : i32
      %dma_wait3A_608 = tpu.memref_slice %arg21[%dma_wait3A_607] : memref<12288xf32, #tpu.memory_space<vmem>> -> memref<1056xf32, #tpu.memory_space<vmem>>
      %dma_wait3A_609 = tpu.memref_slice %arg7[%add3A_579] : memref<1000008xf32, #tpu.memory_space<vmem_shared>> -> memref<1056xf32, #tpu.memory_space<vmem_shared>>
      tpu.wait_dma2 semaphore(%arg24 : memref<!tpu.dma_semaphore, #tpu.memory_space<semaphore_mem>>) src(%dma_wait3A_609 : memref<1056xf32, #tpu.memory_space<vmem_shared>>) dst(%dma_wait3A_608 : memref<1056xf32, #tpu.memory_space<vmem>>)
      %add3A_610 = arith.addi %mul3A_95, %multiple_of3A : i32
      %add3A_611 = arith.constant 61440 : i32
      %add3A_612 = arith.addi %add3A_610, %add3A_611 : i32
      %dma_start3A_613 = arith.constant 0 : i32
      %dma_start3A_614 = tpu.memref_slice %arg21[%dma_start3A_613] : memref<12288xf32, #tpu.memory_space<vmem>> -> memref<1056xf32, #tpu.memory_space<vmem>>
      %dma_start3A_615 = tpu.memref_slice %arg5[%add3A_612] : memref<100000000xf32, #tpu.memory_space<hbm>> -> memref<1056xf32, #tpu.memory_space<hbm>>
      %dma_start3A_616 = tpu.memref_slice %arg5[%add3A_612] : memref<100000000xf32, #tpu.memory_space<hbm>> -> memref<1056xf32, #tpu.memory_space<hbm>>
      %dma_start3A_617 = arith.constant 0 : i32
      %dma_start3A_618 = tpu.memref_slice %arg21[%dma_start3A_617] : memref<12288xf32, #tpu.memory_space<vmem>> -> memref<1056xf32, #tpu.memory_space<vmem>>
      tpu.enqueue_dma source(%dma_start3A_618 : memref<1056xf32, #tpu.memory_space<vmem>>) target(%dma_start3A_616 : memref<1056xf32, #tpu.memory_space<hbm>>) target_semaphore(%arg22 : memref<!tpu.dma_semaphore, #tpu.memory_space<semaphore_mem>>)
      %add3A_619 = arith.addi %mul3A_95, %multiple_of3A : i32
      %add3A_620 = arith.constant 61440 : i32
      %add3A_621 = arith.addi %add3A_619, %add3A_620 : i32
      %dma_start3A_622 = arith.constant 0 : i32
      %dma_start3A_623 = tpu.memref_slice %arg21[%dma_start3A_622] : memref<12288xf32, #tpu.memory_space<vmem>> -> memref<1056xf32, #tpu.memory_space<vmem>>
      %dma_start3A_624 = tpu.memref_slice %arg6[%add3A_621] : memref<100000000xf32, #tpu.memory_space<hbm>> -> memref<1056xf32, #tpu.memory_space<hbm>>
      %dma_start3A_625 = tpu.memref_slice %arg6[%add3A_621] : memref<100000000xf32, #tpu.memory_space<hbm>> -> memref<1056xf32, #tpu.memory_space<hbm>>
      %dma_start3A_626 = arith.constant 0 : i32
      %dma_start3A_627 = tpu.memref_slice %arg21[%dma_start3A_626] : memref<12288xf32, #tpu.memory_space<vmem>> -> memref<1056xf32, #tpu.memory_space<vmem>>
      tpu.enqueue_dma source(%dma_start3A_627 : memref<1056xf32, #tpu.memory_space<vmem>>) target(%dma_start3A_625 : memref<1056xf32, #tpu.memory_space<hbm>>) target_semaphore(%arg23 : memref<!tpu.dma_semaphore, #tpu.memory_space<semaphore_mem>>)
      %dma_wait3A_628 = arith.constant 6144 : i32
      %dma_wait3A_629 = tpu.memref_slice %arg21[%dma_wait3A_628] : memref<12288xf32, #tpu.memory_space<vmem>> -> memref<6144xf32, #tpu.memory_space<vmem>>
      %dma_wait3A_630 = tpu.memref_slice %arg5[%add3A_588] : memref<100000000xf32, #tpu.memory_space<hbm>> -> memref<6144xf32, #tpu.memory_space<hbm>>
      %dma_wait3A_631 = tpu.memref_slice %arg5[%add3A_588] : memref<100000000xf32, #tpu.memory_space<hbm>> -> memref<6144xf32, #tpu.memory_space<hbm>>
      %dma_wait3A_632 = arith.constant 6144 : i32
      %dma_wait3A_633 = tpu.memref_slice %arg21[%dma_wait3A_632] : memref<12288xf32, #tpu.memory_space<vmem>> -> memref<6144xf32, #tpu.memory_space<vmem>>
      tpu.wait_dma2 semaphore(%arg22 : memref<!tpu.dma_semaphore, #tpu.memory_space<semaphore_mem>>) src(%dma_wait3A_633 : memref<6144xf32, #tpu.memory_space<vmem>>) dst(%dma_wait3A_631 : memref<6144xf32, #tpu.memory_space<hbm>>)
      %dma_wait3A_634 = arith.constant 6144 : i32
      %dma_wait3A_635 = tpu.memref_slice %arg21[%dma_wait3A_634] : memref<12288xf32, #tpu.memory_space<vmem>> -> memref<6144xf32, #tpu.memory_space<vmem>>
      %dma_wait3A_636 = tpu.memref_slice %arg6[%add3A_597] : memref<100000000xf32, #tpu.memory_space<hbm>> -> memref<6144xf32, #tpu.memory_space<hbm>>
      %dma_wait3A_637 = tpu.memref_slice %arg6[%add3A_597] : memref<100000000xf32, #tpu.memory_space<hbm>> -> memref<6144xf32, #tpu.memory_space<hbm>>
      %dma_wait3A_638 = arith.constant 6144 : i32
      %dma_wait3A_639 = tpu.memref_slice %arg21[%dma_wait3A_638] : memref<12288xf32, #tpu.memory_space<vmem>> -> memref<6144xf32, #tpu.memory_space<vmem>>
      tpu.wait_dma2 semaphore(%arg23 : memref<!tpu.dma_semaphore, #tpu.memory_space<semaphore_mem>>) src(%dma_wait3A_639 : memref<6144xf32, #tpu.memory_space<vmem>>) dst(%dma_wait3A_637 : memref<6144xf32, #tpu.memory_space<hbm>>)
      %dma_wait3A_640 = arith.constant 0 : i32
      %dma_wait3A_641 = tpu.memref_slice %arg21[%dma_wait3A_640] : memref<12288xf32, #tpu.memory_space<vmem>> -> memref<1056xf32, #tpu.memory_space<vmem>>
      %dma_wait3A_642 = tpu.memref_slice %arg5[%add3A_612] : memref<100000000xf32, #tpu.memory_space<hbm>> -> memref<1056xf32, #tpu.memory_space<hbm>>
      %dma_wait3A_643 = tpu.memref_slice %arg5[%add3A_612] : memref<100000000xf32, #tpu.memory_space<hbm>> -> memref<1056xf32, #tpu.memory_space<hbm>>
      %dma_wait3A_644 = arith.constant 0 : i32
      %dma_wait3A_645 = tpu.memref_slice %arg21[%dma_wait3A_644] : memref<12288xf32, #tpu.memory_space<vmem>> -> memref<1056xf32, #tpu.memory_space<vmem>>
      tpu.wait_dma2 semaphore(%arg22 : memref<!tpu.dma_semaphore, #tpu.memory_space<semaphore_mem>>) src(%dma_wait3A_645 : memref<1056xf32, #tpu.memory_space<vmem>>) dst(%dma_wait3A_643 : memref<1056xf32, #tpu.memory_space<hbm>>)
      %dma_wait3A_646 = arith.constant 0 : i32
      %dma_wait3A_647 = tpu.memref_slice %arg21[%dma_wait3A_646] : memref<12288xf32, #tpu.memory_space<vmem>> -> memref<1056xf32, #tpu.memory_space<vmem>>
      %dma_wait3A_648 = tpu.memref_slice %arg6[%add3A_621] : memref<100000000xf32, #tpu.memory_space<hbm>> -> memref<1056xf32, #tpu.memory_space<hbm>>
      %dma_wait3A_649 = tpu.memref_slice %arg6[%add3A_621] : memref<100000000xf32, #tpu.memory_space<hbm>> -> memref<1056xf32, #tpu.memory_space<hbm>>
      %dma_wait3A_650 = arith.constant 0 : i32
      %dma_wait3A_651 = tpu.memref_slice %arg21[%dma_wait3A_650] : memref<12288xf32, #tpu.memory_space<vmem>> -> memref<1056xf32, #tpu.memory_space<vmem>>
      tpu.wait_dma2 semaphore(%arg23 : memref<!tpu.dma_semaphore, #tpu.memory_space<semaphore_mem>>) src(%dma_wait3A_651 : memref<1056xf32, #tpu.memory_space<vmem>>) dst(%dma_wait3A_649 : memref<1056xf32, #tpu.memory_space<hbm>>)
      %eq3A_652 = arith.constant 0 : i32
      %eq3A_653 = arith.cmpi eq, %arg1, %eq3A_652 : i32
      %convert_element_type3A_654 = arith.extui %eq3A_653 : i1 to i32
      %cond3A_655 = arith.constant 0 : i32
      %cond3A_656 = arith.cmpi ne, %convert_element_type3A_654, %cond3A_655 : i32
      scf.if %cond3A_656 {
        "tpu.region"() ({
          %run_scoped3A = tpu.sem_alloc : memref<!tpu.dma_semaphore, #tpu.memory_space<semaphore_mem>>
          %dma_start3A_699 = arith.constant 0 : i32
          %dma_start3A_700 = tpu.memref_slice %arg21[%dma_start3A_699] : memref<12288xf32, #tpu.memory_space<vmem>> -> memref<64xf32, #tpu.memory_space<vmem>>
          %dma_start3A_701 = arith.constant 999936 : i32
          %dma_start3A_702 = tpu.memref_slice %arg7[%dma_start3A_701] : memref<1000008xf32, #tpu.memory_space<vmem_shared>> -> memref<64xf32, #tpu.memory_space<vmem_shared>>
          %dma_start3A_703 = arith.constant 0 : i32
          %dma_start3A_704 = tpu.memref_slice %arg21[%dma_start3A_703] : memref<12288xf32, #tpu.memory_space<vmem>> -> memref<64xf32, #tpu.memory_space<vmem>>
          %dma_start3A_705 = arith.constant 999936 : i32
          %dma_start3A_706 = tpu.memref_slice %arg7[%dma_start3A_705] : memref<1000008xf32, #tpu.memory_space<vmem_shared>> -> memref<64xf32, #tpu.memory_space<vmem_shared>>
          tpu.enqueue_dma source(%dma_start3A_706 : memref<64xf32, #tpu.memory_space<vmem_shared>>) target(%dma_start3A_704 : memref<64xf32, #tpu.memory_space<vmem>>) target_semaphore(%run_scoped3A : memref<!tpu.dma_semaphore, #tpu.memory_space<semaphore_mem>>)
          %dma_wait3A_707 = arith.constant 0 : i32
          %dma_wait3A_708 = tpu.memref_slice %arg21[%dma_wait3A_707] : memref<12288xf32, #tpu.memory_space<vmem>> -> memref<64xf32, #tpu.memory_space<vmem>>
          %dma_wait3A_709 = arith.constant 999936 : i32
          %dma_wait3A_710 = tpu.memref_slice %arg7[%dma_wait3A_709] : memref<1000008xf32, #tpu.memory_space<vmem_shared>> -> memref<64xf32, #tpu.memory_space<vmem_shared>>
          %dma_wait3A_711 = arith.constant 0 : i32
          %dma_wait3A_712 = tpu.memref_slice %arg21[%dma_wait3A_711] : memref<12288xf32, #tpu.memory_space<vmem>> -> memref<64xf32, #tpu.memory_space<vmem>>
          %dma_wait3A_713 = arith.constant 999936 : i32
          %dma_wait3A_714 = tpu.memref_slice %arg7[%dma_wait3A_713] : memref<1000008xf32, #tpu.memory_space<vmem_shared>> -> memref<64xf32, #tpu.memory_space<vmem_shared>>
          tpu.wait_dma2 semaphore(%run_scoped3A : memref<!tpu.dma_semaphore, #tpu.memory_space<semaphore_mem>>) src(%dma_wait3A_714 : memref<64xf32, #tpu.memory_space<vmem_shared>>) dst(%dma_wait3A_712 : memref<64xf32, #tpu.memory_space<vmem>>)
          tpu.yield
        }) : () -> ()
        %add3A_671 = arith.constant 999936 : i32
        %add3A_672 = arith.addi %mul3A_95, %add3A_671 : i32
        %dma_start3A_673 = arith.constant 0 : i32
        %dma_start3A_674 = tpu.memref_slice %arg21[%dma_start3A_673] : memref<12288xf32, #tpu.memory_space<vmem>> -> memref<64xf32, #tpu.memory_space<vmem>>
        %dma_start3A_675 = tpu.memref_slice %arg5[%add3A_672] : memref<100000000xf32, #tpu.memory_space<hbm>> -> memref<64xf32, #tpu.memory_space<hbm>>
        %dma_start3A_676 = tpu.memref_slice %arg5[%add3A_672] : memref<100000000xf32, #tpu.memory_space<hbm>> -> memref<64xf32, #tpu.memory_space<hbm>>
        %dma_start3A_677 = arith.constant 0 : i32
        %dma_start3A_678 = tpu.memref_slice %arg21[%dma_start3A_677] : memref<12288xf32, #tpu.memory_space<vmem>> -> memref<64xf32, #tpu.memory_space<vmem>>
        tpu.enqueue_dma source(%dma_start3A_678 : memref<64xf32, #tpu.memory_space<vmem>>) target(%dma_start3A_676 : memref<64xf32, #tpu.memory_space<hbm>>) target_semaphore(%arg22 : memref<!tpu.dma_semaphore, #tpu.memory_space<semaphore_mem>>)
        %add3A_679 = arith.constant 999936 : i32
        %add3A_680 = arith.addi %mul3A_95, %add3A_679 : i32
        %dma_start3A_681 = arith.constant 0 : i32
        %dma_start3A_682 = tpu.memref_slice %arg21[%dma_start3A_681] : memref<12288xf32, #tpu.memory_space<vmem>> -> memref<64xf32, #tpu.memory_space<vmem>>
        %dma_start3A_683 = tpu.memref_slice %arg6[%add3A_680] : memref<100000000xf32, #tpu.memory_space<hbm>> -> memref<64xf32, #tpu.memory_space<hbm>>
        %dma_start3A_684 = tpu.memref_slice %arg6[%add3A_680] : memref<100000000xf32, #tpu.memory_space<hbm>> -> memref<64xf32, #tpu.memory_space<hbm>>
        %dma_start3A_685 = arith.constant 0 : i32
        %dma_start3A_686 = tpu.memref_slice %arg21[%dma_start3A_685] : memref<12288xf32, #tpu.memory_space<vmem>> -> memref<64xf32, #tpu.memory_space<vmem>>
        tpu.enqueue_dma source(%dma_start3A_686 : memref<64xf32, #tpu.memory_space<vmem>>) target(%dma_start3A_684 : memref<64xf32, #tpu.memory_space<hbm>>) target_semaphore(%arg23 : memref<!tpu.dma_semaphore, #tpu.memory_space<semaphore_mem>>)
        %dma_wait3A_687 = arith.constant 0 : i32
        %dma_wait3A_688 = tpu.memref_slice %arg21[%dma_wait3A_687] : memref<12288xf32, #tpu.memory_space<vmem>> -> memref<64xf32, #tpu.memory_space<vmem>>
        %dma_wait3A_689 = tpu.memref_slice %arg5[%add3A_672] : memref<100000000xf32, #tpu.memory_space<hbm>> -> memref<64xf32, #tpu.memory_space<hbm>>
        %dma_wait3A_690 = tpu.memref_slice %arg5[%add3A_672] : memref<100000000xf32, #tpu.memory_space<hbm>> -> memref<64xf32, #tpu.memory_space<hbm>>
        %dma_wait3A_691 = arith.constant 0 : i32
        %dma_wait3A_692 = tpu.memref_slice %arg21[%dma_wait3A_691] : memref<12288xf32, #tpu.memory_space<vmem>> -> memref<64xf32, #tpu.memory_space<vmem>>
        tpu.wait_dma2 semaphore(%arg22 : memref<!tpu.dma_semaphore, #tpu.memory_space<semaphore_mem>>) src(%dma_wait3A_692 : memref<64xf32, #tpu.memory_space<vmem>>) dst(%dma_wait3A_690 : memref<64xf32, #tpu.memory_space<hbm>>)
        %dma_wait3A_693 = arith.constant 0 : i32
        %dma_wait3A_694 = tpu.memref_slice %arg21[%dma_wait3A_693] : memref<12288xf32, #tpu.memory_space<vmem>> -> memref<64xf32, #tpu.memory_space<vmem>>
        %dma_wait3A_695 = tpu.memref_slice %arg6[%add3A_680] : memref<100000000xf32, #tpu.memory_space<hbm>> -> memref<64xf32, #tpu.memory_space<hbm>>
        %dma_wait3A_696 = tpu.memref_slice %arg6[%add3A_680] : memref<100000000xf32, #tpu.memory_space<hbm>> -> memref<64xf32, #tpu.memory_space<hbm>>
        %dma_wait3A_697 = arith.constant 0 : i32
        %dma_wait3A_698 = tpu.memref_slice %arg21[%dma_wait3A_697] : memref<12288xf32, #tpu.memory_space<vmem>> -> memref<64xf32, #tpu.memory_space<vmem>>
        tpu.wait_dma2 semaphore(%arg23 : memref<!tpu.dma_semaphore, #tpu.memory_space<semaphore_mem>>) src(%dma_wait3A_698 : memref<64xf32, #tpu.memory_space<vmem>>) dst(%dma_wait3A_696 : memref<64xf32, #tpu.memory_space<hbm>>)
      } else {
      }
      %barrier3A_657 = arith.constant 0 : index
      tpu.barrier barrier_id(%barrier3A_657)
      %while3A_658 = arith.constant 0 : i32
      %while3A_659 = arith.constant 0 : i32
      %while3A_660 = arith.subi %select_n3A_152, %while3A_658 : i32
      %while3A_661 = arith.addi %while3A_658, %while3A_660 : i32
      %while3A_662 = arith.constant 1 : i32
      %while3A_663 = arith.divsi %while3A_660, %while3A_662 : i32
      %while3A_664 = arith.muli %while3A_663, %while3A_662 : i32
      %while3A_665 = arith.addi %while3A_658, %while3A_664 : i32
      %while3A_666 = arith.constant 1 : i32
      %while3A_667 = scf.for %while3A_671 = %while3A_658 to %while3A_665 step %while3A_666 iter_args(%while3A_672 = %while3A_659) -> (i32)  : i32 {
        %scan3A_673 = arith.constant 0 : i32
        %scan3A_674 = arith.constant 0 : i32
        %scan3A_675 = arith.constant 8 : i32
        %scan3A_676 = arith.addi %scan3A_674, %scan3A_675 : i32
        %scan3A_677 = arith.constant 1 : i32
        %scan3A_678 = scf.for %scan3A_681 = %scan3A_674 to %scan3A_676 step %scan3A_677 iter_args(%scan3A_682 = %scan3A_673) -> (i32)  : i32 {
          %mul3A_683 = arith.constant 128 : i32
          %mul3A_684 = arith.muli %while3A_671, %mul3A_683 : i32
          %mul3A_685 = arith.constant 16 : i32
          %mul3A_686 = arith.muli %scan3A_681, %mul3A_685 : i32
          %add3A_687 = arith.addi %mul3A_684, %mul3A_686 : i32
          %add3A_688 = vector.broadcast %add3A_687 : i32 to vector<16xi32>
          %add3A_689 = arith.addi %add3A_688, %iota3A : vector<16xi32>
          %lt3A = vector.broadcast %while3A_126 : i32 to vector<16xi32>
          %lt3A_690 = arith.cmpi slt, %add3A_689, %lt3A : vector<16xi32>
          %get3A = arith.index_cast %add3A_687 : i32 to index
          %get3A_691 = tpu.vector_load %arg16[%get3A] {strides = array<i32>} : memref<8160xi32, #tpu.memory_space<vmem>>, vector<16xi32>,
          %get3A_692 = arith.index_cast %add3A_687 : i32 to index
          %get3A_693 = tpu.vector_load %arg17[%get3A_692] {strides = array<i32>} : memref<8160xf32, #tpu.memory_space<vmem>>, vector<16xf32>,
          %jit3A_694 = arith.constant 1000000 : i32
          %broadcast_in_dim3A_695 = vector.broadcast %jit3A_694 : i32 to vector<16xi32>
          %select_n3A_696 = arith.select %lt3A_690, %get3A_691, %broadcast_in_dim3A_695 : vector<16xi1>, vector<16xi32>
          %mul3A_697 = arith.constant 16 : i32
          %mul3A_698 = arith.muli %scan3A_681, %mul3A_697 : i32
          %swap3A_699 = arith.index_cast %mul3A_698 : i32 to index
          %swap3A_700 = tpu.vector_load %arg18[%swap3A_699] {strides = array<i32>} : memref<128xi32, #tpu.memory_space<vmem>>, vector<16xi32>,
          tpu.vector_store %arg18[%swap3A_699], %select_n3A_696 {strides = array<i32>} : memref<128xi32, #tpu.memory_space<vmem>>, vector<16xi32>,
          %mul3A_701 = arith.constant -1.000000e+00 : f32
          %mul3A_702 = vector.broadcast %mul3A_701 : f32 to vector<16xf32>
          %mul3A_703 = arith.mulf %mul3A_702, %get3A_693 : vector<16xf32>
          %jit3A_704 = arith.constant 0.000000e+00 : f32
          %broadcast_in_dim3A_705 = vector.broadcast %jit3A_704 : f32 to vector<16xf32>
          %select_n3A_706 = arith.select %lt3A_690, %mul3A_703, %broadcast_in_dim3A_705 : vector<16xi1>, vector<16xf32>
          %mul3A_707 = arith.constant 16 : i32
          %mul3A_708 = arith.muli %scan3A_681, %mul3A_707 : i32
          %swap3A_709 = arith.index_cast %mul3A_708 : i32 to index
          %swap3A_710 = tpu.vector_load %arg19[%swap3A_709] {strides = array<i32>} : memref<128xf32, #tpu.memory_space<vmem>>, vector<16xf32>,
          tpu.vector_store %arg19[%swap3A_709], %select_n3A_706 {strides = array<i32>} : memref<128xf32, #tpu.memory_space<vmem>>, vector<16xf32>,
          %scan3A_711 = arith.constant 0 : i32
          scf.yield %scan3A_711 : i32
        }
        %scan3A_679 = arith.constant 8 : i32
        "tpu.region"() ({
          %run_scoped3A = tpu.sem_alloc : memref<!tpu.dma_semaphore, #tpu.memory_space<semaphore_mem>>
          %dma_start3A_681 = arith.constant 0 : i32
          %dma_start3A_682 = tpu.memref_slice %arg7[%dma_start3A_681] : memref<1000008xf32, #tpu.memory_space<vmem_shared>> -> memref<1000008xf32, #tpu.memory_space<vmem_shared>>
          tpu.enqueue_indirect_dma source(%arg19 : memref<128xf32, #tpu.memory_space<vmem>>) target(%dma_start3A_682 : memref<1000008xf32, #tpu.memory_space<vmem_shared>>) offsets(%arg18 : memref<128xi32, #tpu.memory_space<vmem>>) semaphore(%run_scoped3A : memref<!tpu.dma_semaphore, #tpu.memory_space<semaphore_mem>>) {add = true}
          %dma_wait3A_683 = arith.constant 0 : i32
          %dma_wait3A_684 = tpu.memref_slice %arg7[%dma_wait3A_683] : memref<1000008xf32, #tpu.memory_space<vmem_shared>> -> memref<1000008xf32, #tpu.memory_space<vmem_shared>>
          tpu.wait_indirect_dma semaphore(%run_scoped3A : memref<!tpu.dma_semaphore, #tpu.memory_space<semaphore_mem>>) src(%arg19 : memref<128xf32, #tpu.memory_space<vmem>>) dst(%dma_wait3A_684 : memref<1000008xf32, #tpu.memory_space<vmem_shared>>)
          tpu.yield
        }) : () -> ()
        %while3A_680 = arith.constant 0 : i32
        scf.yield %while3A_680 : i32
      }
      %while3A_668 = arith.constant 1 : i32
      %while3A_669 = scf.for %while3A_671 = %while3A_665 to %while3A_661 step %while3A_668 iter_args(%while3A_672 = %while3A_667) -> (i32)  : i32 {
        %scan3A_673 = arith.constant 0 : i32
        %scan3A_674 = arith.constant 0 : i32
        %scan3A_675 = arith.constant 8 : i32
        %scan3A_676 = arith.addi %scan3A_674, %scan3A_675 : i32
        %scan3A_677 = arith.constant 1 : i32
        %scan3A_678 = scf.for %scan3A_681 = %scan3A_674 to %scan3A_676 step %scan3A_677 iter_args(%scan3A_682 = %scan3A_673) -> (i32)  : i32 {
          %mul3A_683 = arith.constant 128 : i32
          %mul3A_684 = arith.muli %while3A_671, %mul3A_683 : i32
          %mul3A_685 = arith.constant 16 : i32
          %mul3A_686 = arith.muli %scan3A_681, %mul3A_685 : i32
          %add3A_687 = arith.addi %mul3A_684, %mul3A_686 : i32
          %add3A_688 = vector.broadcast %add3A_687 : i32 to vector<16xi32>
          %add3A_689 = arith.addi %add3A_688, %iota3A : vector<16xi32>
          %lt3A = vector.broadcast %while3A_126 : i32 to vector<16xi32>
          %lt3A_690 = arith.cmpi slt, %add3A_689, %lt3A : vector<16xi32>
          %get3A = arith.index_cast %add3A_687 : i32 to index
          %get3A_691 = tpu.vector_load %arg16[%get3A] {strides = array<i32>} : memref<8160xi32, #tpu.memory_space<vmem>>, vector<16xi32>,
          %get3A_692 = arith.index_cast %add3A_687 : i32 to index
          %get3A_693 = tpu.vector_load %arg17[%get3A_692] {strides = array<i32>} : memref<8160xf32, #tpu.memory_space<vmem>>, vector<16xf32>,
          %jit3A_694 = arith.constant 1000000 : i32
          %broadcast_in_dim3A_695 = vector.broadcast %jit3A_694 : i32 to vector<16xi32>
          %select_n3A_696 = arith.select %lt3A_690, %get3A_691, %broadcast_in_dim3A_695 : vector<16xi1>, vector<16xi32>
          %mul3A_697 = arith.constant 16 : i32
          %mul3A_698 = arith.muli %scan3A_681, %mul3A_697 : i32
          %swap3A_699 = arith.index_cast %mul3A_698 : i32 to index
          %swap3A_700 = tpu.vector_load %arg18[%swap3A_699] {strides = array<i32>} : memref<128xi32, #tpu.memory_space<vmem>>, vector<16xi32>,
          tpu.vector_store %arg18[%swap3A_699], %select_n3A_696 {strides = array<i32>} : memref<128xi32, #tpu.memory_space<vmem>>, vector<16xi32>,
          %mul3A_701 = arith.constant -1.000000e+00 : f32
          %mul3A_702 = vector.broadcast %mul3A_701 : f32 to vector<16xf32>
          %mul3A_703 = arith.mulf %mul3A_702, %get3A_693 : vector<16xf32>
          %jit3A_704 = arith.constant 0.000000e+00 : f32
          %broadcast_in_dim3A_705 = vector.broadcast %jit3A_704 : f32 to vector<16xf32>
          %select_n3A_706 = arith.select %lt3A_690, %mul3A_703, %broadcast_in_dim3A_705 : vector<16xi1>, vector<16xf32>
          %mul3A_707 = arith.constant 16 : i32
          %mul3A_708 = arith.muli %scan3A_681, %mul3A_707 : i32
          %swap3A_709 = arith.index_cast %mul3A_708 : i32 to index
          %swap3A_710 = tpu.vector_load %arg19[%swap3A_709] {strides = array<i32>} : memref<128xf32, #tpu.memory_space<vmem>>, vector<16xf32>,
          tpu.vector_store %arg19[%swap3A_709], %select_n3A_706 {strides = array<i32>} : memref<128xf32, #tpu.memory_space<vmem>>, vector<16xf32>,
          %scan3A_711 = arith.constant 0 : i32
          scf.yield %scan3A_711 : i32
        }
        %scan3A_679 = arith.constant 8 : i32
        "tpu.region"() ({
          %run_scoped3A = tpu.sem_alloc : memref<!tpu.dma_semaphore, #tpu.memory_space<semaphore_mem>>
          %dma_start3A_681 = arith.constant 0 : i32
          %dma_start3A_682 = tpu.memref_slice %arg7[%dma_start3A_681] : memref<1000008xf32, #tpu.memory_space<vmem_shared>> -> memref<1000008xf32, #tpu.memory_space<vmem_shared>>
          tpu.enqueue_indirect_dma source(%arg19 : memref<128xf32, #tpu.memory_space<vmem>>) target(%dma_start3A_682 : memref<1000008xf32, #tpu.memory_space<vmem_shared>>) offsets(%arg18 : memref<128xi32, #tpu.memory_space<vmem>>) semaphore(%run_scoped3A : memref<!tpu.dma_semaphore, #tpu.memory_space<semaphore_mem>>) {add = true}
          %dma_wait3A_683 = arith.constant 0 : i32
          %dma_wait3A_684 = tpu.memref_slice %arg7[%dma_wait3A_683] : memref<1000008xf32, #tpu.memory_space<vmem_shared>> -> memref<1000008xf32, #tpu.memory_space<vmem_shared>>
          tpu.wait_indirect_dma semaphore(%run_scoped3A : memref<!tpu.dma_semaphore, #tpu.memory_space<semaphore_mem>>) src(%arg19 : memref<128xf32, #tpu.memory_space<vmem>>) dst(%dma_wait3A_684 : memref<1000008xf32, #tpu.memory_space<vmem_shared>>)
          tpu.yield
        }) : () -> ()
        %while3A_680 = arith.constant 0 : i32
        scf.yield %while3A_680 : i32
      }
      %scan3A_670 = arith.constant 0 : i32
      scf.yield %scan3A_670 : i32
    }
    %scan3A_86 = arith.constant 50 : i32
    return
  }
}

#map = affine_map<(d0, d1) -> (0)>
#map1 = affine_map<(d0, d1) -> (0, 0)>
module attributes {stable_mosaic.version = 14 : i64} {
  func.func @body(%arg0: i32, %arg1: i32, %arg2: memref<160000xi32, #tpu.memory_space<hbm>>, %arg3: memref<160000xi32, #tpu.memory_space<hbm>>, %arg4: memref<160000xf32, #tpu.memory_space<hbm>>, %arg5: memref<10000x128xf32, #tpu.memory_space<hbm>>, %arg6: memref<10112x128xf32, #tpu.memory_space<hbm>>, %arg7: memref<10112x128xf32, #tpu.memory_space<hbm>>, %arg8: memref<10112x128xf32, #tpu.memory_space<vmem_shared>>, %arg9: memref<5072xi32, #tpu.memory_space<vmem>>, %arg10: memref<5072xi32, #tpu.memory_space<vmem>>, %arg11: memref<5072xf32, #tpu.memory_space<vmem>>, %arg12: memref<64x128xf32, #tpu.memory_space<vmem>>, %arg13: memref<64xi32, #tpu.memory_space<vmem>>, %arg14: memref<32x128xf32, #tpu.memory_space<vmem>>, %arg15: memref<!tpu.dma_semaphore, #tpu.memory_space<semaphore_mem>>) attributes {dimension_semantics = [#tpu.dimension_semantics<core_parallel>, #tpu.dimension_semantics<subcore_parallel>], iteration_bounds = array<i64: 2, 16>, scalar_prefetch = 0 : i64, scratch_operands = 8 : i64, tpu.core_type = #tpu.core_type<sc_vector_subcore>, window_params = [{transform_indices = #map}, {transform_indices = #map}, {transform_indices = #map}, {transform_indices = #map1}, {transform_indices = #map1}, {transform_indices = #map1}]} {
    %mul3A = arith.constant 2 : i32
    %mul3A_0 = arith.muli %arg1, %mul3A : i32
    %add3A = arith.addi %mul3A_0, %arg0 : i32
    %scan3A = arith.constant 0 : i32
    %scan3A_1 = arith.constant 0 : i32
    %scan3A_2 = arith.constant 32 : i32
    %scan3A_3 = arith.addi %scan3A_1, %scan3A_2 : i32
    %scan3A_4 = arith.constant 1 : i32
    %scan3A_5 = scf.for %scan3A_114 = %scan3A_1 to %scan3A_3 step %scan3A_4 iter_args(%scan3A_115 = %scan3A) -> (i32)  : i32 {
      %broadcast_in_dim3A_116 = arith.constant 0.000000e+00 : f32
      %broadcast_in_dim3A_117 = vector.broadcast %broadcast_in_dim3A_116 : f32 to vector<16xf32>
      %swap3A_118 = arith.constant 0 : i32
      %swap3A_119 = tpu.memref_slice %arg14[%scan3A_114, %swap3A_118] : memref<32x128xf32, #tpu.memory_space<vmem>> -> memref<1x128xf32, #tpu.memory_space<vmem>>
      %swap3A_120 = tpu.memref_squeeze %swap3A_119 : memref<1x128xf32, #tpu.memory_space<vmem>> -> memref<128xf32, #tpu.memory_space<vmem>>
      %swap3A_121 = arith.constant 0 : index
      %swap3A_122 = tpu.vector_load %swap3A_120[%swap3A_121] {strides = array<i32>} : memref<128xf32, #tpu.memory_space<vmem>>, vector<16xf32>,
      tpu.vector_store %swap3A_120[%swap3A_121], %broadcast_in_dim3A_117 {strides = array<i32>} : memref<128xf32, #tpu.memory_space<vmem>>, vector<16xf32>,
      %broadcast_in_dim3A_123 = arith.constant 0.000000e+00 : f32
      %broadcast_in_dim3A_124 = vector.broadcast %broadcast_in_dim3A_123 : f32 to vector<16xf32>
      %swap3A_125 = arith.constant 0 : i32
      %swap3A_126 = tpu.memref_slice %arg14[%scan3A_114, %swap3A_125] : memref<32x128xf32, #tpu.memory_space<vmem>> -> memref<1x128xf32, #tpu.memory_space<vmem>>
      %swap3A_127 = tpu.memref_squeeze %swap3A_126 : memref<1x128xf32, #tpu.memory_space<vmem>> -> memref<128xf32, #tpu.memory_space<vmem>>
      %swap3A_128 = arith.constant 16 : index
      %swap3A_129 = tpu.vector_load %swap3A_127[%swap3A_128] {strides = array<i32>} : memref<128xf32, #tpu.memory_space<vmem>>, vector<16xf32>,
      tpu.vector_store %swap3A_127[%swap3A_128], %broadcast_in_dim3A_124 {strides = array<i32>} : memref<128xf32, #tpu.memory_space<vmem>>, vector<16xf32>,
      %broadcast_in_dim3A_130 = arith.constant 0.000000e+00 : f32
      %broadcast_in_dim3A_131 = vector.broadcast %broadcast_in_dim3A_130 : f32 to vector<16xf32>
      %swap3A_132 = arith.constant 0 : i32
      %swap3A_133 = tpu.memref_slice %arg14[%scan3A_114, %swap3A_132] : memref<32x128xf32, #tpu.memory_space<vmem>> -> memref<1x128xf32, #tpu.memory_space<vmem>>
      %swap3A_134 = tpu.memref_squeeze %swap3A_133 : memref<1x128xf32, #tpu.memory_space<vmem>> -> memref<128xf32, #tpu.memory_space<vmem>>
      %swap3A_135 = arith.constant 32 : index
      %swap3A_136 = tpu.vector_load %swap3A_134[%swap3A_135] {strides = array<i32>} : memref<128xf32, #tpu.memory_space<vmem>>, vector<16xf32>,
      tpu.vector_store %swap3A_134[%swap3A_135], %broadcast_in_dim3A_131 {strides = array<i32>} : memref<128xf32, #tpu.memory_space<vmem>>, vector<16xf32>,
      %broadcast_in_dim3A_137 = arith.constant 0.000000e+00 : f32
      %broadcast_in_dim3A_138 = vector.broadcast %broadcast_in_dim3A_137 : f32 to vector<16xf32>
      %swap3A_139 = arith.constant 0 : i32
      %swap3A_140 = tpu.memref_slice %arg14[%scan3A_114, %swap3A_139] : memref<32x128xf32, #tpu.memory_space<vmem>> -> memref<1x128xf32, #tpu.memory_space<vmem>>
      %swap3A_141 = tpu.memref_squeeze %swap3A_140 : memref<1x128xf32, #tpu.memory_space<vmem>> -> memref<128xf32, #tpu.memory_space<vmem>>
      %swap3A_142 = arith.constant 48 : index
      %swap3A_143 = tpu.vector_load %swap3A_141[%swap3A_142] {strides = array<i32>} : memref<128xf32, #tpu.memory_space<vmem>>, vector<16xf32>,
      tpu.vector_store %swap3A_141[%swap3A_142], %broadcast_in_dim3A_138 {strides = array<i32>} : memref<128xf32, #tpu.memory_space<vmem>>, vector<16xf32>,
      %broadcast_in_dim3A_144 = arith.constant 0.000000e+00 : f32
      %broadcast_in_dim3A_145 = vector.broadcast %broadcast_in_dim3A_144 : f32 to vector<16xf32>
      %swap3A_146 = arith.constant 0 : i32
      %swap3A_147 = tpu.memref_slice %arg14[%scan3A_114, %swap3A_146] : memref<32x128xf32, #tpu.memory_space<vmem>> -> memref<1x128xf32, #tpu.memory_space<vmem>>
      %swap3A_148 = tpu.memref_squeeze %swap3A_147 : memref<1x128xf32, #tpu.memory_space<vmem>> -> memref<128xf32, #tpu.memory_space<vmem>>
      %swap3A_149 = arith.constant 64 : index
      %swap3A_150 = tpu.vector_load %swap3A_148[%swap3A_149] {strides = array<i32>} : memref<128xf32, #tpu.memory_space<vmem>>, vector<16xf32>,
      tpu.vector_store %swap3A_148[%swap3A_149], %broadcast_in_dim3A_145 {strides = array<i32>} : memref<128xf32, #tpu.memory_space<vmem>>, vector<16xf32>,
      %broadcast_in_dim3A_151 = arith.constant 0.000000e+00 : f32
      %broadcast_in_dim3A_152 = vector.broadcast %broadcast_in_dim3A_151 : f32 to vector<16xf32>
      %swap3A_153 = arith.constant 0 : i32
      %swap3A_154 = tpu.memref_slice %arg14[%scan3A_114, %swap3A_153] : memref<32x128xf32, #tpu.memory_space<vmem>> -> memref<1x128xf32, #tpu.memory_space<vmem>>
      %swap3A_155 = tpu.memref_squeeze %swap3A_154 : memref<1x128xf32, #tpu.memory_space<vmem>> -> memref<128xf32, #tpu.memory_space<vmem>>
      %swap3A_156 = arith.constant 80 : index
      %swap3A_157 = tpu.vector_load %swap3A_155[%swap3A_156] {strides = array<i32>} : memref<128xf32, #tpu.memory_space<vmem>>, vector<16xf32>,
      tpu.vector_store %swap3A_155[%swap3A_156], %broadcast_in_dim3A_152 {strides = array<i32>} : memref<128xf32, #tpu.memory_space<vmem>>, vector<16xf32>,
      %broadcast_in_dim3A_158 = arith.constant 0.000000e+00 : f32
      %broadcast_in_dim3A_159 = vector.broadcast %broadcast_in_dim3A_158 : f32 to vector<16xf32>
      %swap3A_160 = arith.constant 0 : i32
      %swap3A_161 = tpu.memref_slice %arg14[%scan3A_114, %swap3A_160] : memref<32x128xf32, #tpu.memory_space<vmem>> -> memref<1x128xf32, #tpu.memory_space<vmem>>
      %swap3A_162 = tpu.memref_squeeze %swap3A_161 : memref<1x128xf32, #tpu.memory_space<vmem>> -> memref<128xf32, #tpu.memory_space<vmem>>
      %swap3A_163 = arith.constant 96 : index
      %swap3A_164 = tpu.vector_load %swap3A_162[%swap3A_163] {strides = array<i32>} : memref<128xf32, #tpu.memory_space<vmem>>, vector<16xf32>,
      tpu.vector_store %swap3A_162[%swap3A_163], %broadcast_in_dim3A_159 {strides = array<i32>} : memref<128xf32, #tpu.memory_space<vmem>>, vector<16xf32>,
      %broadcast_in_dim3A_165 = arith.constant 0.000000e+00 : f32
      %broadcast_in_dim3A_166 = vector.broadcast %broadcast_in_dim3A_165 : f32 to vector<16xf32>
      %swap3A_167 = arith.constant 0 : i32
      %swap3A_168 = tpu.memref_slice %arg14[%scan3A_114, %swap3A_167] : memref<32x128xf32, #tpu.memory_space<vmem>> -> memref<1x128xf32, #tpu.memory_space<vmem>>
      %swap3A_169 = tpu.memref_squeeze %swap3A_168 : memref<1x128xf32, #tpu.memory_space<vmem>> -> memref<128xf32, #tpu.memory_space<vmem>>
      %swap3A_170 = arith.constant 112 : index
      %swap3A_171 = tpu.vector_load %swap3A_169[%swap3A_170] {strides = array<i32>} : memref<128xf32, #tpu.memory_space<vmem>>, vector<16xf32>,
      tpu.vector_store %swap3A_169[%swap3A_170], %broadcast_in_dim3A_166 {strides = array<i32>} : memref<128xf32, #tpu.memory_space<vmem>>, vector<16xf32>,
      %scan3A_172 = arith.constant 0 : i32
      scf.yield %scan3A_172 : i32
    }
    %scan3A_6 = arith.constant 32 : i32
    %mul3A_7 = arith.constant 632 : i32
    %mul3A_8 = arith.muli %arg1, %mul3A_7 : i32
    %multiple_of3A = tpu.assume_multiple %mul3A_8, 8 : i32
    %add3A_9 = arith.constant 0 : i32
    %add3A_10 = arith.addi %multiple_of3A, %add3A_9 : i32
    "tpu.region"() ({
      %run_scoped3A = tpu.sem_alloc : memref<!tpu.dma_semaphore, #tpu.memory_space<semaphore_mem>>
      %dma_start3A = arith.constant 0 : i32
      %dma_start3A_114 = tpu.memref_slice %arg8[%add3A_10, %dma_start3A] : memref<10112x128xf32, #tpu.memory_space<vmem_shared>> -> memref<32x128xf32, #tpu.memory_space<vmem_shared>>
      %dma_start3A_115 = arith.constant 0 : i32
      %dma_start3A_116 = tpu.memref_slice %arg8[%add3A_10, %dma_start3A_115] : memref<10112x128xf32, #tpu.memory_space<vmem_shared>> -> memref<32x128xf32, #tpu.memory_space<vmem_shared>>
      tpu.enqueue_dma source(%arg14 : memref<32x128xf32, #tpu.memory_space<vmem>>) target(%dma_start3A_116 : memref<32x128xf32, #tpu.memory_space<vmem_shared>>) target_semaphore(%run_scoped3A : memref<!tpu.dma_semaphore, #tpu.memory_space<semaphore_mem>>)
      %dma_wait3A = arith.constant 0 : i32
      %dma_wait3A_117 = tpu.memref_slice %arg8[%add3A_10, %dma_wait3A] : memref<10112x128xf32, #tpu.memory_space<vmem_shared>> -> memref<32x128xf32, #tpu.memory_space<vmem_shared>>
      %dma_wait3A_118 = arith.constant 0 : i32
      %dma_wait3A_119 = tpu.memref_slice %arg8[%add3A_10, %dma_wait3A_118] : memref<10112x128xf32, #tpu.memory_space<vmem_shared>> -> memref<32x128xf32, #tpu.memory_space<vmem_shared>>
      tpu.wait_dma2 semaphore(%run_scoped3A : memref<!tpu.dma_semaphore, #tpu.memory_space<semaphore_mem>>) src(%arg14 : memref<32x128xf32, #tpu.memory_space<vmem>>) dst(%dma_wait3A_119 : memref<32x128xf32, #tpu.memory_space<vmem_shared>>)
      tpu.yield
    }) : () -> ()
    %add3A_11 = arith.constant 32 : i32
    %add3A_12 = arith.addi %multiple_of3A, %add3A_11 : i32
    "tpu.region"() ({
      %run_scoped3A = tpu.sem_alloc : memref<!tpu.dma_semaphore, #tpu.memory_space<semaphore_mem>>
      %dma_start3A = arith.constant 0 : i32
      %dma_start3A_114 = tpu.memref_slice %arg8[%add3A_12, %dma_start3A] : memref<10112x128xf32, #tpu.memory_space<vmem_shared>> -> memref<32x128xf32, #tpu.memory_space<vmem_shared>>
      %dma_start3A_115 = arith.constant 0 : i32
      %dma_start3A_116 = tpu.memref_slice %arg8[%add3A_12, %dma_start3A_115] : memref<10112x128xf32, #tpu.memory_space<vmem_shared>> -> memref<32x128xf32, #tpu.memory_space<vmem_shared>>
      tpu.enqueue_dma source(%arg14 : memref<32x128xf32, #tpu.memory_space<vmem>>) target(%dma_start3A_116 : memref<32x128xf32, #tpu.memory_space<vmem_shared>>) target_semaphore(%run_scoped3A : memref<!tpu.dma_semaphore, #tpu.memory_space<semaphore_mem>>)
      %dma_wait3A = arith.constant 0 : i32
      %dma_wait3A_117 = tpu.memref_slice %arg8[%add3A_12, %dma_wait3A] : memref<10112x128xf32, #tpu.memory_space<vmem_shared>> -> memref<32x128xf32, #tpu.memory_space<vmem_shared>>
      %dma_wait3A_118 = arith.constant 0 : i32
      %dma_wait3A_119 = tpu.memref_slice %arg8[%add3A_12, %dma_wait3A_118] : memref<10112x128xf32, #tpu.memory_space<vmem_shared>> -> memref<32x128xf32, #tpu.memory_space<vmem_shared>>
      tpu.wait_dma2 semaphore(%run_scoped3A : memref<!tpu.dma_semaphore, #tpu.memory_space<semaphore_mem>>) src(%arg14 : memref<32x128xf32, #tpu.memory_space<vmem>>) dst(%dma_wait3A_119 : memref<32x128xf32, #tpu.memory_space<vmem_shared>>)
      tpu.yield
    }) : () -> ()
    %add3A_13 = arith.constant 64 : i32
    %add3A_14 = arith.addi %multiple_of3A, %add3A_13 : i32
    "tpu.region"() ({
      %run_scoped3A = tpu.sem_alloc : memref<!tpu.dma_semaphore, #tpu.memory_space<semaphore_mem>>
      %dma_start3A = arith.constant 0 : i32
      %dma_start3A_114 = tpu.memref_slice %arg8[%add3A_14, %dma_start3A] : memref<10112x128xf32, #tpu.memory_space<vmem_shared>> -> memref<32x128xf32, #tpu.memory_space<vmem_shared>>
      %dma_start3A_115 = arith.constant 0 : i32
      %dma_start3A_116 = tpu.memref_slice %arg8[%add3A_14, %dma_start3A_115] : memref<10112x128xf32, #tpu.memory_space<vmem_shared>> -> memref<32x128xf32, #tpu.memory_space<vmem_shared>>
      tpu.enqueue_dma source(%arg14 : memref<32x128xf32, #tpu.memory_space<vmem>>) target(%dma_start3A_116 : memref<32x128xf32, #tpu.memory_space<vmem_shared>>) target_semaphore(%run_scoped3A : memref<!tpu.dma_semaphore, #tpu.memory_space<semaphore_mem>>)
      %dma_wait3A = arith.constant 0 : i32
      %dma_wait3A_117 = tpu.memref_slice %arg8[%add3A_14, %dma_wait3A] : memref<10112x128xf32, #tpu.memory_space<vmem_shared>> -> memref<32x128xf32, #tpu.memory_space<vmem_shared>>
      %dma_wait3A_118 = arith.constant 0 : i32
      %dma_wait3A_119 = tpu.memref_slice %arg8[%add3A_14, %dma_wait3A_118] : memref<10112x128xf32, #tpu.memory_space<vmem_shared>> -> memref<32x128xf32, #tpu.memory_space<vmem_shared>>
      tpu.wait_dma2 semaphore(%run_scoped3A : memref<!tpu.dma_semaphore, #tpu.memory_space<semaphore_mem>>) src(%arg14 : memref<32x128xf32, #tpu.memory_space<vmem>>) dst(%dma_wait3A_119 : memref<32x128xf32, #tpu.memory_space<vmem_shared>>)
      tpu.yield
    }) : () -> ()
    %add3A_15 = arith.constant 96 : i32
    %add3A_16 = arith.addi %multiple_of3A, %add3A_15 : i32
    "tpu.region"() ({
      %run_scoped3A = tpu.sem_alloc : memref<!tpu.dma_semaphore, #tpu.memory_space<semaphore_mem>>
      %dma_start3A = arith.constant 0 : i32
      %dma_start3A_114 = tpu.memref_slice %arg8[%add3A_16, %dma_start3A] : memref<10112x128xf32, #tpu.memory_space<vmem_shared>> -> memref<32x128xf32, #tpu.memory_space<vmem_shared>>
      %dma_start3A_115 = arith.constant 0 : i32
      %dma_start3A_116 = tpu.memref_slice %arg8[%add3A_16, %dma_start3A_115] : memref<10112x128xf32, #tpu.memory_space<vmem_shared>> -> memref<32x128xf32, #tpu.memory_space<vmem_shared>>
      tpu.enqueue_dma source(%arg14 : memref<32x128xf32, #tpu.memory_space<vmem>>) target(%dma_start3A_116 : memref<32x128xf32, #tpu.memory_space<vmem_shared>>) target_semaphore(%run_scoped3A : memref<!tpu.dma_semaphore, #tpu.memory_space<semaphore_mem>>)
      %dma_wait3A = arith.constant 0 : i32
      %dma_wait3A_117 = tpu.memref_slice %arg8[%add3A_16, %dma_wait3A] : memref<10112x128xf32, #tpu.memory_space<vmem_shared>> -> memref<32x128xf32, #tpu.memory_space<vmem_shared>>
      %dma_wait3A_118 = arith.constant 0 : i32
      %dma_wait3A_119 = tpu.memref_slice %arg8[%add3A_16, %dma_wait3A_118] : memref<10112x128xf32, #tpu.memory_space<vmem_shared>> -> memref<32x128xf32, #tpu.memory_space<vmem_shared>>
      tpu.wait_dma2 semaphore(%run_scoped3A : memref<!tpu.dma_semaphore, #tpu.memory_space<semaphore_mem>>) src(%arg14 : memref<32x128xf32, #tpu.memory_space<vmem>>) dst(%dma_wait3A_119 : memref<32x128xf32, #tpu.memory_space<vmem_shared>>)
      tpu.yield
    }) : () -> ()
    %add3A_17 = arith.constant 128 : i32
    %add3A_18 = arith.addi %multiple_of3A, %add3A_17 : i32
    "tpu.region"() ({
      %run_scoped3A = tpu.sem_alloc : memref<!tpu.dma_semaphore, #tpu.memory_space<semaphore_mem>>
      %dma_start3A = arith.constant 0 : i32
      %dma_start3A_114 = tpu.memref_slice %arg8[%add3A_18, %dma_start3A] : memref<10112x128xf32, #tpu.memory_space<vmem_shared>> -> memref<32x128xf32, #tpu.memory_space<vmem_shared>>
      %dma_start3A_115 = arith.constant 0 : i32
      %dma_start3A_116 = tpu.memref_slice %arg8[%add3A_18, %dma_start3A_115] : memref<10112x128xf32, #tpu.memory_space<vmem_shared>> -> memref<32x128xf32, #tpu.memory_space<vmem_shared>>
      tpu.enqueue_dma source(%arg14 : memref<32x128xf32, #tpu.memory_space<vmem>>) target(%dma_start3A_116 : memref<32x128xf32, #tpu.memory_space<vmem_shared>>) target_semaphore(%run_scoped3A : memref<!tpu.dma_semaphore, #tpu.memory_space<semaphore_mem>>)
      %dma_wait3A = arith.constant 0 : i32
      %dma_wait3A_117 = tpu.memref_slice %arg8[%add3A_18, %dma_wait3A] : memref<10112x128xf32, #tpu.memory_space<vmem_shared>> -> memref<32x128xf32, #tpu.memory_space<vmem_shared>>
      %dma_wait3A_118 = arith.constant 0 : i32
      %dma_wait3A_119 = tpu.memref_slice %arg8[%add3A_18, %dma_wait3A_118] : memref<10112x128xf32, #tpu.memory_space<vmem_shared>> -> memref<32x128xf32, #tpu.memory_space<vmem_shared>>
      tpu.wait_dma2 semaphore(%run_scoped3A : memref<!tpu.dma_semaphore, #tpu.memory_space<semaphore_mem>>) src(%arg14 : memref<32x128xf32, #tpu.memory_space<vmem>>) dst(%dma_wait3A_119 : memref<32x128xf32, #tpu.memory_space<vmem_shared>>)
      tpu.yield
    }) : () -> ()
    %add3A_19 = arith.constant 160 : i32
    %add3A_20 = arith.addi %multiple_of3A, %add3A_19 : i32
    "tpu.region"() ({
      %run_scoped3A = tpu.sem_alloc : memref<!tpu.dma_semaphore, #tpu.memory_space<semaphore_mem>>
      %dma_start3A = arith.constant 0 : i32
      %dma_start3A_114 = tpu.memref_slice %arg8[%add3A_20, %dma_start3A] : memref<10112x128xf32, #tpu.memory_space<vmem_shared>> -> memref<32x128xf32, #tpu.memory_space<vmem_shared>>
      %dma_start3A_115 = arith.constant 0 : i32
      %dma_start3A_116 = tpu.memref_slice %arg8[%add3A_20, %dma_start3A_115] : memref<10112x128xf32, #tpu.memory_space<vmem_shared>> -> memref<32x128xf32, #tpu.memory_space<vmem_shared>>
      tpu.enqueue_dma source(%arg14 : memref<32x128xf32, #tpu.memory_space<vmem>>) target(%dma_start3A_116 : memref<32x128xf32, #tpu.memory_space<vmem_shared>>) target_semaphore(%run_scoped3A : memref<!tpu.dma_semaphore, #tpu.memory_space<semaphore_mem>>)
      %dma_wait3A = arith.constant 0 : i32
      %dma_wait3A_117 = tpu.memref_slice %arg8[%add3A_20, %dma_wait3A] : memref<10112x128xf32, #tpu.memory_space<vmem_shared>> -> memref<32x128xf32, #tpu.memory_space<vmem_shared>>
      %dma_wait3A_118 = arith.constant 0 : i32
      %dma_wait3A_119 = tpu.memref_slice %arg8[%add3A_20, %dma_wait3A_118] : memref<10112x128xf32, #tpu.memory_space<vmem_shared>> -> memref<32x128xf32, #tpu.memory_space<vmem_shared>>
      tpu.wait_dma2 semaphore(%run_scoped3A : memref<!tpu.dma_semaphore, #tpu.memory_space<semaphore_mem>>) src(%arg14 : memref<32x128xf32, #tpu.memory_space<vmem>>) dst(%dma_wait3A_119 : memref<32x128xf32, #tpu.memory_space<vmem_shared>>)
      tpu.yield
    }) : () -> ()
    %add3A_21 = arith.constant 192 : i32
    %add3A_22 = arith.addi %multiple_of3A, %add3A_21 : i32
    "tpu.region"() ({
      %run_scoped3A = tpu.sem_alloc : memref<!tpu.dma_semaphore, #tpu.memory_space<semaphore_mem>>
      %dma_start3A = arith.constant 0 : i32
      %dma_start3A_114 = tpu.memref_slice %arg8[%add3A_22, %dma_start3A] : memref<10112x128xf32, #tpu.memory_space<vmem_shared>> -> memref<32x128xf32, #tpu.memory_space<vmem_shared>>
      %dma_start3A_115 = arith.constant 0 : i32
      %dma_start3A_116 = tpu.memref_slice %arg8[%add3A_22, %dma_start3A_115] : memref<10112x128xf32, #tpu.memory_space<vmem_shared>> -> memref<32x128xf32, #tpu.memory_space<vmem_shared>>
      tpu.enqueue_dma source(%arg14 : memref<32x128xf32, #tpu.memory_space<vmem>>) target(%dma_start3A_116 : memref<32x128xf32, #tpu.memory_space<vmem_shared>>) target_semaphore(%run_scoped3A : memref<!tpu.dma_semaphore, #tpu.memory_space<semaphore_mem>>)
      %dma_wait3A = arith.constant 0 : i32
      %dma_wait3A_117 = tpu.memref_slice %arg8[%add3A_22, %dma_wait3A] : memref<10112x128xf32, #tpu.memory_space<vmem_shared>> -> memref<32x128xf32, #tpu.memory_space<vmem_shared>>
      %dma_wait3A_118 = arith.constant 0 : i32
      %dma_wait3A_119 = tpu.memref_slice %arg8[%add3A_22, %dma_wait3A_118] : memref<10112x128xf32, #tpu.memory_space<vmem_shared>> -> memref<32x128xf32, #tpu.memory_space<vmem_shared>>
      tpu.wait_dma2 semaphore(%run_scoped3A : memref<!tpu.dma_semaphore, #tpu.memory_space<semaphore_mem>>) src(%arg14 : memref<32x128xf32, #tpu.memory_space<vmem>>) dst(%dma_wait3A_119 : memref<32x128xf32, #tpu.memory_space<vmem_shared>>)
      tpu.yield
    }) : () -> ()
    %add3A_23 = arith.constant 224 : i32
    %add3A_24 = arith.addi %multiple_of3A, %add3A_23 : i32
    "tpu.region"() ({
      %run_scoped3A = tpu.sem_alloc : memref<!tpu.dma_semaphore, #tpu.memory_space<semaphore_mem>>
      %dma_start3A = arith.constant 0 : i32
      %dma_start3A_114 = tpu.memref_slice %arg8[%add3A_24, %dma_start3A] : memref<10112x128xf32, #tpu.memory_space<vmem_shared>> -> memref<32x128xf32, #tpu.memory_space<vmem_shared>>
      %dma_start3A_115 = arith.constant 0 : i32
      %dma_start3A_116 = tpu.memref_slice %arg8[%add3A_24, %dma_start3A_115] : memref<10112x128xf32, #tpu.memory_space<vmem_shared>> -> memref<32x128xf32, #tpu.memory_space<vmem_shared>>
      tpu.enqueue_dma source(%arg14 : memref<32x128xf32, #tpu.memory_space<vmem>>) target(%dma_start3A_116 : memref<32x128xf32, #tpu.memory_space<vmem_shared>>) target_semaphore(%run_scoped3A : memref<!tpu.dma_semaphore, #tpu.memory_space<semaphore_mem>>)
      %dma_wait3A = arith.constant 0 : i32
      %dma_wait3A_117 = tpu.memref_slice %arg8[%add3A_24, %dma_wait3A] : memref<10112x128xf32, #tpu.memory_space<vmem_shared>> -> memref<32x128xf32, #tpu.memory_space<vmem_shared>>
      %dma_wait3A_118 = arith.constant 0 : i32
      %dma_wait3A_119 = tpu.memref_slice %arg8[%add3A_24, %dma_wait3A_118] : memref<10112x128xf32, #tpu.memory_space<vmem_shared>> -> memref<32x128xf32, #tpu.memory_space<vmem_shared>>
      tpu.wait_dma2 semaphore(%run_scoped3A : memref<!tpu.dma_semaphore, #tpu.memory_space<semaphore_mem>>) src(%arg14 : memref<32x128xf32, #tpu.memory_space<vmem>>) dst(%dma_wait3A_119 : memref<32x128xf32, #tpu.memory_space<vmem_shared>>)
      tpu.yield
    }) : () -> ()
    %add3A_25 = arith.constant 256 : i32
    %add3A_26 = arith.addi %multiple_of3A, %add3A_25 : i32
    "tpu.region"() ({
      %run_scoped3A = tpu.sem_alloc : memref<!tpu.dma_semaphore, #tpu.memory_space<semaphore_mem>>
      %dma_start3A = arith.constant 0 : i32
      %dma_start3A_114 = tpu.memref_slice %arg8[%add3A_26, %dma_start3A] : memref<10112x128xf32, #tpu.memory_space<vmem_shared>> -> memref<32x128xf32, #tpu.memory_space<vmem_shared>>
      %dma_start3A_115 = arith.constant 0 : i32
      %dma_start3A_116 = tpu.memref_slice %arg8[%add3A_26, %dma_start3A_115] : memref<10112x128xf32, #tpu.memory_space<vmem_shared>> -> memref<32x128xf32, #tpu.memory_space<vmem_shared>>
      tpu.enqueue_dma source(%arg14 : memref<32x128xf32, #tpu.memory_space<vmem>>) target(%dma_start3A_116 : memref<32x128xf32, #tpu.memory_space<vmem_shared>>) target_semaphore(%run_scoped3A : memref<!tpu.dma_semaphore, #tpu.memory_space<semaphore_mem>>)
      %dma_wait3A = arith.constant 0 : i32
      %dma_wait3A_117 = tpu.memref_slice %arg8[%add3A_26, %dma_wait3A] : memref<10112x128xf32, #tpu.memory_space<vmem_shared>> -> memref<32x128xf32, #tpu.memory_space<vmem_shared>>
      %dma_wait3A_118 = arith.constant 0 : i32
      %dma_wait3A_119 = tpu.memref_slice %arg8[%add3A_26, %dma_wait3A_118] : memref<10112x128xf32, #tpu.memory_space<vmem_shared>> -> memref<32x128xf32, #tpu.memory_space<vmem_shared>>
      tpu.wait_dma2 semaphore(%run_scoped3A : memref<!tpu.dma_semaphore, #tpu.memory_space<semaphore_mem>>) src(%arg14 : memref<32x128xf32, #tpu.memory_space<vmem>>) dst(%dma_wait3A_119 : memref<32x128xf32, #tpu.memory_space<vmem_shared>>)
      tpu.yield
    }) : () -> ()
    %add3A_27 = arith.constant 288 : i32
    %add3A_28 = arith.addi %multiple_of3A, %add3A_27 : i32
    "tpu.region"() ({
      %run_scoped3A = tpu.sem_alloc : memref<!tpu.dma_semaphore, #tpu.memory_space<semaphore_mem>>
      %dma_start3A = arith.constant 0 : i32
      %dma_start3A_114 = tpu.memref_slice %arg8[%add3A_28, %dma_start3A] : memref<10112x128xf32, #tpu.memory_space<vmem_shared>> -> memref<32x128xf32, #tpu.memory_space<vmem_shared>>
      %dma_start3A_115 = arith.constant 0 : i32
      %dma_start3A_116 = tpu.memref_slice %arg8[%add3A_28, %dma_start3A_115] : memref<10112x128xf32, #tpu.memory_space<vmem_shared>> -> memref<32x128xf32, #tpu.memory_space<vmem_shared>>
      tpu.enqueue_dma source(%arg14 : memref<32x128xf32, #tpu.memory_space<vmem>>) target(%dma_start3A_116 : memref<32x128xf32, #tpu.memory_space<vmem_shared>>) target_semaphore(%run_scoped3A : memref<!tpu.dma_semaphore, #tpu.memory_space<semaphore_mem>>)
      %dma_wait3A = arith.constant 0 : i32
      %dma_wait3A_117 = tpu.memref_slice %arg8[%add3A_28, %dma_wait3A] : memref<10112x128xf32, #tpu.memory_space<vmem_shared>> -> memref<32x128xf32, #tpu.memory_space<vmem_shared>>
      %dma_wait3A_118 = arith.constant 0 : i32
      %dma_wait3A_119 = tpu.memref_slice %arg8[%add3A_28, %dma_wait3A_118] : memref<10112x128xf32, #tpu.memory_space<vmem_shared>> -> memref<32x128xf32, #tpu.memory_space<vmem_shared>>
      tpu.wait_dma2 semaphore(%run_scoped3A : memref<!tpu.dma_semaphore, #tpu.memory_space<semaphore_mem>>) src(%arg14 : memref<32x128xf32, #tpu.memory_space<vmem>>) dst(%dma_wait3A_119 : memref<32x128xf32, #tpu.memory_space<vmem_shared>>)
      tpu.yield
    }) : () -> ()
    %add3A_29 = arith.constant 320 : i32
    %add3A_30 = arith.addi %multiple_of3A, %add3A_29 : i32
    "tpu.region"() ({
      %run_scoped3A = tpu.sem_alloc : memref<!tpu.dma_semaphore, #tpu.memory_space<semaphore_mem>>
      %dma_start3A = arith.constant 0 : i32
      %dma_start3A_114 = tpu.memref_slice %arg8[%add3A_30, %dma_start3A] : memref<10112x128xf32, #tpu.memory_space<vmem_shared>> -> memref<32x128xf32, #tpu.memory_space<vmem_shared>>
      %dma_start3A_115 = arith.constant 0 : i32
      %dma_start3A_116 = tpu.memref_slice %arg8[%add3A_30, %dma_start3A_115] : memref<10112x128xf32, #tpu.memory_space<vmem_shared>> -> memref<32x128xf32, #tpu.memory_space<vmem_shared>>
      tpu.enqueue_dma source(%arg14 : memref<32x128xf32, #tpu.memory_space<vmem>>) target(%dma_start3A_116 : memref<32x128xf32, #tpu.memory_space<vmem_shared>>) target_semaphore(%run_scoped3A : memref<!tpu.dma_semaphore, #tpu.memory_space<semaphore_mem>>)
      %dma_wait3A = arith.constant 0 : i32
      %dma_wait3A_117 = tpu.memref_slice %arg8[%add3A_30, %dma_wait3A] : memref<10112x128xf32, #tpu.memory_space<vmem_shared>> -> memref<32x128xf32, #tpu.memory_space<vmem_shared>>
      %dma_wait3A_118 = arith.constant 0 : i32
      %dma_wait3A_119 = tpu.memref_slice %arg8[%add3A_30, %dma_wait3A_118] : memref<10112x128xf32, #tpu.memory_space<vmem_shared>> -> memref<32x128xf32, #tpu.memory_space<vmem_shared>>
      tpu.wait_dma2 semaphore(%run_scoped3A : memref<!tpu.dma_semaphore, #tpu.memory_space<semaphore_mem>>) src(%arg14 : memref<32x128xf32, #tpu.memory_space<vmem>>) dst(%dma_wait3A_119 : memref<32x128xf32, #tpu.memory_space<vmem_shared>>)
      tpu.yield
    }) : () -> ()
    %add3A_31 = arith.constant 352 : i32
    %add3A_32 = arith.addi %multiple_of3A, %add3A_31 : i32
    "tpu.region"() ({
      %run_scoped3A = tpu.sem_alloc : memref<!tpu.dma_semaphore, #tpu.memory_space<semaphore_mem>>
      %dma_start3A = arith.constant 0 : i32
      %dma_start3A_114 = tpu.memref_slice %arg8[%add3A_32, %dma_start3A] : memref<10112x128xf32, #tpu.memory_space<vmem_shared>> -> memref<32x128xf32, #tpu.memory_space<vmem_shared>>
      %dma_start3A_115 = arith.constant 0 : i32
      %dma_start3A_116 = tpu.memref_slice %arg8[%add3A_32, %dma_start3A_115] : memref<10112x128xf32, #tpu.memory_space<vmem_shared>> -> memref<32x128xf32, #tpu.memory_space<vmem_shared>>
      tpu.enqueue_dma source(%arg14 : memref<32x128xf32, #tpu.memory_space<vmem>>) target(%dma_start3A_116 : memref<32x128xf32, #tpu.memory_space<vmem_shared>>) target_semaphore(%run_scoped3A : memref<!tpu.dma_semaphore, #tpu.memory_space<semaphore_mem>>)
      %dma_wait3A = arith.constant 0 : i32
      %dma_wait3A_117 = tpu.memref_slice %arg8[%add3A_32, %dma_wait3A] : memref<10112x128xf32, #tpu.memory_space<vmem_shared>> -> memref<32x128xf32, #tpu.memory_space<vmem_shared>>
      %dma_wait3A_118 = arith.constant 0 : i32
      %dma_wait3A_119 = tpu.memref_slice %arg8[%add3A_32, %dma_wait3A_118] : memref<10112x128xf32, #tpu.memory_space<vmem_shared>> -> memref<32x128xf32, #tpu.memory_space<vmem_shared>>
      tpu.wait_dma2 semaphore(%run_scoped3A : memref<!tpu.dma_semaphore, #tpu.memory_space<semaphore_mem>>) src(%arg14 : memref<32x128xf32, #tpu.memory_space<vmem>>) dst(%dma_wait3A_119 : memref<32x128xf32, #tpu.memory_space<vmem_shared>>)
      tpu.yield
    }) : () -> ()
    %add3A_33 = arith.constant 384 : i32
    %add3A_34 = arith.addi %multiple_of3A, %add3A_33 : i32
    "tpu.region"() ({
      %run_scoped3A = tpu.sem_alloc : memref<!tpu.dma_semaphore, #tpu.memory_space<semaphore_mem>>
      %dma_start3A = arith.constant 0 : i32
      %dma_start3A_114 = tpu.memref_slice %arg8[%add3A_34, %dma_start3A] : memref<10112x128xf32, #tpu.memory_space<vmem_shared>> -> memref<32x128xf32, #tpu.memory_space<vmem_shared>>
      %dma_start3A_115 = arith.constant 0 : i32
      %dma_start3A_116 = tpu.memref_slice %arg8[%add3A_34, %dma_start3A_115] : memref<10112x128xf32, #tpu.memory_space<vmem_shared>> -> memref<32x128xf32, #tpu.memory_space<vmem_shared>>
      tpu.enqueue_dma source(%arg14 : memref<32x128xf32, #tpu.memory_space<vmem>>) target(%dma_start3A_116 : memref<32x128xf32, #tpu.memory_space<vmem_shared>>) target_semaphore(%run_scoped3A : memref<!tpu.dma_semaphore, #tpu.memory_space<semaphore_mem>>)
      %dma_wait3A = arith.constant 0 : i32
      %dma_wait3A_117 = tpu.memref_slice %arg8[%add3A_34, %dma_wait3A] : memref<10112x128xf32, #tpu.memory_space<vmem_shared>> -> memref<32x128xf32, #tpu.memory_space<vmem_shared>>
      %dma_wait3A_118 = arith.constant 0 : i32
      %dma_wait3A_119 = tpu.memref_slice %arg8[%add3A_34, %dma_wait3A_118] : memref<10112x128xf32, #tpu.memory_space<vmem_shared>> -> memref<32x128xf32, #tpu.memory_space<vmem_shared>>
      tpu.wait_dma2 semaphore(%run_scoped3A : memref<!tpu.dma_semaphore, #tpu.memory_space<semaphore_mem>>) src(%arg14 : memref<32x128xf32, #tpu.memory_space<vmem>>) dst(%dma_wait3A_119 : memref<32x128xf32, #tpu.memory_space<vmem_shared>>)
      tpu.yield
    }) : () -> ()
    %add3A_35 = arith.constant 416 : i32
    %add3A_36 = arith.addi %multiple_of3A, %add3A_35 : i32
    "tpu.region"() ({
      %run_scoped3A = tpu.sem_alloc : memref<!tpu.dma_semaphore, #tpu.memory_space<semaphore_mem>>
      %dma_start3A = arith.constant 0 : i32
      %dma_start3A_114 = tpu.memref_slice %arg8[%add3A_36, %dma_start3A] : memref<10112x128xf32, #tpu.memory_space<vmem_shared>> -> memref<32x128xf32, #tpu.memory_space<vmem_shared>>
      %dma_start3A_115 = arith.constant 0 : i32
      %dma_start3A_116 = tpu.memref_slice %arg8[%add3A_36, %dma_start3A_115] : memref<10112x128xf32, #tpu.memory_space<vmem_shared>> -> memref<32x128xf32, #tpu.memory_space<vmem_shared>>
      tpu.enqueue_dma source(%arg14 : memref<32x128xf32, #tpu.memory_space<vmem>>) target(%dma_start3A_116 : memref<32x128xf32, #tpu.memory_space<vmem_shared>>) target_semaphore(%run_scoped3A : memref<!tpu.dma_semaphore, #tpu.memory_space<semaphore_mem>>)
      %dma_wait3A = arith.constant 0 : i32
      %dma_wait3A_117 = tpu.memref_slice %arg8[%add3A_36, %dma_wait3A] : memref<10112x128xf32, #tpu.memory_space<vmem_shared>> -> memref<32x128xf32, #tpu.memory_space<vmem_shared>>
      %dma_wait3A_118 = arith.constant 0 : i32
      %dma_wait3A_119 = tpu.memref_slice %arg8[%add3A_36, %dma_wait3A_118] : memref<10112x128xf32, #tpu.memory_space<vmem_shared>> -> memref<32x128xf32, #tpu.memory_space<vmem_shared>>
      tpu.wait_dma2 semaphore(%run_scoped3A : memref<!tpu.dma_semaphore, #tpu.memory_space<semaphore_mem>>) src(%arg14 : memref<32x128xf32, #tpu.memory_space<vmem>>) dst(%dma_wait3A_119 : memref<32x128xf32, #tpu.memory_space<vmem_shared>>)
      tpu.yield
    }) : () -> ()
    %add3A_37 = arith.constant 448 : i32
    %add3A_38 = arith.addi %multiple_of3A, %add3A_37 : i32
    "tpu.region"() ({
      %run_scoped3A = tpu.sem_alloc : memref<!tpu.dma_semaphore, #tpu.memory_space<semaphore_mem>>
      %dma_start3A = arith.constant 0 : i32
      %dma_start3A_114 = tpu.memref_slice %arg8[%add3A_38, %dma_start3A] : memref<10112x128xf32, #tpu.memory_space<vmem_shared>> -> memref<32x128xf32, #tpu.memory_space<vmem_shared>>
      %dma_start3A_115 = arith.constant 0 : i32
      %dma_start3A_116 = tpu.memref_slice %arg8[%add3A_38, %dma_start3A_115] : memref<10112x128xf32, #tpu.memory_space<vmem_shared>> -> memref<32x128xf32, #tpu.memory_space<vmem_shared>>
      tpu.enqueue_dma source(%arg14 : memref<32x128xf32, #tpu.memory_space<vmem>>) target(%dma_start3A_116 : memref<32x128xf32, #tpu.memory_space<vmem_shared>>) target_semaphore(%run_scoped3A : memref<!tpu.dma_semaphore, #tpu.memory_space<semaphore_mem>>)
      %dma_wait3A = arith.constant 0 : i32
      %dma_wait3A_117 = tpu.memref_slice %arg8[%add3A_38, %dma_wait3A] : memref<10112x128xf32, #tpu.memory_space<vmem_shared>> -> memref<32x128xf32, #tpu.memory_space<vmem_shared>>
      %dma_wait3A_118 = arith.constant 0 : i32
      %dma_wait3A_119 = tpu.memref_slice %arg8[%add3A_38, %dma_wait3A_118] : memref<10112x128xf32, #tpu.memory_space<vmem_shared>> -> memref<32x128xf32, #tpu.memory_space<vmem_shared>>
      tpu.wait_dma2 semaphore(%run_scoped3A : memref<!tpu.dma_semaphore, #tpu.memory_space<semaphore_mem>>) src(%arg14 : memref<32x128xf32, #tpu.memory_space<vmem>>) dst(%dma_wait3A_119 : memref<32x128xf32, #tpu.memory_space<vmem_shared>>)
      tpu.yield
    }) : () -> ()
    %add3A_39 = arith.constant 480 : i32
    %add3A_40 = arith.addi %multiple_of3A, %add3A_39 : i32
    "tpu.region"() ({
      %run_scoped3A = tpu.sem_alloc : memref<!tpu.dma_semaphore, #tpu.memory_space<semaphore_mem>>
      %dma_start3A = arith.constant 0 : i32
      %dma_start3A_114 = tpu.memref_slice %arg8[%add3A_40, %dma_start3A] : memref<10112x128xf32, #tpu.memory_space<vmem_shared>> -> memref<32x128xf32, #tpu.memory_space<vmem_shared>>
      %dma_start3A_115 = arith.constant 0 : i32
      %dma_start3A_116 = tpu.memref_slice %arg8[%add3A_40, %dma_start3A_115] : memref<10112x128xf32, #tpu.memory_space<vmem_shared>> -> memref<32x128xf32, #tpu.memory_space<vmem_shared>>
      tpu.enqueue_dma source(%arg14 : memref<32x128xf32, #tpu.memory_space<vmem>>) target(%dma_start3A_116 : memref<32x128xf32, #tpu.memory_space<vmem_shared>>) target_semaphore(%run_scoped3A : memref<!tpu.dma_semaphore, #tpu.memory_space<semaphore_mem>>)
      %dma_wait3A = arith.constant 0 : i32
      %dma_wait3A_117 = tpu.memref_slice %arg8[%add3A_40, %dma_wait3A] : memref<10112x128xf32, #tpu.memory_space<vmem_shared>> -> memref<32x128xf32, #tpu.memory_space<vmem_shared>>
      %dma_wait3A_118 = arith.constant 0 : i32
      %dma_wait3A_119 = tpu.memref_slice %arg8[%add3A_40, %dma_wait3A_118] : memref<10112x128xf32, #tpu.memory_space<vmem_shared>> -> memref<32x128xf32, #tpu.memory_space<vmem_shared>>
      tpu.wait_dma2 semaphore(%run_scoped3A : memref<!tpu.dma_semaphore, #tpu.memory_space<semaphore_mem>>) src(%arg14 : memref<32x128xf32, #tpu.memory_space<vmem>>) dst(%dma_wait3A_119 : memref<32x128xf32, #tpu.memory_space<vmem_shared>>)
      tpu.yield
    }) : () -> ()
    %add3A_41 = arith.constant 512 : i32
    %add3A_42 = arith.addi %multiple_of3A, %add3A_41 : i32
    "tpu.region"() ({
      %run_scoped3A = tpu.sem_alloc : memref<!tpu.dma_semaphore, #tpu.memory_space<semaphore_mem>>
      %dma_start3A = arith.constant 0 : i32
      %dma_start3A_114 = tpu.memref_slice %arg8[%add3A_42, %dma_start3A] : memref<10112x128xf32, #tpu.memory_space<vmem_shared>> -> memref<32x128xf32, #tpu.memory_space<vmem_shared>>
      %dma_start3A_115 = arith.constant 0 : i32
      %dma_start3A_116 = tpu.memref_slice %arg8[%add3A_42, %dma_start3A_115] : memref<10112x128xf32, #tpu.memory_space<vmem_shared>> -> memref<32x128xf32, #tpu.memory_space<vmem_shared>>
      tpu.enqueue_dma source(%arg14 : memref<32x128xf32, #tpu.memory_space<vmem>>) target(%dma_start3A_116 : memref<32x128xf32, #tpu.memory_space<vmem_shared>>) target_semaphore(%run_scoped3A : memref<!tpu.dma_semaphore, #tpu.memory_space<semaphore_mem>>)
      %dma_wait3A = arith.constant 0 : i32
      %dma_wait3A_117 = tpu.memref_slice %arg8[%add3A_42, %dma_wait3A] : memref<10112x128xf32, #tpu.memory_space<vmem_shared>> -> memref<32x128xf32, #tpu.memory_space<vmem_shared>>
      %dma_wait3A_118 = arith.constant 0 : i32
      %dma_wait3A_119 = tpu.memref_slice %arg8[%add3A_42, %dma_wait3A_118] : memref<10112x128xf32, #tpu.memory_space<vmem_shared>> -> memref<32x128xf32, #tpu.memory_space<vmem_shared>>
      tpu.wait_dma2 semaphore(%run_scoped3A : memref<!tpu.dma_semaphore, #tpu.memory_space<semaphore_mem>>) src(%arg14 : memref<32x128xf32, #tpu.memory_space<vmem>>) dst(%dma_wait3A_119 : memref<32x128xf32, #tpu.memory_space<vmem_shared>>)
      tpu.yield
    }) : () -> ()
    %add3A_43 = arith.constant 544 : i32
    %add3A_44 = arith.addi %multiple_of3A, %add3A_43 : i32
    "tpu.region"() ({
      %run_scoped3A = tpu.sem_alloc : memref<!tpu.dma_semaphore, #tpu.memory_space<semaphore_mem>>
      %dma_start3A = arith.constant 0 : i32
      %dma_start3A_114 = tpu.memref_slice %arg8[%add3A_44, %dma_start3A] : memref<10112x128xf32, #tpu.memory_space<vmem_shared>> -> memref<32x128xf32, #tpu.memory_space<vmem_shared>>
      %dma_start3A_115 = arith.constant 0 : i32
      %dma_start3A_116 = tpu.memref_slice %arg8[%add3A_44, %dma_start3A_115] : memref<10112x128xf32, #tpu.memory_space<vmem_shared>> -> memref<32x128xf32, #tpu.memory_space<vmem_shared>>
      tpu.enqueue_dma source(%arg14 : memref<32x128xf32, #tpu.memory_space<vmem>>) target(%dma_start3A_116 : memref<32x128xf32, #tpu.memory_space<vmem_shared>>) target_semaphore(%run_scoped3A : memref<!tpu.dma_semaphore, #tpu.memory_space<semaphore_mem>>)
      %dma_wait3A = arith.constant 0 : i32
      %dma_wait3A_117 = tpu.memref_slice %arg8[%add3A_44, %dma_wait3A] : memref<10112x128xf32, #tpu.memory_space<vmem_shared>> -> memref<32x128xf32, #tpu.memory_space<vmem_shared>>
      %dma_wait3A_118 = arith.constant 0 : i32
      %dma_wait3A_119 = tpu.memref_slice %arg8[%add3A_44, %dma_wait3A_118] : memref<10112x128xf32, #tpu.memory_space<vmem_shared>> -> memref<32x128xf32, #tpu.memory_space<vmem_shared>>
      tpu.wait_dma2 semaphore(%run_scoped3A : memref<!tpu.dma_semaphore, #tpu.memory_space<semaphore_mem>>) src(%arg14 : memref<32x128xf32, #tpu.memory_space<vmem>>) dst(%dma_wait3A_119 : memref<32x128xf32, #tpu.memory_space<vmem_shared>>)
      tpu.yield
    }) : () -> ()
    %add3A_45 = arith.constant 576 : i32
    %add3A_46 = arith.addi %multiple_of3A, %add3A_45 : i32
    "tpu.region"() ({
      %run_scoped3A = tpu.sem_alloc : memref<!tpu.dma_semaphore, #tpu.memory_space<semaphore_mem>>
      %dma_start3A = arith.constant 0 : i32
      %dma_start3A_114 = tpu.memref_slice %arg8[%add3A_46, %dma_start3A] : memref<10112x128xf32, #tpu.memory_space<vmem_shared>> -> memref<32x128xf32, #tpu.memory_space<vmem_shared>>
      %dma_start3A_115 = arith.constant 0 : i32
      %dma_start3A_116 = tpu.memref_slice %arg8[%add3A_46, %dma_start3A_115] : memref<10112x128xf32, #tpu.memory_space<vmem_shared>> -> memref<32x128xf32, #tpu.memory_space<vmem_shared>>
      tpu.enqueue_dma source(%arg14 : memref<32x128xf32, #tpu.memory_space<vmem>>) target(%dma_start3A_116 : memref<32x128xf32, #tpu.memory_space<vmem_shared>>) target_semaphore(%run_scoped3A : memref<!tpu.dma_semaphore, #tpu.memory_space<semaphore_mem>>)
      %dma_wait3A = arith.constant 0 : i32
      %dma_wait3A_117 = tpu.memref_slice %arg8[%add3A_46, %dma_wait3A] : memref<10112x128xf32, #tpu.memory_space<vmem_shared>> -> memref<32x128xf32, #tpu.memory_space<vmem_shared>>
      %dma_wait3A_118 = arith.constant 0 : i32
      %dma_wait3A_119 = tpu.memref_slice %arg8[%add3A_46, %dma_wait3A_118] : memref<10112x128xf32, #tpu.memory_space<vmem_shared>> -> memref<32x128xf32, #tpu.memory_space<vmem_shared>>
      tpu.wait_dma2 semaphore(%run_scoped3A : memref<!tpu.dma_semaphore, #tpu.memory_space<semaphore_mem>>) src(%arg14 : memref<32x128xf32, #tpu.memory_space<vmem>>) dst(%dma_wait3A_119 : memref<32x128xf32, #tpu.memory_space<vmem_shared>>)
      tpu.yield
    }) : () -> ()
    %add3A_47 = arith.constant 608 : i32
    %add3A_48 = arith.addi %multiple_of3A, %add3A_47 : i32
    "tpu.region"() ({
      %run_scoped3A = tpu.sem_alloc : memref<!tpu.dma_semaphore, #tpu.memory_space<semaphore_mem>>
      %dma_start3A = arith.constant 0 : i32
      %dma_start3A_114 = arith.constant 0 : i32
      %dma_start3A_115 = tpu.memref_slice %arg14[%dma_start3A, %dma_start3A_114] : memref<32x128xf32, #tpu.memory_space<vmem>> -> memref<24x128xf32, #tpu.memory_space<vmem>>
      %dma_start3A_116 = arith.constant 0 : i32
      %dma_start3A_117 = tpu.memref_slice %arg8[%add3A_48, %dma_start3A_116] : memref<10112x128xf32, #tpu.memory_space<vmem_shared>> -> memref<24x128xf32, #tpu.memory_space<vmem_shared>>
      %dma_start3A_118 = arith.constant 0 : i32
      %dma_start3A_119 = tpu.memref_slice %arg8[%add3A_48, %dma_start3A_118] : memref<10112x128xf32, #tpu.memory_space<vmem_shared>> -> memref<24x128xf32, #tpu.memory_space<vmem_shared>>
      %dma_start3A_120 = arith.constant 0 : i32
      %dma_start3A_121 = arith.constant 0 : i32
      %dma_start3A_122 = tpu.memref_slice %arg14[%dma_start3A_120, %dma_start3A_121] : memref<32x128xf32, #tpu.memory_space<vmem>> -> memref<24x128xf32, #tpu.memory_space<vmem>>
      tpu.enqueue_dma source(%dma_start3A_122 : memref<24x128xf32, #tpu.memory_space<vmem>>) target(%dma_start3A_119 : memref<24x128xf32, #tpu.memory_space<vmem_shared>>) target_semaphore(%run_scoped3A : memref<!tpu.dma_semaphore, #tpu.memory_space<semaphore_mem>>)
      %dma_wait3A = arith.constant 0 : i32
      %dma_wait3A_123 = arith.constant 0 : i32
      %dma_wait3A_124 = tpu.memref_slice %arg14[%dma_wait3A, %dma_wait3A_123] : memref<32x128xf32, #tpu.memory_space<vmem>> -> memref<24x128xf32, #tpu.memory_space<vmem>>
      %dma_wait3A_125 = arith.constant 0 : i32
      %dma_wait3A_126 = tpu.memref_slice %arg8[%add3A_48, %dma_wait3A_125] : memref<10112x128xf32, #tpu.memory_space<vmem_shared>> -> memref<24x128xf32, #tpu.memory_space<vmem_shared>>
      %dma_wait3A_127 = arith.constant 0 : i32
      %dma_wait3A_128 = tpu.memref_slice %arg8[%add3A_48, %dma_wait3A_127] : memref<10112x128xf32, #tpu.memory_space<vmem_shared>> -> memref<24x128xf32, #tpu.memory_space<vmem_shared>>
      %dma_wait3A_129 = arith.constant 0 : i32
      %dma_wait3A_130 = arith.constant 0 : i32
      %dma_wait3A_131 = tpu.memref_slice %arg14[%dma_wait3A_129, %dma_wait3A_130] : memref<32x128xf32, #tpu.memory_space<vmem>> -> memref<24x128xf32, #tpu.memory_space<vmem>>
      tpu.wait_dma2 semaphore(%run_scoped3A : memref<!tpu.dma_semaphore, #tpu.memory_space<semaphore_mem>>) src(%dma_wait3A_131 : memref<24x128xf32, #tpu.memory_space<vmem>>) dst(%dma_wait3A_128 : memref<24x128xf32, #tpu.memory_space<vmem_shared>>)
      tpu.yield
    }) : () -> ()
    %mul3A_49 = arith.constant 5000 : i32
    %mul3A_50 = arith.muli %add3A, %mul3A_49 : i32
    %multiple_of3A_51 = tpu.assume_multiple %mul3A_50, 8 : i32
    "tpu.region"() ({
      %run_scoped3A = tpu.sem_alloc : memref<!tpu.dma_semaphore, #tpu.memory_space<semaphore_mem>>
      %dma_start3A = arith.constant 0 : i32
      %dma_start3A_114 = tpu.memref_slice %arg9[%dma_start3A] : memref<5072xi32, #tpu.memory_space<vmem>> -> memref<5000xi32, #tpu.memory_space<vmem>>
      %dma_start3A_115 = tpu.memref_slice %arg2[%multiple_of3A_51] : memref<160000xi32, #tpu.memory_space<hbm>> -> memref<5000xi32, #tpu.memory_space<hbm>>
      %dma_start3A_116 = arith.constant 0 : i32
      %dma_start3A_117 = tpu.memref_slice %arg9[%dma_start3A_116] : memref<5072xi32, #tpu.memory_space<vmem>> -> memref<5000xi32, #tpu.memory_space<vmem>>
      %dma_start3A_118 = tpu.memref_slice %arg2[%multiple_of3A_51] : memref<160000xi32, #tpu.memory_space<hbm>> -> memref<5000xi32, #tpu.memory_space<hbm>>
      tpu.enqueue_dma source(%dma_start3A_118 : memref<5000xi32, #tpu.memory_space<hbm>>) target(%dma_start3A_117 : memref<5000xi32, #tpu.memory_space<vmem>>) target_semaphore(%run_scoped3A : memref<!tpu.dma_semaphore, #tpu.memory_space<semaphore_mem>>)
      %dma_wait3A = arith.constant 0 : i32
      %dma_wait3A_119 = tpu.memref_slice %arg9[%dma_wait3A] : memref<5072xi32, #tpu.memory_space<vmem>> -> memref<5000xi32, #tpu.memory_space<vmem>>
      %dma_wait3A_120 = tpu.memref_slice %arg2[%multiple_of3A_51] : memref<160000xi32, #tpu.memory_space<hbm>> -> memref<5000xi32, #tpu.memory_space<hbm>>
      %dma_wait3A_121 = arith.constant 0 : i32
      %dma_wait3A_122 = tpu.memref_slice %arg9[%dma_wait3A_121] : memref<5072xi32, #tpu.memory_space<vmem>> -> memref<5000xi32, #tpu.memory_space<vmem>>
      %dma_wait3A_123 = tpu.memref_slice %arg2[%multiple_of3A_51] : memref<160000xi32, #tpu.memory_space<hbm>> -> memref<5000xi32, #tpu.memory_space<hbm>>
      tpu.wait_dma2 semaphore(%run_scoped3A : memref<!tpu.dma_semaphore, #tpu.memory_space<semaphore_mem>>) src(%dma_wait3A_123 : memref<5000xi32, #tpu.memory_space<hbm>>) dst(%dma_wait3A_122 : memref<5000xi32, #tpu.memory_space<vmem>>)
      tpu.yield
    }) : () -> ()
    "tpu.region"() ({
      %run_scoped3A = tpu.sem_alloc : memref<!tpu.dma_semaphore, #tpu.memory_space<semaphore_mem>>
      %dma_start3A = arith.constant 0 : i32
      %dma_start3A_114 = tpu.memref_slice %arg10[%dma_start3A] : memref<5072xi32, #tpu.memory_space<vmem>> -> memref<5000xi32, #tpu.memory_space<vmem>>
      %dma_start3A_115 = tpu.memref_slice %arg3[%multiple_of3A_51] : memref<160000xi32, #tpu.memory_space<hbm>> -> memref<5000xi32, #tpu.memory_space<hbm>>
      %dma_start3A_116 = arith.constant 0 : i32
      %dma_start3A_117 = tpu.memref_slice %arg10[%dma_start3A_116] : memref<5072xi32, #tpu.memory_space<vmem>> -> memref<5000xi32, #tpu.memory_space<vmem>>
      %dma_start3A_118 = tpu.memref_slice %arg3[%multiple_of3A_51] : memref<160000xi32, #tpu.memory_space<hbm>> -> memref<5000xi32, #tpu.memory_space<hbm>>
      tpu.enqueue_dma source(%dma_start3A_118 : memref<5000xi32, #tpu.memory_space<hbm>>) target(%dma_start3A_117 : memref<5000xi32, #tpu.memory_space<vmem>>) target_semaphore(%run_scoped3A : memref<!tpu.dma_semaphore, #tpu.memory_space<semaphore_mem>>)
      %dma_wait3A = arith.constant 0 : i32
      %dma_wait3A_119 = tpu.memref_slice %arg10[%dma_wait3A] : memref<5072xi32, #tpu.memory_space<vmem>> -> memref<5000xi32, #tpu.memory_space<vmem>>
      %dma_wait3A_120 = tpu.memref_slice %arg3[%multiple_of3A_51] : memref<160000xi32, #tpu.memory_space<hbm>> -> memref<5000xi32, #tpu.memory_space<hbm>>
      %dma_wait3A_121 = arith.constant 0 : i32
      %dma_wait3A_122 = tpu.memref_slice %arg10[%dma_wait3A_121] : memref<5072xi32, #tpu.memory_space<vmem>> -> memref<5000xi32, #tpu.memory_space<vmem>>
      %dma_wait3A_123 = tpu.memref_slice %arg3[%multiple_of3A_51] : memref<160000xi32, #tpu.memory_space<hbm>> -> memref<5000xi32, #tpu.memory_space<hbm>>
      tpu.wait_dma2 semaphore(%run_scoped3A : memref<!tpu.dma_semaphore, #tpu.memory_space<semaphore_mem>>) src(%dma_wait3A_123 : memref<5000xi32, #tpu.memory_space<hbm>>) dst(%dma_wait3A_122 : memref<5000xi32, #tpu.memory_space<vmem>>)
      tpu.yield
    }) : () -> ()
    "tpu.region"() ({
      %run_scoped3A = tpu.sem_alloc : memref<!tpu.dma_semaphore, #tpu.memory_space<semaphore_mem>>
      %dma_start3A = arith.constant 0 : i32
      %dma_start3A_114 = tpu.memref_slice %arg11[%dma_start3A] : memref<5072xf32, #tpu.memory_space<vmem>> -> memref<5000xf32, #tpu.memory_space<vmem>>
      %dma_start3A_115 = tpu.memref_slice %arg4[%multiple_of3A_51] : memref<160000xf32, #tpu.memory_space<hbm>> -> memref<5000xf32, #tpu.memory_space<hbm>>
      %dma_start3A_116 = arith.constant 0 : i32
      %dma_start3A_117 = tpu.memref_slice %arg11[%dma_start3A_116] : memref<5072xf32, #tpu.memory_space<vmem>> -> memref<5000xf32, #tpu.memory_space<vmem>>
      %dma_start3A_118 = tpu.memref_slice %arg4[%multiple_of3A_51] : memref<160000xf32, #tpu.memory_space<hbm>> -> memref<5000xf32, #tpu.memory_space<hbm>>
      tpu.enqueue_dma source(%dma_start3A_118 : memref<5000xf32, #tpu.memory_space<hbm>>) target(%dma_start3A_117 : memref<5000xf32, #tpu.memory_space<vmem>>) target_semaphore(%run_scoped3A : memref<!tpu.dma_semaphore, #tpu.memory_space<semaphore_mem>>)
      %dma_wait3A = arith.constant 0 : i32
      %dma_wait3A_119 = tpu.memref_slice %arg11[%dma_wait3A] : memref<5072xf32, #tpu.memory_space<vmem>> -> memref<5000xf32, #tpu.memory_space<vmem>>
      %dma_wait3A_120 = tpu.memref_slice %arg4[%multiple_of3A_51] : memref<160000xf32, #tpu.memory_space<hbm>> -> memref<5000xf32, #tpu.memory_space<hbm>>
      %dma_wait3A_121 = arith.constant 0 : i32
      %dma_wait3A_122 = tpu.memref_slice %arg11[%dma_wait3A_121] : memref<5072xf32, #tpu.memory_space<vmem>> -> memref<5000xf32, #tpu.memory_space<vmem>>
      %dma_wait3A_123 = tpu.memref_slice %arg4[%multiple_of3A_51] : memref<160000xf32, #tpu.memory_space<hbm>> -> memref<5000xf32, #tpu.memory_space<hbm>>
      tpu.wait_dma2 semaphore(%run_scoped3A : memref<!tpu.dma_semaphore, #tpu.memory_space<semaphore_mem>>) src(%dma_wait3A_123 : memref<5000xf32, #tpu.memory_space<hbm>>) dst(%dma_wait3A_122 : memref<5000xf32, #tpu.memory_space<vmem>>)
      tpu.yield
    }) : () -> ()
    %broadcast_in_dim3A = arith.constant 0 : i32
    %broadcast_in_dim3A_52 = vector.broadcast %broadcast_in_dim3A : i32 to vector<16xi32>
    %swap3A = arith.constant 5000 : index
    %swap3A_53 = tpu.vector_load %arg9[%swap3A] {strides = array<i32>} : memref<5072xi32, #tpu.memory_space<vmem>>, vector<16xi32>,
    tpu.vector_store %arg9[%swap3A], %broadcast_in_dim3A_52 {strides = array<i32>} : memref<5072xi32, #tpu.memory_space<vmem>>, vector<16xi32>,
    %broadcast_in_dim3A_54 = arith.constant 0 : i32
    %broadcast_in_dim3A_55 = vector.broadcast %broadcast_in_dim3A_54 : i32 to vector<16xi32>
    %swap3A_56 = arith.constant 5000 : index
    %swap3A_57 = tpu.vector_load %arg10[%swap3A_56] {strides = array<i32>} : memref<5072xi32, #tpu.memory_space<vmem>>, vector<16xi32>,
    tpu.vector_store %arg10[%swap3A_56], %broadcast_in_dim3A_55 {strides = array<i32>} : memref<5072xi32, #tpu.memory_space<vmem>>, vector<16xi32>,
    %broadcast_in_dim3A_58 = arith.constant 0.000000e+00 : f32
    %broadcast_in_dim3A_59 = vector.broadcast %broadcast_in_dim3A_58 : f32 to vector<16xf32>
    %swap3A_60 = arith.constant 5000 : index
    %swap3A_61 = tpu.vector_load %arg11[%swap3A_60] {strides = array<i32>} : memref<5072xf32, #tpu.memory_space<vmem>>, vector<16xf32>,
    tpu.vector_store %arg11[%swap3A_60], %broadcast_in_dim3A_59 {strides = array<i32>} : memref<5072xf32, #tpu.memory_space<vmem>>, vector<16xf32>,
    %broadcast_in_dim3A_62 = arith.constant 0 : i32
    %broadcast_in_dim3A_63 = vector.broadcast %broadcast_in_dim3A_62 : i32 to vector<16xi32>
    %swap3A_64 = arith.constant 5016 : index
    %swap3A_65 = tpu.vector_load %arg9[%swap3A_64] {strides = array<i32>} : memref<5072xi32, #tpu.memory_space<vmem>>, vector<16xi32>,
    tpu.vector_store %arg9[%swap3A_64], %broadcast_in_dim3A_63 {strides = array<i32>} : memref<5072xi32, #tpu.memory_space<vmem>>, vector<16xi32>,
    %broadcast_in_dim3A_66 = arith.constant 0 : i32
    %broadcast_in_dim3A_67 = vector.broadcast %broadcast_in_dim3A_66 : i32 to vector<16xi32>
    %swap3A_68 = arith.constant 5016 : index
    %swap3A_69 = tpu.vector_load %arg10[%swap3A_68] {strides = array<i32>} : memref<5072xi32, #tpu.memory_space<vmem>>, vector<16xi32>,
    tpu.vector_store %arg10[%swap3A_68], %broadcast_in_dim3A_67 {strides = array<i32>} : memref<5072xi32, #tpu.memory_space<vmem>>, vector<16xi32>,
    %broadcast_in_dim3A_70 = arith.constant 0.000000e+00 : f32
    %broadcast_in_dim3A_71 = vector.broadcast %broadcast_in_dim3A_70 : f32 to vector<16xf32>
    %swap3A_72 = arith.constant 5016 : index
    %swap3A_73 = tpu.vector_load %arg11[%swap3A_72] {strides = array<i32>} : memref<5072xf32, #tpu.memory_space<vmem>>, vector<16xf32>,
    tpu.vector_store %arg11[%swap3A_72], %broadcast_in_dim3A_71 {strides = array<i32>} : memref<5072xf32, #tpu.memory_space<vmem>>, vector<16xf32>,
    %broadcast_in_dim3A_74 = arith.constant 0 : i32
    %broadcast_in_dim3A_75 = vector.broadcast %broadcast_in_dim3A_74 : i32 to vector<16xi32>
    %swap3A_76 = arith.constant 5032 : index
    %swap3A_77 = tpu.vector_load %arg9[%swap3A_76] {strides = array<i32>} : memref<5072xi32, #tpu.memory_space<vmem>>, vector<16xi32>,
    tpu.vector_store %arg9[%swap3A_76], %broadcast_in_dim3A_75 {strides = array<i32>} : memref<5072xi32, #tpu.memory_space<vmem>>, vector<16xi32>,
    %broadcast_in_dim3A_78 = arith.constant 0 : i32
    %broadcast_in_dim3A_79 = vector.broadcast %broadcast_in_dim3A_78 : i32 to vector<16xi32>
    %swap3A_80 = arith.constant 5032 : index
    %swap3A_81 = tpu.vector_load %arg10[%swap3A_80] {strides = array<i32>} : memref<5072xi32, #tpu.memory_space<vmem>>, vector<16xi32>,
    tpu.vector_store %arg10[%swap3A_80], %broadcast_in_dim3A_79 {strides = array<i32>} : memref<5072xi32, #tpu.memory_space<vmem>>, vector<16xi32>,
    %broadcast_in_dim3A_82 = arith.constant 0.000000e+00 : f32
    %broadcast_in_dim3A_83 = vector.broadcast %broadcast_in_dim3A_82 : f32 to vector<16xf32>
    %swap3A_84 = arith.constant 5032 : index
    %swap3A_85 = tpu.vector_load %arg11[%swap3A_84] {strides = array<i32>} : memref<5072xf32, #tpu.memory_space<vmem>>, vector<16xf32>,
    tpu.vector_store %arg11[%swap3A_84], %broadcast_in_dim3A_83 {strides = array<i32>} : memref<5072xf32, #tpu.memory_space<vmem>>, vector<16xf32>,
    %broadcast_in_dim3A_86 = arith.constant 0 : i32
    %broadcast_in_dim3A_87 = vector.broadcast %broadcast_in_dim3A_86 : i32 to vector<16xi32>
    %swap3A_88 = arith.constant 5048 : index
    %swap3A_89 = tpu.vector_load %arg9[%swap3A_88] {strides = array<i32>} : memref<5072xi32, #tpu.memory_space<vmem>>, vector<16xi32>,
    tpu.vector_store %arg9[%swap3A_88], %broadcast_in_dim3A_87 {strides = array<i32>} : memref<5072xi32, #tpu.memory_space<vmem>>, vector<16xi32>,
    %broadcast_in_dim3A_90 = arith.constant 0 : i32
    %broadcast_in_dim3A_91 = vector.broadcast %broadcast_in_dim3A_90 : i32 to vector<16xi32>
    %swap3A_92 = arith.constant 5048 : index
    %swap3A_93 = tpu.vector_load %arg10[%swap3A_92] {strides = array<i32>} : memref<5072xi32, #tpu.memory_space<vmem>>, vector<16xi32>,
    tpu.vector_store %arg10[%swap3A_92], %broadcast_in_dim3A_91 {strides = array<i32>} : memref<5072xi32, #tpu.memory_space<vmem>>, vector<16xi32>,
    %broadcast_in_dim3A_94 = arith.constant 0.000000e+00 : f32
    %broadcast_in_dim3A_95 = vector.broadcast %broadcast_in_dim3A_94 : f32 to vector<16xf32>
    %swap3A_96 = arith.constant 5048 : index
    %swap3A_97 = tpu.vector_load %arg11[%swap3A_96] {strides = array<i32>} : memref<5072xf32, #tpu.memory_space<vmem>>, vector<16xf32>,
    tpu.vector_store %arg11[%swap3A_96], %broadcast_in_dim3A_95 {strides = array<i32>} : memref<5072xf32, #tpu.memory_space<vmem>>, vector<16xf32>,
    %barrier3A = arith.constant 0 : index
    tpu.barrier barrier_id(%barrier3A)
    %scan3A_98 = arith.constant 0 : i32
    %scan3A_99 = arith.constant 0 : i32
    %scan3A_100 = arith.constant 79 : i32
    %scan3A_101 = arith.addi %scan3A_99, %scan3A_100 : i32
    %scan3A_102 = arith.constant 1 : i32
    %scan3A_103 = scf.for %scan3A_114 = %scan3A_99 to %scan3A_101 step %scan3A_102 iter_args(%scan3A_115 = %scan3A_98) -> (i32)  : i32 {
      %mul3A_116 = arith.constant 64 : i32
      %mul3A_117 = arith.muli %scan3A_114, %mul3A_116 : i32
      %dma_start3A = tpu.memref_slice %arg9[%mul3A_117] : memref<5072xi32, #tpu.memory_space<vmem>> -> memref<64xi32, #tpu.memory_space<vmem>>
      %dma_start3A_118 = arith.constant 0 : i32
      %dma_start3A_119 = arith.constant 0 : i32
      %dma_start3A_120 = tpu.memref_slice %arg5[%dma_start3A_118, %dma_start3A_119] : memref<10000x128xf32, #tpu.memory_space<hbm>> -> memref<10000x128xf32, #tpu.memory_space<hbm>>
      tpu.enqueue_indirect_dma source(%dma_start3A_120 : memref<10000x128xf32, #tpu.memory_space<hbm>>) target(%arg12 : memref<64x128xf32, #tpu.memory_space<vmem>>) offsets(%dma_start3A : memref<64xi32, #tpu.memory_space<vmem>>) semaphore(%arg15 : memref<!tpu.dma_semaphore, #tpu.memory_space<semaphore_mem>>)
      %dma_wait3A = tpu.memref_slice %arg9[%mul3A_117] : memref<5072xi32, #tpu.memory_space<vmem>> -> memref<64xi32, #tpu.memory_space<vmem>>
      %dma_wait3A_121 = arith.constant 0 : i32
      %dma_wait3A_122 = arith.constant 0 : i32
      %dma_wait3A_123 = tpu.memref_slice %arg5[%dma_wait3A_121, %dma_wait3A_122] : memref<10000x128xf32, #tpu.memory_space<hbm>> -> memref<10000x128xf32, #tpu.memory_space<hbm>>
      tpu.wait_indirect_dma semaphore(%arg15 : memref<!tpu.dma_semaphore, #tpu.memory_space<semaphore_mem>>) src(%dma_wait3A_123 : memref<10000x128xf32, #tpu.memory_space<hbm>>) dst(%arg12 : memref<64x128xf32, #tpu.memory_space<vmem>>)
      %scan3A_124 = arith.constant 0 : i32
      %scan3A_125 = arith.constant 0 : i32
      %scan3A_126 = arith.constant 64 : i32
      %scan3A_127 = arith.addi %scan3A_125, %scan3A_126 : i32
      %scan3A_128 = arith.constant 1 : i32
      %scan3A_129 = scf.for %scan3A_139 = %scan3A_125 to %scan3A_127 step %scan3A_128 iter_args(%scan3A_140 = %scan3A_124) -> (i32)  : i32 {
        %mul3A_141 = arith.constant 64 : i32
        %mul3A_142 = arith.muli %scan3A_114, %mul3A_141 : i32
        %add3A_143 = arith.addi %mul3A_142, %scan3A_139 : i32
        %broadcast_in_dim3A_144 = vector.broadcast %add3A_143 : i32 to vector<16xi32>
        %gather3A = tpu.vector_load_idx %arg11[%broadcast_in_dim3A_144] : memref<5072xf32, #tpu.memory_space<vmem>>[vector<16xi32>], vector<16xf32>,
        %get3A = arith.constant 0 : i32
        %get3A_145 = tpu.memref_slice %arg12[%scan3A_139, %get3A] : memref<64x128xf32, #tpu.memory_space<vmem>> -> memref<1x128xf32, #tpu.memory_space<vmem>>
        %get3A_146 = tpu.memref_squeeze %get3A_145 : memref<1x128xf32, #tpu.memory_space<vmem>> -> memref<128xf32, #tpu.memory_space<vmem>>
        %get3A_147 = arith.constant 0 : index
        %get3A_148 = tpu.vector_load %get3A_146[%get3A_147] {strides = array<i32>} : memref<128xf32, #tpu.memory_space<vmem>>, vector<16xf32>,
        %mul3A_149 = arith.mulf %get3A_148, %gather3A : vector<16xf32>
        %swap3A_150 = arith.constant 0 : i32
        %swap3A_151 = tpu.memref_slice %arg12[%scan3A_139, %swap3A_150] : memref<64x128xf32, #tpu.memory_space<vmem>> -> memref<1x128xf32, #tpu.memory_space<vmem>>
        %swap3A_152 = tpu.memref_squeeze %swap3A_151 : memref<1x128xf32, #tpu.memory_space<vmem>> -> memref<128xf32, #tpu.memory_space<vmem>>
        %swap3A_153 = arith.constant 0 : index
        %swap3A_154 = tpu.vector_load %swap3A_152[%swap3A_153] {strides = array<i32>} : memref<128xf32, #tpu.memory_space<vmem>>, vector<16xf32>,
        tpu.vector_store %swap3A_152[%swap3A_153], %mul3A_149 {strides = array<i32>} : memref<128xf32, #tpu.memory_space<vmem>>, vector<16xf32>,
        %get3A_155 = arith.constant 0 : i32
        %get3A_156 = tpu.memref_slice %arg12[%scan3A_139, %get3A_155] : memref<64x128xf32, #tpu.memory_space<vmem>> -> memref<1x128xf32, #tpu.memory_space<vmem>>
        %get3A_157 = tpu.memref_squeeze %get3A_156 : memref<1x128xf32, #tpu.memory_space<vmem>> -> memref<128xf32, #tpu.memory_space<vmem>>
        %get3A_158 = arith.constant 16 : index
        %get3A_159 = tpu.vector_load %get3A_157[%get3A_158] {strides = array<i32>} : memref<128xf32, #tpu.memory_space<vmem>>, vector<16xf32>,
        %mul3A_160 = arith.mulf %get3A_159, %gather3A : vector<16xf32>
        %swap3A_161 = arith.constant 0 : i32
        %swap3A_162 = tpu.memref_slice %arg12[%scan3A_139, %swap3A_161] : memref<64x128xf32, #tpu.memory_space<vmem>> -> memref<1x128xf32, #tpu.memory_space<vmem>>
        %swap3A_163 = tpu.memref_squeeze %swap3A_162 : memref<1x128xf32, #tpu.memory_space<vmem>> -> memref<128xf32, #tpu.memory_space<vmem>>
        %swap3A_164 = arith.constant 16 : index
        %swap3A_165 = tpu.vector_load %swap3A_163[%swap3A_164] {strides = array<i32>} : memref<128xf32, #tpu.memory_space<vmem>>, vector<16xf32>,
        tpu.vector_store %swap3A_163[%swap3A_164], %mul3A_160 {strides = array<i32>} : memref<128xf32, #tpu.memory_space<vmem>>, vector<16xf32>,
        %get3A_166 = arith.constant 0 : i32
        %get3A_167 = tpu.memref_slice %arg12[%scan3A_139, %get3A_166] : memref<64x128xf32, #tpu.memory_space<vmem>> -> memref<1x128xf32, #tpu.memory_space<vmem>>
        %get3A_168 = tpu.memref_squeeze %get3A_167 : memref<1x128xf32, #tpu.memory_space<vmem>> -> memref<128xf32, #tpu.memory_space<vmem>>
        %get3A_169 = arith.constant 32 : index
        %get3A_170 = tpu.vector_load %get3A_168[%get3A_169] {strides = array<i32>} : memref<128xf32, #tpu.memory_space<vmem>>, vector<16xf32>,
        %mul3A_171 = arith.mulf %get3A_170, %gather3A : vector<16xf32>
        %swap3A_172 = arith.constant 0 : i32
        %swap3A_173 = tpu.memref_slice %arg12[%scan3A_139, %swap3A_172] : memref<64x128xf32, #tpu.memory_space<vmem>> -> memref<1x128xf32, #tpu.memory_space<vmem>>
        %swap3A_174 = tpu.memref_squeeze %swap3A_173 : memref<1x128xf32, #tpu.memory_space<vmem>> -> memref<128xf32, #tpu.memory_space<vmem>>
        %swap3A_175 = arith.constant 32 : index
        %swap3A_176 = tpu.vector_load %swap3A_174[%swap3A_175] {strides = array<i32>} : memref<128xf32, #tpu.memory_space<vmem>>, vector<16xf32>,
        tpu.vector_store %swap3A_174[%swap3A_175], %mul3A_171 {strides = array<i32>} : memref<128xf32, #tpu.memory_space<vmem>>, vector<16xf32>,
        %get3A_177 = arith.constant 0 : i32
        %get3A_178 = tpu.memref_slice %arg12[%scan3A_139, %get3A_177] : memref<64x128xf32, #tpu.memory_space<vmem>> -> memref<1x128xf32, #tpu.memory_space<vmem>>
        %get3A_179 = tpu.memref_squeeze %get3A_178 : memref<1x128xf32, #tpu.memory_space<vmem>> -> memref<128xf32, #tpu.memory_space<vmem>>
        %get3A_180 = arith.constant 48 : index
        %get3A_181 = tpu.vector_load %get3A_179[%get3A_180] {strides = array<i32>} : memref<128xf32, #tpu.memory_space<vmem>>, vector<16xf32>,
        %mul3A_182 = arith.mulf %get3A_181, %gather3A : vector<16xf32>
        %swap3A_183 = arith.constant 0 : i32
        %swap3A_184 = tpu.memref_slice %arg12[%scan3A_139, %swap3A_183] : memref<64x128xf32, #tpu.memory_space<vmem>> -> memref<1x128xf32, #tpu.memory_space<vmem>>
        %swap3A_185 = tpu.memref_squeeze %swap3A_184 : memref<1x128xf32, #tpu.memory_space<vmem>> -> memref<128xf32, #tpu.memory_space<vmem>>
        %swap3A_186 = arith.constant 48 : index
        %swap3A_187 = tpu.vector_load %swap3A_185[%swap3A_186] {strides = array<i32>} : memref<128xf32, #tpu.memory_space<vmem>>, vector<16xf32>,
        tpu.vector_store %swap3A_185[%swap3A_186], %mul3A_182 {strides = array<i32>} : memref<128xf32, #tpu.memory_space<vmem>>, vector<16xf32>,
        %get3A_188 = arith.constant 0 : i32
        %get3A_189 = tpu.memref_slice %arg12[%scan3A_139, %get3A_188] : memref<64x128xf32, #tpu.memory_space<vmem>> -> memref<1x128xf32, #tpu.memory_space<vmem>>
        %get3A_190 = tpu.memref_squeeze %get3A_189 : memref<1x128xf32, #tpu.memory_space<vmem>> -> memref<128xf32, #tpu.memory_space<vmem>>
        %get3A_191 = arith.constant 64 : index
        %get3A_192 = tpu.vector_load %get3A_190[%get3A_191] {strides = array<i32>} : memref<128xf32, #tpu.memory_space<vmem>>, vector<16xf32>,
        %mul3A_193 = arith.mulf %get3A_192, %gather3A : vector<16xf32>
        %swap3A_194 = arith.constant 0 : i32
        %swap3A_195 = tpu.memref_slice %arg12[%scan3A_139, %swap3A_194] : memref<64x128xf32, #tpu.memory_space<vmem>> -> memref<1x128xf32, #tpu.memory_space<vmem>>
        %swap3A_196 = tpu.memref_squeeze %swap3A_195 : memref<1x128xf32, #tpu.memory_space<vmem>> -> memref<128xf32, #tpu.memory_space<vmem>>
        %swap3A_197 = arith.constant 64 : index
        %swap3A_198 = tpu.vector_load %swap3A_196[%swap3A_197] {strides = array<i32>} : memref<128xf32, #tpu.memory_space<vmem>>, vector<16xf32>,
        tpu.vector_store %swap3A_196[%swap3A_197], %mul3A_193 {strides = array<i32>} : memref<128xf32, #tpu.memory_space<vmem>>, vector<16xf32>,
        %get3A_199 = arith.constant 0 : i32
        %get3A_200 = tpu.memref_slice %arg12[%scan3A_139, %get3A_199] : memref<64x128xf32, #tpu.memory_space<vmem>> -> memref<1x128xf32, #tpu.memory_space<vmem>>
        %get3A_201 = tpu.memref_squeeze %get3A_200 : memref<1x128xf32, #tpu.memory_space<vmem>> -> memref<128xf32, #tpu.memory_space<vmem>>
        %get3A_202 = arith.constant 80 : index
        %get3A_203 = tpu.vector_load %get3A_201[%get3A_202] {strides = array<i32>} : memref<128xf32, #tpu.memory_space<vmem>>, vector<16xf32>,
        %mul3A_204 = arith.mulf %get3A_203, %gather3A : vector<16xf32>
        %swap3A_205 = arith.constant 0 : i32
        %swap3A_206 = tpu.memref_slice %arg12[%scan3A_139, %swap3A_205] : memref<64x128xf32, #tpu.memory_space<vmem>> -> memref<1x128xf32, #tpu.memory_space<vmem>>
        %swap3A_207 = tpu.memref_squeeze %swap3A_206 : memref<1x128xf32, #tpu.memory_space<vmem>> -> memref<128xf32, #tpu.memory_space<vmem>>
        %swap3A_208 = arith.constant 80 : index
        %swap3A_209 = tpu.vector_load %swap3A_207[%swap3A_208] {strides = array<i32>} : memref<128xf32, #tpu.memory_space<vmem>>, vector<16xf32>,
        tpu.vector_store %swap3A_207[%swap3A_208], %mul3A_204 {strides = array<i32>} : memref<128xf32, #tpu.memory_space<vmem>>, vector<16xf32>,
        %get3A_210 = arith.constant 0 : i32
        %get3A_211 = tpu.memref_slice %arg12[%scan3A_139, %get3A_210] : memref<64x128xf32, #tpu.memory_space<vmem>> -> memref<1x128xf32, #tpu.memory_space<vmem>>
        %get3A_212 = tpu.memref_squeeze %get3A_211 : memref<1x128xf32, #tpu.memory_space<vmem>> -> memref<128xf32, #tpu.memory_space<vmem>>
        %get3A_213 = arith.constant 96 : index
        %get3A_214 = tpu.vector_load %get3A_212[%get3A_213] {strides = array<i32>} : memref<128xf32, #tpu.memory_space<vmem>>, vector<16xf32>,
        %mul3A_215 = arith.mulf %get3A_214, %gather3A : vector<16xf32>
        %swap3A_216 = arith.constant 0 : i32
        %swap3A_217 = tpu.memref_slice %arg12[%scan3A_139, %swap3A_216] : memref<64x128xf32, #tpu.memory_space<vmem>> -> memref<1x128xf32, #tpu.memory_space<vmem>>
        %swap3A_218 = tpu.memref_squeeze %swap3A_217 : memref<1x128xf32, #tpu.memory_space<vmem>> -> memref<128xf32, #tpu.memory_space<vmem>>
        %swap3A_219 = arith.constant 96 : index
        %swap3A_220 = tpu.vector_load %swap3A_218[%swap3A_219] {strides = array<i32>} : memref<128xf32, #tpu.memory_space<vmem>>, vector<16xf32>,
        tpu.vector_store %swap3A_218[%swap3A_219], %mul3A_215 {strides = array<i32>} : memref<128xf32, #tpu.memory_space<vmem>>, vector<16xf32>,
        %get3A_221 = arith.constant 0 : i32
        %get3A_222 = tpu.memref_slice %arg12[%scan3A_139, %get3A_221] : memref<64x128xf32, #tpu.memory_space<vmem>> -> memref<1x128xf32, #tpu.memory_space<vmem>>
        %get3A_223 = tpu.memref_squeeze %get3A_222 : memref<1x128xf32, #tpu.memory_space<vmem>> -> memref<128xf32, #tpu.memory_space<vmem>>
        %get3A_224 = arith.constant 112 : index
        %get3A_225 = tpu.vector_load %get3A_223[%get3A_224] {strides = array<i32>} : memref<128xf32, #tpu.memory_space<vmem>>, vector<16xf32>,
        %mul3A_226 = arith.mulf %get3A_225, %gather3A : vector<16xf32>
        %swap3A_227 = arith.constant 0 : i32
        %swap3A_228 = tpu.memref_slice %arg12[%scan3A_139, %swap3A_227] : memref<64x128xf32, #tpu.memory_space<vmem>> -> memref<1x128xf32, #tpu.memory_space<vmem>>
        %swap3A_229 = tpu.memref_squeeze %swap3A_228 : memref<1x128xf32, #tpu.memory_space<vmem>> -> memref<128xf32, #tpu.memory_space<vmem>>
        %swap3A_230 = arith.constant 112 : index
        %swap3A_231 = tpu.vector_load %swap3A_229[%swap3A_230] {strides = array<i32>} : memref<128xf32, #tpu.memory_space<vmem>>, vector<16xf32>,
        tpu.vector_store %swap3A_229[%swap3A_230], %mul3A_226 {strides = array<i32>} : memref<128xf32, #tpu.memory_space<vmem>>, vector<16xf32>,
        %scan3A_232 = arith.constant 0 : i32
        scf.yield %scan3A_232 : i32
      }
      %scan3A_130 = arith.constant 64 : i32
      %scan3A_131 = arith.constant 0 : i32
      %scan3A_132 = arith.constant 0 : i32
      %scan3A_133 = arith.constant 4 : i32
      %scan3A_134 = arith.addi %scan3A_132, %scan3A_133 : i32
      %scan3A_135 = arith.constant 1 : i32
      %scan3A_136 = scf.for %scan3A_139 = %scan3A_132 to %scan3A_134 step %scan3A_135 iter_args(%scan3A_140 = %scan3A_131) -> (i32)  : i32 {
        %mul3A_141 = arith.constant 64 : i32
        %mul3A_142 = arith.muli %scan3A_114, %mul3A_141 : i32
        %mul3A_143 = arith.constant 16 : i32
        %mul3A_144 = arith.muli %scan3A_139, %mul3A_143 : i32
        %add3A_145 = arith.addi %mul3A_142, %mul3A_144 : i32
        %get3A = arith.index_cast %add3A_145 : i32 to index
        %get3A_146 = tpu.vector_load %arg10[%get3A] {strides = array<i32>} : memref<5072xi32, #tpu.memory_space<vmem>>, vector<16xi32>,
        %mul3A_147 = arith.constant 16 : i32
        %mul3A_148 = arith.muli %scan3A_139, %mul3A_147 : i32
        %swap3A_149 = arith.index_cast %mul3A_148 : i32 to index
        %swap3A_150 = tpu.vector_load %arg13[%swap3A_149] {strides = array<i32>} : memref<64xi32, #tpu.memory_space<vmem>>, vector<16xi32>,
        tpu.vector_store %arg13[%swap3A_149], %get3A_146 {strides = array<i32>} : memref<64xi32, #tpu.memory_space<vmem>>, vector<16xi32>,
        %scan3A_151 = arith.constant 0 : i32
        scf.yield %scan3A_151 : i32
      }
      %scan3A_137 = arith.constant 4 : i32
      "tpu.region"() ({
        %run_scoped3A = tpu.sem_alloc : memref<!tpu.dma_semaphore, #tpu.memory_space<semaphore_mem>>
        %dma_start3A_139 = arith.constant 0 : i32
        %dma_start3A_140 = arith.constant 0 : i32
        %dma_start3A_141 = tpu.memref_slice %arg8[%dma_start3A_139, %dma_start3A_140] : memref<10112x128xf32, #tpu.memory_space<vmem_shared>> -> memref<10112x128xf32, #tpu.memory_space<vmem_shared>>
        tpu.enqueue_indirect_dma source(%arg12 : memref<64x128xf32, #tpu.memory_space<vmem>>) target(%dma_start3A_141 : memref<10112x128xf32, #tpu.memory_space<vmem_shared>>) offsets(%arg13 : memref<64xi32, #tpu.memory_space<vmem>>) semaphore(%run_scoped3A : memref<!tpu.dma_semaphore, #tpu.memory_space<semaphore_mem>>) {add = true}
        %dma_wait3A_142 = arith.constant 0 : i32
        %dma_wait3A_143 = arith.constant 0 : i32
        %dma_wait3A_144 = tpu.memref_slice %arg8[%dma_wait3A_142, %dma_wait3A_143] : memref<10112x128xf32, #tpu.memory_space<vmem_shared>> -> memref<10112x128xf32, #tpu.memory_space<vmem_shared>>
        tpu.wait_indirect_dma semaphore(%run_scoped3A : memref<!tpu.dma_semaphore, #tpu.memory_space<semaphore_mem>>) src(%arg12 : memref<64x128xf32, #tpu.memory_space<vmem>>) dst(%dma_wait3A_144 : memref<10112x128xf32, #tpu.memory_space<vmem_shared>>)
        tpu.yield
      }) : () -> ()
      %scan3A_138 = arith.constant 0 : i32
      scf.yield %scan3A_138 : i32
    }
    %scan3A_104 = arith.constant 79 : i32
    "tpu.region"() ({
      %run_scoped3A = tpu.sem_alloc : memref<!tpu.dma_semaphore, #tpu.memory_space<semaphore_mem>>
      %dma_start3A = arith.constant 0 : i32
      %dma_start3A_114 = arith.constant 0 : i32
      %dma_start3A_115 = tpu.memref_slice %arg12[%dma_start3A, %dma_start3A_114] : memref<64x128xf32, #tpu.memory_space<vmem>> -> memref<8x128xf32, #tpu.memory_space<vmem>>
      %dma_start3A_116 = arith.constant 0 : i32
      %dma_start3A_117 = arith.constant 0 : i32
      %dma_start3A_118 = tpu.memref_slice %arg8[%dma_start3A_116, %dma_start3A_117] : memref<10112x128xf32, #tpu.memory_space<vmem_shared>> -> memref<8x128xf32, #tpu.memory_space<vmem_shared>>
      %dma_start3A_119 = arith.constant 0 : i32
      %dma_start3A_120 = arith.constant 0 : i32
      %dma_start3A_121 = tpu.memref_slice %arg12[%dma_start3A_119, %dma_start3A_120] : memref<64x128xf32, #tpu.memory_space<vmem>> -> memref<8x128xf32, #tpu.memory_space<vmem>>
      %dma_start3A_122 = arith.constant 0 : i32
      %dma_start3A_123 = arith.constant 0 : i32
      %dma_start3A_124 = tpu.memref_slice %arg8[%dma_start3A_122, %dma_start3A_123] : memref<10112x128xf32, #tpu.memory_space<vmem_shared>> -> memref<8x128xf32, #tpu.memory_space<vmem_shared>>
      tpu.enqueue_dma source(%dma_start3A_124 : memref<8x128xf32, #tpu.memory_space<vmem_shared>>) target(%dma_start3A_121 : memref<8x128xf32, #tpu.memory_space<vmem>>) target_semaphore(%run_scoped3A : memref<!tpu.dma_semaphore, #tpu.memory_space<semaphore_mem>>)
      %dma_wait3A = arith.constant 0 : i32
      %dma_wait3A_125 = arith.constant 0 : i32
      %dma_wait3A_126 = tpu.memref_slice %arg12[%dma_wait3A, %dma_wait3A_125] : memref<64x128xf32, #tpu.memory_space<vmem>> -> memref<8x128xf32, #tpu.memory_space<vmem>>
      %dma_wait3A_127 = arith.constant 0 : i32
      %dma_wait3A_128 = arith.constant 0 : i32
      %dma_wait3A_129 = tpu.memref_slice %arg8[%dma_wait3A_127, %dma_wait3A_128] : memref<10112x128xf32, #tpu.memory_space<vmem_shared>> -> memref<8x128xf32, #tpu.memory_space<vmem_shared>>
      %dma_wait3A_130 = arith.constant 0 : i32
      %dma_wait3A_131 = arith.constant 0 : i32
      %dma_wait3A_132 = tpu.memref_slice %arg12[%dma_wait3A_130, %dma_wait3A_131] : memref<64x128xf32, #tpu.memory_space<vmem>> -> memref<8x128xf32, #tpu.memory_space<vmem>>
      %dma_wait3A_133 = arith.constant 0 : i32
      %dma_wait3A_134 = arith.constant 0 : i32
      %dma_wait3A_135 = tpu.memref_slice %arg8[%dma_wait3A_133, %dma_wait3A_134] : memref<10112x128xf32, #tpu.memory_space<vmem_shared>> -> memref<8x128xf32, #tpu.memory_space<vmem_shared>>
      tpu.wait_dma2 semaphore(%run_scoped3A : memref<!tpu.dma_semaphore, #tpu.memory_space<semaphore_mem>>) src(%dma_wait3A_135 : memref<8x128xf32, #tpu.memory_space<vmem_shared>>) dst(%dma_wait3A_132 : memref<8x128xf32, #tpu.memory_space<vmem>>)
      tpu.yield
    }) : () -> ()
    %barrier3A_105 = arith.constant 0 : index
    tpu.barrier barrier_id(%barrier3A_105)
    %delay3A = arith.constant 1000 : i32
    tpu.delay %delay3A
    %barrier3A_106 = arith.constant 0 : index
    tpu.barrier barrier_id(%barrier3A_106)
    %eq3A = arith.constant 0 : i32
    %eq3A_107 = arith.cmpi eq, %arg0, %eq3A : i32
    %convert_element_type3A = arith.extui %eq3A_107 : i1 to i32
    %cond3A = arith.constant 0 : i32
    %cond3A_108 = arith.cmpi ne, %convert_element_type3A, %cond3A : i32
    scf.if %cond3A_108 {
      "tpu.region"() ({
        %run_scoped3A = tpu.sem_alloc : memref<!tpu.dma_semaphore, #tpu.memory_space<semaphore_mem>>
        %dma_start3A = arith.constant 0 : i32
        %dma_start3A_114 = tpu.memref_slice %arg6[%multiple_of3A, %dma_start3A] : memref<10112x128xf32, #tpu.memory_space<hbm>> -> memref<632x128xf32, #tpu.memory_space<hbm>>
        %dma_start3A_115 = arith.constant 0 : i32
        %dma_start3A_116 = tpu.memref_slice %arg8[%multiple_of3A, %dma_start3A_115] : memref<10112x128xf32, #tpu.memory_space<vmem_shared>> -> memref<632x128xf32, #tpu.memory_space<vmem_shared>>
        tpu.enqueue_dma source(%dma_start3A_116 : memref<632x128xf32, #tpu.memory_space<vmem_shared>>) target(%dma_start3A_114 : memref<632x128xf32, #tpu.memory_space<hbm>>) target_semaphore(%run_scoped3A : memref<!tpu.dma_semaphore, #tpu.memory_space<semaphore_mem>>)
        %dma_wait3A = arith.constant 0 : i32
        %dma_wait3A_117 = tpu.memref_slice %arg6[%multiple_of3A, %dma_wait3A] : memref<10112x128xf32, #tpu.memory_space<hbm>> -> memref<632x128xf32, #tpu.memory_space<hbm>>
        %dma_wait3A_118 = arith.constant 0 : i32
        %dma_wait3A_119 = tpu.memref_slice %arg8[%multiple_of3A, %dma_wait3A_118] : memref<10112x128xf32, #tpu.memory_space<vmem_shared>> -> memref<632x128xf32, #tpu.memory_space<vmem_shared>>
        tpu.wait_dma2 semaphore(%run_scoped3A : memref<!tpu.dma_semaphore, #tpu.memory_space<semaphore_mem>>) src(%dma_wait3A_119 : memref<632x128xf32, #tpu.memory_space<vmem_shared>>) dst(%dma_wait3A_117 : memref<632x128xf32, #tpu.memory_space<hbm>>)
        tpu.yield
      }) : () -> ()
    } else {
    }
    %eq3A_109 = arith.constant 1 : i32
    %eq3A_110 = arith.cmpi eq, %arg0, %eq3A_109 : i32
    %convert_element_type3A_111 = arith.extui %eq3A_110 : i1 to i32
    %cond3A_112 = arith.constant 0 : i32
    %cond3A_113 = arith.cmpi ne, %convert_element_type3A_111, %cond3A_112 : i32
    scf.if %cond3A_113 {
      "tpu.region"() ({
        %run_scoped3A = tpu.sem_alloc : memref<!tpu.dma_semaphore, #tpu.memory_space<semaphore_mem>>
        %dma_start3A = arith.constant 0 : i32
        %dma_start3A_114 = tpu.memref_slice %arg7[%multiple_of3A, %dma_start3A] : memref<10112x128xf32, #tpu.memory_space<hbm>> -> memref<632x128xf32, #tpu.memory_space<hbm>>
        %dma_start3A_115 = arith.constant 0 : i32
        %dma_start3A_116 = tpu.memref_slice %arg8[%multiple_of3A, %dma_start3A_115] : memref<10112x128xf32, #tpu.memory_space<vmem_shared>> -> memref<632x128xf32, #tpu.memory_space<vmem_shared>>
        tpu.enqueue_dma source(%dma_start3A_116 : memref<632x128xf32, #tpu.memory_space<vmem_shared>>) target(%dma_start3A_114 : memref<632x128xf32, #tpu.memory_space<hbm>>) target_semaphore(%run_scoped3A : memref<!tpu.dma_semaphore, #tpu.memory_space<semaphore_mem>>)
        %dma_wait3A = arith.constant 0 : i32
        %dma_wait3A_117 = tpu.memref_slice %arg7[%multiple_of3A, %dma_wait3A] : memref<10112x128xf32, #tpu.memory_space<hbm>> -> memref<632x128xf32, #tpu.memory_space<hbm>>
        %dma_wait3A_118 = arith.constant 0 : i32
        %dma_wait3A_119 = tpu.memref_slice %arg8[%multiple_of3A, %dma_wait3A_118] : memref<10112x128xf32, #tpu.memory_space<vmem_shared>> -> memref<632x128xf32, #tpu.memory_space<vmem_shared>>
        tpu.wait_dma2 semaphore(%run_scoped3A : memref<!tpu.dma_semaphore, #tpu.memory_space<semaphore_mem>>) src(%dma_wait3A_119 : memref<632x128xf32, #tpu.memory_space<vmem_shared>>) dst(%dma_wait3A_117 : memref<632x128xf32, #tpu.memory_space<hbm>>)
        tpu.yield
      }) : () -> ()
    } else {
    }
    return
  }
}

module attributes {stable_mosaic.version = 14 : i64} {
  func.func @_matmul_body(%arg0: i32, %arg1: memref<1000x128xf32, #tpu.memory_space<vmem>>, %arg2: memref<128x128xf32, #tpu.memory_space<vmem>>, %arg3: memref<1000x128xf32, #tpu.memory_space<vmem>>) attributes {dimension_semantics = [#tpu.dimension_semantics<arbitrary>], iteration_bounds = array<i64: 10>, scalar_prefetch = 0 : i64, scratch_operands = 0 : i64, tpu.core_type = #tpu.core_type<tc>, window_params = [{transform_indices = @transform_0, window_bounds = array<i64: 1000, 128>}, {pipeline_mode = #tpu.pipeline_mode<synchronous>, transform_indices = @transform_1, window_bounds = array<i64: 128, 128>}, {transform_indices = @transform_2, window_bounds = array<i64: 1000, 128>}]} {
    %get3A = arith.constant 0 : index
    %get3A_0 = arith.constant 0 : index
    %get3A_1 = vector.load %arg1[%get3A, %get3A_0] : memref<1000x128xf32, #tpu.memory_space<vmem>>, vector<1000x128xf32>
    %get3A_2 = arith.constant 0 : index
    %get3A_3 = arith.constant 0 : index
    %get3A_4 = vector.load %arg2[%get3A_2, %get3A_3] : memref<128x128xf32, #tpu.memory_space<vmem>>, vector<128x128xf32>
    %dot_general3A = arith.constant dense<0.000000e+00> : vector<1000x128xf32>
    %dot_general3A_5 = tpu.matmul %get3A_1, %get3A_4, %dot_general3A {dimension_numbers = #tpu.dot_dimension_numbers<[1], [0], [0], [1], [0, 0, 1, 1], [], []>, transpose_lhs_hint = false} : vector<1000x128xf32>, vector<128x128xf32>, vector<1000x128xf32> -> vector<1000x128xf32>
    %swap3A = arith.constant 0 : index
    %swap3A_6 = arith.constant 0 : index
    %swap3A_7 = vector.load %arg3[%swap3A, %swap3A_6] : memref<1000x128xf32, #tpu.memory_space<vmem>>, vector<1000x128xf32>
    tpu.vector_store %arg3[%swap3A, %swap3A_6], %dot_general3A_5 {strides = array<i32>} : memref<1000x128xf32, #tpu.memory_space<vmem>>, vector<1000x128xf32>,
    return
  }
  func.func @transform_0(%arg0: i32) -> (i32, i32) {
    %c0_i32 = arith.constant 0 : i32
    %c0_i32_0 = arith.constant 0 : i32
    return %arg0, %c0_i32 : i32, i32
  }
  func.func @transform_1(%arg0: i32) -> (i32, i32) {
    %c0_i32 = arith.constant 0 : i32
    %c0_i32_0 = arith.constant 0 : i32
    %c0_i32_1 = arith.constant 0 : i32
    return %c0_i32, %c0_i32_0 : i32, i32
  }
  func.func @transform_2(%arg0: i32) -> (i32, i32) {
    %c0_i32 = arith.constant 0 : i32
    %c0_i32_0 = arith.constant 0 : i32
    return %arg0, %c0_i32 : i32, i32
  }
}

module attributes {stable_mosaic.version = 14 : i64} {
  func.func @_combine_body(%arg0: i32, %arg1: memref<1000x128xf32, #tpu.memory_space<vmem>>, %arg2: memref<1000x128xf32, #tpu.memory_space<vmem>>, %arg3: memref<1000x128xf32, #tpu.memory_space<vmem>>) attributes {dimension_semantics = [#tpu.dimension_semantics<arbitrary>], iteration_bounds = array<i64: 10>, scalar_prefetch = 0 : i64, scratch_operands = 0 : i64, tpu.core_type = #tpu.core_type<tc>, window_params = [{transform_indices = @transform_0, window_bounds = array<i64: 1000, 128>}, {transform_indices = @transform_1, window_bounds = array<i64: 1000, 128>}, {transform_indices = @transform_2, window_bounds = array<i64: 1000, 128>}]} {
    %get3A = arith.constant 0 : index
    %get3A_0 = arith.constant 0 : index
    %get3A_1 = vector.load %arg1[%get3A, %get3A_0] : memref<1000x128xf32, #tpu.memory_space<vmem>>, vector<1000x128xf32>
    %get3A_2 = arith.constant 0 : index
    %get3A_3 = arith.constant 0 : index
    %get3A_4 = vector.load %arg2[%get3A_2, %get3A_3] : memref<1000x128xf32, #tpu.memory_space<vmem>>, vector<1000x128xf32>
    %add3A = arith.addf %get3A_1, %get3A_4 : vector<1000x128xf32>
    %max3A = arith.constant 0.000000e+00 : f32
    %max3A_5 = vector.broadcast %max3A : f32 to vector<1000x128xf32>
    %max3A_6 = arith.maximumf %add3A, %max3A_5 : vector<1000x128xf32>
    %swap3A = arith.constant 0 : index
    %swap3A_7 = arith.constant 0 : index
    %swap3A_8 = vector.load %arg3[%swap3A, %swap3A_7] : memref<1000x128xf32, #tpu.memory_space<vmem>>, vector<1000x128xf32>
    tpu.vector_store %arg3[%swap3A, %swap3A_7], %max3A_6 {strides = array<i32>} : memref<1000x128xf32, #tpu.memory_space<vmem>>, vector<1000x128xf32>,
    return
  }
  func.func @transform_0(%arg0: i32) -> (i32, i32) {
    %c0_i32 = arith.constant 0 : i32
    %c0_i32_0 = arith.constant 0 : i32
    return %arg0, %c0_i32 : i32, i32
  }
  func.func @transform_1(%arg0: i32) -> (i32, i32) {
    %c0_i32 = arith.constant 0 : i32
    %c0_i32_0 = arith.constant 0 : i32
    return %arg0, %c0_i32 : i32, i32
  }
  func.func @transform_2(%arg0: i32) -> (i32, i32) {
    %c0_i32 = arith.constant 0 : i32
    %c0_i32_0 = arith.constant 0 : i32
    return %arg0, %c0_i32 : i32, i32
  }
}

</mosaic_0001>

<sc_bundles>
// kernel: kernel.6.cloned.1.call-start
scs
__scs_entry_jumppad:
0x0: {  	(pc) =	sbr.rel $0x88, $3  }
0x1: {  	(tag) =	ssettag $0x0;
	lr =	simm.s32 $0x1  }
0x2: {  	[smem:$0x3F9D] =	sst lr;
	_ =	strace $0xD0000000  }
0x3: {  	_ = 	snop  }
0x4: {  	_ = 	snop  }
0x5: {  	_ = 	snop  }
0x6: {  	_ = 	snop  }
0x7: {  	_ = 	snop  }
__scs_overlays_trampoline_lowered:
0x8: {  	[smem:$0x3FAC] =	sst s0  }
0x9: {  	[smem:$0x3FAD] =	sst s1  }
0xa: {  	[smem:$0x3FAE] =	sst s2  }
0xb: {  	[smem:$0x3FAF] =	sst s3  }
0xc: {  	[smem:$0x3FB0] =	sst s4  }
0xd: {  	[smem:$0x3FB1] =	sst s5  }
0xe: {  	[smem:$0x3FB2] =	sst s6  }
0xf: {  	[smem:$0x3FB3] =	sst s7  }
0x10: {  	[smem:$0x3FB4] =	sst s8  }
0x11: {  	[smem:$0x3FB5] =	sst s9;
	s0 =	simm.s32 @!p0 $0x0  }
0x12: {  	s1 =	sld [smem:$0x3F9B];
	s0 =	simm.s32 @p0 $0x1  }
0x13: {  	[smem:$0x3FB6] =	sst s0;
	s0 =	simm.s32 @!p1 $0x0  }
0x14: {  	s2 =	sld [smem:$0x3F9A];
	s0 =	simm.s32 @p1 $0x1  }
0x15: {  	[smem:$0x3FB7] =	sst s0;
	s0 =	simm.s32 @!p2 $0x0  }
0x16: {  	s3 =	sld [smem:$0x3FDB];
	s0 =	simm.s32 @p2 $0x1  }
0x17: {  	s4 =	simm.s32 $0x1BF5;
	[smem:$0x3FB9] =	sst s0  }
0x18: {  	s0 =	sld [smem:$0x3F9C];
	_ =	swait.ge [sflag:s4], $0x0  }
0x19: {  	s7 =	sld [smem:$0x3F9D]  }
0x1a: {  	s8 =	sadd.s32 $0xFFFFE003, lr  }
0x1b: {  	s9 =	sadd.s32 $0xFFFFFEF7, lr;
	s5 =	simm.s32 $0xFFFFFFFF;
	p2 =	slt.u32 s8, $0xFFFFF086  }
0x1c: {  	p1 =	slt.u32 s9, $0xF7A;
	s5 =	simm.s32 @!p2 $0x0  }
0x1d: {  	s5 =	simm.s32 @p1 $0x1;
	p0 =	seq.s32 s7, s2  }
0x1e: {  	s7 =	smul.u32 @!p0 $0xF7A, s2;
	p2 =	seq.s32 @!p0 s5, $0x0  }
0x1f: {  	s9 =	smul.u32 $0xF7A, s1;
	s8 =	simm.s32 @!p0 $0x1BF5;
	p2 =	por !p2, p0  }
0x20: {  	[sflag:s8] =	ssyncset.s32 @!p0 $0xFFFFF086;
	s6 =	sadd.s32 @!p0 s3, s7;
	s7 =	simm.s32 @!p0 $0x108  }
0x21: {  	s3 =	sadd.s32 s3, s9;
	s6 =	sadd.s32 @!p0 $0x88, s6;
	s7 =	simm.s32 @p2 $0x1082  }
0x22: {  	[simem:s7], [sflag:s8] =	dma.local @!p0 [hbm:s6], $0xF7A  }
0x23: {  	s9 =	sor.u32 $0xD0000000, s2;
	s6 =	simm.s32 $0x108;
	_ =	swait.ge @!p0 [sflag:s8], $0x0  }
0x24: {  	s3 =	sadd.s32 $0x88, s3;
	s6 =	simm.s32 @!p1 $0x1082;
	[sflag:s4] =	ssyncset.s32 $0xFFFFF086  }
0x25: {  	[simem:s6], [sflag:s4] =	dma.local [hbm:s3], $0xF7A  }
0x26: {  	[smem:$0x3F9D] =	sst s1;
	(tag) =	ssettag s2;
	_ =	strace s9  }
0x27: {  	s1 =	sld [smem:$0x3FAD]  }
0x28: {  	s2 =	sld [smem:$0x3FAE]  }
0x29: {  	s4 =	sld [smem:$0x3FB0]  }
0x2a: {  	p0 =	seq.s32 s5, $0x0;
	s5 =	sld [smem:$0x3FB1]  }
0x2b: {  	s6 =	sld [smem:$0x3FB2]  }
0x2c: {  	s7 =	sld [smem:$0x3FB3]  }
0x2d: {  	s3 =	simm.s32 $0x108;
	s8 =	sld [smem:$0x3FB4]  }
0x2e: {  	s3 =	simm.s32 @!p0 $0x1082;
	s9 =	sld [smem:$0x3FB5]  }
0x2f: {  	lr =	sadd.s32 s0, s3;
	s0 =	sld [smem:$0x3FAC]  }
0x30: {  	s3 =	sld [smem:$0x3FAF]  }
0x31: {  	[smem:$0x3FB8] =	sst s10  }
0x32: {  	s10 =	sld [smem:$0x3FB6];
	_ =	sdelay $0x3  }
0x33: {  	p0 =	seq.s32 s10, $0x1;
	s10 =	sld [smem:$0x3FB8];
	_ =	sdelay $0x3  }
0x34: {  	[smem:$0x3FB8] =	sst s10  }
0x35: {  	s10 =	sld [smem:$0x3FB7];
	_ =	sdelay $0x3  }
0x36: {  	p1 =	seq.s32 s10, $0x1;
	s10 =	sld [smem:$0x3FB8];
	_ =	sdelay $0x3  }
0x37: {  	[smem:$0x3FB8] =	sst s10  }
0x38: {  	s10 =	sld [smem:$0x3FB9]  }
0x39: {  	_ = 	snop;
	(pc) =	sbr.ind lr, $3  }
0x3a: {  	_ = 	snop  }
0x3b: {  	_ = 	snop  }
0x3c: {  	p2 =	seq.s32 s10, $0x1;
	s10 =	sld [smem:$0x3FB8]  }
0x3d: {  	_ =	shalt  }
0x3e: {  	_ =	shalt  }
0x3f: {  	_ =	shalt  }
0x40: {  	_ =	shalt  }
0x41: {  	_ =	shalt  }
0x42: {  	_ =	shalt  }
0x43: {  	_ =	shalt  }
0x44: {  	_ =	shalt  }
0x45: {  	_ =	shalt  }
0x46: {  	_ =	shalt  }
0x47: {  	_ =	shalt  }
0x48: {  	_ =	shalt  }
0x49: {  	_ =	shalt  }
0x4a: {  	_ =	shalt  }
0x4b: {  	_ =	shalt  }
0x4c: {  	_ =	shalt  }
0x4d: {  	_ =	shalt  }
0x4e: {  	_ =	shalt  }
0x4f: {  	_ =	shalt  }
0x50: {  	_ =	shalt  }
0x51: {  	_ =	shalt  }
0x52: {  	_ =	shalt  }
0x53: {  	_ =	shalt  }
0x54: {  	_ =	shalt  }
0x55: {  	_ =	shalt  }
0x56: {  	_ =	shalt  }
0x57: {  	_ =	shalt  }
0x58: {  	_ =	shalt  }
0x59: {  	_ =	shalt  }
0x5a: {  	_ =	shalt  }
0x5b: {  	_ =	shalt  }
0x5c: {  	_ =	shalt  }
0x5d: {  	_ =	shalt  }
0x5e: {  	_ =	shalt  }
0x5f: {  	_ =	shalt  }
0x60: {  	_ =	shalt  }
0x61: {  	_ =	shalt  }
0x62: {  	_ =	shalt  }
0x63: {  	_ =	shalt  }
0x64: {  	_ =	shalt  }
0x65: {  	_ =	shalt  }
0x66: {  	_ =	shalt  }
0x67: {  	_ =	shalt  }
0x68: {  	_ =	shalt  }
0x69: {  	_ =	shalt  }
0x6a: {  	_ =	shalt  }
0x6b: {  	_ =	shalt  }
0x6c: {  	_ =	shalt  }
0x6d: {  	_ =	shalt  }
0x6e: {  	_ =	shalt  }
0x6f: {  	_ =	shalt  }
0x70: {  	_ =	shalt  }
0x71: {  	_ =	shalt  }
0x72: {  	_ =	shalt  }
0x73: {  	_ =	shalt  }
0x74: {  	_ =	shalt  }
0x75: {  	_ =	shalt  }
0x76: {  	_ =	shalt  }
0x77: {  	_ =	shalt  }
0x78: {  	_ =	shalt  }
0x79: {  	_ =	shalt  }
0x7a: {  	_ =	shalt  }
0x7b: {  	_ =	shalt  }
0x7c: {  	_ =	shalt  }
0x7d: {  	_ =	shalt  }
0x7e: {  	_ =	shalt  }
0x7f: {  	_ =	shalt  }
0x80: {  	_ =	shalt  }
0x81: {  	_ =	shalt  }
0x82: {  	_ =	shalt  }
0x83: {  	_ =	shalt  }
0x84: {  	_ =	shalt  }
0x85: {  	_ =	shalt  }
0x86: {  	_ =	shalt  }
0x87: {  	_ =	shalt  }
.Lfunc_end0:
.L_simem_size_0:
called_computation_lowered:
.L_overlay_start_0:
0x88: {  	s2 =	sld [smem:$0x3FD9]  }
0x89: {  	s3 =	sld [smem:$0x3FFE];
	_ =	sdelay $0x1  }
0x8a: {  	s1 =	srdreg.scid  }
0x8b: {  	s0 =	sand.u32 $0x1, s1  }
0x8c: {  	s15 =	sshll.u32 s0, $0xA;
	s2 =	sadd.s32 s3, s2  }
0x8d: {  	s2 =	sadd.s32 s2, s15  }
0x8e: {  	[smem:$0x3FC4] =	sst s2  }
0x8f: {  	_ = 	snop  }
0x90: {  	s16 =	sld [smem:$0x3FD0];
	_ =	sdelay $0x2  }
0x91: {  	s4 =	simm.s32 $0xB;
	s5 =	simm.s32 $0x10;
	s2 =	sld [smem:$0x3FC7]  }
0x92: {  	[smem:s5], [sflag:s4] =	dma.local [hbm:s16], $0x1  }
0x93: {  	_ =	swait.eq [sflag:s4], $0x1  }
0x94: {  	[sflag:s4] =	ssyncset.done $0x0  }
0x95: {  	s17 =	sld [smem:$0x11];
	[sflag:s4] =	ssyncadd.s32 $0xFFFFFFFF  }
0x96: {  	s18 =	sld [smem:$0x14];
	(tm) =	ssettm $0x1  }
0x97: {  	s19 =	sld [smem:$0x3FFB];
	_ =	sdelay $0x3  }
0x98: {  	_ =	strace s19  }
0x99: {  	s3 =	sld [smem:$0x3FFC];
	_ =	sdelay $0x3  }
0x9a: {  	_ =	strace s3  }
0x9b: {  	s3 =	sld [smem:$0x3FFD];
	_ =	sdelay $0x3  }
0x9c: {  	_ =	strace s3  }
0x9d: {  	_ =	strace $0x8FFFFFFF  }
0x9e: {  	s20 =	sld [smem:$0x3FDB];
	_ =	sdelay $0x1  }
0x9f: {  	s6 =	simm.s32 $_scs_section_size  }
0xa0: {  	s7 =	simm.s32 $_size__tile_overlayer_lowered;
	s8 =	simm.s32 $_tile_overlayer_lowered  }
0xa1: {  	s9 =	simm.s32 $0x1BFF;
	s21 =	sshll.u32 s8, $0x1;
	s6 =	sadd.s32 s6, s20  }
0xa2: {  	s22 =	simm.s32 $0x0;
	s7 =	sshll.u32 s7, $0x1;
	s8 =	sadd.s32 s21, s6  }
0xa3: {  	[timem:s22], [sflag:s9] =	dma.local [hbm:s8], s7  }
0xa4: {  	_ =	swait.ge [sflag:s9], s7  }
0xa5: {  	s7 =	ssub.s32 $0x0, s7;
	[sflag:s9] =	ssyncset.done $0x0  }
0xa6: {  	[sflag:s9] =	ssyncadd.s32 s7;
	_ =	sdelay $0x1  }
0xa7: {  	s23 =	simm.s32 $0x1B8B  }
0xa8: {  	_ =	swait.ge [sflag:s23], $0x1  }
0xa9: {  	[sflag:s23] =	ssyncset.done $0x0  }
0xaa: {  	[sflag:s23] =	ssyncadd.s32 $0xFFFFFFFF  }
0xab: {  	s7 =	sld [smem:$0x0]  }
0xac: {  	s8 =	sand.u32 $0xFFFFFFFE, s1  }
0xad: {  	p0 =	sne.s32 s1, s8  }
0xae: {  	s8 =	sshll.u32 @p0 s8, $0xE  }
0xaf: {  	s8 =	sadd.s32 @p0 $0x11B8D, s8;
	s9 =	sshll.u32 @p0 s7, $0x11  }
0xb0: {  	s8 =	sor.u32 @p0 s9, s8  }
0xb1: {  	[sflag:s8] =	ssyncadd.remote.s32 @p0 $0x1;
	_ =	sdelay $0x1  }
0xb2: {  	s8 =	simm.s32 @p0 $0x1B8D  }
0xb3: {  	_ =	swait.eq @p0 [sflag:s8], $0x1  }
0xb4: {  	[sflag:s8] =	ssyncadd.s32 @p0 $0xFFFFFFFF  }
0xb5: {  	s9 =	sshll.u32 @!p0 s1, $0xE  }
0xb6: {  	s9 =	sor.u32 @!p0 $0x4000, s9;
	s8 =	simm.s32 @!p0 $0x1B8D  }
0xb7: {  	s7 =	sshll.u32 @!p0 s7, $0x11;
	s9 =	sadd.s32 @!p0 $0x11B8D, s9;
	_ =	swait.eq @!p0 [sflag:s8], $0x1  }
0xb8: {  	s7 =	sor.u32 @!p0 s7, s9;
	[sflag:s8] =	ssyncadd.s32 @!p0 $0xFFFFFFFF  }
0xb9: {  	s25 =	simm.s32 $0x1B8E;
	s24 =	sld [smem:$0x3FFE];
	[sflag:s7] =	ssyncadd.remote.s32 @!p0 $0x1  }
0xba: {  	s26 =	simm.s32 $execute0_lowered;
	[smem:$0x3FD2] =	sst s25  }
0xbb: {  	s8 =	sshll.u32 s26, $0x1;
	_ =	strace $0x80000049;
	[dreg:$0x1] =	wrdreg $0xFFFFFFFF  }
0xbc: {  	s28 =	simm.s32 $_size_execute0_lowered;
	s6 =	sadd.s32 s6, s8;
	[dreg:$0x0] =	wrdreg $0x0  }
0xbd: {  	s8 =	sshll.u32 s28, $0x1;
	[dreg:$0x2] =	wrdreg s6  }
0xbe: {  	[dreg:$0x3] =	wrdreg s8  }
0xbf: {  	[dreg:$0x4] =	wrdreg $0xC0  }
0xc0: {  	_ =	task [dreg:s22], $0x5FFFF  }
0xc1: {  	[dreg:$0x1] =	wrdreg $0xFFFFFFFF  }
0xc2: {  	[dreg:$0x0] =	wrdreg $0x60  }
0xc3: {  	[dreg:$0x2] =	wrdreg s24  }
0xc4: {  	[dreg:$0x3] =	wrdreg s17  }
0xc5: {  	[dreg:$0x4] =	wrdreg s2  }
0xc6: {  	[dreg:$0x5] =	wrdreg s18  }
0xc7: {  	[dreg:$0x6] =	wrdreg $0x0  }
0xc8: {  	[dreg:$0x7] =	wrdreg $0x9  }
0xc9: {  	_ =	task.clear_ibuf [dreg:s22], $0x8FFFF;
	_ =	strace $0x90000049  }
0xca: {  	s29 =	simm.s32 $0x9;
	_ =	strace $0x8000004B  }
0xcb: {  	_ =	swait.ge [sflag:s29], $0x1  }
0xcc: {  	[sflag:s29] =	ssyncadd.s32 $0xFFFFFFFF  }
0xcd: {  	_ =	strace $0x9000004B  }
0xce: {  	_ =	sfence  }
0xcf: {  	s30 =	sld [smem:$0x0];
	_ =	sdelay $0x2  }
0xd0: {  	s31 =	sshll.u32 s1, $0xD;
	s1 =	sshrl.u32 s1, $0x2  }
0xd1: {  	s4 =	sand.u32 $0x4000, s31;
	s1 =	sadd.s32 s1, s30  }
0xd2: {  	s0 =	sor.u32 s4, s0;
	s1 =	sshll.u32 s1, $0x11  }
0xd3: {  	s0 =	sor.u32 s1, s0  }
0xd4: {  	s0 =	sadd.s32 $0x8F2B, s0  }
0xd5: {  	[sflag:s0] =	ssyncadd.remote.s32 $0x1  }
0xd6: {  	_ =	sfence.sel $0xFFFF  }
0xd7: {  	[dreg:$0x0] =	wrdreg $0xFFFFFFFF;
	(pc) =	sbr.abs _section_cstart, $3  }
0xd8: {  	[dreg:$0x1] =	wrdreg $0xFFFFFFFF  }
0xd9: {  	_ =	task.clear_ibuf [dreg:s22], $0x2FFFF;
	_ =	strace $0x9FFFFFFF  }
0xda: {  	(tm) =	ssettm $0x7FFFFFFF  }
0xdb: {  	_ =	shalt  }
tec
execute0_lowered:
.L_overlay_start_1:
0x0: {  	(tag) =	ssettag $0x1  }
0x1: {  	s0 =	rddreg [dreg:$0x0]  }
0x2: {  	s8 =	rddreg [dreg:$0x2]  }
0x3: {  	s11 =	rddreg [dreg:$0x4];
	s2 =	simm.s32 $0x0  }
0x4: {  	s1 =	srdreg.scid;
	[smem:$0x7FF] =	sst s2;
	s6 =	sadd.s32 $0x28000, s11  }
0x5: {  	s13 =	sadd.s32 $0x1400, s0;
	_ =	strace $0x8000004A;
	[smem:$0x7E3] =	sst s6  }
0x6: {  	s24 =	stileid.u32;
	s15 =	sadd.s32 $0x2DC00, s0;
	[smem:$0x7ED] =	sst s13  }
0x7: {  	s14 =	smul.u32 $0xF420, s24;
	s18 =	sadd.s32 $0xF4200, s11;
	[smem:$0x7EF] =	sst s15  }
0x8: {  	s7 =	smul.u32 $0x2710, s24;
	[smem:$0x7F3] =	sst s18  }
0x9: {  	s12 =	smul.u32 $0x280, s24;
	[smem:$0x7EE] =	sst s14  }
0xa: {  	s1 =	sand.u32 $0x1, s1;
	s4 =	smul.u32 $0x3D080, s24;
	[smem:$0x7F0] =	sst s7  }
0xb: {  	s19 =	smul.u32 $0x1388, s1;
	s16 =	sadd.s32 s14, s11;
	[smem:$0x7F4] =	sst s12  }
0xc: {  	s28 =	smul.u32 $0xAA00, s24;
	[smem:$0x7F1] =	sst s16  }
0xd: {  	s26 =	sshrl.u32 s4, $0x2;
	s29 =	sadd.s32 $0xF000, s16;
	[smem:$0x7F5] =	sst s19  }
0xe: {  	s4 =	sshrl.u32 s28, $0x2;
	s10 =	sadd.s32 $0xD800, s16;
	[smem:$0x7E2] =	sst s29  }
0xf: {  	s4 =	sadd.s32 s4, s11;
	[smem:$0x7E7] =	sst s10  }
0x10: {  	s30 =	smul.u32 $0xA00, s24;
	s9 =	sadd.s32 s26, s11;
	[smem:$0x7EB] =	sst s4  }
0x11: {  	s31 =	smul.u32 $0x2800, s24;
	s20 =	sadd.s32 $0x1800, s16;
	[smem:$0x7F2] =	sst s9  }
0x12: {  	s3 =	ssub.s32 $0x2, s1;
	s22 =	sadd.s32 $0x3000, s16;
	[smem:$0x7F6] =	sst s20  }
0x13: {  	s5 =	sshrl.u32 s3, $0x1;
	s26 =	sadd.s32 $0x6000, s16;
	[smem:$0x7F7] =	sst s22  }
0x14: {  	s25 =	ssub.s32 s3, s5;
	s28 =	sadd.s32 $0x7800, s16;
	[smem:$0x7F9] =	sst s26  }
0x15: {  	s3 =	sshrl.u32 s30, $0x2;
	s30 =	sadd.s32 $0xA800, s16;
	[smem:$0x7FA] =	sst s28  }
0x16: {  	v0 =	vmov s31;
	s31 =	sadd.s32 $0xC000, s16;
	[smem:$0x7FC] =	sst s30  }
0x17: {  	s3 =	sadd.s32 s3, s6;
	[smem:$0x7FD] =	sst s31  }
0x18: {  	s6 =	sadd.s32 $0x2800, s4;
	[smem:$0x7E4] =	sst s3  }
0x19: {  	s0 =	smax.u32 s25, $0x1;
	[smem:$0x7E5] =	sst s6  }
0x1a: {  	v4 =	vimm.s32 $0xECA86420;
	v3 =	vimm.f32 $0.0e+00;
	vm0 =	vcmask $0xB08;
	s17 =	sadd.s32 $0x800, s4;
	[smem:$0x7E6] =	sst s0  }
0x1b: {  	vm1 =	vcmask $0x1310;
	vm2 =	vcmask $0x1B18;
	v6 =	vlaneseq.u32;
	s21 =	sadd.s32 $0x1000, s4;
	[smem:$0x7E8] =	sst s17  }
.Ltmp0:
0x1c: {  	vm15 =	vmmov $0xff;
	vm12 =	vcmask $0x704;
	vm14 =	vcmask $0xF0C;
	s23 =	sadd.s32 $0x1800, s4;
	[smem:$0x7E9] =	sst s21;
	(pc) =	sbr.rel .LBB2_1-.Ltmp0, $4  }
0x1d: {  	vm3 =	vcmask $0x1F1C;
	vm4 =	vcmask $0x300;
	p0 =	sne.s32 s24, $0x0;
	v2 =	vmov s24;
	s24 =	sadd.s32 $0x2000, s4;
	[smem:$0x7EA] =	sst s23  }
0x1e: {  	vm5 =	vcmask $0x2320;
	v5 =	vunpack.c.l.s4.s8 v4;
	v1 =	vmov s1;
	s1 =	simm.s32 $0x0;
	s25 =	sadd.s32 $0x4800, s16;
	[smem:$0x7EC] =	sst s24  }
0x1f: {  	vm6 =	vcmask $0x2B28;
	vm7 =	vcmask $0x3330;
	vm8 =	vcmask $0x3B38;
	s29 =	sadd.s32 $0x9000, s16;
	s23 =	simm.s32 $0x1C0A8;
	[smem:$0x7F8] =	sst s25  }
0x20: {  	v4 =	vimm.s32 $0x0;
	v7 =	vmul.u32 $0x2, v6;
	v5 =	vunpack.c.0.s8.s32 v5;
	s24 =	simm.s32 $0x5;
	s17 =	simm.s32 $0x1C8A8;
	[smem:$0x7FB] =	sst s29  }
.LBB2_36:
0x21: {  	s1 =	sld [smem:$0x7E1]  }
0x22: {  	s0 =	sld [smem:$0x7E6];
	_ =	sdelay $0x1  }
0x23: {  	s1 =	sadd.s32 $0x1, s1  }
0x24: {  	p1 =	sne.s32 s1, s0  }
.Ltmp1:
0x25: {  	_ = 	snop;
	(pc) =	sbr.rel @!p1 .LBB2_37-.Ltmp1, $4  }
0x26: {  	_ = 	snop  }
0x27: {  	s7 =	sld [smem:$0x7F0]  }
0x28: {  	s9 =	sld [smem:$0x7F2]  }
0x29: {  	s12 =	sld [smem:$0x7F4];
	s23 =	simm.s32 $0x1C0A8;
	s24 =	simm.s32 $0x5  }
.LBB2_1:
0x2a: {  	[smem:$0x7E1] =	sst s1;
	s0 =	simm.s32 $0x0  }
.LBB2_2:
0x2b: {  	p1 =	sne.s32 s0, $0x1FC0  }
.Ltmp2:
0x2c: {  	_ = 	snop;
	(pc) =	sbr.rel @p1 .LBB2_2-.Ltmp2, $3  }
0x2d: {  	_ =	sdelay $0x1  }
0x2e: {  	s1 =	sshra.s32 s0, $0x2  }
0x2f: {  	s0 =	sadd.s32 $0x40, s0;
	[tilespmem:s1+$0x1C0A8] =	vst v3  }
0x30: {  	s0 =	sadd.s32 $0x0, s9  }
0x31: {  	[spmem:s0] =	stream.linear.scatter [tilespmem:s23], [sflag:$0x5], $0x800, $0x38;
	[tilespmem:$0x1F8A8] =	vst v63  }
0x32: {  	s0 =	simm.s32 $0x2000;
	_ =	swait.ge [sflag:s24], $0x800  }
.LBB2_4:
0x33: {  	s1 =	sshra.s32 s0, $0x2;
	[sflag:s24] =	ssyncset.done $0x0;
	p1 =	sne.s32 s0, $0x3A000  }
.Ltmp3:
0x34: {  	s1 =	sadd.s32 s1, s9;
	[sflag:s24] =	ssyncadd.s32 $0xFFFFF800;
	(pc) =	sbr.rel @p1 .LBB2_4-.Ltmp3, $3  }
0x35: {  	[spmem:s1] =	stream.linear.scatter [tilespmem:s23], [sflag:$0x5], $0x800, $0x38;
	[tilespmem:$0x1F8A8] =	vst v63  }
0x36: {  	s0 =	sadd.s32 $0x2000, s0;
	_ =	sdelay $0x1  }
0x37: {  	_ =	swait.ge [sflag:s24], $0x800  }
0x38: {  	s0 =	sld [smem:$0x7E2]  }
0x39: {  	[sflag:s24] =	ssyncset.done $0x0  }
0x3a: {  	[sflag:s24] =	ssyncadd.s32 $0xFFFFF800  }
0x3b: {  	[spmem:s0] =	stream.linear.scatter [tilespmem:s23], [sflag:$0x5], $0x420, $0x38;
	[tilespmem:$0x1F8A8] =	vst v63  }
0x3c: {  	_ =	swait.ge [sflag:s24], $0x420  }
0x3d: {  	[sflag:s24] =	ssyncset.done $0x0  }
0x3e: {  	s0 =	simm.s32 @!p0 $0x1C0A8;
	[sflag:s24] =	ssyncadd.s32 $0xFFFFFBE0  }
0x3f: {  	[spmem:s18] =	stream.linear.scatter @!p0 [tilespmem:s0], [sflag:$0x5], $0x40, $0x38;
	[tilespmem:$0x1F8A8] =	vst v63  }
0x40: {  	s0 =	simm.s32 @!p0 $0x5  }
0x41: {  	_ =	swait.ge @!p0 [sflag:s0], $0x40  }
0x42: {  	[sflag:s0] =	ssyncset.done @!p0 $0x0  }
0x43: {  	[sflag:s0] =	ssyncadd.s32 @!p0 $0xFFFFFFC0  }
0x44: {  	[tilespmem:$0xFBF8] =	vst v4  }
0x45: {  	[tilespmem:$0x10BF8] =	vst v3  }
0x46: {  	[tilespmem:$0xFC08] =	vst v4  }
0x47: {  	[tilespmem:$0x10C08] =	vst v3  }
0x48: {  	[tilespmem:$0xFC18] =	vst v4  }
0x49: {  	s10 =	simm.s32 $0x0;
	s21 =	simm.s32 $0x0;
	s5 =	simm.s32 $0x80;
	[tilespmem:$0x10C18] =	vst v3  }
0x4a: {  	s6 =	simm.s32 $0x1BFA8;
	s19 =	simm.s32 $0x1C028;
	[bflag:$0x0] =	sbarrier.arrive $0xFFFF  }
.LBB2_6:
0x4b: {  	s0 =	smul.u32 $0x7D0, s21;
	_ =	sdelay $0x1  }
0x4c: {  	s0 =	sadd.s32 s7, s0  }
0x4d: {  	s0 =	sshrl.u32 s0, $0x3  }
0x4e: {  	s2 =	simm.s32 $0xF428;
	s1 =	sadd.s32 s13, s0  }
0x4f: {  	[tilespmem:s2], [sflag:$0x1] =	stream.linear.gather [hbm4b:s1+s10], $0x7D0, $0x38;
	[tilespmem:$0x1F8A8] =	vst v63  }
0x50: {  	s28 =	simm.s32 $0x10428;
	s29 =	simm.s32 $0x1;
	s0 =	sadd.s32 s8, s0  }
0x51: {  	[tilespmem:s28], [sflag:$0x2] =	stream.linear.gather [hbm4b:s0+s10], $0x7D0, $0x38;
	[tilespmem:$0x1F8A8] =	vst v63  }
0x52: {  	_ =	swait.ge [sflag:s29], $0x7D0  }
0x53: {  	[sflag:s29] =	ssyncset.done $0x0  }
0x54: {  	s30 =	simm.s32 $0x2;
	[sflag:s29] =	ssyncadd.s32 $0xFFFFF830  }
0x55: {  	_ =	swait.ge [sflag:s30], $0x7D0  }
0x56: {  	[sflag:s30] =	ssyncset.done $0x0  }
0x57: {  	s31 =	simm.s32 $0x0;
	[sflag:s30] =	ssyncadd.s32 $0xFFFFF830  }
0x58: {  	v8 =	vld [tilespmem:s31+$0xF428];
	_ =	sdelay $0x4  }
0x59: {  	v8 =	vadd.s32 v0, v8  }
0x5a: {  	[tilespmem:$0x1BFA8] =	vst v8  }
0x5b: {  	v8 =	vld [tilespmem:s31+$0x10428];
	_ =	sdelay $0x4  }
0x5c: {  	[tilespmem:$0x1C028] =	vst v8  }
0x5d: {  	v8 =	vld [tilespmem:s31+$0xF438];
	_ =	sdelay $0x4  }
0x5e: {  	v8 =	vadd.s32 v0, v8  }
0x5f: {  	[tilespmem:$0x1BFB8] =	vst v8  }
0x60: {  	v8 =	vld [tilespmem:s31+$0x10438];
	_ =	sdelay $0x4  }
0x61: {  	[tilespmem:$0x1C038] =	vst v8  }
0x62: {  	v8 =	vld [tilespmem:s31+$0xF448];
	_ =	sdelay $0x4  }
0x63: {  	v8 =	vadd.s32 v0, v8  }
0x64: {  	[tilespmem:$0x1BFC8] =	vst v8  }
0x65: {  	v8 =	vld [tilespmem:s31+$0x10448];
	_ =	sdelay $0x4  }
0x66: {  	[tilespmem:$0x1C048] =	vst v8  }
0x67: {  	v8 =	vld [tilespmem:s31+$0xF458];
	_ =	sdelay $0x4  }
0x68: {  	v8 =	vadd.s32 v0, v8  }
0x69: {  	[tilespmem:$0x1BFD8] =	vst v8  }
0x6a: {  	v8 =	vld [tilespmem:s31+$0x10458];
	_ =	sdelay $0x4  }
0x6b: {  	[tilespmem:$0x1C058] =	vst v8  }
0x6c: {  	v8 =	vld [tilespmem:s31+$0xF468];
	_ =	sdelay $0x4  }
0x6d: {  	v8 =	vadd.s32 v0, v8  }
0x6e: {  	[tilespmem:$0x1BFE8] =	vst v8  }
0x6f: {  	v8 =	vld [tilespmem:s31+$0x10468];
	_ =	sdelay $0x4  }
0x70: {  	[tilespmem:$0x1C068] =	vst v8  }
0x71: {  	v8 =	vld [tilespmem:s31+$0xF478];
	_ =	sdelay $0x4  }
0x72: {  	v8 =	vadd.s32 v0, v8  }
0x73: {  	[tilespmem:$0x1BFF8] =	vst v8  }
0x74: {  	v8 =	vld [tilespmem:s31+$0x10478];
	_ =	sdelay $0x4  }
0x75: {  	[tilespmem:$0x1C078] =	vst v8  }
0x76: {  	v8 =	vld [tilespmem:s31+$0xF488];
	_ =	sdelay $0x4  }
0x77: {  	v8 =	vadd.s32 v0, v8  }
0x78: {  	[tilespmem:$0x1C008] =	vst v8  }
0x79: {  	v8 =	vld [tilespmem:s31+$0x10488];
	_ =	sdelay $0x4  }
0x7a: {  	[tilespmem:$0x1C088] =	vst v8  }
0x7b: {  	v8 =	vld [tilespmem:s31+$0xF498];
	_ =	sdelay $0x4  }
0x7c: {  	v8 =	vadd.s32 v0, v8  }
0x7d: {  	[tilespmem:$0x1C018] =	vst v8  }
0x7e: {  	v8 =	vld [tilespmem:s31+$0x10498];
	_ =	sdelay $0x4  }
0x7f: {  	[tilespmem:$0x1C098] =	vst v8  }
0x80: {  	[spmem:s11] =	stream.indirect.scatter.add.f32 [tilespmem:s19], [sflag:$0x5], $0x1, s6, s5, $0xb8;
	[tilespmem:$0x1F8A8] =	vst v63  }
0x81: {  	_ =	swait.ge [sflag:s24], $0x80  }
0x82: {  	s1 =	simm.s32 $0x400;
	s0 =	simm.s32 $0x200;
	[sflag:s24] =	ssyncset.done $0x0  }
.LBB2_7:
0x83: {  	s4 =	sshra.s32 s0, $0x2  }
0x84: {  	[sflag:s24] =	ssyncadd.s32 $0xFFFFFF80;
	s0 =	smov.u32 s1;
	s3 =	sadd.s32 $0x200, s1  }
0x85: {  	p1 =	sne.s32 s1, $0x1E00;
	v8 =	vld [tilespmem:s4+$0xF428];
	_ =	sdelay $0x4  }
0x86: {  	v8 =	vadd.s32 v0, v8  }
0x87: {  	[tilespmem:$0x1BFA8] =	vst v8  }
0x88: {  	v8 =	vld [tilespmem:s4+$0x10428];
	_ =	sdelay $0x4  }
0x89: {  	[tilespmem:$0x1C028] =	vst v8  }
0x8a: {  	v8 =	vld [tilespmem:s4+$0xF438];
	_ =	sdelay $0x4  }
0x8b: {  	v8 =	vadd.s32 v0, v8  }
0x8c: {  	[tilespmem:$0x1BFB8] =	vst v8  }
0x8d: {  	v8 =	vld [tilespmem:s4+$0x10438];
	_ =	sdelay $0x4  }
0x8e: {  	[tilespmem:$0x1C038] =	vst v8  }
0x8f: {  	v8 =	vld [tilespmem:s4+$0xF448];
	_ =	sdelay $0x4  }
0x90: {  	v8 =	vadd.s32 v0, v8  }
0x91: {  	[tilespmem:$0x1BFC8] =	vst v8  }
0x92: {  	v8 =	vld [tilespmem:s4+$0x10448];
	_ =	sdelay $0x4  }
0x93: {  	[tilespmem:$0x1C048] =	vst v8  }
0x94: {  	v8 =	vld [tilespmem:s4+$0xF458];
	_ =	sdelay $0x4  }
0x95: {  	v8 =	vadd.s32 v0, v8  }
0x96: {  	[tilespmem:$0x1BFD8] =	vst v8  }
0x97: {  	v8 =	vld [tilespmem:s4+$0x10458];
	_ =	sdelay $0x4  }
0x98: {  	[tilespmem:$0x1C058] =	vst v8  }
0x99: {  	v8 =	vld [tilespmem:s4+$0xF468];
	_ =	sdelay $0x4  }
0x9a: {  	v8 =	vadd.s32 v0, v8  }
0x9b: {  	[tilespmem:$0x1BFE8] =	vst v8  }
0x9c: {  	v8 =	vld [tilespmem:s4+$0x10468];
	_ =	sdelay $0x4  }
0x9d: {  	[tilespmem:$0x1C068] =	vst v8  }
0x9e: {  	v8 =	vld [tilespmem:s4+$0xF478];
	_ =	sdelay $0x4  }
0x9f: {  	v8 =	vadd.s32 v0, v8  }
0xa0: {  	[tilespmem:$0x1BFF8] =	vst v8  }
0xa1: {  	v8 =	vld [tilespmem:s4+$0x10478];
	_ =	sdelay $0x4  }
0xa2: {  	[tilespmem:$0x1C078] =	vst v8  }
0xa3: {  	v8 =	vld [tilespmem:s4+$0xF488];
	_ =	sdelay $0x4  }
0xa4: {  	v8 =	vadd.s32 v0, v8  }
0xa5: {  	[tilespmem:$0x1C008] =	vst v8  }
0xa6: {  	v8 =	vld [tilespmem:s4+$0x10488];
	_ =	sdelay $0x4  }
0xa7: {  	[tilespmem:$0x1C088] =	vst v8  }
0xa8: {  	v8 =	vld [tilespmem:s4+$0xF498];
	_ =	sdelay $0x4  }
0xa9: {  	v8 =	vadd.s32 v0, v8  }
0xaa: {  	[tilespmem:$0x1C018] =	vst v8  }
0xab: {  	v8 =	vld [tilespmem:s4+$0x10498];
	_ =	sdelay $0x3  }
.Ltmp4:
0xac: {  	(pc) =	sbr.rel @p1 .LBB2_7-.Ltmp4, $4  }
0xad: {  	[tilespmem:$0x1C098] =	vst v8  }
0xae: {  	[spmem:s11] =	stream.indirect.scatter.add.f32 [tilespmem:s19], [sflag:$0x5], $0x1, s6, s5, $0xb8;
	[tilespmem:$0x1F8A8] =	vst v63  }
0xaf: {  	_ =	swait.ge [sflag:s24], $0x80  }
0xb0: {  	s1 =	smov.u32 s3;
	[sflag:s24] =	ssyncset.done $0x0  }
0xb1: {  	s0 =	sshra.s32 s0, $0x2;
	[sflag:s24] =	ssyncadd.s32 $0xFFFFFF80  }
0xb2: {  	v8 =	vld [tilespmem:s0+$0xF428];
	_ =	sdelay $0x4  }
0xb3: {  	v8 =	vadd.s32 v0, v8  }
0xb4: {  	[tilespmem:$0x1BFA8] =	vst v8  }
0xb5: {  	v8 =	vld [tilespmem:s0+$0x10428];
	_ =	sdelay $0x4  }
0xb6: {  	[tilespmem:$0x1C028] =	vst v8  }
0xb7: {  	v8 =	vld [tilespmem:s0+$0xF438];
	_ =	sdelay $0x4  }
0xb8: {  	v8 =	vadd.s32 v0, v8  }
0xb9: {  	[tilespmem:$0x1BFB8] =	vst v8  }
0xba: {  	v8 =	vld [tilespmem:s0+$0x10438];
	_ =	sdelay $0x4  }
0xbb: {  	[tilespmem:$0x1C038] =	vst v8  }
0xbc: {  	v8 =	vld [tilespmem:s0+$0xF448];
	_ =	sdelay $0x4  }
0xbd: {  	v8 =	vadd.s32 v0, v8  }
0xbe: {  	[tilespmem:$0x1BFC8] =	vst v8  }
0xbf: {  	v8 =	vld [tilespmem:s0+$0x10448];
	_ =	sdelay $0x4  }
0xc0: {  	[tilespmem:$0x1C048] =	vst v8  }
0xc1: {  	v8 =	vld [tilespmem:s0+$0xF458];
	_ =	sdelay $0x4  }
0xc2: {  	v8 =	vadd.s32 v0, v8  }
0xc3: {  	[tilespmem:$0x1BFD8] =	vst v8  }
0xc4: {  	v8 =	vld [tilespmem:s0+$0x10458];
	_ =	sdelay $0x4  }
0xc5: {  	[tilespmem:$0x1C058] =	vst v8  }
0xc6: {  	v8 =	vld [tilespmem:s0+$0xF468];
	_ =	sdelay $0x4  }
0xc7: {  	v8 =	vadd.s32 v0, v8  }
0xc8: {  	[tilespmem:$0x1BFE8] =	vst v8  }
0xc9: {  	v8 =	vld [tilespmem:s0+$0x10468];
	_ =	sdelay $0x4  }
0xca: {  	[tilespmem:$0x1C068] =	vst v8  }
0xcb: {  	v8 =	vld [tilespmem:s0+$0xF478];
	_ =	sdelay $0x4  }
0xcc: {  	v8 =	vadd.s32 v0, v8  }
0xcd: {  	[tilespmem:$0x1BFF8] =	vst v8  }
0xce: {  	v8 =	vld [tilespmem:s0+$0x10478];
	_ =	sdelay $0x4  }
0xcf: {  	[tilespmem:$0x1C078] =	vst v8  }
0xd0: {  	v8 =	vld [tilespmem:s0+$0xF488];
	_ =	sdelay $0x4  }
0xd1: {  	v8 =	vadd.s32 v0, v8  }
0xd2: {  	[tilespmem:$0x1C008] =	vst v8  }
0xd3: {  	v8 =	vld [tilespmem:s0+$0x10488];
	_ =	sdelay $0x4  }
0xd4: {  	[tilespmem:$0x1C088] =	vst v8  }
0xd5: {  	v8 =	vld [tilespmem:s0+$0xF498];
	_ =	sdelay $0x4  }
0xd6: {  	v8 =	vadd.s32 v0, v8  }
0xd7: {  	[tilespmem:$0x1C018] =	vst v8  }
0xd8: {  	v8 =	vld [tilespmem:s0+$0x10498];
	_ =	sdelay $0x2  }
0xd9: {  	s21 =	sadd.s32 $0x1, s21  }
0xda: {  	p1 =	sne.s32 s21, $0x5  }
.Ltmp5:
0xdb: {  	[tilespmem:$0x1C098] =	vst v8;
	(pc) =	sbr.rel @p1 .LBB2_6-.Ltmp5, $4  }
0xdc: {  	[spmem:s11] =	stream.indirect.scatter.add.f32 [tilespmem:s19], [sflag:$0x5], $0x1, s6, s5, $0xb8;
	[tilespmem:$0x1F8A8] =	vst v63  }
0xdd: {  	_ =	swait.ge [sflag:s24], $0x80  }
0xde: {  	[sflag:s24] =	ssyncset.done $0x0  }
0xdf: {  	[sflag:s24] =	ssyncadd.s32 $0xFFFFFF80  }
0xe0: {  	[tilespmem:s17], [sflag:$0x5] =	stream.linear.gather [spmem:s11], $0x8, $0x38;
	[tilespmem:$0x1F8A8] =	vst v63  }
0xe1: {  	_ =	swait.ge [sflag:s24], $0x8  }
0xe2: {  	[sflag:s24] =	ssyncset.done $0x0  }
0xe3: {  	[sflag:s24] =	ssyncadd.s32 $0xFFFFFFF8  }
0xe4: {  	[bflag:$0x0] =	sbarrier.arrive $0xFFFF  }
0xe5: {  	s0 =	simm.s32 $0x0;
	s1 =	simm.s32 $0x0;
	_ =	sdelay $0x7ff  }
0xe6: {  	s10 =	simm.s32 $0x11128;
	s14 =	simm.s32 $0x113A8;
	_ =	sdelay $0x6d6  }
0xe7: {  	s15 =	simm.s32 $0x11628;
	s16 =	simm.s32 $0x118A8;
	[bflag:$0x0] =	sbarrier.arrive $0xFFFF  }
.LBB2_10:
0xe8: {  	s2 =	smul.u32 $0x28000, s1;
	_ =	sdelay $0x1  }
0xe9: {  	s2 =	sshra.s32 s2, $0x2  }
0xea: {  	s2 =	sadd.s32 s2, s11  }
0xeb: {  	s3 =	simm.s32 $0x10EA8;
	s2 =	sadd.s32 s12, s2  }
0xec: {  	[tilespmem:s3], [sflag:$0x5] =	stream.linear.gather [spmem:s2], $0x280, $0x38;
	[tilespmem:$0x1F8A8] =	vst v63  }
0xed: {  	_ =	swait.ge [sflag:s24], $0x280  }
0xee: {  	[sflag:s24] =	ssyncset.done $0x0  }
0xef: {  	s4 =	sadd.s32 $0x2800, s2;
	[sflag:s24] =	ssyncadd.s32 $0xFFFFFD80  }
0xf0: {  	[tilespmem:s10], [sflag:$0x5] =	stream.linear.gather [spmem:s4], $0x280, $0x38;
	[tilespmem:$0x1F8A8] =	vst v63  }
0xf1: {  	_ =	swait.ge [sflag:s24], $0x280  }
0xf2: {  	[sflag:s24] =	ssyncset.done $0x0  }
0xf3: {  	s30 =	sadd.s32 $0x5000, s2;
	[sflag:s24] =	ssyncadd.s32 $0xFFFFFD80  }
0xf4: {  	[tilespmem:s14], [sflag:$0x5] =	stream.linear.gather [spmem:s30], $0x280, $0x38;
	[tilespmem:$0x1F8A8] =	vst v63  }
0xf5: {  	_ =	swait.ge [sflag:s24], $0x280  }
0xf6: {  	[sflag:s24] =	ssyncset.done $0x0  }
0xf7: {  	s2 =	sadd.s32 $0x7800, s2;
	[sflag:s24] =	ssyncadd.s32 $0xFFFFFD80  }
0xf8: {  	[tilespmem:s15], [sflag:$0x5] =	stream.linear.gather [spmem:s2], $0x280, $0x38;
	[tilespmem:$0x1F8A8] =	vst v63  }
0xf9: {  	_ =	swait.ge [sflag:s24], $0x280  }
0xfa: {  	[sflag:s24] =	ssyncset.done $0x0  }
0xfb: {  	[sflag:s24] =	ssyncadd.s32 $0xFFFFFD80  }
0xfc: {  	v8 =	vld [tilespmem:s3+$0x0]  }
0xfd: {  	s31 =	sand.u32 $0x3F0, s0  }
0xfe: {  	v9 =	vld [tilespmem:s31+$0x11128];
	_ =	sdelay $0x1  }
0xff: {  	v10 =	vld [tilespmem:s31+$0x113A8]  }
0x100: {  	v8 =	vadd.f32 $0.0e+00, v8  }
0x101: {  	v11 =	vld [tilespmem:s31+$0x11628]  }
0x102: {  	s2 =	simm.s32 $0x10C28;
	v8 =	vadd.f32 v9, v8  }
0x103: {  	v9 =	vld [tilespmem:s2+$0x0]  }
0x104: {  	v8 =	vadd.f32 v10, v8;
	_ =	sdelay $0x1  }
0x105: {  	v8 =	vadd.f32 v11, v8;
	_ =	sdelay $0x1  }
0x106: {  	v9 =	vadd.f32 v8, v9  }
0x107: {  	p1 =	sgt.s32 s1, $0x0  }
0x108: {  	v8 =	vpsel p1, v9, v8  }
0x109: {  	s3 =	simm.s32 $0x10EB8;
	[tilespmem:s2+$0x0] =	vst v8  }
0x10a: {  	s5 =	simm.s32 $0x20;
	s4 =	simm.s32 $0x10;
	v8 =	vld [tilespmem:s3+$0x0]  }
.LBB2_11:
0x10b: {  	p2 =	sne.s32 s5, $0x270;
	s6 =	sand.u32 $0x3F0, s4;
	s4 =	smov.u32 s5  }
0x10c: {  	v9 =	vld [tilespmem:s6+$0x11128];
	_ =	sdelay $0x1  }
0x10d: {  	v10 =	vld [tilespmem:s6+$0x113A8]  }
0x10e: {  	v8 =	vadd.f32 $0.0e+00, v8  }
0x10f: {  	v11 =	vld [tilespmem:s6+$0x11628]  }
0x110: {  	s2 =	sadd.s32 $0x10, s2;
	v8 =	vadd.f32 v9, v8  }
0x111: {  	v9 =	vld [tilespmem:s2+$0x0]  }
0x112: {  	v8 =	vadd.f32 v10, v8;
	_ =	sdelay $0x1  }
0x113: {  	v8 =	vadd.f32 v11, v8;
	_ =	sdelay $0x1  }
.Ltmp6:
0x114: {  	v9 =	vadd.f32 v8, v9;
	(pc) =	sbr.rel @p2 .LBB2_11-.Ltmp6, $4  }
0x115: {  	_ = 	snop  }
0x116: {  	v8 =	vpsel p1, v9, v8  }
0x117: {  	s3 =	sadd.s32 $0x10, s3;
	[tilespmem:s2+$0x0] =	vst v8  }
0x118: {  	s5 =	sadd.s32 $0x10, s5;
	v8 =	vld [tilespmem:s3+$0x0]  }
0x119: {  	s3 =	sand.u32 $0x3F0, s4  }
0x11a: {  	v9 =	vld [tilespmem:s3+$0x11128];
	_ =	sdelay $0x1  }
0x11b: {  	v10 =	vld [tilespmem:s3+$0x113A8]  }
0x11c: {  	v8 =	vadd.f32 $0.0e+00, v8  }
0x11d: {  	v11 =	vld [tilespmem:s3+$0x11628]  }
0x11e: {  	s2 =	sadd.s32 $0x10, s2;
	v8 =	vadd.f32 v9, v8  }
0x11f: {  	v63 =	vld [tilespmem:s2+$0x0]  }
0x120: {  	v8 =	vadd.f32 v10, v8;
	_ =	sdelay $0x1  }
0x121: {  	v8 =	vadd.f32 v11, v8;
	_ =	sdelay $0x1  }
0x122: {  	v9 =	vadd.f32 v8, v63  }
0x123: {  	s1 =	sadd.s32 $0x1, s1  }
0x124: {  	v8 =	vpsel p1, v9, v8;
	p1 =	sne.s32 s1, $0x4  }
.Ltmp7:
0x125: {  	_ = 	snop;
	(pc) =	sbr.rel @p1 .LBB2_10-.Ltmp7, $2  }
0x126: {  	_ =	sdelay $0x2  }
0x127: {  	[tilespmem:s2+$0x0] =	vst v8  }
0x128: {  	s0 =	sld [smem:$0x7E4];
	_ =	sdelay $0x1  }
0x129: {  	s1 =	simm.s32 $0x10C28  }
0x12a: {  	[spmem:s0] =	stream.linear.scatter [tilespmem:s1], [sflag:$0x5], $0x280, $0x38;
	[tilespmem:$0x1F8A8] =	vst v63  }
0x12b: {  	_ =	swait.ge [sflag:s24], $0x280  }
0x12c: {  	[sflag:s24] =	ssyncset.done $0x0  }
0x12d: {  	[sflag:s24] =	ssyncadd.s32 $0xFFFFFD80  }
0x12e: {  	[bflag:$0x0] =	sbarrier.arrive $0xFFFF  }
0x12f: {  	s22 =	sld [smem:$0x7E3];
	_ =	sdelay $0x2  }
0x130: {  	[tilespmem:s16], [sflag:$0x5] =	stream.linear.gather [spmem:s22], $0x2800, $0x38;
	[tilespmem:$0x1F8A8] =	vst v63  }
0x131: {  	_ =	swait.ge [sflag:s24], $0x2800  }
0x132: {  	[sflag:s24] =	ssyncset.done $0x0  }
0x133: {  	[sflag:s24] =	ssyncadd.s32 $0xFFFFD800  }
0x134: {  	[bflag:$0x0] =	sbarrier.arrive $0xFFFF  }
0x135: {  	s25 =	sld [smem:$0x7EB];
	_ =	sdelay $0x2  }
0x136: {  	[spmem:s25] =	stream.linear.scatter [tilespmem:s23], [sflag:$0x5], $0x800, $0x38;
	[tilespmem:$0x1F8A8] =	vst v63  }
0x137: {  	_ =	swait.ge [sflag:s24], $0x800  }
0x138: {  	s26 =	sld [smem:$0x7E8]  }
0x139: {  	[sflag:s24] =	ssyncset.done $0x0  }
0x13a: {  	[sflag:s24] =	ssyncadd.s32 $0xFFFFF800  }
0x13b: {  	[spmem:s26] =	stream.linear.scatter [tilespmem:s23], [sflag:$0x5], $0x800, $0x38;
	[tilespmem:$0x1F8A8] =	vst v63  }
0x13c: {  	_ =	swait.ge [sflag:s24], $0x800  }
0x13d: {  	s28 =	sld [smem:$0x7E9]  }
0x13e: {  	[sflag:s24] =	ssyncset.done $0x0  }
0x13f: {  	[sflag:s24] =	ssyncadd.s32 $0xFFFFF800  }
0x140: {  	[spmem:s28] =	stream.linear.scatter [tilespmem:s23], [sflag:$0x5], $0x800, $0x38;
	[tilespmem:$0x1F8A8] =	vst v63  }
0x141: {  	_ =	swait.ge [sflag:s24], $0x800  }
0x142: {  	s29 =	sld [smem:$0x7EA]  }
0x143: {  	[sflag:s24] =	ssyncset.done $0x0  }
0x144: {  	[sflag:s24] =	ssyncadd.s32 $0xFFFFF800  }
0x145: {  	[spmem:s29] =	stream.linear.scatter [tilespmem:s23], [sflag:$0x5], $0x800, $0x38;
	[tilespmem:$0x1F8A8] =	vst v63  }
0x146: {  	_ =	swait.ge [sflag:s24], $0x800  }
0x147: {  	s30 =	sld [smem:$0x7EC]  }
0x148: {  	[sflag:s24] =	ssyncset.done $0x0  }
0x149: {  	[sflag:s24] =	ssyncadd.s32 $0xFFFFF800  }
0x14a: {  	[spmem:s30] =	stream.linear.scatter [tilespmem:s23], [sflag:$0x5], $0x800, $0x38;
	[tilespmem:$0x1F8A8] =	vst v63  }
0x14b: {  	_ =	swait.ge [sflag:s24], $0x800  }
0x14c: {  	s31 =	sld [smem:$0x7E5]  }
0x14d: {  	[sflag:s24] =	ssyncset.done $0x0  }
0x14e: {  	[sflag:s24] =	ssyncadd.s32 $0xFFFFF800  }
0x14f: {  	[spmem:s31] =	stream.linear.scatter [tilespmem:s23], [sflag:$0x5], $0x280, $0x38;
	[tilespmem:$0x1F8A8] =	vst v63  }
0x150: {  	_ =	swait.ge [sflag:s24], $0x280  }
0x151: {  	[sflag:s24] =	ssyncset.done $0x0  }
0x152: {  	[sflag:s24] =	ssyncadd.s32 $0xFFFFFD80  }
0x153: {  	s2 =	simm.s32 $0x0;
	s1 =	simm.s32 $0x0;
	[bflag:$0x0] =	sbarrier.arrive $0xFFFF  }
.LBB2_14:
0x154: {  	s0 =	smul.u32 $0xFA, s1  }
0x155: {  	[smem:$0x7E0] =	sst s1;
	s25 =	simm.s32 $0xF428  }
0x156: {  	s3 =	simm.s32 $0x0;
	s26 =	rddreg [dreg:$0x1];
	s1 =	sadd.s32 s13, s0  }
0x157: {  	[tilespmem:s25], [sflag:$0x1] =	stream.linear.gather [hbm4b:s1+s3], $0x7D0, $0x38;
	[tilespmem:$0x1F8A8] =	vst v63  }
0x158: {  	[dreg:$0x6] =	wrdreg s2;
	s30 =	simm.s32 $0xFC28;
	s1 =	sadd.s32 s26, s0  }
0x159: {  	[tilespmem:s30], [sflag:$0x2] =	stream.linear.gather [hbm4b:s1+s3], $0x7D0, $0x38;
	[tilespmem:$0x1F8A8] =	vst v63  }
0x15a: {  	s4 =	simm.s32 $0x10428;
	s5 =	simm.s32 $0x1;
	s0 =	sadd.s32 s8, s0  }
0x15b: {  	[tilespmem:s4], [sflag:$0x3] =	stream.linear.gather [hbm4b:s0+s3], $0x7D0, $0x38;
	[tilespmem:$0x1F8A8] =	vst v63  }
0x15c: {  	_ =	swait.ge [sflag:s5], $0x7D0  }
0x15d: {  	[sflag:s5] =	ssyncset.done $0x0  }
0x15e: {  	s6 =	simm.s32 $0x2;
	[sflag:s5] =	ssyncadd.s32 $0xFFFFF830  }
0x15f: {  	_ =	swait.ge [sflag:s6], $0x7D0  }
0x160: {  	[sflag:s6] =	ssyncset.done $0x0  }
0x161: {  	s7 =	simm.s32 $0x3;
	[sflag:s6] =	ssyncadd.s32 $0xFFFFF830  }
0x162: {  	_ =	swait.ge [sflag:s7], $0x7D0  }
0x163: {  	[sflag:s7] =	ssyncset.done $0x0  }
0x164: {  	s12 =	simm.s32 $0x0;
	[sflag:s7] =	ssyncadd.s32 $0xFFFFF830  }
0x165: {  	v8 =	vld [tilespmem:s12+$0xF428];
	_ =	sdelay $0x4  }
0x166: {  	(v2sf) =	vpush v8, $0xF  }
0x167: {  	(v2sf) =	vpush v8, $0xB;
	_ =	sdelay $0x1  }
0x168: {  	(v2sf) =	vpush v8, $0x6;
	_ =	sdelay $0x1  }
0x169: {  	(v2sf) =	vpush v8, $0xE;
	_ =	sdelay $0x1  }
0x16a: {  	(v2sf) =	vpush v8, $0xA;
	_ =	sdelay $0x1  }
0x16b: {  	(v2sf) =	vpush v8, $0xD;
	_ =	sdelay $0x1  }
0x16c: {  	(v2sf) =	vpush v8, $0x9;
	_ =	sdelay $0x1  }
0x16d: {  	(v2sf) =	vpush v8, $0x5;
	_ =	sdelay $0x1  }
0x16e: {  	(v2sf) =	vpush v8, $0xC;
	s8 =	spop (v2sf)  }
0x16f: {  	s23 =	smulhi.u32 $0x68DB8BAD, s8;
	s18 =	spop (v2sf)  }
0x170: {  	(v2sf) =	vpush v8, $0x8;
	s1 =	sshra.s32 s8, $0x1F;
	s3 =	smulhi.u32 $0x68DB8BAD, s18  }
0x171: {  	s4 =	spop (v2sf);
	s5 =	smul.u32 $0x68DB8BAD, s1  }
0x172: {  	(v2sf) =	vpush v8, $0x4;
	s2 =	sshra.s32 s18, $0x1F;
	s20 =	smulhi.u32 $0x68DB8BAD, s4  }
0x173: {  	(v2sf) =	vpush v8, $0x3;
	s7 =	spop (v2sf);
	s18 =	smul.u32 $0x68DB8BAD, s2  }
0x174: {  	s4 =	sshra.s32 s4, $0x1F;
	s19 =	smulhi.u32 $0x68DB8BAD, s7  }
0x175: {  	s21 =	spop (v2sf);
	s1 =	smul.u32 $0x68DB8BAD, s4  }
0x176: {  	s7 =	sshra.s32 s7, $0x1F;
	s6 =	smulhi.u32 $0x68DB8BAD, s21  }
0x177: {  	(v2sf) =	vpush v8, $0x2;
	s9 =	spop (v2sf);
	s22 =	smul.u32 $0x68DB8BAD, s7  }
0x178: {  	(v2sf) =	vpush v8, $0x1;
	s8 =	sshra.s32 s21, $0x1F;
	s24 =	smulhi.u32 $0x68DB8BAD, s9  }
0x179: {  	(v2sf) =	vpush v8, $0x0;
	s10 =	spop (v2sf);
	s21 =	smul.u32 $0x68DB8BAD, s8  }
0x17a: {  	(v2sf) =	vpush v8, $0x7;
	s9 =	sshra.s32 s9, $0x1F;
	s29 =	smulhi.u32 $0x68DB8BAD, s10  }
0x17b: {  	s11 =	spop (v2sf);
	s2 =	smul.u32 $0x68DB8BAD, s9  }
0x17c: {  	s10 =	sshra.s32 s10, $0x1F;
	s25 =	smulhi.u32 $0x68DB8BAD, s11  }
0x17d: {  	s14 =	spop (v2sf);
	s4 =	smul.u32 $0x68DB8BAD, s10  }
0x17e: {  	[dreg:$0xf] =	wrdreg s24;
	s11 =	sshra.s32 s11, $0x1F;
	s26 =	smulhi.u32 $0x68DB8BAD, s14  }
0x17f: {  	s15 =	spop (v2sf);
	s24 =	sshra.s32 s14, $0x1F;
	s14 =	smul.u32 $0x68DB8BAD, s11  }
0x180: {  	s17 =	smulhi.u32 $0x68DB8BAD, s15  }
0x181: {  	s16 =	spop (v2sf);
	s9 =	smul.u32 $0x68DB8BAD, s24  }
0x182: {  	[dreg:$0x12] =	wrdreg s26;
	s26 =	spop (v2sf)  }
0x183: {  	v10 =	vld [tilespmem:s12+$0xFC28];
	[dreg:$0xb] =	wrdreg s20;
	s30 =	smulhi.u32 $0x68DB8BAD, s26  }
0x184: {  	[dreg:$0x11] =	wrdreg s25;
	s25 =	sshra.s32 s15, $0x1F;
	s13 =	smulhi.u32 $0x68DB8BAD, s16  }
0x185: {  	s10 =	smul.u32 $0x68DB8BAD, s25;
	[dreg:$0x10] =	wrdreg s30;
	s30 =	sshra.s32 s16, $0x1F  }
0x186: {  	s11 =	smul.u32 $0x68DB8BAD, s30;
	s25 =	spop (v2sf)  }
0x187: {  	s16 =	smulhi.u32 $0x68DB8BAD, s25;
	s31 =	spop (v2sf)  }
0x188: {  	s0 =	simm.s32 $0x40;
	(v2sf) =	vpush v10, $0xF;
	s28 =	smulhi.u32 $0x68DB8BAD, s31;
	s24 =	spop (v2sf)  }
0x189: {  	s20 =	simm.s32 $0x0;
	(v2sf) =	vpush v10, $0xB;
	s7 =	smulhi.u32 $0x68DB8BAD, s24;
	s15 =	spop (v2sf)  }
0x18a: {  	v9 =	vmul.u32 $0x2710, v8;
	[dreg:$0x7] =	wrdreg s20;
	s26 =	sshra.s32 s26, $0x1F;
	(v2sf) =	vpush v10, $0x6;
	s8 =	smulhi.u32 $0x68DB8BAD, s15  }
.LBB2_15:
0x18b: {  	[dreg:$0x8] =	wrdreg s0  }
0x18c: {  	p1 =	sne.s32 s0, $0x1F00;
	s25 =	sshra.s32 s25, $0x1F;
	s0 =	smul.u32 $0x68DB8BAD, s26  }
0x18d: {  	s12 =	sshra.s32 s31, $0x1F;
	s24 =	sshra.s32 s24, $0x1F;
	s20 =	smul.u32 $0x68DB8BAD, s25  }
0x18e: {  	s3 =	sadd.s32 s18, s3;
	s26 =	rddreg [dreg:$0xf];
	s30 =	smul.u32 $0x68DB8BAD, s12  }
0x18f: {  	s12 =	smul.u32 $0x68DB8BAD, s24;
	s25 =	rddreg [dreg:$0xb];
	s29 =	sadd.s32 s4, s29  }
0x190: {  	s4 =	rddreg [dreg:$0x11];
	s24 =	sadd.s32 s10, s17;
	s10 =	sshra.s32 s3, $0xB  }
0x191: {  	s18 =	sadd.s32 s1, s25;
	s1 =	sadd.s32 s14, s4;
	s14 =	rddreg [dreg:$0x12]  }
0x192: {  	s5 =	sadd.s32 s5, s23;
	s4 =	sadd.s32 s11, s13;
	[dreg:$0x17] =	wrdreg s10  }
0x193: {  	s19 =	sadd.s32 s22, s19;
	s26 =	sadd.s32 s2, s26;
	[smem:$0x7D1] =	sst s4  }
0x194: {  	s2 =	sshrl.u32 s5, $0x1F;
	s20 =	sadd.s32 s20, s16;
	s16 =	rddreg [dreg:$0x10]  }
0x195: {  	s15 =	sshra.s32 s15, $0x1F;
	s13 =	sshrl.u32 s19, $0x1F;
	[dreg:$0x1c] =	wrdreg s2  }
0x196: {  	s6 =	sadd.s32 s21, s6;
	s21 =	sshrl.u32 s18, $0x1F;
	[smem:$0x7CD] =	sst s13  }
0x197: {  	s15 =	smul.u32 $0x68DB8BAD, s15;
	s25 =	sshra.s32 s18, $0x1F;
	[dreg:$0x13] =	wrdreg s21  }
0x198: {  	s22 =	sadd.s32 s12, s7;
	s7 =	sshrl.u32 s3, $0x1F;
	[dreg:$0xd] =	wrdreg s25  }
0x199: {  	(v2sf) =	vpush v10, $0xE;
	s15 =	sadd.s32 s15, s8;
	s8 =	sshrl.u32 s1, $0x1F;
	[dreg:$0x1d] =	wrdreg s7  }
0x19a: {  	s31 =	sadd.s32 s9, s14;
	s9 =	sshra.s32 s5, $0xB;
	[dreg:$0x16] =	wrdreg s8  }
0x19b: {  	s11 =	sshra.s32 s18, $0xB;
	[dreg:$0x19] =	wrdreg s9  }
0x19c: {  	(v2sf) =	vpush v10, $0xA;
	s3 =	sshra.s32 s19, $0xB;
	[dreg:$0x15] =	wrdreg s11  }
0x19d: {  	s23 =	sadd.s32 s0, s16;
	s17 =	sshrl.u32 s15, $0x1F;
	[smem:$0x7CF] =	sst s3  }
0x19e: {  	(v2sf) =	vpush v10, $0xD;
	s16 =	sadd.s32 s30, s28;
	s30 =	sshra.s32 s15, $0xB;
	[dreg:$0xc] =	wrdreg s17  }
0x19f: {  	s25 =	sshrl.u32 s4, $0x1F;
	[dreg:$0xa] =	wrdreg s30  }
0x1a0: {  	(v2sf) =	vpush v10, $0x9;
	s9 =	sshra.s32 s1, $0x1F;
	[dreg:$0x1e] =	wrdreg s25  }
0x1a1: {  	s17 =	sshrl.u32 s6, $0x1F;
	[smem:$0x7D6] =	sst s9  }
0x1a2: {  	s6 =	sshra.s32 s6, $0xB;
	[smem:$0x7CE] =	sst s17  }
0x1a3: {  	(v2sf) =	vpush v10, $0x5;
	s13 =	sshrl.u32 s23, $0x1F;
	[smem:$0x7D0] =	sst s6  }
0x1a4: {  	(v2sf) =	vpush v10, $0xC;
	[smem:$0x7D2] =	sst s13;
	s21 =	spop (v2sf)  }
0x1a5: {  	s12 =	smulhi.u32 $0x68DB8BAD, s21;
	s5 =	spop (v2sf)  }
0x1a6: {  	s21 =	sshra.s32 s21, $0x1F;
	s14 =	smulhi.u32 $0x68DB8BAD, s5;
	s7 =	spop (v2sf)  }
0x1a7: {  	(v2sf) =	vpush v10, $0x8;
	s21 =	smul.u32 $0x68DB8BAD, s21;
	[dreg:$0x18] =	wrdreg s12  }
0x1a8: {  	(v2sf) =	vpush v10, $0x4;
	s18 =	smulhi.u32 $0x68DB8BAD, s7;
	s2 =	spop (v2sf)  }
0x1a9: {  	s7 =	sshra.s32 s7, $0x1F;
	[dreg:$0x1a] =	wrdreg s14;
	s30 =	smulhi.u32 $0x68DB8BAD, s2  }
0x1aa: {  	s15 =	sshra.s32 s15, $0x1F;
	(v2sf) =	vpush v10, $0x3;
	[smem:$0x7D3] =	sst s21;
	s7 =	smul.u32 $0x68DB8BAD, s7  }
0x1ab: {  	s2 =	sshra.s32 s2, $0x1F;
	[dreg:$0x9] =	wrdreg s18;
	s18 =	spop (v2sf)  }
0x1ac: {  	s25 =	sshra.s32 s29, $0xB;
	s21 =	smul.u32 $0x68DB8BAD, s2;
	[dreg:$0x1b] =	wrdreg s30  }
0x1ad: {  	(v2sf) =	vpush v10, $0x2;
	s2 =	sshra.s32 s22, $0xB;
	s4 =	smulhi.u32 $0x68DB8BAD, s18;
	s3 =	spop (v2sf)  }
0x1ae: {  	[dreg:$0xe] =	wrdreg s7;
	s7 =	sshrl.u32 s22, $0x1F;
	s8 =	smulhi.u32 $0x68DB8BAD, s3  }
0x1af: {  	s6 =	spop (v2sf);
	s3 =	sshra.s32 s3, $0x1F;
	[dreg:$0x1f] =	wrdreg s4  }
0x1b0: {  	(v2sf) =	vpush v10, $0x1;
	s10 =	smulhi.u32 $0x68DB8BAD, s6;
	s4 =	sshra.s32 s1, $0xB;
	[smem:$0x7D5] =	sst s8  }
0x1b1: {  	v12 =	vmov s15;
	s15 =	smul.u32 $0x68DB8BAD, s3;
	s3 =	sshra.s32 s6, $0x1F;
	[smem:$0x7D4] =	sst s4  }
0x1b2: {  	s8 =	spop (v2sf);
	s4 =	sshrl.u32 s24, $0x1F;
	[smem:$0x7D8] =	sst s10  }
0x1b3: {  	(v2sf) =	vpush v10, $0x0;
	s24 =	sshra.s32 s24, $0xB;
	s11 =	smulhi.u32 $0x68DB8BAD, s8;
	s9 =	spop (v2sf)  }
0x1b4: {  	v16 =	vmov s24;
	s12 =	smulhi.u32 $0x68DB8BAD, s9;
	s24 =	sshra.s32 s9, $0x1F;
	s9 =	sld [smem:$0x7CD]  }
0x1b5: {  	v13 =	vmov s4;
	s4 =	sshra.s32 s22, $0x1F;
	s22 =	smul.u32 $0x68DB8BAD, s3;
	v16 =	vsel vm0, s25, v16;
	s25 =	sld [smem:$0x7D0]  }
0x1b6: {  	(v2sf) =	vpush v10, $0x7;
	s6 =	sshra.s32 s8, $0x1F;
	s10 =	spop (v2sf);
	[smem:$0x7D9] =	sst s11  }
0x1b7: {  	v12 =	vsel vm4, s2, v12;
	s8 =	sshra.s32 s16, $0xB;
	s14 =	smulhi.u32 $0x68DB8BAD, s10;
	s11 =	spop (v2sf)  }
0x1b8: {  	v12 =	vsel vm12, s4, v12;
	s4 =	sshra.s32 s16, $0x1F;
	[smem:$0x7D7] =	sst s12;
	s17 =	smulhi.u32 $0x68DB8BAD, s11  }
0x1b9: {  	v12 =	vsel vm0, s8, v12;
	s12 =	spop (v2sf);
	s8 =	sshra.s32 s11, $0x1F;
	[smem:$0x7DA] =	sst s14  }
0x1ba: {  	s19 =	smulhi.u32 $0x68DB8BAD, s12;
	s11 =	sshra.s32 s12, $0x1F;
	s12 =	sld [smem:$0x7CE]  }
0x1bb: {  	v15 =	vmov s7;
	s7 =	sshra.s32 s20, $0xB;
	s2 =	smul.u32 $0x68DB8BAD, s24;
	v12 =	vsel vm14, s4, v12;
	v16 =	vsel vm1, s25, v16;
	s25 =	rddreg [dreg:$0x18]  }
0x1bc: {  	s13 =	spop (v2sf);
	v12 =	vsel vm1, s7, v12;
	s7 =	rddreg [dreg:$0x1e]  }
0x1bd: {  	[smem:$0x7DB] =	sst s17;
	s14 =	smulhi.u32 $0x68DB8BAD, s13  }
0x1be: {  	s1 =	sshrl.u32 s31, $0x1F;
	s3 =	smul.u32 $0x68DB8BAD, s11;
	s11 =	rddreg [dreg:$0x1d]  }
0x1bf: {  	s30 =	sshrl.u32 s26, $0x1F;
	v11 =	vmov s1;
	[smem:$0x7DE] =	sst s14;
	s14 =	spop (v2sf)  }
0x1c0: {  	v11 =	vsel vm0, s30, v11;
	s24 =	sshra.s32 s13, $0x1F;
	[dreg:$0x14] =	wrdreg s19;
	s17 =	smulhi.u32 $0x68DB8BAD, s14  }
0x1c1: {  	s28 =	sshrl.u32 s29, $0x1F;
	v11 =	vsel vm1, s9, v11;
	s9 =	smul.u32 $0x68DB8BAD, s24;
	s24 =	rddreg [dreg:$0x17]  }
0x1c2: {  	v13 =	vsel vm0, s28, v13;
	[smem:$0x7DF] =	sst s17;
	s17 =	spop (v2sf)  }
0x1c3: {  	v13 =	vsel vm1, s12, v13;
	s12 =	sld [smem:$0x7D1];
	s19 =	smulhi.u32 $0x68DB8BAD, s17  }
0x1c4: {  	v16 =	vsel vm2, s24, v16;
	s24 =	sld [smem:$0x7D9]  }
0x1c5: {  	[smem:$0x7DD] =	sst s19;
	s19 =	spop (v2sf)  }
0x1c6: {  	s30 =	sshra.s32 s14, $0x1F;
	s14 =	sshra.s32 s17, $0x1F;
	s0 =	smulhi.u32 $0x68DB8BAD, s19  }
0x1c7: {  	v13 =	vsel vm2, s11, v13;
	s11 =	smul.u32 $0x68DB8BAD, s14;
	s14 =	sld [smem:$0x7D5]  }
0x1c8: {  	s5 =	sshra.s32 s5, $0x1F;
	[smem:$0x7DC] =	sst s0;
	s0 =	sshra.s32 s31, $0xB  }
0x1c9: {  	s31 =	smul.u32 $0x68DB8BAD, s5;
	s5 =	sshrl.u32 s16, $0x1F;
	s16 =	sld [smem:$0x7CF]  }
0x1ca: {  	vm13 =	vcmask $0x1714;
	v14 =	vmov s0;
	s0 =	smul.u32 $0x68DB8BAD, s6;
	s6 =	sshra.s32 s10, $0x1F;
	s10 =	sshra.s32 s20, $0x1F  }
0x1cb: {  	s29 =	sshrl.u32 s20, $0x1F;
	s26 =	sshra.s32 s26, $0xB;
	v12 =	vsel vm13, s10, v12;
	s10 =	rddreg [dreg:$0x1c]  }
0x1cc: {  	s20 =	sshra.s32 s23, $0xB;
	v14 =	vsel vm0, s26, v14;
	s26 =	sshra.s32 s23, $0x1F;
	s23 =	sld [smem:$0x7D2]  }
0x1cd: {  	v14 =	vsel vm1, s16, v14;
	s16 =	rddreg [dreg:$0x19]  }
0x1ce: {  	v11 =	vsel vm2, s10, v11;
	s10 =	smul.u32 $0x68DB8BAD, s30;
	s30 =	rddreg [dreg:$0x1a]  }
0x1cf: {  	v12 =	vsel vm2, s20, v12;
	s20 =	sshra.s32 s19, $0x1F;
	s19 =	rddreg [dreg:$0x16]  }
0x1d0: {  	v12 =	vsel vm3, s26, v12;
	s26 =	sld [smem:$0x7D3]  }
0x1d1: {  	s13 =	sshra.s32 s12, $0xB;
	v14 =	vsel vm2, s16, v14;
	s16 =	rddreg [dreg:$0x1b]  }
0x1d2: {  	v15 =	vnsel vm4, $0x0, v15;
	s17 =	sshra.s32 s12, $0x1F;
	s12 =	smul.u32 $0x68DB8BAD, s20;
	s20 =	sld [smem:$0x7D6]  }
0x1d3: {  	v15 =	vsel vm0, s5, v15;
	s1 =	sadd.s32 s31, s30;
	s30 =	sld [smem:$0x7DA]  }
0x1d4: {  	v15 =	vsel vm1, s29, v15;
	v12 =	vsel vm5, s13, v12;
	s13 =	sld [smem:$0x7D4]  }
0x1d5: {  	vm11 =	vcmask $0x2724;
	v15 =	vsel vm2, s23, v15;
	s23 =	sld [smem:$0x7D8]  }
0x1d6: {  	v12 =	vsel vm11, s17, v12;
	s17 =	rddreg [dreg:$0x1f]  }
0x1d7: {  	s18 =	sshra.s32 s18, $0x1F;
	v52 =	vsel vm5, s7, v15;
	s7 =	sadd.s32 s21, s16;
	s21 =	sld [smem:$0x7D7]  }
0x1d8: {  	s4 =	smul.u32 $0x68DB8BAD, s6;
	s6 =	sadd.s32 s26, s25;
	s25 =	rddreg [dreg:$0x13]  }
0x1d9: {  	s18 =	smul.u32 $0x68DB8BAD, s18;
	s26 =	rddreg [dreg:$0x15]  }
0x1da: {  	s16 =	sadd.s32 s4, s30;
	s4 =	sld [smem:$0x7DB]  }
0x1db: {  	s5 =	sadd.s32 s18, s17;
	s17 =	rddreg [dreg:$0xd]  }
0x1dc: {  	s18 =	sld [smem:$0x7DD]  }
0x1dd: {  	s8 =	smul.u32 $0x68DB8BAD, s8;
	v11 =	vcombine.low v13, v11;
	v13 =	vsel vm6, s19, v52;
	s19 =	sld [smem:$0x7DE]  }
0x1de: {  	v12 =	vsel vm6, s13, v12;
	s13 =	sadd.s32 s15, s14;
	s15 =	sadd.s32 s22, s23;
	s23 =	sld [smem:$0x7DF]  }
0x1df: {  	s4 =	sadd.s32 s8, s4;
	s8 =	sld [smem:$0x7DC]  }
0x1e0: {  	vm10 =	vcmask $0x2F2C;
	v13 =	vsel vm7, s25, v13;
	s25 =	sshrl.u32 s16, $0x1F;
	s14 =	sadd.s32 s2, s21;
	s2 =	sadd.s32 s0, s24  }
0x1e1: {  	v14 =	vcombine.low v16, v14;
	v12 =	vsel vm10, s20, v12;
	s21 =	rddreg [dreg:$0xa];
	s11 =	sadd.s32 s11, s18;
	s22 =	sshrl.u32 s14, $0x1F  }
0x1e2: {  	vm9 =	vcmask $0x3734;
	v11 =	vperm.xlane v11, v5;
	v12 =	vsel vm7, s26, v12;
	s26 =	sshra.s32 s14, $0x8;
	s18 =	sshra.s32 s16, $0x8;
	s0 =	sadd.s32 s12, s8  }
0x1e3: {  	v14 =	vperm.xlane v14, v5;
	v17 =	vmov s25;
	s16 =	sshrl.u32 s1, $0x1F;
	s1 =	sshra.s32 s1, $0x8;
	v12 =	vsel vm9, s17, v12;
	s20 =	sshra.s32 s0, $0x1F  }
0x1e4: {  	s10 =	sadd.s32 s10, s23;
	s24 =	sshra.s32 s11, $0x8;
	v54 =	vmov s22;
	s30 =	sshra.s32 s11, $0x1F;
	v18 =	vmov s26;
	v53 =	vmov s20  }
0x1e5: {  	s17 =	sshrl.u32 s11, $0x1F;
	v20 =	vmov s18;
	s23 =	sshra.s32 s13, $0x8;
	s26 =	sshrl.u32 s7, $0x1F;
	v12 =	vsel vm8, s21, v12;
	v15 =	vsel vm4, s24, v53  }
0x1e6: {  	s21 =	sshrl.u32 s15, $0x1F;
	v19 =	vmov s17;
	v18 =	vsel vm0, s23, v18;
	s8 =	sadd.s32 s9, s19;
	s19 =	sshra.s32 s10, $0x8;
	v15 =	vsel vm12, s30, v15  }
0x1e7: {  	s7 =	sshra.s32 s7, $0x8;
	s22 =	sshra.s32 s10, $0x1F;
	s12 =	rddreg [dreg:$0xc];
	v12 =	vperm.xlane v12, v7;
	v17 =	vsel vm0, s21, v17;
	v15 =	vsel vm0, s19, v15  }
0x1e8: {  	v19 =	vnsel vm4, $0x0, v19;
	s10 =	sshrl.u32 s10, $0x1F;
	v18 =	vsel vm1, s7, v18;
	s25 =	sshra.s32 s8, $0x8;
	s30 =	rddreg [dreg:$0x14];
	v15 =	vsel vm14, s22, v15  }
0x1e9: {  	v13 =	vsel vm8, s12, v13;
	s11 =	sshra.s32 s8, $0x1F;
	s12 =	sshrl.u32 s5, $0x1F;
	v19 =	vsel vm0, s10, v19;
	s3 =	sadd.s32 s3, s30;
	v15 =	vsel vm1, s25, v15  }
0x1ea: {  	s18 =	sshrl.u32 s8, $0x1F;
	v13 =	vperm.xlane v13, v7;
	s20 =	sshrl.u32 s13, $0x1F;
	v17 =	vsel vm1, s12, v17;
	s13 =	sshra.s32 s3, $0x8;
	v15 =	vsel vm13, s11, v15  }
0x1eb: {  	s17 =	sshra.s32 s4, $0x8;
	v19 =	vsel vm1, s18, v19;
	v16 =	vsel vm0, s20, v54;
	s24 =	sshra.s32 s15, $0x8;
	s14 =	sshra.s32 s3, $0x1F;
	v15 =	vsel vm2, s13, v15  }
0x1ec: {  	s23 =	rddreg [dreg:$0x9];
	s15 =	sshrl.u32 s6, $0x1F;
	v17 =	vsel vm2, s16, v17;
	s6 =	sshra.s32 s6, $0x8;
	v20 =	vsel vm0, s24, v20;
	v15 =	vsel vm3, s14, v15  }
0x1ed: {  	s21 =	simm.s32 $0x118A8;
	s5 =	sshra.s32 s5, $0x8;
	v16 =	vsel vm1, s26, v16;
	v18 =	vsel vm2, s6, v18;
	s19 =	sshra.s32 s4, $0x1F;
	v15 =	vsel vm5, s17, v15  }
0x1ee: {  	s20 =	sshra.s32 s2, $0x8;
	s24 =	rddreg [dreg:$0xe];
	v20 =	vsel vm1, s5, v20;
	v16 =	vsel vm2, s15, v16;
	s3 =	sshrl.u32 s3, $0x1F;
	v15 =	vsel vm11, s19, v15  }
0x1ef: {  	s22 =	sshrl.u32 s4, $0x1F;
	s4 =	sadd.s32 s24, s23;
	v20 =	vsel vm2, s1, v20;
	v19 =	vsel vm2, s3, v19;
	s25 =	sshra.s32 s2, $0x1F;
	v15 =	vsel vm6, s20, v15  }
0x1f0: {  	v21 =	vld.idx.msk [tilespmem:v10+s21+$0x0], $0xffff;
	v16 =	vcombine.low v17, v16;
	s2 =	sshrl.u32 s2, $0x1F;
	s26 =	sshra.s32 s4, $0x8;
	v55 =	vsel vm5, s22, v19;
	v15 =	vsel vm10, s25, v15  }
0x1f1: {  	s30 =	sshrl.u32 s4, $0x1F;
	v18 =	vcombine.low v20, v18;
	s3 =	sshra.s32 s4, $0x1F;
	v17 =	vsel vm6, s2, v55;
	v15 =	vsel vm7, s26, v15  }
0x1f2: {  	s4 =	sshrl.u32 s0, $0x1F;
	s0 =	sshra.s32 s0, $0x8;
	v16 =	vperm.xlane v16, v5;
	v17 =	vsel vm7, s30, v17;
	v15 =	vsel vm9, s3, v15  }
0x1f3: {  	v18 =	vperm.xlane v18, v5;
	v17 =	vsel vm8, s4, v17;
	v15 =	vsel vm8, s0, v15  }
0x1f4: {  	v17 =	vperm.xlane v17, v7;
	v15 =	vperm.xlane v15, v7  }
0x1f5: {  	v12 =	vsel vm15, v12, v14;
	v56 =	vadd.f32 $9.999999680e-21, v21  }
0x1f6: {  	v11 =	vsel vm15, v13, v11;
	v57 =	vsel vm15, v17, v16;
	v58 =	vsel vm15, v15, v18  }
0x1f7: {  	v11 =	vadd.s32 v11, v12;
	(erf) = vrcp.f32 v56;
	v59 =	vadd.s32 v57, v58  }
0x1f8: {  	v61 =	vsub.s32 $0x0, v10;
	v60 =	vmul.u32 $0xFFFFEC78, v11;
	v14 =	vmul.u32 $0xFFFFFD8F, v59  }
0x1f9: {  	vm13 =	vmmov vm12;
	vm9 =	vlt.s32 v8, $0x1;
	v8 =	vsub.s32 $0x0, v8  }
0x1fa: {  	vm11 =	vlt.s32 v10, $0x1;
	vm10 =	vne.s32 v60, v8;
	vm12 =	vne.s32 v14, v61  }
0x1fb: {  	s5 =	rddreg [dreg:$0x7];
	vm9 =	vmand vm9, vm10;
	vm10 =	vmand vm11, vm12  }
0x1fc: {  	v8 =	vld [tilespmem:s5+$0x10428];
	v62 =	vsel vm9, $0xFFFFFFFF, v4;
	v63 =	vsel vm10, $0xFFFFFFFF, v4  }
0x1fd: {  	v13 =	vadd.s32 v62, v11;
	v12 =	vadd.s32 v63, v59  }
0x1fe: {  	s6 =	rddreg [dreg:$0x6];
	vm9 =	veq.s32 v13, v1;
	vm10 =	veq.s32 v12, v2  }
0x1ff: {  	p2 =	slt.s32 s6, $0x1F40;
	vm9 =	vmand vm9, vm10;
	vm10 =	vmxor vm10, vm10  }
0x200: {  	v11 =	vpop (erf);
	vm10 =	vmneg @p2 vm10  }
0x201: {  	v9 =	vadd.s32 v10, v9;
	v8 =	vmul.f32 v11, v8;
	vm9 =	vmand vm10, vm9  }
0x202: {  	s7 =	rddreg [dreg:$0x8];
	[tilespmem:s6+$0x140A8] =	vst.msk vm9, v9;
	v9 =	vsel vm9, $0x1, v4  }
0x203: {  	s21 =	sshra.s32 s7, $0x2;
	[tilespmem:s6+$0x16028] =	vst.msk vm9, v8;
	(xrf0) =	vadd.scan.msk.s32 $0xffff, v9  }
0x204: {  	v8 =	vld [tilespmem:s21+$0xF428];
	_ =	sdelay $0x4  }
0x205: {  	(v2sf) =	vpush v8, $0xF;
	v10, _, _ =	vpop (xrf0)  }
0x206: {  	(v2sf) =	vpush v10, $0xF  }
0x207: {  	(v2sf) =	vpush v8, $0xB;
	_ =	sdelay $0x1  }
0x208: {  	(v2sf) =	vpush v8, $0x6  }
0x209: {  	(v2sf) =	vpush v8, $0xE;
	_ =	sdelay $0x1  }
0x20a: {  	(v2sf) =	vpush v8, $0xA  }
0x20b: {  	(v2sf) =	vpush v8, $0xD;
	_ =	sdelay $0x1  }
0x20c: {  	(v2sf) =	vpush v8, $0x9  }
0x20d: {  	(v2sf) =	vpush v8, $0x5  }
0x20e: {  	(v2sf) =	vpush v8, $0xC  }
0x20f: {  	(v2sf) =	vpush v8, $0x8  }
0x210: {  	(v2sf) =	vpush v8, $0x4  }
0x211: {  	s8 =	spop (v2sf)  }
0x212: {  	(v2sf) =	vpush v8, $0x3;
	s20 =	spop (v2sf);
	s23 =	smulhi.u32 $0x68DB8BAD, s8  }
0x213: {  	(v2sf) =	vpush v8, $0x2;
	s0 =	sshra.s32 s8, $0x1F;
	s22 =	spop (v2sf);
	s3 =	sadd.s32 s6, s20  }
0x214: {  	(v2sf) =	vpush v8, $0x1;
	s5 =	smul.u32 $0x68DB8BAD, s0;
	[dreg:$0x6] =	wrdreg s3  }
0x215: {  	s3 =	smulhi.u32 $0x68DB8BAD, s22;
	s1 =	spop (v2sf)  }
0x216: {  	(v2sf) =	vpush v8, $0x0;
	s14 =	smulhi.u32 $0x68DB8BAD, s1;
	s4 =	spop (v2sf)  }
0x217: {  	[dreg:$0x7] =	wrdreg s21;
	s2 =	sshra.s32 s1, $0x1F;
	s19 =	smulhi.u32 $0x68DB8BAD, s4  }
0x218: {  	s9 =	spop (v2sf);
	s1 =	smul.u32 $0x68DB8BAD, s2  }
0x219: {  	s6 =	smulhi.u32 $0x68DB8BAD, s9;
	s10 =	spop (v2sf)  }
0x21a: {  	[dreg:$0xb] =	wrdreg s14;
	s2 =	sshra.s32 s9, $0x1F;
	s15 =	smulhi.u32 $0x68DB8BAD, s10  }
0x21b: {  	v10 =	vld [tilespmem:s21+$0xFC28];
	s11 =	spop (v2sf);
	s21 =	smul.u32 $0x68DB8BAD, s2  }
0x21c: {  	s29 =	smulhi.u32 $0x68DB8BAD, s11;
	s12 =	spop (v2sf)  }
0x21d: {  	s16 =	smulhi.u32 $0x68DB8BAD, s12;
	s14 =	spop (v2sf)  }
0x21e: {  	(v2sf) =	vpush v8, $0x7;
	s17 =	smulhi.u32 $0x68DB8BAD, s14;
	s20 =	spop (v2sf)  }
0x21f: {  	[dreg:$0x11] =	wrdreg s16;
	s26 =	spop (v2sf)  }
0x220: {  	[dreg:$0x12] =	wrdreg s17;
	s17 =	smulhi.u32 $0x68DB8BAD, s20  }
0x221: {  	s13 =	smulhi.u32 $0x68DB8BAD, s26;
	s30 =	spop (v2sf)  }
0x222: {  	s18 =	smulhi.u32 $0x68DB8BAD, s30;
	s25 =	spop (v2sf)  }
0x223: {  	s16 =	smulhi.u32 $0x68DB8BAD, s25;
	s31 =	spop (v2sf)  }
0x224: {  	s22 =	sshra.s32 s22, $0x1F;
	[dreg:$0x10] =	wrdreg s18;
	s28 =	smulhi.u32 $0x68DB8BAD, s31  }
0x225: {  	s24 =	spop (v2sf);
	s18 =	smul.u32 $0x68DB8BAD, s22  }
0x226: {  	s22 =	sshra.s32 s4, $0x1F;
	s7 =	smulhi.u32 $0x68DB8BAD, s24  }
0x227: {  	s4 =	sshra.s32 s10, $0x1F;
	s22 =	smul.u32 $0x68DB8BAD, s22  }
0x228: {  	s9 =	sshra.s32 s11, $0x1F;
	s2 =	smul.u32 $0x68DB8BAD, s4  }
0x229: {  	s10 =	sshra.s32 s12, $0x1F;
	s4 =	smul.u32 $0x68DB8BAD, s9  }
0x22a: {  	s11 =	sshra.s32 s14, $0x1F;
	s14 =	smul.u32 $0x68DB8BAD, s10  }
.Ltmp8:
0x22b: {  	_ = 	snop;
	(pc) =	sbr.rel @p1 .LBB2_15-.Ltmp8, $4  }
0x22c: {  	[dreg:$0xf] =	wrdreg s15;
	s12 =	sshra.s32 s20, $0x1F;
	s9 =	smul.u32 $0x68DB8BAD, s11  }
0x22d: {  	s20 =	sshra.s32 s26, $0x1F;
	s15 =	spop (v2sf);
	(v2sf) =	vpush v10, $0xF;
	s10 =	smul.u32 $0x68DB8BAD, s12  }
0x22e: {  	s26 =	sshra.s32 s30, $0x1F;
	s30 =	rddreg [dreg:$0x8];
	s11 =	smul.u32 $0x68DB8BAD, s20;
	(v2sf) =	vpush v10, $0xB  }
0x22f: {  	vm12 =	vmmov vm13;
	v9 =	vmul.u32 $0x2710, v8;
	s0 =	sadd.s32 $0x40, s30;
	s8 =	smulhi.u32 $0x68DB8BAD, s15;
	(v2sf) =	vpush v10, $0x6  }
0x230: {  	_ =	sdelay $0x3  }
0x231: {  	(v2sf) =	vpush v10, $0xE;
	_ =	sdelay $0x1  }
0x232: {  	(v2sf) =	vpush v10, $0xA  }
0x233: {  	s30 =	smul.u32 $0x68DB8BAD, s26;
	s5 =	sadd.s32 s5, s23;
	s23 =	rddreg [dreg:$0xb]  }
0x234: {  	s24 =	sshra.s32 s24, $0x1F;
	s3 =	sadd.s32 s18, s3;
	[smem:$0x7C1] =	sst s5  }
0x235: {  	s26 =	smul.u32 $0x68DB8BAD, s24;
	[smem:$0x7C2] =	sst s3;
	s1 =	sadd.s32 s1, s23  }
0x236: {  	s20 =	sshra.s32 s31, $0x1F;
	(v2sf) =	vpush v10, $0xD;
	[smem:$0x7C5] =	sst s1  }
0x237: {  	s15 =	sshra.s32 s15, $0x1F;
	s12 =	smul.u32 $0x68DB8BAD, s20;
	[smem:$0x7B9] =	sst s26  }
0x238: {  	s26 =	smul.u32 $0x68DB8BAD, s15;
	s31 =	spop (v2sf)  }
0x239: {  	(v2sf) =	vpush v10, $0x9;
	[smem:$0x7BA] =	sst s12;
	s12 =	smulhi.u32 $0x68DB8BAD, s31;
	s15 =	sshra.s32 s31, $0x1F  }
0x23a: {  	s18 =	spop (v2sf);
	s31 =	sadd.s32 s21, s6;
	s6 =	rddreg [dreg:$0x10]  }
0x23b: {  	(v2sf) =	vpush v10, $0x5;
	s20 =	spop (v2sf);
	[smem:$0x7BB] =	sst s12  }
0x23c: {  	s0 =	sshra.s32 s25, $0x1F;
	(v2sf) =	vpush v10, $0xC;
	s3 =	smul.u32 $0x68DB8BAD, s15;
	[smem:$0x7C6] =	sst s20  }
0x23d: {  	s24 =	sadd.s32 s22, s19;
	(v2sf) =	vpush v10, $0x8;
	s19 =	smulhi.u32 $0x68DB8BAD, s18;
	s12 =	rddreg [dreg:$0xf]  }
0x23e: {  	s0 =	smul.u32 $0x68DB8BAD, s0;
	(v2sf) =	vpush v10, $0x4;
	[smem:$0x7BC] =	sst s3  }
0x23f: {  	s22 =	spop (v2sf);
	[smem:$0x7BD] =	sst s19;
	s3 =	sshra.s32 s18, $0x1F  }
0x240: {  	s25 =	smulhi.u32 $0x68DB8BAD, s22;
	s5 =	sshra.s32 s22, $0x1F;
	s22 =	rddreg [dreg:$0x11]  }
0x241: {  	s18 =	spop (v2sf);
	s19 =	sadd.s32 s4, s29;
	s29 =	rddreg [dreg:$0x12]  }
0x242: {  	s20 =	sadd.s32 s2, s12;
	s2 =	sld [smem:$0x7BB];
	s3 =	smul.u32 $0x68DB8BAD, s3  }
0x243: {  	s15 =	smul.u32 $0x68DB8BAD, s5;
	[smem:$0x7C3] =	sst s19  }
0x244: {  	s23 =	smulhi.u32 $0x68DB8BAD, s18;
	s1 =	sadd.s32 s14, s22;
	[smem:$0x7BF] =	sst s25  }
0x245: {  	s21 =	spop (v2sf);
	[smem:$0x7C4] =	sst s1  }
0x246: {  	(v2sf) =	vpush v10, $0x3;
	s25 =	sshra.s32 s18, $0x1F;
	s18 =	sadd.s32 s9, s29;
	s29 =	sld [smem:$0x7B9]  }
0x247: {  	s26 =	sadd.s32 s26, s8;
	(v2sf) =	vpush v10, $0x2;
	s1 =	smulhi.u32 $0x68DB8BAD, s21;
	[smem:$0x7BE] =	sst s3  }
0x248: {  	(v2sf) =	vpush v10, $0x1;
	s19 =	sadd.s32 s11, s13;
	s4 =	spop (v2sf);
	[smem:$0x7C0] =	sst s15  }
0x249: {  	s3 =	sshra.s32 s21, $0x1F;
	s22 =	smul.u32 $0x68DB8BAD, s25;
	s25 =	sadd.s32 s10, s17  }
0x24a: {  	(v2sf) =	vpush v10, $0x0;
	s17 =	smulhi.u32 $0x68DB8BAD, s4;
	s10 =	sshra.s32 s4, $0x1F;
	s5 =	spop (v2sf)  }
0x24b: {  	(v2sf) =	vpush v10, $0x7;
	s21 =	sadd.s32 s0, s16;
	s12 =	smul.u32 $0x68DB8BAD, s10;
	s10 =	spop (v2sf)  }
0x24c: {  	s15 =	sadd.s32 s30, s6;
	s9 =	smul.u32 $0x68DB8BAD, s3;
	s16 =	spop (v2sf)  }
0x24d: {  	s30 =	smulhi.u32 $0x68DB8BAD, s5;
	s0 =	sshra.s32 s5, $0x1F;
	s3 =	spop (v2sf)  }
0x24e: {  	s4 =	smulhi.u32 $0x68DB8BAD, s3;
	s8 =	sshra.s32 s3, $0x1F;
	s3 =	sld [smem:$0x7BC]  }
0x24f: {  	s11 =	smulhi.u32 $0x68DB8BAD, s10;
	s7 =	sadd.s32 s29, s7;
	s29 =	sld [smem:$0x7BA]  }
0x250: {  	s14 =	sshra.s32 s10, $0x1F;
	s9 =	sadd.s32 s9, s1;
	s1 =	sld [smem:$0x7C0]  }
0x251: {  	s13 =	smul.u32 $0x68DB8BAD, s0;
	s0 =	sadd.s32 s3, s2;
	s2 =	sld [smem:$0x7BE]  }
0x252: {  	s23 =	sadd.s32 s22, s23;
	s6 =	smul.u32 $0x68DB8BAD, s14;
	[smem:$0x7CB] =	sst s0  }
0x253: {  	s10 =	smulhi.u32 $0x68DB8BAD, s16;
	s5 =	sshra.s32 s16, $0x1F;
	s0 =	sld [smem:$0x7BD]  }
0x254: {  	[smem:$0x7CA] =	sst s23;
	s5 =	smul.u32 $0x68DB8BAD, s5  }
0x255: {  	s17 =	sadd.s32 s12, s17;
	[smem:$0x7C8] =	sst s9;
	s14 =	spop (v2sf)  }
0x256: {  	s28 =	sadd.s32 s29, s28;
	s29 =	spop (v2sf);
	s0 =	sadd.s32 s2, s0  }
0x257: {  	s12 =	sshra.s32 s31, $0xB;
	s16 =	spop (v2sf);
	[smem:$0x7CC] =	sst s0  }
0x258: {  	s23 =	sadd.s32 s13, s30;
	s3 =	smul.u32 $0x68DB8BAD, s8;
	s0 =	sld [smem:$0x7BF]  }
0x259: {  	s30 =	sld [smem:$0x7C1];
	s10 =	sadd.s32 s5, s10;
	s8 =	spop (v2sf)  }
0x25a: {  	s9 =	spop (v2sf);
	s13 =	sadd.s32 s3, s4;
	s3 =	sshra.s32 s26, $0xB  }
0x25b: {  	[smem:$0x7C7] =	sst s3;
	s2 =	smulhi.u32 $0x68DB8BAD, s8;
	s0 =	sadd.s32 s1, s0  }
0x25c: {  	s1 =	smulhi.u32 $0x68DB8BAD, s9;
	[smem:$0x7C9] =	sst s0;
	s0 =	sshra.s32 s9, $0x1F  }
0x25d: {  	s9 =	sadd.s32 s6, s11;
	s11 =	sshrl.u32 s31, $0x1F;
	s31 =	sshra.s32 s26, $0x1F  }
0x25e: {  	s8 =	sshra.s32 s8, $0x1F;
	s0 =	smul.u32 $0x68DB8BAD, s0;
	v11 =	vmov s31;
	s31 =	sshrl.u32 s25, $0x1F  }
0x25f: {  	s4 =	sshra.s32 s30, $0xB;
	s8 =	smul.u32 $0x68DB8BAD, s8;
	v13 =	vmov s31;
	s31 =	sld [smem:$0x7C3]  }
0x260: {  	s5 =	sadd.s32 s0, s1;
	s1 =	sld [smem:$0x7C2];
	s0 =	sshra.s32 s7, $0xB  }
0x261: {  	s3 =	sshra.s32 s20, $0xB;
	s6 =	sadd.s32 s8, s2;
	v11 =	vsel vm4, s0, v11;
	s0 =	sshra.s32 s7, $0x1F  }
0x262: {  	s2 =	sshrl.u32 s30, $0x1F;
	s8 =	sshra.s32 s24, $0xB;
	v11 =	vsel vm12, s0, v11;
	s0 =	sshrl.u32 s7, $0x1F  }
0x263: {  	s7 =	sshrl.u32 s31, $0x1F;
	s30 =	sshrl.u32 s1, $0x1F;
	s22 =	sshra.s32 s1, $0xB  }
0x264: {  	s1 =	sshrl.u32 s24, $0x1F;
	s24 =	sshrl.u32 s26, $0x1F;
	s26 =	sshrl.u32 s20, $0x1F  }
0x265: {  	vm9 =	vcmask $0x1714;
	vm11 =	vcmask $0x2724;
	s20 =	sshrl.u32 s18, $0x1F;
	s18 =	sshra.s32 s18, $0xB;
	v15 =	vmov s0;
	s0 =	sshra.s32 s31, $0xB  }
0x266: {  	vm10 =	vcmask $0x2F2C;
	v13 =	vsel vm0, s7, v13;
	s31 =	sshra.s32 s21, $0x1F;
	s7 =	sshra.s32 s29, $0x1F;
	v12 =	vmov s20;
	s20 =	sshra.s32 s28, $0xB  }
0x267: {  	v14 =	vmov s18;
	s18 =	sshrl.u32 s28, $0x1F;
	v13 =	vsel vm1, s11, v13;
	s7 =	smul.u32 $0x68DB8BAD, s7;
	v11 =	vsel vm0, s20, v11;
	s20 =	sshra.s32 s25, $0xB  }
0x268: {  	v15 =	vnsel vm4, $0x0, v15;
	s25 =	sshra.s32 s28, $0x1F;
	v12 =	vsel vm0, s26, v12;
	s28 =	sshra.s32 s21, $0xB;
	v14 =	vsel vm0, s3, v14;
	s3 =	smulhi.u32 $0x68DB8BAD, s14  }
0x269: {  	s14 =	sshra.s32 s14, $0x1F;
	s26 =	sshra.s32 s15, $0x1F;
	v15 =	vsel vm0, s18, v15;
	s18 =	smulhi.u32 $0x68DB8BAD, s16;
	v13 =	vsel vm2, s30, v13;
	v16 =	vmov s20  }
0x26a: {  	v11 =	vsel vm14, s25, v11;
	s20 =	sshrl.u32 s21, $0x1F;
	v12 =	vsel vm1, s1, v12;
	s1 =	smulhi.u32 $0x68DB8BAD, s29;
	s25 =	sshrl.u32 s15, $0x1F;
	v14 =	vsel vm1, s8, v14  }
0x26b: {  	s29 =	sshra.s32 s19, $0xB;
	v11 =	vsel vm1, s28, v11;
	v16 =	vsel vm0, s0, v16;
	s0 =	smul.u32 $0x68DB8BAD, s14;
	v15 =	vsel vm1, s20, v15;
	s14 =	sld [smem:$0x7C4]  }
0x26c: {  	s28 =	sshrl.u32 s19, $0x1F;
	v12 =	vsel vm2, s2, v12;
	v11 =	vsel vm9, s31, v11;
	s31 =	sshra.s32 s19, $0x1F;
	v15 =	vsel vm2, s25, v15;
	s19 =	sld [smem:$0x7C9]  }
0x26d: {  	s21 =	sshra.s32 s15, $0xB;
	v14 =	vsel vm2, s4, v14;
	v16 =	vsel vm1, s12, v16;
	s1 =	sadd.s32 s7, s1;
	v15 =	vsel vm5, s28, v15;
	s28 =	sld [smem:$0x7C5]  }
0x26e: {  	v12 =	vcombine.low v13, v12;
	v11 =	vsel vm2, s21, v11;
	v16 =	vsel vm2, s22, v16;
	s22 =	sshrl.u32 s9, $0x1F;
	s20 =	sshrl.u32 s14, $0x1F;
	s21 =	sshra.s32 s14, $0x1F  }
0x26f: {  	v11 =	vsel vm3, s26, v11;
	s25 =	sshra.s32 s14, $0xB;
	s26 =	sshra.s32 s16, $0x1F;
	v18 =	vmov s22;
	s22 =	sld [smem:$0x7CA];
	v52 =	vcombine.low v16, v14  }
0x270: {  	vm9 =	vcmask $0x3734;
	v12 =	vperm.xlane v12, v5;
	v11 =	vsel vm5, s29, v11;
	s11 =	smul.u32 $0x68DB8BAD, s26;
	s29 =	sshrl.u32 s28, $0x1F;
	s30 =	sshra.s32 s28, $0x1F  }
0x271: {  	v15 =	vsel vm6, s20, v15;
	v11 =	vsel vm11, s31, v11;
	s31 =	sld [smem:$0x7C6];
	s20 =	sshra.s32 s28, $0xB;
	s28 =	sshra.s32 s9, $0x8;
	v13 =	vperm.xlane v52, v5  }
0x272: {  	s9 =	sld [smem:$0x7C8];
	v11 =	vsel vm6, s25, v11;
	v15 =	vsel vm7, s29, v15;
	s25 =	sshrl.u32 s10, $0x1F;
	s29 =	sshra.s32 s6, $0x1F;
	v20 =	vmov s28  }
0x273: {  	v11 =	vsel vm10, s21, v11;
	s21 =	sshra.s32 s5, $0x1F;
	v15 =	vsel vm8, s24, v15;
	s24 =	sshra.s32 s6, $0x8;
	s6 =	sshrl.u32 s6, $0x1F;
	v19 =	vmov s25  }
0x274: {  	s0 =	sadd.s32 s0, s3;
	s14 =	sshrl.u32 s17, $0x1F;
	s26 =	sld [smem:$0x7C7];
	v11 =	vsel vm7, s20, v11;
	v17 =	vmov s21;
	v21 =	vmov s6  }
0x275: {  	s8 =	sadd.s32 s11, s18;
	s2 =	smulhi.u32 $0x68DB8BAD, s31;
	s11 =	sshrl.u32 s9, $0x1F;
	v19 =	vsel vm0, s14, v19;
	v15 =	vperm.xlane v15, v7;
	v17 =	vsel vm4, s24, v17  }
0x276: {  	s12 =	sshra.s32 s31, $0x1F;
	s31 =	sshra.s32 s8, $0x8;
	s16 =	sshra.s32 s9, $0x8;
	v11 =	vsel vm9, s30, v11;
	v18 =	vsel vm0, s11, v18;
	v17 =	vsel vm12, s29, v17  }
0x277: {  	s17 =	sshra.s32 s17, $0x8;
	s15 =	sshra.s32 s8, $0x1F;
	s30 =	sshra.s32 s10, $0x8;
	v20 =	vsel vm0, s16, v20;
	v21 =	vnsel vm4, $0x0, v21;
	v17 =	vsel vm0, s31, v17  }
0x278: {  	s18 =	sshra.s32 s1, $0x8;
	s28 =	sshra.s32 s0, $0x8;
	s20 =	sshrl.u32 s19, $0x1F;
	v11 =	vsel vm8, s26, v11;
	v22 =	vmov s30;
	v17 =	vsel vm14, s15, v17  }
0x279: {  	s21 =	sshra.s32 s1, $0x1F;
	s24 =	sshrl.u32 s22, $0x1F;
	s10 =	sld [smem:$0x7CC];
	v18 =	vsel vm1, s20, v18;
	vm12 =	vcmask $0x1714;
	v17 =	vsel vm1, s18, v17  }
0x27a: {  	s7 =	sshra.s32 s22, $0x8;
	s26 =	sshra.s32 s19, $0x8;
	v19 =	vsel vm1, s24, v19;
	s29 =	sshrl.u32 s8, $0x1F;
	v22 =	vsel vm0, s17, v22;
	v17 =	vsel vm12, s21, v17  }
0x27b: {  	s9 =	sshra.s32 s13, $0x8;
	s30 =	sshra.s32 s0, $0x1F;
	v20 =	vsel vm1, s26, v20;
	v21 =	vsel vm0, s29, v21;
	s31 =	sld [smem:$0x7CB];
	v17 =	vsel vm2, s28, v17  }
0x27c: {  	s1 =	sshrl.u32 s1, $0x1F;
	s25 =	smul.u32 $0x68DB8BAD, s12;
	v11 =	vperm.xlane v11, v7;
	v22 =	vsel vm1, s7, v22;
	s11 =	sshrl.u32 s10, $0x1F;
	v17 =	vsel vm3, s30, v17  }
0x27d: {  	s12 =	sshra.s32 s13, $0x1F;
	s0 =	sshrl.u32 s0, $0x1F;
	v21 =	vsel vm1, s1, v21;
	s19 =	sshra.s32 s10, $0x8;
	v19 =	vsel vm2, s11, v19;
	v17 =	vsel vm5, s9, v17  }
0x27e: {  	s16 =	sshrl.u32 s13, $0x1F;
	s15 =	sshra.s32 s23, $0x8;
	v21 =	vsel vm2, s0, v21;
	v54 =	vsel vm2, s19, v22;
	s8 =	sshrl.u32 s31, $0x1F;
	v17 =	vsel vm11, s12, v17  }
0x27f: {  	s17 =	sadd.s32 s25, s2;
	s18 =	sshra.s32 s23, $0x1F;
	s14 =	sshra.s32 s31, $0x8;
	v21 =	vsel vm5, s16, v21;
	v18 =	vsel vm2, s8, v18;
	v17 =	vsel vm6, s15, v17  }
0x280: {  	s20 =	sshrl.u32 s23, $0x1F;
	s21 =	sshra.s32 s17, $0x8;
	v20 =	vsel vm2, s14, v20;
	v18 =	vcombine.low v19, v18;
	v53 =	vsel vm10, s18, v17  }
0x281: {  	s22 =	sshrl.u32 s17, $0x1F;
	s23 =	sshra.s32 s17, $0x1F;
	v55 =	vsel vm6, s20, v21;
	v16 =	vcombine.low v54, v20;
	v14 =	vsel vm7, s21, v53  }
0x282: {  	s24 =	sshrl.u32 s5, $0x1F;
	s25 =	sshra.s32 s5, $0x8;
	v18 =	vperm.xlane v18, v5;
	v17 =	vsel vm7, s22, v55;
	v14 =	vsel vm9, s23, v14  }
0x283: {  	v16 =	vperm.xlane v16, v5;
	v17 =	vsel vm8, s24, v17;
	v14 =	vsel vm8, s25, v14  }
0x284: {  	v17 =	vperm.xlane v17, v7;
	v14 =	vperm.xlane v14, v7  }
0x285: {  	v12 =	vsel vm15, v15, v12  }
0x286: {  	v11 =	vsel vm15, v11, v13;
	v56 =	vsel vm15, v17, v18;
	v14 =	vsel vm15, v14, v16  }
0x287: {  	v11 =	vadd.s32 v12, v11;
	v57 =	vadd.s32 v56, v14  }
0x288: {  	v58 =	vmul.u32 $0xFFFFEC78, v11;
	v14 =	vmul.u32 $0xFFFFFD8F, v57  }
0x289: {  	v59 =	vsub.s32 $0x0, v10;
	vm9 =	vlt.s32 v8, $0x1;
	v8 =	vsub.s32 $0x0, v8  }
0x28a: {  	vm11 =	vlt.s32 v10, $0x1;
	vm10 =	vne.s32 v58, v8;
	vm12 =	vne.s32 v14, v59  }
0x28b: {  	vm9 =	vmand vm9, vm10;
	vm10 =	vmand vm11, vm12  }
0x28c: {  	v8 =	vsel vm9, $0xFFFFFFFF, v4;
	v60 =	vsel vm10, $0xFFFFFFFF, v4  }
0x28d: {  	s26 =	rddreg [dreg:$0x6];
	v8 =	vadd.s32 v8, v11;
	v61 =	vadd.s32 v60, v57  }
0x28e: {  	p1 =	slt.s32 s26, $0x1F40;
	vm9 =	veq.s32 v8, v1;
	vm11 =	vmxor vm11, vm11;
	vm10 =	veq.s32 v61, v2  }
0x28f: {  	vm11 =	vmneg @p1 vm11;
	vm9 =	vmand vm9, vm10  }
0x290: {  	vm9 =	vmand vm11, vm9  }
0x291: {  	v8 =	vsel vm9, $0x1, v4  }
0x292: {  	(xrf0) =	vadd.scan.msk.s32 $0xffff, v8;
	_ =	sdelay $0x2  }
0x293: {  	s28 =	simm.s32 $0x118A8  }
0x294: {  	v8 =	vld.idx.msk [tilespmem:v10+s28+$0x0], $0xffff;
	_ =	sdelay $0x1  }
0x295: {  	v62, _, _ =	vpop (xrf0)  }
0x296: {  	(v2sf) =	vpush v62, $0xF;
	_ =	sdelay $0x1  }
0x297: {  	v8 =	vadd.f32 $9.999999680e-21, v8;
	_ =	sdelay $0x1  }
0x298: {  	(erf) = vrcp.f32 v8;
	_ =	sdelay $0x2  }
0x299: {  	s30 =	sld [smem:$0x7E0]  }
0x29a: {  	s29 =	rddreg [dreg:$0x7]  }
0x29b: {  	v8 =	vld [tilespmem:s29+$0x10428]  }
0x29c: {  	s1 =	sadd.s32 $0x1, s30  }
0x29d: {  	p1 =	seq.s32 s1, $0x50  }
.Ltmp9:
0x29e: {  	_ = 	snop;
	(pc) =	sbr.rel @!p1 .LBB2_14-.Ltmp9, $4  }
0x29f: {  	v63 =	vpop (erf)  }
0x2a0: {  	v9 =	vadd.s32 v10, v9;
	v8 =	vmul.f32 v63, v8  }
0x2a1: {  	s13 =	sld [smem:$0x7ED];
	[tilespmem:s26+$0x140A8] =	vst.msk vm9, v9;
	s31 =	spop (v2sf)  }
0x2a2: {  	s8 =	rddreg [dreg:$0x2];
	vm12 =	vmmov vm13;
	[tilespmem:s26+$0x16028] =	vst.msk vm9, v8;
	s2 =	sadd.s32 s26, s31  }
0x2a3: {  	s9 =	rddreg [dreg:$0x3]  }
0x2a4: {  	s11 =	rddreg [dreg:$0x4]  }
0x2a5: {  	s14 =	sld [smem:$0x7EE]  }
0x2a6: {  	s15 =	sld [smem:$0x7EF]  }
0x2a7: {  	s16 =	sld [smem:$0x7F1]  }
0x2a8: {  	s18 =	sld [smem:$0x7F3]  }
0x2a9: {  	s19 =	sld [smem:$0x7F5]  }
0x2aa: {  	s20 =	sld [smem:$0x7F6]  }
0x2ab: {  	s22 =	sld [smem:$0x7F7]  }
0x2ac: {  	s25 =	sld [smem:$0x7F8]  }
0x2ad: {  	s0 =	sadd.s32 $0xF, s2;
	s28 =	sld [smem:$0x7FA]  }
0x2ae: {  	s29 =	sld [smem:$0x7FB];
	s1 =	sand.u32 $0xF, s0  }
0x2af: {  	s26 =	sshra.s32 s0, $0x1F;
	p2 =	slt.s32 s0, $0x1;
	p1 =	sne.s32 s1, $0x0  }
.Ltmp10:
0x2b0: {  	s1 =	sshrl.u32 s26, $0x1C;
	p1 =	por !p2, !p1;
	(pc) =	sbr.rel .LBB2_18-.Ltmp10, $4  }
0x2b1: {  	s0 =	sadd.s32 s1, s0;
	s1 =	simm.s32 $0x1;
	p1 =	por !p1, !p1  }
0x2b2: {  	s30 =	sld [smem:$0x7FC];
	s0 =	sshra.s32 s0, $0x4;
	s1 =	simm.s32 @!p1 $0x0  }
0x2b3: {  	s21 =	simm.s32 $0x0;
	s31 =	sld [smem:$0x7FD];
	s10 =	ssub.s32 s0, s1  }
0x2b4: {  	v8 =	vmov s2;
	s12 =	simm.s32 $0x0;
	s26 =	sld [smem:$0x7F9];
	p1 =	slt.s32 s10, $0x1  }
.LBB2_35:
0x2b5: {  	s21 =	sadd.s32 $0x1, s21  }
0x2b6: {  	p2 =	sne.s32 s21, $0x32  }
.Ltmp11:
0x2b7: {  	_ = 	snop;
	(pc) =	sbr.rel @!p2 .LBB2_36-.Ltmp11, $1  }
0x2b8: {  	_ =	sdelay $0x3  }
.LBB2_18:
.Ltmp12:
0x2b9: {  	(pc) =	sbr.rel @p1 .LBB2_25-.Ltmp12, $3  }
0x2ba: {  	s0 =	smul.u32 $0x64, s21;
	_ =	sdelay $0x1  }
0x2bb: {  	s0 =	sadd.s32 s19, s0  }
0x2bc: {  	s23 =	smul.u32 $0x2710, s0;
	s0 =	simm.s32 $0x0  }
0x2bd: {  	p3 =	sne.s32 s10, $0x1  }
.Ltmp13:
0x2be: {  	_ = 	snop;
	(pc) =	sbr.rel @!p3 .LBB2_20-.Ltmp13, $3  }
0x2bf: {  	_ =	sdelay $0x1  }
0x2c0: {  	s2 =	simm.s32 $0x140A8;
	s1 =	simm.s32 $0x16028;
	s0 =	sadd.s32 $0xF4240, s23  }
0x2c1: {  	p2 =	por $0x0, $0x0;
	v9 =	vmov s23;
	v11 =	vld [tilespmem:s2+$0x0];
	s2 =	sadd.s32 $0xFFFFFFFF, s10;
	v10 =	vmov s0;
	s0 =	simm.s32 $0x0  }
0x2c2: {  	_ =	sdelay $0x2  }
0x2c3: {  	v12 =	vor.u32 s0, v6  }
0x2c4: {  	vm9 =	vlt.s32 v12, v8;
	vm10 =	vlt.s32 v11, v10  }
0x2c5: {  	vm11 =	vge.s32 v11, v9;
	vm9 =	vmand vm9, vm10  }
0x2c6: {  	vm9 =	vmand vm9, vm11  }
0x2c7: {  	v62 =	vsel vm9, $0x1, v4  }
0x2c8: {  	(xrf0) =	vadd.scan.msk.s32 $0xffff, v62;
	_ =	sdelay $0x2  }
0x2c9: {  	v63 =	vld [tilespmem:s1+$0x0];
	v11 =	vsub.s32 v11, v9  }
0x2ca: {  	p3 =	sne.s32 s2, $0x1  }
.Ltmp14:
0x2cb: {  	_ = 	snop;
	(pc) =	sbr.rel @!p3 .LBB2_22-.Ltmp14, $4  }
0x2cc: {  	[tilespmem:s0+$0x17FA8] =	vst.msk vm9, v11;
	v11, _, _ =	vpop (xrf0)  }
0x2cd: {  	(v2sf) =	vpush v11, $0xF  }
0x2ce: {  	s5 =	simm.s32 $0x140B8;
	s6 =	sadd.s32 $0xFFFFFFFF, s2;
	p2 =	por $0x1, $0x1;
	[tilespmem:s0+$0x19FA8] =	vst.msk vm9, v63  }
0x2cf: {  	s4 =	simm.s32 $0x0;
	s2 =	simm.s32 $0x16028;
	s3 =	simm.s32 $0x0;
	v11 =	vld [tilespmem:s5+$0x0]  }
.LBB2_23:
0x2d0: {  	p3 =	sne.s32 s6, $0x1;
	_ =	sdelay $0x1  }
0x2d1: {  	s4 =	sadd.s32 $0x10, s4  }
0x2d2: {  	v12 =	vor.u32 s4, v6  }
0x2d3: {  	vm9 =	vlt.s32 v12, v8;
	vm10 =	vlt.s32 v11, v10;
	v12 =	vsub.s32 v11, v9  }
0x2d4: {  	vm11 =	vge.s32 v11, v9;
	vm9 =	vmand vm9, vm10  }
0x2d5: {  	vm9 =	vmand vm9, vm11  }
0x2d6: {  	v11 =	vsel vm9, $0x1, v4  }
0x2d7: {  	(xrf0) =	vadd.scan.msk.s32 $0xffff, v11  }
0x2d8: {  	s2 =	sadd.s32 $0x10, s2  }
0x2d9: {  	v11 =	vld [tilespmem:s2+$0x0];
	_ =	sdelay $0x1  }
0x2da: {  	s7 =	spop (v2sf)  }
.Ltmp15:
0x2db: {  	s3 =	sadd.s32 s3, s7;
	(pc) =	sbr.rel @p3 .LBB2_23-.Ltmp15, $4  }
0x2dc: {  	[tilespmem:s3+$0x17FA8] =	vst.msk vm9, v12;
	v12, _, _ =	vpop (xrf0)  }
0x2dd: {  	[tilespmem:s3+$0x19FA8] =	vst.msk vm9, v11;
	(v2sf) =	vpush v12, $0xF  }
0x2de: {  	s5 =	sadd.s32 $0x10, s5  }
0x2df: {  	s6 =	sadd.s32 $0xFFFFFFFF, s6;
	v11 =	vld [tilespmem:s5+$0x0]  }
.LBB2_24:
0x2e0: {  	_ = 	snop  }
0x2e1: {  	s4 =	sadd.s32 @p2 $0x10, s4;
	s5 =	simm.s32 $0x0  }
0x2e2: {  	s5 =	smov.u32 @p2 s4  }
0x2e3: {  	v12 =	vor.u32 s5, v6  }
0x2e4: {  	vm9 =	vlt.s32 v12, v8;
	vm10 =	vlt.s32 v11, v10  }
0x2e5: {  	vm11 =	vge.s32 v11, v9;
	vm9 =	vmand vm9, vm10  }
0x2e6: {  	vm9 =	vmand vm9, vm11  }
0x2e7: {  	v10 =	vsel vm9, $0x1, v4  }
0x2e8: {  	(xrf0) =	vadd.scan.msk.s32 $0xffff, v10;
	_ =	sdelay $0x5  }
0x2e9: {  	v10, _, _ =	vpop (xrf0)  }
0x2ea: {  	(v2sf) =	vpush v10, $0xF;
	_ =	sdelay $0x8  }
0x2eb: {  	s2 =	sadd.s32 @p2 $0x10, s2  }
0x2ec: {  	s1 =	smov.u32 @p2 s2  }
0x2ed: {  	v10 =	vld [tilespmem:s1+$0x0]  }
0x2ee: {  	s1 =	spop @p2 (v2sf)  }
0x2ef: {  	s1 =	sadd.s32 @p2 s3, s1  }
0x2f0: {  	v9 =	vsub.s32 v11, v9;
	s0 =	smov.u32 @p2 s1  }
0x2f1: {  	[tilespmem:s0+$0x17FA8] =	vst.msk vm9, v9;
	s24 =	spop (v2sf)  }
0x2f2: {  	[tilespmem:s0+$0x19FA8] =	vst.msk vm9, v10;
	s0 =	sadd.s32 s0, s24  }
.LBB2_25:
0x2f3: {  	s1 =	sadd.s32 $0x7F, s0  }
0x2f4: {  	s2 =	sand.u32 $0x7F, s1  }
0x2f5: {  	s3 =	sshra.s32 s1, $0x1F;
	p2 =	slt.s32 s1, $0x1;
	p3 =	sne.s32 s2, $0x0  }
0x2f6: {  	s24 =	sshrl.u32 s3, $0x19;
	p2 =	por !p2, !p3  }
0x2f7: {  	s2 =	simm.s32 $0x1;
	s1 =	sadd.s32 s24, s1;
	p2 =	por !p2, !p2  }
0x2f8: {  	s1 =	sshra.s32 s1, $0x7;
	s2 =	simm.s32 @!p2 $0x0  }
0x2f9: {  	s24 =	ssub.s32 s1, s2  }
0x2fa: {  	p2 =	slt.s32 s24, $0x1  }
.Ltmp16:
0x2fb: {  	_ = 	snop;
	(pc) =	sbr.rel @p2 .LBB2_30-.Ltmp16, $2  }
0x2fc: {  	_ =	sdelay $0x2  }
0x2fd: {  	v9 =	vmov s0  }
0x2fe: {  	s0 =	simm.s32 $0x0  }
0x2ff: {  	s1 =	simm.s32 $0x17FA8;
	s2 =	simm.s32 $0x19FA8;
	s3 =	simm.s32 $0x0  }
.LBB2_27:
0x300: {  	v10 =	vmov s1;
	_ =	sdelay $0x1  }
0x301: {  	v11 =	vmov s2;
	_ =	sdelay $0x1  }
0x302: {  	s4 =	simm.s32 $0x0  }
0x303: {  	v13 =	vld.idx.msk [tilespmem:v10+s4+$0x0 ss:$0x1], $0xffff  }
0x304: {  	v12 =	vor.u32 s0, v6  }
0x305: {  	vm9 =	vlt.s32 v12, v9;
	v12 =	vld.idx.msk [tilespmem:v11+s4+$0x0 ss:$0x1], $0xffff;
	_ =	sdelay $0x2  }
0x306: {  	s5 =	simm.s32 $0x40;
	s6 =	smov.u32 s0;
	v13 =	vnsel vm9, $0xF4240, v13  }
.LBB2_28:
0x307: {  	p3 =	sne.s32 s5, $0x1C0  }
0x308: {  	[tilespmem:s4+$0x1BFA8] =	vst v13;
	v12 =	vnsel vm9, $0x0, v12;
	s6 =	sadd.s32 $0x10, s6;
	s7 =	smov.u32 s5;
	s5 =	sadd.s32 $0x40, s5  }
0x309: {  	[tilespmem:s4+$0x1C028] =	vst v12;
	s4 =	sshra.s32 s7, $0x2  }
0x30a: {  	v13 =	vld.idx.msk [tilespmem:v10+s4+$0x0 ss:$0x1], $0xffff  }
0x30b: {  	v12 =	vld.idx.msk [tilespmem:v11+s4+$0x0 ss:$0x1], $0xffff  }
.Ltmp17:
0x30c: {  	(pc) =	sbr.rel @p3 .LBB2_28-.Ltmp17, $4  }
0x30d: {  	_ = 	snop  }
0x30e: {  	v14 =	vor.u32 s6, v6  }
0x30f: {  	vm9 =	vlt.s32 v14, v9  }
0x310: {  	v13 =	vnsel vm9, $0xF4240, v13  }
0x311: {  	s3 =	sadd.s32 $0x1, s3  }
0x312: {  	[tilespmem:s4+$0x1BFA8] =	vst v13;
	v10 =	vnsel vm9, $0x0, v12;
	s7 =	simm.s32 $0x80;
	s5 =	simm.s32 $0x1BFA8;
	p3 =	sne.s32 s3, s24  }
.Ltmp18:
0x313: {  	s6 =	simm.s32 $0x1C028;
	s17 =	simm.s32 $0x5;
	[tilespmem:s4+$0x1C028] =	vst v10;
	(pc) =	sbr.rel @p3 .LBB2_27-.Ltmp18, $4  }
0x314: {  	[spmem:s11] =	stream.indirect.scatter.add.f32 [tilespmem:s6], [sflag:$0x5], $0x1, s5, s7, $0xb8;
	[tilespmem:$0x1F8A8] =	vst v63  }
0x315: {  	_ =	swait.ge [sflag:s17], $0x80  }
0x316: {  	s0 =	sadd.s32 $0x80, s0;
	[sflag:s17] =	ssyncset.done $0x0  }
0x317: {  	s1 =	sadd.s32 $0x80, s1;
	s2 =	sadd.s32 $0x80, s2;
	[sflag:s17] =	ssyncadd.s32 $0xFFFFFF80  }
.LBB2_30:
0x318: {  	s5 =	simm.s32 $0x1C8A8;
	s0 =	simm.s32 $0x5  }
0x319: {  	[tilespmem:s5], [sflag:$0x5] =	stream.linear.gather [spmem:s11], $0x8, $0x38;
	[tilespmem:$0x1F8A8] =	vst v63  }
0x31a: {  	_ =	swait.ge [sflag:s0], $0x8  }
0x31b: {  	[sflag:s0] =	ssyncset.done $0x0  }
0x31c: {  	[sflag:s0] =	ssyncadd.s32 $0xFFFFFFF8  }
0x31d: {  	[bflag:$0x0] =	sbarrier.arrive $0xFFFF  }
0x31e: {  	_ =	sdelay $0x7ff  }
0x31f: {  	_ =	sdelay $0x6d6  }
0x320: {  	s6 =	simm.s32 $0x3;
	[bflag:$0x0] =	sbarrier.arrive $0xFFFF  }
0x321: {  	[tilespmem:s5], [sflag:$0x3] =	stream.linear.gather [spmem:s16], $0x1800, $0x38;
	[tilespmem:$0x1F8A8] =	vst v63  }
0x322: {  	_ =	swait.ge [sflag:s6], $0x1800  }
0x323: {  	s4 =	sadd.s32 s14, s23;
	[sflag:s6] =	ssyncset.done $0x0  }
0x324: {  	s7 =	simm.s32 $0x1E0A8;
	s0 =	sshrl.u32 s4, $0x3;
	[sflag:s6] =	ssyncadd.s32 $0xFFFFE800  }
0x325: {  	[tilespmem:s7], [sflag:$0x4] =	stream.linear.gather [spmem:s20], $0x1800, $0x38;
	[tilespmem:$0x1F8A8] =	vst v63  }
0x326: {  	s1 =	sadd.s32 s9, s0  }
0x327: {  	[hbm4b:s1+s12] =	stream.linear.scatter [tilespmem:s5], [sflag:$0x1], $0x1800, $0x38;
	[tilespmem:$0x1F8A8] =	vst v63  }
0x328: {  	s17 =	sadd.s32 s15, s0  }
0x329: {  	[hbm4b:s17+s12] =	stream.linear.scatter [tilespmem:s5], [sflag:$0x2], $0x1800, $0x38;
	[tilespmem:$0x1F8A8] =	vst v63  }
0x32a: {  	s17 =	simm.s32 $0x4  }
0x32b: {  	_ =	swait.ge [sflag:s17], $0x1800  }
0x32c: {  	[sflag:s17] =	ssyncset.done $0x0  }
0x32d: {  	s3 =	simm.s32 $0x1;
	[sflag:s17] =	ssyncadd.s32 $0xFFFFE800  }
0x32e: {  	_ =	swait.ge [sflag:s3], $0x1800  }
0x32f: {  	[sflag:s3] =	ssyncset.done $0x0  }
0x330: {  	s4 =	simm.s32 $0x2;
	[sflag:s3] =	ssyncadd.s32 $0xFFFFE800  }
0x331: {  	_ =	swait.ge [sflag:s4], $0x1800  }
0x332: {  	[sflag:s4] =	ssyncset.done $0x0  }
0x333: {  	s1 =	sadd.s32 $0x300, s0;
	[sflag:s4] =	ssyncadd.s32 $0xFFFFE800  }
0x334: {  	[tilespmem:s5], [sflag:$0x3] =	stream.linear.gather [spmem:s22], $0x1800, $0x38;
	[tilespmem:$0x1F8A8] =	vst v63  }
0x335: {  	s2 =	sadd.s32 s9, s1  }
0x336: {  	[hbm4b:s2+s12] =	stream.linear.scatter [tilespmem:s7], [sflag:$0x1], $0x1800, $0x38;
	[tilespmem:$0x1F8A8] =	vst v63  }
0x337: {  	s1 =	sadd.s32 s15, s1  }
0x338: {  	[hbm4b:s1+s12] =	stream.linear.scatter [tilespmem:s7], [sflag:$0x2], $0x1800, $0x38;
	[tilespmem:$0x1F8A8] =	vst v63  }
0x339: {  	_ =	swait.ge [sflag:s6], $0x1800  }
0x33a: {  	[sflag:s6] =	ssyncset.done $0x0  }
0x33b: {  	[sflag:s6] =	ssyncadd.s32 $0xFFFFE800  }
0x33c: {  	_ =	swait.ge [sflag:s3], $0x1800  }
0x33d: {  	[sflag:s3] =	ssyncset.done $0x0  }
0x33e: {  	[sflag:s3] =	ssyncadd.s32 $0xFFFFE800  }
0x33f: {  	_ =	swait.ge [sflag:s4], $0x1800  }
0x340: {  	[sflag:s4] =	ssyncset.done $0x0  }
0x341: {  	s1 =	sadd.s32 $0x600, s0;
	[sflag:s4] =	ssyncadd.s32 $0xFFFFE800  }
0x342: {  	[tilespmem:s7], [sflag:$0x4] =	stream.linear.gather [spmem:s25], $0x1800, $0x38;
	[tilespmem:$0x1F8A8] =	vst v63  }
0x343: {  	s2 =	sadd.s32 s9, s1  }
0x344: {  	[hbm4b:s2+s12] =	stream.linear.scatter [tilespmem:s5], [sflag:$0x1], $0x1800, $0x38;
	[tilespmem:$0x1F8A8] =	vst v63  }
0x345: {  	s1 =	sadd.s32 s15, s1  }
0x346: {  	[hbm4b:s1+s12] =	stream.linear.scatter [tilespmem:s5], [sflag:$0x2], $0x1800, $0x38;
	[tilespmem:$0x1F8A8] =	vst v63  }
0x347: {  	_ =	swait.ge [sflag:s17], $0x1800  }
0x348: {  	[sflag:s17] =	ssyncset.done $0x0  }
0x349: {  	[sflag:s17] =	ssyncadd.s32 $0xFFFFE800  }
0x34a: {  	_ =	swait.ge [sflag:s3], $0x1800  }
0x34b: {  	[sflag:s3] =	ssyncset.done $0x0  }
0x34c: {  	[sflag:s3] =	ssyncadd.s32 $0xFFFFE800  }
0x34d: {  	_ =	swait.ge [sflag:s4], $0x1800  }
0x34e: {  	[sflag:s4] =	ssyncset.done $0x0  }
0x34f: {  	s1 =	sadd.s32 $0x900, s0;
	[sflag:s4] =	ssyncadd.s32 $0xFFFFE800  }
0x350: {  	[tilespmem:s5], [sflag:$0x3] =	stream.linear.gather [spmem:s26], $0x1800, $0x38;
	[tilespmem:$0x1F8A8] =	vst v63  }
0x351: {  	s2 =	sadd.s32 s9, s1  }
0x352: {  	[hbm4b:s2+s12] =	stream.linear.scatter [tilespmem:s7], [sflag:$0x1], $0x1800, $0x38;
	[tilespmem:$0x1F8A8] =	vst v63  }
0x353: {  	s1 =	sadd.s32 s15, s1  }
0x354: {  	[hbm4b:s1+s12] =	stream.linear.scatter [tilespmem:s7], [sflag:$0x2], $0x1800, $0x38;
	[tilespmem:$0x1F8A8] =	vst v63  }
0x355: {  	_ =	swait.ge [sflag:s6], $0x1800  }
0x356: {  	[sflag:s6] =	ssyncset.done $0x0  }
0x357: {  	[sflag:s6] =	ssyncadd.s32 $0xFFFFE800  }
0x358: {  	_ =	swait.ge [sflag:s3], $0x1800  }
0x359: {  	[sflag:s3] =	ssyncset.done $0x0  }
0x35a: {  	[sflag:s3] =	ssyncadd.s32 $0xFFFFE800  }
0x35b: {  	_ =	swait.ge [sflag:s4], $0x1800  }
0x35c: {  	[sflag:s4] =	ssyncset.done $0x0  }
0x35d: {  	s1 =	sadd.s32 $0xC00, s0;
	[sflag:s4] =	ssyncadd.s32 $0xFFFFE800  }
0x35e: {  	[tilespmem:s7], [sflag:$0x4] =	stream.linear.gather [spmem:s28], $0x1800, $0x38;
	[tilespmem:$0x1F8A8] =	vst v63  }
0x35f: {  	s2 =	sadd.s32 s9, s1  }
0x360: {  	[hbm4b:s2+s12] =	stream.linear.scatter [tilespmem:s5], [sflag:$0x1], $0x1800, $0x38;
	[tilespmem:$0x1F8A8] =	vst v63  }
0x361: {  	s1 =	sadd.s32 s15, s1  }
0x362: {  	[hbm4b:s1+s12] =	stream.linear.scatter [tilespmem:s5], [sflag:$0x2], $0x1800, $0x38;
	[tilespmem:$0x1F8A8] =	vst v63  }
0x363: {  	_ =	swait.ge [sflag:s17], $0x1800  }
0x364: {  	[sflag:s17] =	ssyncset.done $0x0  }
0x365: {  	[sflag:s17] =	ssyncadd.s32 $0xFFFFE800  }
0x366: {  	_ =	swait.ge [sflag:s3], $0x1800  }
0x367: {  	[sflag:s3] =	ssyncset.done $0x0  }
0x368: {  	[sflag:s3] =	ssyncadd.s32 $0xFFFFE800  }
0x369: {  	_ =	swait.ge [sflag:s4], $0x1800  }
0x36a: {  	[sflag:s4] =	ssyncset.done $0x0  }
0x36b: {  	s1 =	sadd.s32 $0xF00, s0;
	[sflag:s4] =	ssyncadd.s32 $0xFFFFE800  }
0x36c: {  	[tilespmem:s5], [sflag:$0x3] =	stream.linear.gather [spmem:s29], $0x1800, $0x38;
	[tilespmem:$0x1F8A8] =	vst v63  }
0x36d: {  	s2 =	sadd.s32 s9, s1  }
0x36e: {  	[hbm4b:s2+s12] =	stream.linear.scatter [tilespmem:s7], [sflag:$0x1], $0x1800, $0x38;
	[tilespmem:$0x1F8A8] =	vst v63  }
0x36f: {  	s1 =	sadd.s32 s15, s1  }
0x370: {  	[hbm4b:s1+s12] =	stream.linear.scatter [tilespmem:s7], [sflag:$0x2], $0x1800, $0x38;
	[tilespmem:$0x1F8A8] =	vst v63  }
0x371: {  	_ =	swait.ge [sflag:s6], $0x1800  }
0x372: {  	[sflag:s6] =	ssyncset.done $0x0  }
0x373: {  	[sflag:s6] =	ssyncadd.s32 $0xFFFFE800  }
0x374: {  	_ =	swait.ge [sflag:s3], $0x1800  }
0x375: {  	[sflag:s3] =	ssyncset.done $0x0  }
0x376: {  	[sflag:s3] =	ssyncadd.s32 $0xFFFFE800  }
0x377: {  	_ =	swait.ge [sflag:s4], $0x1800  }
0x378: {  	[sflag:s4] =	ssyncset.done $0x0  }
0x379: {  	s1 =	sadd.s32 $0x1200, s0;
	[sflag:s4] =	ssyncadd.s32 $0xFFFFE800  }
0x37a: {  	[tilespmem:s7], [sflag:$0x4] =	stream.linear.gather [spmem:s30], $0x1800, $0x38;
	[tilespmem:$0x1F8A8] =	vst v63  }
0x37b: {  	s2 =	sadd.s32 s9, s1  }
0x37c: {  	[hbm4b:s2+s12] =	stream.linear.scatter [tilespmem:s5], [sflag:$0x1], $0x1800, $0x38;
	[tilespmem:$0x1F8A8] =	vst v63  }
0x37d: {  	s1 =	sadd.s32 s15, s1  }
0x37e: {  	[hbm4b:s1+s12] =	stream.linear.scatter [tilespmem:s5], [sflag:$0x2], $0x1800, $0x38;
	[tilespmem:$0x1F8A8] =	vst v63  }
0x37f: {  	_ =	swait.ge [sflag:s17], $0x1800  }
0x380: {  	[sflag:s17] =	ssyncset.done $0x0  }
0x381: {  	[sflag:s17] =	ssyncadd.s32 $0xFFFFE800  }
0x382: {  	_ =	swait.ge [sflag:s3], $0x1800  }
0x383: {  	[sflag:s3] =	ssyncset.done $0x0  }
0x384: {  	[sflag:s3] =	ssyncadd.s32 $0xFFFFE800  }
0x385: {  	_ =	swait.ge [sflag:s4], $0x1800  }
0x386: {  	[sflag:s4] =	ssyncset.done $0x0  }
0x387: {  	s1 =	sadd.s32 $0x1500, s0;
	[sflag:s4] =	ssyncadd.s32 $0xFFFFE800  }
0x388: {  	[tilespmem:s5], [sflag:$0x3] =	stream.linear.gather [spmem:s31], $0x1800, $0x38;
	[tilespmem:$0x1F8A8] =	vst v63  }
0x389: {  	s2 =	sadd.s32 s9, s1  }
0x38a: {  	[hbm4b:s2+s12] =	stream.linear.scatter [tilespmem:s7], [sflag:$0x1], $0x1800, $0x38;
	[tilespmem:$0x1F8A8] =	vst v63  }
0x38b: {  	s1 =	sadd.s32 s15, s1  }
0x38c: {  	[hbm4b:s1+s12] =	stream.linear.scatter [tilespmem:s7], [sflag:$0x2], $0x1800, $0x38;
	[tilespmem:$0x1F8A8] =	vst v63  }
0x38d: {  	_ =	swait.ge [sflag:s6], $0x1800  }
0x38e: {  	[sflag:s6] =	ssyncset.done $0x0  }
0x38f: {  	[sflag:s6] =	ssyncadd.s32 $0xFFFFE800  }
0x390: {  	_ =	swait.ge [sflag:s3], $0x1800  }
0x391: {  	[sflag:s3] =	ssyncset.done $0x0  }
0x392: {  	[sflag:s3] =	ssyncadd.s32 $0xFFFFE800  }
0x393: {  	_ =	swait.ge [sflag:s4], $0x1800  }
0x394: {  	s2 =	sld [smem:$0x7E7]  }
0x395: {  	[sflag:s4] =	ssyncset.done $0x0  }
0x396: {  	s1 =	sadd.s32 $0x1800, s0;
	[sflag:s4] =	ssyncadd.s32 $0xFFFFE800  }
0x397: {  	[tilespmem:s7], [sflag:$0x4] =	stream.linear.gather [spmem:s2], $0x1800, $0x38;
	[tilespmem:$0x1F8A8] =	vst v63  }
0x398: {  	s2 =	sadd.s32 s9, s1  }
0x399: {  	[hbm4b:s2+s12] =	stream.linear.scatter [tilespmem:s5], [sflag:$0x1], $0x1800, $0x38;
	[tilespmem:$0x1F8A8] =	vst v63  }
0x39a: {  	s1 =	sadd.s32 s15, s1  }
0x39b: {  	[hbm4b:s1+s12] =	stream.linear.scatter [tilespmem:s5], [sflag:$0x2], $0x1800, $0x38;
	[tilespmem:$0x1F8A8] =	vst v63  }
0x39c: {  	_ =	swait.ge [sflag:s17], $0x1800  }
0x39d: {  	[sflag:s17] =	ssyncset.done $0x0  }
0x39e: {  	[sflag:s17] =	ssyncadd.s32 $0xFFFFE800  }
0x39f: {  	_ =	swait.ge [sflag:s3], $0x1800  }
0x3a0: {  	[sflag:s3] =	ssyncset.done $0x0  }
0x3a1: {  	[sflag:s3] =	ssyncadd.s32 $0xFFFFE800  }
0x3a2: {  	_ =	swait.ge [sflag:s4], $0x1800  }
0x3a3: {  	s2 =	sld [smem:$0x7E2]  }
0x3a4: {  	[sflag:s4] =	ssyncset.done $0x0  }
0x3a5: {  	s1 =	sadd.s32 $0x1B00, s0;
	[sflag:s4] =	ssyncadd.s32 $0xFFFFE800  }
0x3a6: {  	[tilespmem:s5], [sflag:$0x3] =	stream.linear.gather [spmem:s2], $0x420, $0x38;
	[tilespmem:$0x1F8A8] =	vst v63  }
0x3a7: {  	s17 =	sadd.s32 s9, s1  }
0x3a8: {  	[hbm4b:s17+s12] =	stream.linear.scatter [tilespmem:s7], [sflag:$0x1], $0x1800, $0x38;
	[tilespmem:$0x1F8A8] =	vst v63  }
0x3a9: {  	s1 =	sadd.s32 s15, s1  }
0x3aa: {  	[hbm4b:s1+s12] =	stream.linear.scatter [tilespmem:s7], [sflag:$0x2], $0x1800, $0x38;
	[tilespmem:$0x1F8A8] =	vst v63  }
0x3ab: {  	_ =	swait.ge [sflag:s6], $0x420  }
0x3ac: {  	s0 =	sadd.s32 $0x1E00, s0;
	[sflag:s6] =	ssyncset.done $0x0  }
0x3ad: {  	s17 =	sadd.s32 s9, s0;
	[sflag:s6] =	ssyncadd.s32 $0xFFFFFBE0  }
0x3ae: {  	[hbm4b:s17+s12] =	stream.linear.scatter [tilespmem:s5], [sflag:$0x1], $0x420, $0x38;
	[tilespmem:$0x1F8A8] =	vst v63  }
0x3af: {  	s0 =	sadd.s32 s15, s0  }
0x3b0: {  	[hbm4b:s0+s12] =	stream.linear.scatter [tilespmem:s5], [sflag:$0x2], $0x420, $0x38;
	[tilespmem:$0x1F8A8] =	vst v63  }
0x3b1: {  	_ =	swait.ge [sflag:s3], $0x1800  }
0x3b2: {  	[sflag:s3] =	ssyncset.done $0x0  }
0x3b3: {  	[sflag:s3] =	ssyncadd.s32 $0xFFFFE800  }
0x3b4: {  	_ =	swait.ge [sflag:s4], $0x1800  }
0x3b5: {  	[sflag:s4] =	ssyncset.done $0x0  }
0x3b6: {  	[sflag:s4] =	ssyncadd.s32 $0xFFFFE800  }
0x3b7: {  	_ =	swait.ge [sflag:s3], $0x420  }
0x3b8: {  	[sflag:s3] =	ssyncset.done $0x0  }
0x3b9: {  	[sflag:s3] =	ssyncadd.s32 $0xFFFFFBE0  }
0x3ba: {  	_ =	swait.ge [sflag:s4], $0x420  }
0x3bb: {  	[sflag:s4] =	ssyncset.done $0x0  }
0x3bc: {  	s1 =	simm.s32 @!p0 $0x5;
	s0 =	simm.s32 @!p0 $0x1C8A8;
	[sflag:s4] =	ssyncadd.s32 $0xFFFFFBE0  }
0x3bd: {  	[tilespmem:s0], [sflag:$0x5] =	stream.linear.gather @!p0 [spmem:s18], $0x40, $0x38;
	[tilespmem:$0x1F8A8] =	vst v63  }
0x3be: {  	s2 =	sshrl.u32 @!p0 s23, $0x3;
	_ =	swait.ge @!p0 [sflag:s1], $0x40  }
0x3bf: {  	s2 =	sadd.s32 @!p0 $0x1E840, s2;
	[sflag:s1] =	ssyncset.done @!p0 $0x0  }
0x3c0: {  	s3 =	simm.s32 @!p0 $0x0;
	[sflag:s1] =	ssyncadd.s32 @!p0 $0xFFFFFFC0;
	s1 =	sadd.s32 @!p0 s9, s2  }
0x3c1: {  	[hbm4b:s1+s3] =	stream.linear.scatter @!p0 [tilespmem:s0], [sflag:$0x1], $0x40, $0x38;
	[tilespmem:$0x1F8A8] =	vst v63  }
0x3c2: {  	s1 =	sadd.s32 @!p0 s15, s2  }
0x3c3: {  	[hbm4b:s1+s3] =	stream.linear.scatter @!p0 [tilespmem:s0], [sflag:$0x2], $0x40, $0x38;
	[tilespmem:$0x1F8A8] =	vst v63  }
0x3c4: {  	s0 =	simm.s32 @!p0 $0x1  }
0x3c5: {  	_ =	swait.ge @!p0 [sflag:s0], $0x40  }
0x3c6: {  	[sflag:s0] =	ssyncset.done @!p0 $0x0  }
0x3c7: {  	[sflag:s0] =	ssyncadd.s32 @!p0 $0xFFFFFFC0;
	s0 =	simm.s32 @!p0 $0x2  }
.Ltmp19:
0x3c8: {  	_ =	swait.ge @!p0 [sflag:s0], $0x40;
	(pc) =	sbr.rel @p2 .LBB2_35-.Ltmp19, $4  }
0x3c9: {  	[sflag:s0] =	ssyncset.done @!p0 $0x0  }
0x3ca: {  	[sflag:s0] =	ssyncadd.s32 @!p0 $0xFFFFFFC0  }
0x3cb: {  	[bflag:$0x0] =	sbarrier.arrive $0xFFFF  }
0x3cc: {  	s17 =	simm.s32 $0x1C8A8  }
0x3cd: {  	s0 =	simm.s32 $0x0  }
0x3ce: {  	s1 =	simm.s32 $0x17FA8;
	s2 =	simm.s32 $0x19FA8;
	s3 =	simm.s32 $0x0  }
.LBB2_32:
0x3cf: {  	v10 =	vmov s2  }
0x3d0: {  	v11 =	vmov s1;
	_ =	sdelay $0x2  }
0x3d1: {  	s4 =	simm.s32 $0x0  }
0x3d2: {  	v12 =	vld.idx.msk [tilespmem:v10+s4+$0x0 ss:$0x1], $0xffff  }
0x3d3: {  	v13 =	vld.idx.msk [tilespmem:v11+s4+$0x0 ss:$0x1], $0xffff;
	_ =	sdelay $0x2  }
0x3d4: {  	v14 =	vor.u32 s0, v6  }
0x3d5: {  	vm9 =	vlt.s32 v14, v9;
	v14 =	vxor.u32 $0x80000000, v12  }
0x3d6: {  	s5 =	simm.s32 $0x40;
	s6 =	smov.u32 s0;
	v12 =	vnsel vm9, $0xF4240, v13;
	v13 =	vnsel vm9, $0x0, v14  }
.LBB2_33:
0x3d7: {  	p2 =	sne.s32 s5, $0x1C0  }
0x3d8: {  	[tilespmem:s4+$0x1C028] =	vst v13;
	s6 =	sadd.s32 $0x10, s6;
	s7 =	smov.u32 s5;
	s5 =	sadd.s32 $0x40, s5  }
0x3d9: {  	[tilespmem:s4+$0x1BFA8] =	vst v12;
	s4 =	sshra.s32 s7, $0x2  }
0x3da: {  	v12 =	vld.idx.msk [tilespmem:v10+s4+$0x0 ss:$0x1], $0xffff  }
0x3db: {  	v13 =	vld.idx.msk [tilespmem:v11+s4+$0x0 ss:$0x1], $0xffff;
	_ =	sdelay $0x1  }
.Ltmp20:
0x3dc: {  	(pc) =	sbr.rel @p2 .LBB2_33-.Ltmp20, $4  }
0x3dd: {  	_ = 	snop  }
0x3de: {  	v14 =	vor.u32 s6, v6  }
0x3df: {  	vm9 =	vlt.s32 v14, v9;
	v14 =	vxor.u32 $0x80000000, v12  }
0x3e0: {  	v12 =	vnsel vm9, $0xF4240, v13;
	v13 =	vnsel vm9, $0x0, v14  }
0x3e1: {  	[tilespmem:s4+$0x1C028] =	vst v13;
	s7 =	simm.s32 $0x80  }
0x3e2: {  	[tilespmem:s4+$0x1BFA8] =	vst v12;
	s5 =	simm.s32 $0x1BFA8;
	s6 =	simm.s32 $0x1C028;
	s3 =	sadd.s32 $0x1, s3  }
0x3e3: {  	[spmem:s11] =	stream.indirect.scatter.add.f32 [tilespmem:s6], [sflag:$0x5], $0x1, s5, s7, $0xb8;
	[tilespmem:$0x1F8A8] =	vst v63  }
0x3e4: {  	p2 =	sne.s32 s3, s24  }
.Ltmp21:
0x3e5: {  	_ = 	snop;
	(pc) =	sbr.rel @p2 .LBB2_32-.Ltmp21, $4  }
.Ltmp22:
0x3e6: {  	s23 =	simm.s32 $0x5;
	(pc) =	sbr.rel @!p2 .LBB2_35-.Ltmp22, $4  }
0x3e7: {  	_ =	swait.ge [sflag:s23], $0x80  }
0x3e8: {  	s0 =	sadd.s32 $0x80, s0;
	[sflag:s23] =	ssyncset.done $0x0  }
0x3e9: {  	s1 =	sadd.s32 $0x80, s1;
	s2 =	sadd.s32 $0x80, s2;
	[sflag:s23] =	ssyncadd.s32 $0xFFFFFF80  }
0x3ea: {  	_ = 	snop  }
.LBB2_20:
.Ltmp23:
0x3eb: {  	(pc) =	sbr.rel .LBB2_24-.Ltmp23, $2  }
0x3ec: {  	_ =	sdelay $0x2  }
0x3ed: {  	s4 =	simm.s32 $0x0;
	s2 =	simm.s32 $0x16028;
	s3 =	simm.s32 $0x0  }
.LBB2_22:
.Ltmp24:
0x3ee: {  	(pc) =	sbr.rel .LBB2_24-.Ltmp24, $2  }
0x3ef: {  	_ =	sdelay $0x2  }
0x3f0: {  	s4 =	simm.s32 $0x0;
	s2 =	simm.s32 $0x16028;
	s3 =	simm.s32 $0x0  }
.LBB2_37:
0x3f1: {  	_ =	sfence.sel $0x180000  }
0x3f2: {  	[bflag:$0x0] =	sbarrier.arrive $0xFFFF  }
0x3f3: {  	_ =	strace $0x9000004A  }
0x3f4: {  	[bflag:$0x2] =	sbarrier.arrive $0xFFFF  }
0x3f5: {  	s0 =	rddreg [dreg:$0x5]  }
0x3f6: {  	s0 =	sadd.s32 @!p0 $0x100000, s0  }
0x3f7: {  	[sflag:s0] =	ssyncadd.tile.s32 @!p0 $0x1;
	_ =	shalt  }
.Lfunc_end2:
_tile_overlayer_lowered:
.L_overlay_start_2:
0x3f8: {  	(tag) =	ssettag $0x2  }
0x3f9: {  	s0 =	rddreg [dreg:$0x0];
	s2 =	stileid.u32  }
0x3fa: {  	s1 =	rddreg [dreg:$0x1];
	p0 =	sne.s32 s2, $0x0  }
0x3fb: {  	s3 =	rddreg [dreg:$0x2];
	[bflag:$0x3] =	sbarrier.arrive $0xFFFF;
	s2 =	simm.s32 @!p0 $0x1C05  }
0x3fc: {  	[timem:s3], [sflag:s2] =	dma.local @!p0 [hbm:s0], s1  }
0x3fd: {  	s0 =	simm.s32 @!p0 $0x5  }
0x3fe: {  	_ =	swait.ge @!p0 [sflag:s0], s1  }
0x3ff: {  	s1 =	ssub.s32 @!p0 $0x0, s1;
	[sflag:s0] =	ssyncset.done @!p0 $0x0  }
0x400: {  	[sflag:s0] =	ssyncadd.s32 @!p0 s1  }
0x401: {  	[bflag:$0x3] =	sbarrier.arrive $0xFFFF  }
0x402: {  	_ =	shalt  }

// kernel: kernel.9.cloned.1.call-start
scs
__scs_entry_jumppad:
0x0: {  	(pc) =	sbr.rel $0x88, $3  }
0x1: {  	(tag) =	ssettag $0x0;
	lr =	simm.s32 $0x1  }
0x2: {  	[smem:$0x3F9D] =	sst lr;
	_ =	strace $0xD0000000  }
0x3: {  	_ = 	snop  }
0x4: {  	_ = 	snop  }
0x5: {  	_ = 	snop  }
0x6: {  	_ = 	snop  }
0x7: {  	_ = 	snop  }
__scs_overlays_trampoline_lowered:
0x8: {  	[smem:$0x3FAC] =	sst s0  }
0x9: {  	[smem:$0x3FAD] =	sst s1  }
0xa: {  	[smem:$0x3FAE] =	sst s2  }
0xb: {  	[smem:$0x3FAF] =	sst s3  }
0xc: {  	[smem:$0x3FB0] =	sst s4  }
0xd: {  	[smem:$0x3FB1] =	sst s5  }
0xe: {  	[smem:$0x3FB2] =	sst s6  }
0xf: {  	[smem:$0x3FB3] =	sst s7  }
0x10: {  	[smem:$0x3FB4] =	sst s8  }
0x11: {  	[smem:$0x3FB5] =	sst s9;
	s0 =	simm.s32 @!p0 $0x0  }
0x12: {  	s1 =	sld [smem:$0x3F9B];
	s0 =	simm.s32 @p0 $0x1  }
0x13: {  	[smem:$0x3FB6] =	sst s0;
	s0 =	simm.s32 @!p1 $0x0  }
0x14: {  	s2 =	sld [smem:$0x3F9A];
	s0 =	simm.s32 @p1 $0x1  }
0x15: {  	[smem:$0x3FB7] =	sst s0;
	s0 =	simm.s32 @!p2 $0x0  }
0x16: {  	s3 =	sld [smem:$0x3FDB];
	s0 =	simm.s32 @p2 $0x1  }
0x17: {  	s4 =	simm.s32 $0x1BF5;
	[smem:$0x3FB9] =	sst s0  }
0x18: {  	s0 =	sld [smem:$0x3F9C];
	_ =	swait.ge [sflag:s4], $0x0  }
0x19: {  	s7 =	sld [smem:$0x3F9D]  }
0x1a: {  	s8 =	sadd.s32 $0xFFFFE003, lr  }
0x1b: {  	s9 =	sadd.s32 $0xFFFFFEF7, lr;
	s5 =	simm.s32 $0xFFFFFFFF;
	p2 =	slt.u32 s8, $0xFFFFF086  }
0x1c: {  	p1 =	slt.u32 s9, $0xF7A;
	s5 =	simm.s32 @!p2 $0x0  }
0x1d: {  	s5 =	simm.s32 @p1 $0x1;
	p0 =	seq.s32 s7, s2  }
0x1e: {  	s7 =	smul.u32 @!p0 $0xF7A, s2;
	p2 =	seq.s32 @!p0 s5, $0x0  }
0x1f: {  	s9 =	smul.u32 $0xF7A, s1;
	s8 =	simm.s32 @!p0 $0x1BF5;
	p2 =	por !p2, p0  }
0x20: {  	[sflag:s8] =	ssyncset.s32 @!p0 $0xFFFFF086;
	s6 =	sadd.s32 @!p0 s3, s7;
	s7 =	simm.s32 @!p0 $0x108  }
0x21: {  	s3 =	sadd.s32 s3, s9;
	s6 =	sadd.s32 @!p0 $0x88, s6;
	s7 =	simm.s32 @p2 $0x1082  }
0x22: {  	[simem:s7], [sflag:s8] =	dma.local @!p0 [hbm:s6], $0xF7A  }
0x23: {  	s9 =	sor.u32 $0xD0000000, s2;
	s6 =	simm.s32 $0x108;
	_ =	swait.ge @!p0 [sflag:s8], $0x0  }
0x24: {  	s3 =	sadd.s32 $0x88, s3;
	s6 =	simm.s32 @!p1 $0x1082;
	[sflag:s4] =	ssyncset.s32 $0xFFFFF086  }
0x25: {  	[simem:s6], [sflag:s4] =	dma.local [hbm:s3], $0xF7A  }
0x26: {  	[smem:$0x3F9D] =	sst s1;
	(tag) =	ssettag s2;
	_ =	strace s9  }
0x27: {  	s1 =	sld [smem:$0x3FAD]  }
0x28: {  	s2 =	sld [smem:$0x3FAE]  }
0x29: {  	s4 =	sld [smem:$0x3FB0]  }
0x2a: {  	p0 =	seq.s32 s5, $0x0;
	s5 =	sld [smem:$0x3FB1]  }
0x2b: {  	s6 =	sld [smem:$0x3FB2]  }
0x2c: {  	s7 =	sld [smem:$0x3FB3]  }
0x2d: {  	s3 =	simm.s32 $0x108;
	s8 =	sld [smem:$0x3FB4]  }
0x2e: {  	s3 =	simm.s32 @!p0 $0x1082;
	s9 =	sld [smem:$0x3FB5]  }
0x2f: {  	lr =	sadd.s32 s0, s3;
	s0 =	sld [smem:$0x3FAC]  }
0x30: {  	s3 =	sld [smem:$0x3FAF]  }
0x31: {  	[smem:$0x3FB8] =	sst s10  }
0x32: {  	s10 =	sld [smem:$0x3FB6];
	_ =	sdelay $0x3  }
0x33: {  	p0 =	seq.s32 s10, $0x1;
	s10 =	sld [smem:$0x3FB8];
	_ =	sdelay $0x3  }
0x34: {  	[smem:$0x3FB8] =	sst s10  }
0x35: {  	s10 =	sld [smem:$0x3FB7];
	_ =	sdelay $0x3  }
0x36: {  	p1 =	seq.s32 s10, $0x1;
	s10 =	sld [smem:$0x3FB8];
	_ =	sdelay $0x3  }
0x37: {  	[smem:$0x3FB8] =	sst s10  }
0x38: {  	s10 =	sld [smem:$0x3FB9]  }
0x39: {  	_ = 	snop;
	(pc) =	sbr.ind lr, $3  }
0x3a: {  	_ = 	snop  }
0x3b: {  	_ = 	snop  }
0x3c: {  	p2 =	seq.s32 s10, $0x1;
	s10 =	sld [smem:$0x3FB8]  }
0x3d: {  	_ =	shalt  }
0x3e: {  	_ =	shalt  }
0x3f: {  	_ =	shalt  }
0x40: {  	_ =	shalt  }
0x41: {  	_ =	shalt  }
0x42: {  	_ =	shalt  }
0x43: {  	_ =	shalt  }
0x44: {  	_ =	shalt  }
0x45: {  	_ =	shalt  }
0x46: {  	_ =	shalt  }
0x47: {  	_ =	shalt  }
0x48: {  	_ =	shalt  }
0x49: {  	_ =	shalt  }
0x4a: {  	_ =	shalt  }
0x4b: {  	_ =	shalt  }
0x4c: {  	_ =	shalt  }
0x4d: {  	_ =	shalt  }
0x4e: {  	_ =	shalt  }
0x4f: {  	_ =	shalt  }
0x50: {  	_ =	shalt  }
0x51: {  	_ =	shalt  }
0x52: {  	_ =	shalt  }
0x53: {  	_ =	shalt  }
0x54: {  	_ =	shalt  }
0x55: {  	_ =	shalt  }
0x56: {  	_ =	shalt  }
0x57: {  	_ =	shalt  }
0x58: {  	_ =	shalt  }
0x59: {  	_ =	shalt  }
0x5a: {  	_ =	shalt  }
0x5b: {  	_ =	shalt  }
0x5c: {  	_ =	shalt  }
0x5d: {  	_ =	shalt  }
0x5e: {  	_ =	shalt  }
0x5f: {  	_ =	shalt  }
0x60: {  	_ =	shalt  }
0x61: {  	_ =	shalt  }
0x62: {  	_ =	shalt  }
0x63: {  	_ =	shalt  }
0x64: {  	_ =	shalt  }
0x65: {  	_ =	shalt  }
0x66: {  	_ =	shalt  }
0x67: {  	_ =	shalt  }
0x68: {  	_ =	shalt  }
0x69: {  	_ =	shalt  }
0x6a: {  	_ =	shalt  }
0x6b: {  	_ =	shalt  }
0x6c: {  	_ =	shalt  }
0x6d: {  	_ =	shalt  }
0x6e: {  	_ =	shalt  }
0x6f: {  	_ =	shalt  }
0x70: {  	_ =	shalt  }
0x71: {  	_ =	shalt  }
0x72: {  	_ =	shalt  }
0x73: {  	_ =	shalt  }
0x74: {  	_ =	shalt  }
0x75: {  	_ =	shalt  }
0x76: {  	_ =	shalt  }
0x77: {  	_ =	shalt  }
0x78: {  	_ =	shalt  }
0x79: {  	_ =	shalt  }
0x7a: {  	_ =	shalt  }
0x7b: {  	_ =	shalt  }
0x7c: {  	_ =	shalt  }
0x7d: {  	_ =	shalt  }
0x7e: {  	_ =	shalt  }
0x7f: {  	_ =	shalt  }
0x80: {  	_ =	shalt  }
0x81: {  	_ =	shalt  }
0x82: {  	_ =	shalt  }
0x83: {  	_ =	shalt  }
0x84: {  	_ =	shalt  }
0x85: {  	_ =	shalt  }
0x86: {  	_ =	shalt  }
0x87: {  	_ =	shalt  }
.Lfunc_end0:
.L_simem_size_0:
called_computation.1_lowered:
.L_overlay_start_0:
0x88: {  	s2 =	sld [smem:$0x3FD9]  }
0x89: {  	s3 =	sld [smem:$0x3FFE];
	_ =	sdelay $0x1  }
0x8a: {  	s1 =	srdreg.scid  }
0x8b: {  	s0 =	sand.u32 $0x1, s1  }
0x8c: {  	s14 =	sshll.u32 s0, $0xA;
	s2 =	sadd.s32 s3, s2  }
0x8d: {  	s2 =	sadd.s32 s2, s14  }
0x8e: {  	[smem:$0x3FC4] =	sst s2  }
0x8f: {  	_ = 	snop  }
0x90: {  	s2 =	sld [smem:$0x3FD0];
	_ =	sdelay $0x2  }
0x91: {  	s4 =	simm.s32 $0xB;
	s5 =	simm.s32 $0x10;
	s15 =	sld [smem:$0x3FC7]  }
0x92: {  	[smem:s5], [sflag:s4] =	dma.local [hbm:s2], $0x1  }
0x93: {  	_ =	swait.eq [sflag:s4], $0x1  }
0x94: {  	s16 =	sld [smem:$0x11];
	[sflag:s4] =	ssyncset.done $0x0  }
0x95: {  	s17 =	sld [smem:$0x12];
	[sflag:s4] =	ssyncadd.s32 $0xFFFFFFFF  }
0x96: {  	s18 =	sld [smem:$0x13];
	(tm) =	ssettm $0x1  }
0x97: {  	s6 =	sld [smem:$0x3FFB];
	_ =	sdelay $0x3  }
0x98: {  	_ =	strace s6  }
0x99: {  	s6 =	sld [smem:$0x3FFC];
	_ =	sdelay $0x3  }
0x9a: {  	_ =	strace s6  }
0x9b: {  	s6 =	sld [smem:$0x3FFD];
	_ =	sdelay $0x3  }
0x9c: {  	_ =	strace s6  }
0x9d: {  	_ =	strace $0x8FFFFFFF  }
0x9e: {  	s19 =	sld [smem:$0x3FDB];
	_ =	sdelay $0x1  }
0x9f: {  	s7 =	simm.s32 $_scs_section_size  }
0xa0: {  	s8 =	simm.s32 $_size__tile_overlayer_lowered;
	s9 =	simm.s32 $_tile_overlayer_lowered  }
0xa1: {  	s22 =	simm.s32 $0x1BFF;
	s21 =	sshll.u32 s9, $0x1;
	s6 =	sadd.s32 s7, s19  }
0xa2: {  	s10 =	simm.s32 $0x0;
	s20 =	sshll.u32 s8, $0x1;
	s8 =	sadd.s32 s21, s6  }
0xa3: {  	[timem:s10], [sflag:s22] =	dma.local [hbm:s8], s20  }
0xa4: {  	_ =	swait.ge [sflag:s22], s20  }
0xa5: {  	s7 =	ssub.s32 $0x0, s20;
	[sflag:s22] =	ssyncset.done $0x0  }
0xa6: {  	[sflag:s22] =	ssyncadd.s32 s7;
	_ =	sdelay $0x1  }
0xa7: {  	s23 =	simm.s32 $0x1B8B  }
0xa8: {  	_ =	swait.ge [sflag:s23], $0x1  }
0xa9: {  	[sflag:s23] =	ssyncset.done $0x0  }
0xaa: {  	s25 =	simm.s32 $0x1B8E;
	s24 =	sld [smem:$0x3FFE];
	[sflag:s23] =	ssyncadd.s32 $0xFFFFFFFF  }
0xab: {  	s26 =	simm.s32 $execute0_lowered;
	[smem:$0x3FD2] =	sst s25  }
0xac: {  	s8 =	sshll.u32 s26, $0x1;
	_ =	strace $0x80000046;
	[dreg:$0x1] =	wrdreg $0xFFFFFFFF  }
0xad: {  	s28 =	simm.s32 $_size_execute0_lowered;
	s6 =	sadd.s32 s6, s8;
	[dreg:$0x0] =	wrdreg $0x0  }
0xae: {  	s8 =	sshll.u32 s28, $0x1;
	[dreg:$0x2] =	wrdreg s6  }
0xaf: {  	[dreg:$0x3] =	wrdreg s8  }
0xb0: {  	[dreg:$0x4] =	wrdreg $0xC0  }
0xb1: {  	_ =	task [dreg:s10], $0x5FFFF  }
0xb2: {  	[dreg:$0x1] =	wrdreg $0xFFFFFFFF  }
0xb3: {  	[dreg:$0x0] =	wrdreg $0x60  }
0xb4: {  	[dreg:$0x2] =	wrdreg s24  }
0xb5: {  	[dreg:$0x3] =	wrdreg s16  }
0xb6: {  	[dreg:$0x4] =	wrdreg s15  }
0xb7: {  	[dreg:$0x5] =	wrdreg s17  }
0xb8: {  	[dreg:$0x6] =	wrdreg s18  }
0xb9: {  	[dreg:$0x7] =	wrdreg $0x0  }
0xba: {  	[dreg:$0x8] =	wrdreg $0xA  }
0xbb: {  	_ =	task.clear_ibuf [dreg:s10], $0x9FFFF;
	_ =	strace $0x90000046  }
0xbc: {  	s29 =	simm.s32 $0xA;
	_ =	strace $0x80000048  }
0xbd: {  	_ =	swait.ge [sflag:s29], $0x1  }
0xbe: {  	[sflag:s29] =	ssyncadd.s32 $0xFFFFFFFF  }
0xbf: {  	_ =	strace $0x90000048  }
0xc0: {  	_ =	sfence  }
0xc1: {  	s30 =	sld [smem:$0x0];
	_ =	sdelay $0x2  }
0xc2: {  	s31 =	sshll.u32 s1, $0xD;
	s1 =	sshrl.u32 s1, $0x2  }
0xc3: {  	s3 =	sand.u32 $0x4000, s31;
	s1 =	sadd.s32 s1, s30  }
0xc4: {  	s0 =	sor.u32 s3, s0;
	s1 =	sshll.u32 s1, $0x11  }
0xc5: {  	s0 =	sor.u32 s1, s0  }
0xc6: {  	s0 =	sadd.s32 $0x8F2B, s0  }
0xc7: {  	[sflag:s0] =	ssyncadd.remote.s32 $0x1  }
0xc8: {  	_ =	sfence.sel $0xFFFF  }
0xc9: {  	[dreg:$0x0] =	wrdreg $0xFFFFFFFF;
	(pc) =	sbr.abs _section_cstart, $3  }
0xca: {  	[dreg:$0x1] =	wrdreg $0xFFFFFFFF  }
0xcb: {  	_ =	task.clear_ibuf [dreg:s10], $0x2FFFF;
	_ =	strace $0x9FFFFFFF  }
0xcc: {  	(tm) =	ssettm $0x7FFFFFFF  }
0xcd: {  	_ =	shalt  }
tec
execute0_lowered:
.L_overlay_start_1:
0x0: {  	(tag) =	ssettag $0x1  }
0x1: {  	s0 =	rddreg [dreg:$0x0]  }
0x2: {  	s2 =	rddreg [dreg:$0x1]  }
0x3: {  	s6 =	rddreg [dreg:$0x2]  }
0x4: {  	s1 =	rddreg [dreg:$0x3]  }
0x5: {  	s3 =	srdreg.scid;
	s13 =	stileid.u32  }
0x6: {  	s8 =	sand.u32 $0x1, s3;
	s4 =	sshll.u32 s13, $0x1;
	s14 =	smul.u32 $0x4F000, s13  }
0x7: {  	s7 =	rddreg [dreg:$0x4];
	s5 =	sor.u32 s8, s4  }
0x8: {  	s3 =	rddreg [dreg:$0x5];
	s9 =	smul.u32 $0x271, s5;
	s5 =	sshrl.u32 s14, $0x2  }
0x9: {  	s31 =	simm.s32 $0x19880;
	s4 =	simm.s32 $0x0;
	s5 =	sadd.s32 s5, s3  }
0xa: {  	s26 =	smul.u32 $0x2780, s13;
	[smem:$0x7FF] =	sst s4;
	s15 =	sadd.s32 $0x1000, s5  }
0xb: {  	_ =	strace $0x80000047;
	s16 =	sadd.s32 $0x2000, s5;
	[dreg:$0x7] =	wrdreg s15  }
0xc: {  	s10 =	ssub.s32 $0x2, s8;
	s17 =	sadd.s32 $0x3000, s5;
	[dreg:$0x8] =	wrdreg s16  }
0xd: {  	p0 =	seq.s32 s8, $0x1;
	s18 =	sadd.s32 $0x4000, s5;
	[dreg:$0x9] =	wrdreg s17  }
0xe: {  	s8 =	simm.s32 $0x1;
	s19 =	sadd.s32 $0x5000, s5;
	[dreg:$0xa] =	wrdreg s18  }
0xf: {  	s12 =	sshrl.u32 s10, $0x1;
	s20 =	sadd.s32 $0x6000, s5;
	[dreg:$0xb] =	wrdreg s19  }
0x10: {  	s10 =	ssub.s32 s10, s12;
	s21 =	sadd.s32 $0x7000, s5;
	[dreg:$0xc] =	wrdreg s20  }
0x11: {  	s11 =	sadd.s32 s9, s0;
	s22 =	sadd.s32 $0x8000, s5;
	[dreg:$0xd] =	wrdreg s21  }
0x12: {  	s0 =	sadd.s32 $0x6400, s0;
	s23 =	sadd.s32 $0x9000, s5;
	[dreg:$0xe] =	wrdreg s22  }
0x13: {  	s24 =	sadd.s32 $0xA000, s5;
	s25 =	sadd.s32 $0xB000, s5;
	[dreg:$0xf] =	wrdreg s23  }
0x14: {  	s28 =	sadd.s32 $0x11000, s5;
	s29 =	sadd.s32 $0x12000, s5;
	[dreg:$0x10] =	wrdreg s24  }
0x15: {  	s30 =	sadd.s32 $0x13000, s5;
	[dreg:$0x11] =	wrdreg s25;
	s17 =	sadd.s32 $0xC000, s5  }
0x16: {  	s18 =	sadd.s32 s2, s9;
	s19 =	sadd.s32 s6, s9;
	s20 =	sadd.s32 $0xD000, s5  }
0x17: {  	s7 =	smov.u32 @p0 s0;
	s21 =	sadd.s32 $0xE000, s5;
	s23 =	sadd.s32 $0xF000, s5  }
0x18: {  	s24 =	sadd.s32 $0x1400, s11;
	s25 =	smax.u32 s10, $0x1;
	s2 =	simm.s32 $0x2  }
0x19: {  	s0 =	simm.s32 $0x16400;
	s6 =	simm.s32 $0x40;
	s9 =	simm.s32 $0x19800  }
0x1a: {  	v0 =	vimm.f32 $0.0e+00;
	v1 =	vimm.s32 $0x0;
	s22 =	sadd.s32 s7, s26;
	s26 =	sadd.s32 $0x10000, s5;
	s7 =	simm.s32 $0x17800  }
.LBB2_1:
0x1b: {  	s10 =	simm.s32 $0x0;
	s11 =	simm.s32 $0x200  }
.LBB2_2:
0x1c: {  	p0 =	sne.s32 s11, $0x3E00;
	[tilespmem:s10+$0x198F0] =	vst v0  }
0x1d: {  	[tilespmem:s10+$0x19880] =	vst v0  }
0x1e: {  	[tilespmem:s10+$0x19890] =	vst v0  }
.Ltmp0:
0x1f: {  	[tilespmem:s10+$0x198A0] =	vst v0;
	(pc) =	sbr.rel @p0 .LBB2_2-.Ltmp0, $4  }
0x20: {  	[tilespmem:s10+$0x198B0] =	vst v0  }
0x21: {  	[tilespmem:s10+$0x198C0] =	vst v0  }
0x22: {  	[tilespmem:s10+$0x198D0] =	vst v0  }
0x23: {  	[tilespmem:s10+$0x198E0] =	vst v0;
	s10 =	sshra.s32 s11, $0x2;
	s11 =	sadd.s32 $0x200, s11  }
0x24: {  	[tilespmem:s10+$0x198F0] =	vst v0  }
0x25: {  	[tilespmem:s10+$0x19880] =	vst v0  }
0x26: {  	[tilespmem:s10+$0x19890] =	vst v0  }
0x27: {  	[tilespmem:s10+$0x198A0] =	vst v0  }
0x28: {  	[tilespmem:s10+$0x198B0] =	vst v0  }
0x29: {  	[tilespmem:s10+$0x198C0] =	vst v0  }
0x2a: {  	[tilespmem:s10+$0x198D0] =	vst v0  }
0x2b: {  	[tilespmem:s10+$0x198E0] =	vst v0  }
0x2c: {  	[spmem:s5] =	stream.linear.scatter [tilespmem:s31], [sflag:$0x2], $0x1000, $0x38;
	[tilespmem:$0x1A880] =	vst v63  }
0x2d: {  	_ =	swait.ge [sflag:s2], $0x1000  }
0x2e: {  	[sflag:s2] =	ssyncset.done $0x0  }
0x2f: {  	s11 =	rddreg [dreg:$0x7];
	[sflag:s2] =	ssyncadd.s32 $0xFFFFF000  }
0x30: {  	[spmem:s11] =	stream.linear.scatter [tilespmem:s31], [sflag:$0x2], $0x1000, $0x38;
	[tilespmem:$0x1A880] =	vst v63  }
0x31: {  	_ =	swait.ge [sflag:s2], $0x1000  }
0x32: {  	[sflag:s2] =	ssyncset.done $0x0  }
0x33: {  	s12 =	rddreg [dreg:$0x8];
	[sflag:s2] =	ssyncadd.s32 $0xFFFFF000  }
0x34: {  	[spmem:s12] =	stream.linear.scatter [tilespmem:s31], [sflag:$0x2], $0x1000, $0x38;
	[tilespmem:$0x1A880] =	vst v63  }
0x35: {  	_ =	swait.ge [sflag:s2], $0x1000  }
0x36: {  	[sflag:s2] =	ssyncset.done $0x0  }
0x37: {  	s13 =	rddreg [dreg:$0x9];
	[sflag:s2] =	ssyncadd.s32 $0xFFFFF000  }
0x38: {  	[spmem:s13] =	stream.linear.scatter [tilespmem:s31], [sflag:$0x2], $0x1000, $0x38;
	[tilespmem:$0x1A880] =	vst v63  }
0x39: {  	_ =	swait.ge [sflag:s2], $0x1000  }
0x3a: {  	[sflag:s2] =	ssyncset.done $0x0  }
0x3b: {  	s14 =	rddreg [dreg:$0xa];
	[sflag:s2] =	ssyncadd.s32 $0xFFFFF000  }
0x3c: {  	[spmem:s14] =	stream.linear.scatter [tilespmem:s31], [sflag:$0x2], $0x1000, $0x38;
	[tilespmem:$0x1A880] =	vst v63  }
0x3d: {  	_ =	swait.ge [sflag:s2], $0x1000  }
0x3e: {  	[sflag:s2] =	ssyncset.done $0x0  }
0x3f: {  	s15 =	rddreg [dreg:$0xb];
	[sflag:s2] =	ssyncadd.s32 $0xFFFFF000  }
0x40: {  	[spmem:s15] =	stream.linear.scatter [tilespmem:s31], [sflag:$0x2], $0x1000, $0x38;
	[tilespmem:$0x1A880] =	vst v63  }
0x41: {  	_ =	swait.ge [sflag:s2], $0x1000  }
0x42: {  	[sflag:s2] =	ssyncset.done $0x0  }
0x43: {  	s16 =	rddreg [dreg:$0xc];
	[sflag:s2] =	ssyncadd.s32 $0xFFFFF000  }
0x44: {  	[spmem:s16] =	stream.linear.scatter [tilespmem:s31], [sflag:$0x2], $0x1000, $0x38;
	[tilespmem:$0x1A880] =	vst v63  }
0x45: {  	_ =	swait.ge [sflag:s2], $0x1000  }
0x46: {  	[sflag:s2] =	ssyncset.done $0x0  }
0x47: {  	s11 =	rddreg [dreg:$0xd];
	[sflag:s2] =	ssyncadd.s32 $0xFFFFF000  }
0x48: {  	[spmem:s11] =	stream.linear.scatter [tilespmem:s31], [sflag:$0x2], $0x1000, $0x38;
	[tilespmem:$0x1A880] =	vst v63  }
0x49: {  	_ =	swait.ge [sflag:s2], $0x1000  }
0x4a: {  	[sflag:s2] =	ssyncset.done $0x0  }
0x4b: {  	s12 =	rddreg [dreg:$0xe];
	[sflag:s2] =	ssyncadd.s32 $0xFFFFF000  }
0x4c: {  	[spmem:s12] =	stream.linear.scatter [tilespmem:s31], [sflag:$0x2], $0x1000, $0x38;
	[tilespmem:$0x1A880] =	vst v63  }
0x4d: {  	_ =	swait.ge [sflag:s2], $0x1000  }
0x4e: {  	[sflag:s2] =	ssyncset.done $0x0  }
0x4f: {  	s13 =	rddreg [dreg:$0xf];
	[sflag:s2] =	ssyncadd.s32 $0xFFFFF000  }
0x50: {  	[spmem:s13] =	stream.linear.scatter [tilespmem:s31], [sflag:$0x2], $0x1000, $0x38;
	[tilespmem:$0x1A880] =	vst v63  }
0x51: {  	_ =	swait.ge [sflag:s2], $0x1000  }
0x52: {  	[sflag:s2] =	ssyncset.done $0x0  }
0x53: {  	s14 =	rddreg [dreg:$0x10];
	[sflag:s2] =	ssyncadd.s32 $0xFFFFF000  }
0x54: {  	[spmem:s14] =	stream.linear.scatter [tilespmem:s31], [sflag:$0x2], $0x1000, $0x38;
	[tilespmem:$0x1A880] =	vst v63  }
0x55: {  	_ =	swait.ge [sflag:s2], $0x1000  }
0x56: {  	[sflag:s2] =	ssyncset.done $0x0  }
0x57: {  	s15 =	rddreg [dreg:$0x11];
	[sflag:s2] =	ssyncadd.s32 $0xFFFFF000  }
0x58: {  	[spmem:s15] =	stream.linear.scatter [tilespmem:s31], [sflag:$0x2], $0x1000, $0x38;
	[tilespmem:$0x1A880] =	vst v63  }
0x59: {  	_ =	swait.ge [sflag:s2], $0x1000  }
0x5a: {  	[sflag:s2] =	ssyncset.done $0x0  }
0x5b: {  	[sflag:s2] =	ssyncadd.s32 $0xFFFFF000  }
0x5c: {  	[spmem:s17] =	stream.linear.scatter [tilespmem:s31], [sflag:$0x2], $0x1000, $0x38;
	[tilespmem:$0x1A880] =	vst v63  }
0x5d: {  	_ =	swait.ge [sflag:s2], $0x1000  }
0x5e: {  	[sflag:s2] =	ssyncset.done $0x0  }
0x5f: {  	[sflag:s2] =	ssyncadd.s32 $0xFFFFF000  }
0x60: {  	[spmem:s20] =	stream.linear.scatter [tilespmem:s31], [sflag:$0x2], $0x1000, $0x38;
	[tilespmem:$0x1A880] =	vst v63  }
0x61: {  	_ =	swait.ge [sflag:s2], $0x1000  }
0x62: {  	[sflag:s2] =	ssyncset.done $0x0  }
0x63: {  	[sflag:s2] =	ssyncadd.s32 $0xFFFFF000  }
0x64: {  	[spmem:s21] =	stream.linear.scatter [tilespmem:s31], [sflag:$0x2], $0x1000, $0x38;
	[tilespmem:$0x1A880] =	vst v63  }
0x65: {  	_ =	swait.ge [sflag:s2], $0x1000  }
0x66: {  	[sflag:s2] =	ssyncset.done $0x0  }
0x67: {  	[sflag:s2] =	ssyncadd.s32 $0xFFFFF000  }
0x68: {  	[spmem:s23] =	stream.linear.scatter [tilespmem:s31], [sflag:$0x2], $0x1000, $0x38;
	[tilespmem:$0x1A880] =	vst v63  }
0x69: {  	_ =	swait.ge [sflag:s2], $0x1000  }
0x6a: {  	[sflag:s2] =	ssyncset.done $0x0  }
0x6b: {  	[sflag:s2] =	ssyncadd.s32 $0xFFFFF000  }
0x6c: {  	[spmem:s26] =	stream.linear.scatter [tilespmem:s31], [sflag:$0x2], $0x1000, $0x38;
	[tilespmem:$0x1A880] =	vst v63  }
0x6d: {  	_ =	swait.ge [sflag:s2], $0x1000  }
0x6e: {  	[sflag:s2] =	ssyncset.done $0x0  }
0x6f: {  	[sflag:s2] =	ssyncadd.s32 $0xFFFFF000  }
0x70: {  	[spmem:s28] =	stream.linear.scatter [tilespmem:s31], [sflag:$0x2], $0x1000, $0x38;
	[tilespmem:$0x1A880] =	vst v63  }
0x71: {  	_ =	swait.ge [sflag:s2], $0x1000  }
0x72: {  	[sflag:s2] =	ssyncset.done $0x0  }
0x73: {  	[sflag:s2] =	ssyncadd.s32 $0xFFFFF000  }
0x74: {  	[spmem:s29] =	stream.linear.scatter [tilespmem:s31], [sflag:$0x2], $0x1000, $0x38;
	[tilespmem:$0x1A880] =	vst v63  }
0x75: {  	_ =	swait.ge [sflag:s2], $0x1000  }
0x76: {  	[sflag:s2] =	ssyncset.done $0x0  }
0x77: {  	[sflag:s2] =	ssyncadd.s32 $0xFFFFF000  }
0x78: {  	[spmem:s30] =	stream.linear.scatter [tilespmem:s31], [sflag:$0x2], $0xC00, $0x38;
	[tilespmem:$0x1A880] =	vst v63  }
0x79: {  	_ =	swait.ge [sflag:s2], $0xC00  }
0x7a: {  	[sflag:s2] =	ssyncset.done $0x0  }
0x7b: {  	s10 =	simm.s32 $0x0;
	s11 =	simm.s32 $0x13C00;
	[sflag:s2] =	ssyncadd.s32 $0xFFFFF400  }
0x7c: {  	[tilespmem:s11], [sflag:$0x2] =	stream.linear.gather [hbm4b:s24+s10], $0x1388, $0x38;
	[tilespmem:$0x1A880] =	vst v63  }
0x7d: {  	_ =	swait.ge [sflag:s2], $0x1388  }
0x7e: {  	[sflag:s2] =	ssyncset.done $0x0  }
0x7f: {  	s16 =	simm.s32 $0x15000;
	[sflag:s2] =	ssyncadd.s32 $0xFFFFEC78  }
0x80: {  	[tilespmem:s16], [sflag:$0x2] =	stream.linear.gather [hbm4b:s18+s10], $0x1388, $0x38;
	[tilespmem:$0x1A880] =	vst v63  }
0x81: {  	_ =	swait.ge [sflag:s2], $0x1388  }
0x82: {  	[sflag:s2] =	ssyncset.done $0x0  }
0x83: {  	[sflag:s2] =	ssyncadd.s32 $0xFFFFEC78  }
0x84: {  	[tilespmem:s0], [sflag:$0x2] =	stream.linear.gather [hbm4b:s19+s10], $0x1388, $0x38;
	[tilespmem:$0x1A880] =	vst v63  }
0x85: {  	_ =	swait.ge [sflag:s2], $0x1388  }
0x86: {  	[sflag:s2] =	ssyncset.done $0x0  }
0x87: {  	[sflag:s2] =	ssyncadd.s32 $0xFFFFEC78  }
0x88: {  	[tilespmem:$0x14F88] =	vst v1  }
0x89: {  	[tilespmem:$0x16388] =	vst v1  }
0x8a: {  	[tilespmem:$0x17788] =	vst v0  }
0x8b: {  	[tilespmem:$0x14F98] =	vst v1  }
0x8c: {  	[tilespmem:$0x16398] =	vst v1  }
0x8d: {  	[tilespmem:$0x17798] =	vst v0  }
0x8e: {  	[tilespmem:$0x14FA8] =	vst v1  }
0x8f: {  	[tilespmem:$0x163A8] =	vst v1  }
0x90: {  	[tilespmem:$0x177A8] =	vst v0  }
0x91: {  	[tilespmem:$0x14FB8] =	vst v1  }
0x92: {  	[tilespmem:$0x163B8] =	vst v1  }
0x93: {  	[tilespmem:$0x177B8] =	vst v0  }
0x94: {  	s11 =	simm.s32 $0x0;
	[bflag:$0x0] =	sbarrier.arrive $0xFFFF  }
.LBB2_4:
0x95: {  	s12 =	sshll.u32 s11, $0x6  }
0x96: {  	s13 =	sadd.s32 $0x13C00, s12  }
0x97: {  	[tilespmem:s7], [sflag:$0x1] =	stream.indirect.gather [hbm4b:s1+s6], $0x80, s13, s6, $0xb8;
	[tilespmem:$0x1A880] =	vst v63  }
0x98: {  	s14 =	sadd.s32 $0x0, s10;
	_ =	swait.ge [sflag:s8], $0x2000  }
0x99: {  	v2 =	vmov s14;
	[sflag:s8] =	ssyncset.done $0x0  }
0x9a: {  	s13 =	simm.s32 $0x17840;
	[sflag:s8] =	ssyncadd.s32 $0xFFFFE000  }
0x9b: {  	v6 =	vld [tilespmem:s13+$0x30]  }
0x9c: {  	v9 =	vld [tilespmem:s13+$0x10]  }
0x9d: {  	v7 =	vld [tilespmem:s13+$0xFFFFFFC0]  }
0x9e: {  	v3 =	vld.idx.msk [tilespmem:v2+s0+$0x0], $0xffff  }
0x9f: {  	v11 =	vld [tilespmem:s13+$0xFFFFFFE0]  }
0xa0: {  	v2 =	vld [tilespmem:s13+$0xFFFFFFF0]  }
0xa1: {  	v4 =	vld [tilespmem:s13+$0x20]  }
0xa2: {  	v5 =	vld [tilespmem:s13+$0xFFFFFFD0]  }
0xa3: {  	v10 =	vmul.f32 v6, v3;
	v6 =	vld [tilespmem:s13+$0x0]  }
0xa4: {  	v8 =	vmul.f32 v7, v3  }
0xa5: {  	s15 =	simm.s32 $0x17840;
	s14 =	simm.s32 $0x1;
	v7 =	vmul.f32 v11, v3;
	v9 =	vmul.f32 v9, v3  }
.LBB2_5:
0xa6: {  	p0 =	seq.s32 s14, $0x3F  }
0xa7: {  	v5 =	vmul.f32 v5, v3;
	v4 =	vmul.f32 v4, v3;
	[tilespmem:s13+$0x30] =	vst v10;
	s15 =	sadd.s32 $0x80, s15;
	s16 =	smov.u32 s14;
	s14 =	sadd.s32 $0x1, s14  }
0xa8: {  	[tilespmem:s13+$0xFFFFFFC0] =	vst v8;
	v8 =	vmul.f32 v2, v3;
	v3 =	vmul.f32 v6, v3  }
0xa9: {  	s16 =	sadd.s32 s16, s10;
	[tilespmem:s13+$0x10] =	vst v9  }
0xaa: {  	v6 =	vmov s16;
	[tilespmem:s13+$0xFFFFFFE0] =	vst v7  }
0xab: {  	v2 =	vld [tilespmem:s15+$0xFFFFFFF0];
	[tilespmem:s13+$0xFFFFFFF0] =	vst v8  }
0xac: {  	v7 =	vld [tilespmem:s15+$0x30];
	[tilespmem:s13+$0x0] =	vst v3  }
0xad: {  	v9 =	vld [tilespmem:s15+$0x10];
	[tilespmem:s13+$0x20] =	vst v4  }
0xae: {  	v8 =	vld [tilespmem:s15+$0xFFFFFFC0];
	[tilespmem:s13+$0xFFFFFFD0] =	vst v5;
	s13 =	smov.u32 s15  }
0xaf: {  	v3 =	vld.idx.msk [tilespmem:v6+s0+$0x0], $0xffff  }
0xb0: {  	v11 =	vld [tilespmem:s15+$0xFFFFFFE0]  }
0xb1: {  	v4 =	vld [tilespmem:s15+$0x20]  }
.Ltmp1:
0xb2: {  	v5 =	vld [tilespmem:s15+$0xFFFFFFD0];
	(pc) =	sbr.rel @!p0 .LBB2_5-.Ltmp1, $3  }
0xb3: {  	v6 =	vld [tilespmem:s15+$0x0];
	_ =	sdelay $0x1  }
0xb4: {  	v8 =	vmul.f32 v8, v3;
	v10 =	vmul.f32 v7, v3  }
0xb5: {  	v9 =	vmul.f32 v9, v3;
	v7 =	vmul.f32 v11, v3  }
0xb6: {  	[tilespmem:s13+$0x30] =	vst v10  }
0xb7: {  	[tilespmem:s13+$0xFFFFFFC0] =	vst v8  }
0xb8: {  	v2 =	vmul.f32 v2, v3;
	[tilespmem:s13+$0x10] =	vst v9  }
0xb9: {  	v4 =	vmul.f32 v4, v3;
	[tilespmem:s13+$0xFFFFFFE0] =	vst v7  }
0xba: {  	v6 =	vmul.f32 v6, v3;
	[tilespmem:s13+$0xFFFFFFF0] =	vst v2  }
0xbb: {  	v2 =	vmul.f32 v5, v3;
	[tilespmem:s13+$0x20] =	vst v4  }
0xbc: {  	[tilespmem:s13+$0x0] =	vst v6  }
0xbd: {  	[tilespmem:s13+$0xFFFFFFD0] =	vst v2  }
0xbe: {  	v2 =	vld [tilespmem:s12+$0x15000];
	_ =	sdelay $0x4  }
0xbf: {  	[tilespmem:$0x19800] =	vst v2  }
0xc0: {  	v2 =	vld [tilespmem:s12+$0x15010];
	_ =	sdelay $0x4  }
0xc1: {  	[tilespmem:$0x19810] =	vst v2  }
0xc2: {  	v2 =	vld [tilespmem:s12+$0x15020];
	_ =	sdelay $0x4  }
0xc3: {  	[tilespmem:$0x19820] =	vst v2  }
0xc4: {  	v2 =	vld [tilespmem:s12+$0x15030];
	_ =	sdelay $0x2  }
0xc5: {  	s11 =	sadd.s32 $0x1, s11  }
0xc6: {  	p0 =	seq.s32 s11, $0x4F  }
.Ltmp2:
0xc7: {  	[tilespmem:$0x19830] =	vst v2;
	(pc) =	sbr.rel @!p0 .LBB2_4-.Ltmp2, $4  }
0xc8: {  	[spmem:s3] =	stream.indirect.scatter.add.f32 [tilespmem:s7], [sflag:$0x2], $0x80, s9, s6, $0xb8;
	[tilespmem:$0x1A880] =	vst v63  }
0xc9: {  	_ =	swait.ge [sflag:s2], $0x2000  }
0xca: {  	[sflag:s2] =	ssyncset.done $0x0  }
0xcb: {  	s10 =	sadd.s32 $0x40, s10;
	[sflag:s2] =	ssyncadd.s32 $0xFFFFE000  }
0xcc: {  	[tilespmem:s7], [sflag:$0x2] =	stream.linear.gather [spmem:s3], $0x400, $0x38;
	[tilespmem:$0x1A880] =	vst v63  }
0xcd: {  	_ =	swait.ge [sflag:s2], $0x400  }
0xce: {  	[sflag:s2] =	ssyncset.done $0x0  }
0xcf: {  	[sflag:s2] =	ssyncadd.s32 $0xFFFFFC00  }
0xd0: {  	s10 =	stileid.u32;
	[bflag:$0x0] =	sbarrier.arrive $0xFFFF  }
0xd1: {  	s11 =	sshrl.u32 s5, $0x3;
	s4 =	sadd.s32 $0x1, s4;
	_ =	sdelay $0x7ff  }
0xd2: {  	s10 =	sshll.u32 s10, $0x6;
	p0 =	sne.s32 s4, s25;
	_ =	sdelay $0x6d6  }
.Ltmp3:
0xd3: {  	s10 =	sor.u32 $0x1C02, s10;
	[bflag:$0x0] =	sbarrier.arrive $0xFFFF;
	(pc) =	sbr.rel @p0 .LBB2_1-.Ltmp3, $4  }
0xd4: {  	[hbm:s22], [sflag:s10] =	dma.local [spmem:s11], $0x2780  }
0xd5: {  	_ =	swait.ge [sflag:s2], $0x2780  }
0xd6: {  	[sflag:s2] =	ssyncset.done $0x0  }
0xd7: {  	[sflag:s2] =	ssyncadd.s32 $0xFFFFD880  }
0xd8: {  	_ =	sfence.sel $0x180000  }
0xd9: {  	[bflag:$0x0] =	sbarrier.arrive $0xFFFF  }
0xda: {  	_ =	strace $0x90000047  }
0xdb: {  	s0 =	stileid.u32;
	[bflag:$0x2] =	sbarrier.arrive $0xFFFF  }
0xdc: {  	p0 =	sne.s32 s0, $0x0;
	s0 =	rddreg [dreg:$0x6]  }
0xdd: {  	s0 =	sadd.s32 @!p0 $0x100000, s0  }
0xde: {  	[sflag:s0] =	ssyncadd.tile.s32 @!p0 $0x1;
	_ =	shalt  }
.Lfunc_end2:
_tile_overlayer_lowered:
.L_overlay_start_2:
0xdf: {  	(tag) =	ssettag $0x2  }
0xe0: {  	s0 =	rddreg [dreg:$0x0];
	s2 =	stileid.u32  }
0xe1: {  	s1 =	rddreg [dreg:$0x1];
	p0 =	sne.s32 s2, $0x0  }
0xe2: {  	s3 =	rddreg [dreg:$0x2];
	[bflag:$0x3] =	sbarrier.arrive $0xFFFF;
	s2 =	simm.s32 @!p0 $0x1C02  }
0xe3: {  	[timem:s3], [sflag:s2] =	dma.local @!p0 [hbm:s0], s1  }
0xe4: {  	s0 =	simm.s32 @!p0 $0x2  }
0xe5: {  	_ =	swait.ge @!p0 [sflag:s0], s1  }
0xe6: {  	s1 =	ssub.s32 @!p0 $0x0, s1;
	[sflag:s0] =	ssyncset.done @!p0 $0x0  }
0xe7: {  	[sflag:s0] =	ssyncadd.s32 @!p0 s1  }
0xe8: {  	[bflag:$0x3] =	sbarrier.arrive $0xFFFF  }
0xe9: {  	_ =	shalt  }

</sc_bundles>
